<compile_context>
chip_gen: v7x
topology: tpu7x:2x2x1
jax: 0.10.2.dev20260603
libtpu: 0.0.44.dev20260713+nightly
codegen_flags: <defaults>
</compile_context>

<pallas_src>
import functools

import jax
import jax.numpy as jnp
from jax.experimental import pallas as pl
from jax.experimental.pallas import tpu as pltpu
from jax.experimental.pallas import tpu_sc as plsc

H = 128
W = 128
TILE = 16
N = 1024
NTX = W // TILE
NTY = H // TILE
NT = NTX * NTY
K2 = 128
NCH = N // K2
P = TILE * TILE
BKGD = 1.0


def _prep_kernel(attrs_ref, covu_ref, prep_ref, rects_ref, radii_ref):
    ca = covu_ref[0:1, :]
    cb = covu_ref[1:2, :]
    cd = covu_ref[2:3, :]
    det = ca * cd - cb * cb
    mid = 0.5 * (ca + cd)
    root = jnp.sqrt(jnp.maximum(mid * mid - det, 0.1))
    radii_ref[0:1, :] = jnp.ceil(3.0 * jnp.sqrt(mid + root))

    mx = attrs_ref[0:1, :]
    my = attrs_ref[1:2, :]
    ca = attrs_ref[2:3, :]
    cb = attrs_ref[3:4, :]
    cd = attrs_ref[4:5, :]
    det = ca * cd - cb * cb
    prep_ref[0:1, :] = mx
    prep_ref[1:2, :] = my
    prep_ref[2:3, :] = cd / det
    prep_ref[3:4, :] = ca / det
    prep_ref[4:5, :] = -cb / det
    prep_ref[5:16, :] = attrs_ref[5:16, :]

    mid = 0.5 * (ca + cd)
    root = jnp.sqrt(jnp.maximum(mid * mid - det, 0.1))
    rad = jnp.ceil(3.0 * jnp.sqrt(mid + root))
    rects_ref[0:1, :] = jnp.clip(mx - rad, 0.0, W - 1.0)
    rects_ref[1:2, :] = jnp.clip(mx + rad, 0.0, W - 1.0)
    rects_ref[2:3, :] = jnp.clip(my - rad, 0.0, H - 1.0)
    rects_ref[3:4, :] = jnp.clip(my + rad, 0.0, H - 1.0)
    rects_ref[4:8, :] = jnp.zeros((4, N), jnp.float32)


def _prep(attrs, covu):
    return pl.pallas_call(
        _prep_kernel,
        out_shape=[
            jax.ShapeDtypeStruct((16, N), jnp.float32),
            jax.ShapeDtypeStruct((8, N), jnp.float32),
            jax.ShapeDtypeStruct((1, N), jnp.float32),
        ],
    )(attrs, covu)


NC = 2
NS = 16
NWORK = NC * NS
L = 16


def _bin_kernel(rects_hbm, prep_hbm, orig_hbm, packed_hbm, counts_hbm,
                rects_v, prep_v, idx_v, pk_v, cnt_v, orig_v, base_v, vals_v):
    wid = jax.lax.axis_index("s") * NC + jax.lax.axis_index("c")
    pltpu.sync_copy(rects_hbm, rects_v)
    pltpu.sync_copy(prep_hbm, prep_v)
    lanes = jax.lax.iota(jnp.int32, L)

    for j in range(NT // NWORK):
        t = wid * (NT // NWORK) + j
        pltpu.sync_copy(orig_hbm.at[t], orig_v)
        base_v[...] = jnp.zeros((L,), jnp.int32)
        vals_v[...] = lanes

        def bin_body(g, _):
            base = base_v[...]
            vals = vals_v[...]
            wxv = orig_v[0, :]
            hyv = orig_v[1, :]
            rminx = rects_v[0, pl.ds(g * L, L)]
            rmaxx = rects_v[1, pl.ds(g * L, L)]
            rminy = rects_v[2, pl.ds(g * L, L)]
            rmaxy = rects_v[3, pl.ds(g * L, L)]
            m1 = (jnp.minimum(rmaxx, wxv + (TILE - 1.0)) >
                  jnp.maximum(rminx, wxv))
            m2 = (jnp.minimum(rmaxy, hyv + (TILE - 1.0)) >
                  jnp.maximum(rminy, hyv))
            ones = jnp.full((L,), 1, jnp.int32)
            zeros = jnp.full((L,), 0, jnp.int32)
            mi = jnp.where(m1, ones, zeros) * jnp.where(m2, ones, zeros)
            m = mi > zeros
            pos = base + plsc.cumsum(mi) - mi
            plsc.store_scatter(idx_v, [pos], vals, mask=m)
            base_v[...] = base + plsc.all_reduce_population_count(m)
            vals_v[...] = vals + L
            return 0
        jax.lax.fori_loop(0, N // L, bin_body, 0)
        base = base_v[...]
        cnt = jnp.max(base)

        vals_v[...] = lanes

        def gat_body(g2, _):
            gidx = vals_v[...]
            members = idx_v[pl.ds(g2 * L, L)]
            members = jnp.minimum(jnp.maximum(members, jnp.full((L,), 0, jnp.int32)),
                                  jnp.full((L,), N - 1, jnp.int32))
            for a in range(9):
                asplat = jnp.full((L,), a, jnp.int32)
                vals = plsc.load_gather(prep_v, [asplat, members])
                plsc.store_scatter(pk_v, [asplat, gidx], vals)
            vals_v[...] = gidx + L
            return 0
        jax.lax.fori_loop(0, (cnt + L - 1) // L, gat_body, 0)

        nch = (cnt + K2 - 1) // K2
        for c in range(NCH):
            @pl.when(c < nch)
            def _():
                pltpu.sync_copy(pk_v.at[:, pl.ds(c * K2, K2)],
                                packed_hbm.at[t, c])
        cnt_v[...] = base
        pltpu.sync_copy(cnt_v, counts_hbm.at[t])


def _binning(rects, prep, origins):
    mesh = plsc.VectorSubcoreMesh(core_axis_name="c", subcore_axis_name="s")
    run = pl.kernel(
        _bin_kernel, mesh=mesh,
        compiler_params=pltpu.CompilerParams(needs_layout_passes=False),
        out_type=[
            jax.ShapeDtypeStruct((NT, NCH, 16, K2), jnp.float32),
            jax.ShapeDtypeStruct((NT, L), jnp.int32),
        ],
        scratch_types=[
            pltpu.VMEM((8, N), jnp.float32),
            pltpu.VMEM((16, N), jnp.float32),
            pltpu.VMEM((N,), jnp.int32),
            pltpu.VMEM((16, N), jnp.float32),
            pltpu.VMEM((L,), jnp.int32),
            pltpu.VMEM((2, L), jnp.float32),
            pltpu.VMEM((L,), jnp.int32),
            pltpu.VMEM((L,), jnp.int32),
        ],
    )
    return run(rects, prep, origins)


PAIR = 8


def _raster_kernel(cnt_ref, packed_ref, out_ref):
    i = pl.program_id(0)
    t0 = i * PAIR
    w0 = (t0 % NTX) * TILE
    h0 = (t0 // NTX) * TILE
    cnts = [cnt_ref[t0 + s] for s in range(PAIR)]
    nch = cnts[0]
    for s in range(1, PAIR):
        nch = jnp.maximum(nch, cnts[s])
    nch = (nch + K2 - 1) // K2

    pp = jax.lax.broadcasted_iota(jnp.int32, (1, P), 1)
    pyf = (h0 + pp // TILE).astype(jnp.float32)
    pxfs = [(w0 + s * TILE + pp % TILE).astype(jnp.float32)
            for s in range(PAIR)]

    tril = (jax.lax.broadcasted_iota(jnp.int32, (K2, K2), 1) <
            jax.lax.broadcasted_iota(jnp.int32, (K2, K2), 0)).astype(jnp.float32)
    gidx = jax.lax.broadcasted_iota(jnp.int32, (K2, 1), 0)

    def chunk_body(c, carry):
        out = []
        for s in range(PAIR):
            t_carry, acc_r, acc_g, acc_b, acc_a = carry[s]
            blk = jnp.transpose(packed_ref[s, c])
            mx = blk[:, 0:1]
            my = blk[:, 1:2]
            i00 = blk[:, 2:3]
            i11 = blk[:, 3:4]
            i01 = blk[:, 4:5]
            op = blk[:, 5:6]
            colr = blk[:, 6:7]
            colg = blk[:, 7:8]
            colb = blk[:, 8:9]
            valid = (gidx + c * K2) < cnts[s]
            dx = pxfs[s] - mx
            dy = pyf - my
            quad = dx * dx * i00 + dy * dy * i11 + 2.0 * (dx * dy) * i01
            gw = jnp.exp(-0.5 * quad)
            alpha = jnp.where(valid, jnp.minimum(gw * op, 0.99), 0.0)
            lg = jnp.log1p(-alpha)
            sexc = jax.lax.dot_general(
                tril, lg, (((1,), (0,)), ((), ())),
                precision=jax.lax.Precision.DEFAULT,
                preferred_element_type=jnp.float32)
            wgt = t_carry * jnp.exp(sexc) * alpha
            acc_r = acc_r + jnp.sum(wgt * colr, axis=0, keepdims=True)
            acc_g = acc_g + jnp.sum(wgt * colg, axis=0, keepdims=True)
            acc_b = acc_b + jnp.sum(wgt * colb, axis=0, keepdims=True)
            acc_a = acc_a + jnp.sum(wgt, axis=0, keepdims=True)
            t_carry = t_carry * jnp.exp(jnp.sum(lg, axis=0, keepdims=True))
            out.append((t_carry, acc_r, acc_g, acc_b, acc_a))
        return tuple(out)

    init1 = (jnp.ones((1, P), jnp.float32),) + \
            tuple(jnp.zeros((1, P), jnp.float32) for _ in range(4))
    fin = jax.lax.fori_loop(0, nch, chunk_body, (init1,) * PAIR)

    for s in range(PAIR):
        _, acc_r, acc_g, acc_b, acc_a = fin[s]
        resid = (1.0 - acc_a) * BKGD
        out_ref[s, 0:1, :] = acc_r + resid
        out_ref[s, 1:2, :] = acc_g + resid
        out_ref[s, 2:3, :] = acc_b + resid
        out_ref[s, 3:4, :] = acc_a


def _raster(cnt, packed):
    grid_spec = pltpu.PrefetchScalarGridSpec(
        num_scalar_prefetch=1,
        grid=(NT // PAIR,),
        in_specs=[
            pl.BlockSpec((PAIR, NCH, 16, K2), lambda t, cnt_ref: (t, 0, 0, 0)),
        ],
        out_specs=[
            pl.BlockSpec((PAIR, 8, P), lambda t, cnt_ref: (t, 0, 0)),
        ],
    )
    return pl.pallas_call(
        _raster_kernel,
        grid_spec=grid_spec,
        out_shape=[jax.ShapeDtypeStruct((NT, 8, P), jnp.float32)],
    )(cnt, packed)[0]


@jax.jit
def kernel(means2D, cov2d, color, opacity, depths):
    order = jnp.argsort(depths)
    attrs = jnp.stack([
        means2D[:, 0], means2D[:, 1],
        cov2d[:, 0, 0], cov2d[:, 0, 1], cov2d[:, 1, 1],
        opacity[:, 0],
        color[:, 0], color[:, 1], color[:, 2],
    ], axis=0)[:, order]
    attrs = jnp.concatenate(
        [attrs, jnp.zeros((16 - attrs.shape[0], N), jnp.float32)], axis=0)
    covu = jnp.stack([cov2d[:, 0, 0], cov2d[:, 0, 1], cov2d[:, 1, 1]], axis=0)
    covu = jnp.concatenate(
        [covu, jnp.zeros((8 - covu.shape[0], N), jnp.float32)], axis=0)

    prep, rects, rad = _prep(attrs, covu)
    tt = jnp.arange(NT, dtype=jnp.int32)
    origins = jnp.stack([
        jnp.broadcast_to(((tt % NTX) * TILE)[:, None], (NT, L)),
        jnp.broadcast_to(((tt // NTX) * TILE)[:, None], (NT, L)),
    ], axis=1).astype(jnp.float32)
    packed, counts = _binning(rects, prep, origins)
    cnt = counts[:, 0]
    out = _raster(cnt, packed)
    img = out[:, :4, :].reshape(NTY, NTX, 4, TILE, TILE)
    img = jnp.transpose(img, (0, 3, 1, 4, 2)).reshape(H, W, 4)
    return img[:, :, :3], img[:, :, 3:4], rad[0]

# --- scband reference (transcript-rebuilt; emitter-appended) ---
"""Pipeline reference for scband-gauss-renderer-62766652063809 (READ-ONLY COPY).

The authoritative reference and input builder live on the scoring server;
editing this copy changes nothing except your own understanding.
"""

import jax, jax.numpy as jnp
import numpy as np

H = 128
W = 128
TILE = 16
N = 1024
WHITE_BKGD = True


def setup_inputs(seed: int = 0):
    key = jax.random.key(seed)
    k0, k1, k2, k3, k4 = jax.random.split(key, 5)
    means2D = jax.random.uniform(k0, (N, 2), dtype=jnp.float32) * jnp.array([float(W), float(H)], dtype=jnp.float32)
    A = jax.random.normal(k1, (N, 2, 2), dtype=jnp.float32) * 1.5
    cov2d = jnp.matmul(A, jnp.swapaxes(A, -1, -2)) + 0.3 * jnp.eye(2, dtype=jnp.float32)[None]
    color = jax.random.uniform(k2, (N, 3), dtype=jnp.float32)
    opacity = jax.random.uniform(k3, (N, 1), dtype=jnp.float32)
    depths = jax.random.uniform(k4, (N,), dtype=jnp.float32) * 9.0 + 1.0
    return {"means2D": means2D, "cov2d": cov2d, "color": color, "opacity": opacity, "depths": depths}


def _get_radius(cov2d):
    det = cov2d[:, 0, 0] * cov2d[:, 1, 1] - cov2d[:, 0, 1] * cov2d[:, 1, 0]
    mid = 0.5 * (cov2d[:, 0, 0] + cov2d[:, 1, 1])
    root = jnp.sqrt(jnp.maximum(mid ** 2 - det, 0.1))
    lambda1 = mid + root
    lambda2 = mid - root
    return jnp.ceil(3.0 * jnp.sqrt(jnp.maximum(lambda1, lambda2)))


def _get_rect(pix, radii):
    rect_min = pix - radii[:, None]
    rect_max = pix + radii[:, None]
    rmin = jnp.stack([jnp.clip(rect_min[:, 0], 0.0, W - 1.0), jnp.clip(rect_min[:, 1], 0.0, H - 1.0)], axis=-1)
    rmax = jnp.stack([jnp.clip(rect_max[:, 0], 0.0, W - 1.0), jnp.clip(rect_max[:, 1], 0.0, H - 1.0)], axis=-1)
    return rmin, rmax


def _render(means2D, cov2d, color, opacity, depths):
    # radii / rects are computed under no_grad in the torch module
    radii = _get_radius(jax.lax.stop_gradient(cov2d))
    rect_min, rect_max = _get_rect(jax.lax.stop_gradient(means2D), radii)
    # global front-to-back depth sort (equivalent to per-tile sort of the masked subset)
    order = jnp.argsort(depths)
    s_mean = means2D[order]
    s_conic = jnp.linalg.inv(cov2d[order])
    s_op = opacity[order]
    s_col = color[order]
    s_rmin = rect_min[order]
    s_rmax = rect_max[order]
    pix_coord = jnp.stack(jnp.meshgrid(jnp.arange(H), jnp.arange(W), indexing='xy'), axis=-1).astype(jnp.float32)
    bkgd = 1.0 if WHITE_BKGD else 0.0
    render_color = jnp.full((H, W, 3), bkgd, dtype=jnp.float32)
    render_alpha = jnp.zeros((H, W, 1), dtype=jnp.float32)
    for h in range(0, H, TILE):
        for w in range(0, W, TILE):
            tl_x = jnp.maximum(s_rmin[:, 0], float(w))
            tl_y = jnp.maximum(s_rmin[:, 1], float(h))
            br_x = jnp.minimum(s_rmax[:, 0], float(w + TILE - 1))
            br_y = jnp.minimum(s_rmax[:, 1], float(h + TILE - 1))
            in_mask = ((br_x > tl_x) & (br_y > tl_y)).astype(jnp.float32)
            tile_coord = pix_coord[h:h + TILE, w:w + TILE].reshape(-1, 2)
            dx = tile_coord[:, None, :] - s_mean[None, :, :]
            gw = jnp.exp(-0.5 * (dx[:, :, 0] ** 2 * s_conic[None, :, 0, 0]
                                 + dx[:, :, 1] ** 2 * s_conic[None, :, 1, 1]
                                 + dx[:, :, 0] * dx[:, :, 1] * s_conic[None, :, 0, 1]
                                 + dx[:, :, 0] * dx[:, :, 1] * s_conic[None, :, 1, 0]))
            alpha = jnp.minimum(gw[:, :, None] * s_op[None, :, :], 0.99) * in_mask[None, :, None]
            T = jnp.cumprod(jnp.concatenate([jnp.ones_like(alpha[:, :1, :]), 1.0 - alpha[:, :-1, :]], axis=1), axis=1)
            acc_alpha = jnp.sum(alpha * T, axis=1)
            tile_color = jnp.sum(T * alpha * s_col[None, :, :], axis=1) + (1.0 - acc_alpha) * bkgd
            render_color = render_color.at[h:h + TILE, w:w + TILE, :].set(tile_color.reshape(TILE, TILE, 3))
            render_alpha = render_alpha.at[h:h + TILE, w:w + TILE, :].set(acc_alpha.reshape(TILE, TILE, 1))
    return render_color, render_alpha, radii


def reference(means2D, cov2d, color, opacity, depths):
    return _render(means2D, cov2d, color, opacity, depths)

if __name__ == "__main__":
    import jax
    _d = setup_inputs()
    print(jax.jit(kernel)(*tuple(_d.values())))

</pallas_src>

<mosaic_0001>
#map = affine_map<(d0, d1) -> (0, 0)>
#map1 = affine_map<(d0, d1) -> (0, 0, 0)>
#map2 = affine_map<(d0, d1) -> (0, 0, 0, 0)>
module attributes {stable_mosaic.version = 14 : i64} {
  func.func @_bin_kernel(%arg0: i32, %arg1: i32, %arg2: memref<8x1024xf32, #tpu.memory_space<hbm>>, %arg3: memref<16x1024xf32, #tpu.memory_space<hbm>>, %arg4: memref<64x2x16xf32, #tpu.memory_space<hbm>>, %arg5: memref<64x8x16x128xf32, #tpu.memory_space<hbm>>, %arg6: memref<64x16xi32, #tpu.memory_space<hbm>>, %arg7: memref<8x1024xf32, #tpu.memory_space<vmem>>, %arg8: memref<16x1024xf32, #tpu.memory_space<vmem>>, %arg9: memref<1024xi32, #tpu.memory_space<vmem>>, %arg10: memref<16x1024xf32, #tpu.memory_space<vmem>>, %arg11: memref<16xi32, #tpu.memory_space<vmem>>, %arg12: memref<2x16xf32, #tpu.memory_space<vmem>>, %arg13: memref<16xi32, #tpu.memory_space<vmem>>, %arg14: memref<16xi32, #tpu.memory_space<vmem>>) attributes {dimension_semantics = [#tpu.dimension_semantics<core_parallel>, #tpu.dimension_semantics<subcore_parallel>], iteration_bounds = array<i64: 2, 16>, scalar_prefetch = 0 : i64, scratch_operands = 8 : i64, tpu.core_type = #tpu.core_type<sc_vector_subcore>, window_params = [{transform_indices = #map}, {transform_indices = #map}, {transform_indices = #map1}, {transform_indices = #map2}, {transform_indices = #map}]} {
    %mul3A = arith.constant 2 : i32
    %mul3A_0 = arith.muli %arg1, %mul3A : i32
    %add3A = arith.addi %mul3A_0, %arg0 : i32
    "tpu.region"() ({
      %run_scoped3A = tpu.sem_alloc : memref<!tpu.dma_semaphore, #tpu.memory_space<semaphore_mem>>
      tpu.enqueue_dma source(%arg2 : memref<8x1024xf32, #tpu.memory_space<hbm>>) target(%arg7 : memref<8x1024xf32, #tpu.memory_space<vmem>>) target_semaphore(%run_scoped3A : memref<!tpu.dma_semaphore, #tpu.memory_space<semaphore_mem>>)
      tpu.wait_dma2 semaphore(%run_scoped3A : memref<!tpu.dma_semaphore, #tpu.memory_space<semaphore_mem>>) src(%arg2 : memref<8x1024xf32, #tpu.memory_space<hbm>>) dst(%arg7 : memref<8x1024xf32, #tpu.memory_space<vmem>>)
      tpu.yield
    }) : () -> ()
    "tpu.region"() ({
      %run_scoped3A = tpu.sem_alloc : memref<!tpu.dma_semaphore, #tpu.memory_space<semaphore_mem>>
      tpu.enqueue_dma source(%arg3 : memref<16x1024xf32, #tpu.memory_space<hbm>>) target(%arg8 : memref<16x1024xf32, #tpu.memory_space<vmem>>) target_semaphore(%run_scoped3A : memref<!tpu.dma_semaphore, #tpu.memory_space<semaphore_mem>>)
      tpu.wait_dma2 semaphore(%run_scoped3A : memref<!tpu.dma_semaphore, #tpu.memory_space<semaphore_mem>>) src(%arg3 : memref<16x1024xf32, #tpu.memory_space<hbm>>) dst(%arg8 : memref<16x1024xf32, #tpu.memory_space<vmem>>)
      tpu.yield
    }) : () -> ()
    %iota3A = tpu.iota {dimensions = array<i32: 0>} : vector<16xi32>
    %mul3A_1 = arith.constant 2 : i32
    %mul3A_2 = arith.muli %add3A, %mul3A_1 : i32
    %add3A_3 = arith.constant 0 : i32
    %add3A_4 = arith.addi %mul3A_2, %add3A_3 : i32
    "tpu.region"() ({
      %run_scoped3A = tpu.sem_alloc : memref<!tpu.dma_semaphore, #tpu.memory_space<semaphore_mem>>
      %dma_start3A = arith.constant 0 : i32
      %dma_start3A_262 = arith.constant 0 : i32
      %dma_start3A_263 = tpu.memref_slice %arg4[%add3A_4, %dma_start3A, %dma_start3A_262] : memref<64x2x16xf32, #tpu.memory_space<hbm>> -> memref<1x2x16xf32, #tpu.memory_space<hbm>>
      %dma_start3A_264 = tpu.memref_squeeze %dma_start3A_263 : memref<1x2x16xf32, #tpu.memory_space<hbm>> -> memref<2x16xf32, #tpu.memory_space<hbm>>
      %dma_start3A_265 = arith.constant 0 : i32
      %dma_start3A_266 = arith.constant 0 : i32
      %dma_start3A_267 = tpu.memref_slice %arg4[%add3A_4, %dma_start3A_265, %dma_start3A_266] : memref<64x2x16xf32, #tpu.memory_space<hbm>> -> memref<1x2x16xf32, #tpu.memory_space<hbm>>
      %dma_start3A_268 = tpu.memref_squeeze %dma_start3A_267 : memref<1x2x16xf32, #tpu.memory_space<hbm>> -> memref<2x16xf32, #tpu.memory_space<hbm>>
      tpu.enqueue_dma source(%dma_start3A_268 : memref<2x16xf32, #tpu.memory_space<hbm>>) target(%arg12 : memref<2x16xf32, #tpu.memory_space<vmem>>) target_semaphore(%run_scoped3A : memref<!tpu.dma_semaphore, #tpu.memory_space<semaphore_mem>>)
      %dma_wait3A = arith.constant 0 : i32
      %dma_wait3A_269 = arith.constant 0 : i32
      %dma_wait3A_270 = tpu.memref_slice %arg4[%add3A_4, %dma_wait3A, %dma_wait3A_269] : memref<64x2x16xf32, #tpu.memory_space<hbm>> -> memref<1x2x16xf32, #tpu.memory_space<hbm>>
      %dma_wait3A_271 = tpu.memref_squeeze %dma_wait3A_270 : memref<1x2x16xf32, #tpu.memory_space<hbm>> -> memref<2x16xf32, #tpu.memory_space<hbm>>
      %dma_wait3A_272 = arith.constant 0 : i32
      %dma_wait3A_273 = arith.constant 0 : i32
      %dma_wait3A_274 = tpu.memref_slice %arg4[%add3A_4, %dma_wait3A_272, %dma_wait3A_273] : memref<64x2x16xf32, #tpu.memory_space<hbm>> -> memref<1x2x16xf32, #tpu.memory_space<hbm>>
      %dma_wait3A_275 = tpu.memref_squeeze %dma_wait3A_274 : memref<1x2x16xf32, #tpu.memory_space<hbm>> -> memref<2x16xf32, #tpu.memory_space<hbm>>
      tpu.wait_dma2 semaphore(%run_scoped3A : memref<!tpu.dma_semaphore, #tpu.memory_space<semaphore_mem>>) src(%dma_wait3A_275 : memref<2x16xf32, #tpu.memory_space<hbm>>) dst(%arg12 : memref<2x16xf32, #tpu.memory_space<vmem>>)
      tpu.yield
    }) : () -> ()
    %broadcast_in_dim3A = arith.constant 0 : i32
    %broadcast_in_dim3A_5 = vector.broadcast %broadcast_in_dim3A : i32 to vector<16xi32>
    %swap3A = arith.constant 0 : index
    %swap3A_6 = tpu.vector_load %arg13[%swap3A] {strides = array<i32>} : memref<16xi32, #tpu.memory_space<vmem>>, vector<16xi32>,
    tpu.vector_store %arg13[%swap3A], %broadcast_in_dim3A_5 {strides = array<i32>} : memref<16xi32, #tpu.memory_space<vmem>>, vector<16xi32>,
    %swap3A_7 = arith.constant 0 : index
    %swap3A_8 = tpu.vector_load %arg14[%swap3A_7] {strides = array<i32>} : memref<16xi32, #tpu.memory_space<vmem>>, vector<16xi32>,
    tpu.vector_store %arg14[%swap3A_7], %iota3A {strides = array<i32>} : memref<16xi32, #tpu.memory_space<vmem>>, vector<16xi32>,
    %scan3A = arith.constant 0 : i32
    %scan3A_9 = arith.constant 0 : i32
    %scan3A_10 = arith.constant 64 : i32
    %scan3A_11 = arith.addi %scan3A_9, %scan3A_10 : i32
    %scan3A_12 = arith.constant 1 : i32
    %scan3A_13 = scf.for %scan3A_262 = %scan3A_9 to %scan3A_11 step %scan3A_12 iter_args(%scan3A_263 = %scan3A) -> (i32)  : i32 {
      %get3A_264 = arith.constant 0 : index
      %get3A_265 = tpu.vector_load %arg13[%get3A_264] {strides = array<i32>} : memref<16xi32, #tpu.memory_space<vmem>>, vector<16xi32>,
      %get3A_266 = arith.constant 0 : index
      %get3A_267 = tpu.vector_load %arg14[%get3A_266] {strides = array<i32>} : memref<16xi32, #tpu.memory_space<vmem>>, vector<16xi32>,
      %get3A_268 = arith.constant 0 : i32
      %get3A_269 = arith.index_cast %get3A_268 : i32 to index
      %get3A_270 = arith.constant 0 : index
      %get3A_271 = tpu.vector_load %arg12[%get3A_269, %get3A_270] {strides = array<i32>} : memref<2x16xf32, #tpu.memory_space<vmem>>, vector<16xf32>,
      %get3A_272 = arith.constant 1 : i32
      %get3A_273 = arith.index_cast %get3A_272 : i32 to index
      %get3A_274 = arith.constant 0 : index
      %get3A_275 = tpu.vector_load %arg12[%get3A_273, %get3A_274] {strides = array<i32>} : memref<2x16xf32, #tpu.memory_space<vmem>>, vector<16xf32>,
      %mul3A_276 = arith.constant 16 : i32
      %mul3A_277 = arith.muli %scan3A_262, %mul3A_276 : i32
      %get3A_278 = arith.constant 0 : i32
      %get3A_279 = arith.index_cast %get3A_278 : i32 to index
      %get3A_280 = arith.index_cast %mul3A_277 : i32 to index
      %get3A_281 = tpu.vector_load %arg7[%get3A_279, %get3A_280] {strides = array<i32>} : memref<8x1024xf32, #tpu.memory_space<vmem>>, vector<16xf32>,
      %mul3A_282 = arith.constant 16 : i32
      %mul3A_283 = arith.muli %scan3A_262, %mul3A_282 : i32
      %get3A_284 = arith.constant 1 : i32
      %get3A_285 = arith.index_cast %get3A_284 : i32 to index
      %get3A_286 = arith.index_cast %mul3A_283 : i32 to index
      %get3A_287 = tpu.vector_load %arg7[%get3A_285, %get3A_286] {strides = array<i32>} : memref<8x1024xf32, #tpu.memory_space<vmem>>, vector<16xf32>,
      %mul3A_288 = arith.constant 16 : i32
      %mul3A_289 = arith.muli %scan3A_262, %mul3A_288 : i32
      %get3A_290 = arith.constant 2 : i32
      %get3A_291 = arith.index_cast %get3A_290 : i32 to index
      %get3A_292 = arith.index_cast %mul3A_289 : i32 to index
      %get3A_293 = tpu.vector_load %arg7[%get3A_291, %get3A_292] {strides = array<i32>} : memref<8x1024xf32, #tpu.memory_space<vmem>>, vector<16xf32>,
      %mul3A_294 = arith.constant 16 : i32
      %mul3A_295 = arith.muli %scan3A_262, %mul3A_294 : i32
      %get3A_296 = arith.constant 3 : i32
      %get3A_297 = arith.index_cast %get3A_296 : i32 to index
      %get3A_298 = arith.index_cast %mul3A_295 : i32 to index
      %get3A_299 = tpu.vector_load %arg7[%get3A_297, %get3A_298] {strides = array<i32>} : memref<8x1024xf32, #tpu.memory_space<vmem>>, vector<16xf32>,
      %add3A_300 = arith.constant 1.500000e+01 : f32
      %add3A_301 = vector.broadcast %add3A_300 : f32 to vector<16xf32>
      %add3A_302 = arith.addf %get3A_271, %add3A_301 : vector<16xf32>
      %min3A = arith.minimumf %get3A_287, %add3A_302 : vector<16xf32>
      %max3A = arith.maximumf %get3A_281, %get3A_271 : vector<16xf32>
      %gt3A_303 = arith.cmpf ogt, %min3A, %max3A : vector<16xf32>
      %add3A_304 = arith.constant 1.500000e+01 : f32
      %add3A_305 = vector.broadcast %add3A_304 : f32 to vector<16xf32>
      %add3A_306 = arith.addf %get3A_275, %add3A_305 : vector<16xf32>
      %min3A_307 = arith.minimumf %get3A_299, %add3A_306 : vector<16xf32>
      %max3A_308 = arith.maximumf %get3A_293, %get3A_275 : vector<16xf32>
      %gt3A_309 = arith.cmpf ogt, %min3A_307, %max3A_308 : vector<16xf32>
      %broadcast_in_dim3A_310 = arith.constant 1 : i32
      %broadcast_in_dim3A_311 = vector.broadcast %broadcast_in_dim3A_310 : i32 to vector<16xi32>
      %broadcast_in_dim3A_312 = arith.constant 0 : i32
      %broadcast_in_dim3A_313 = vector.broadcast %broadcast_in_dim3A_312 : i32 to vector<16xi32>
      %select_n3A_314 = arith.select %gt3A_303, %broadcast_in_dim3A_311, %broadcast_in_dim3A_313 : vector<16xi1>, vector<16xi32>
      %select_n3A_315 = arith.select %gt3A_309, %broadcast_in_dim3A_311, %broadcast_in_dim3A_313 : vector<16xi1>, vector<16xi32>
      %mul3A_316 = arith.muli %select_n3A_314, %select_n3A_315 : vector<16xi32>
      %gt3A_317 = arith.cmpi sgt, %mul3A_316, %broadcast_in_dim3A_313 : vector<16xi32>
      %broadcast_in_dim3A_318 = arith.constant true
      %broadcast_in_dim3A_319 = vector.broadcast %broadcast_in_dim3A_318 : i1 to vector<16xi1>
      %masked_cumsum3A = tpu.scan <sum>, %mul3A_316 masked %broadcast_in_dim3A_319 : vector<16xi32>, vector<16xi1> -> vector<16xi32>
      %add3A_320 = arith.addi %get3A_265, %masked_cumsum3A : vector<16xi32>
      %sub3A_321 = arith.subi %add3A_320, %mul3A_316 : vector<16xi32>
      tpu.vector_store_idx %arg9[%sub3A_321], %get3A_267 masked %gt3A_317 : memref<1024xi32, #tpu.memory_space<vmem>>[vector<16xi32>], vector<16xi32>, vector<16xi1>
      %all_reduce_population_count3A = tpu.all_reduce %gt3A_317 {dim = 0 : i64, kind = #tpu.reduction_kind<sum>} : vector<16xi1> -> vector<16xi32>
      %add3A_322 = arith.addi %get3A_265, %all_reduce_population_count3A : vector<16xi32>
      %swap3A_323 = arith.constant 0 : index
      %swap3A_324 = tpu.vector_load %arg13[%swap3A_323] {strides = array<i32>} : memref<16xi32, #tpu.memory_space<vmem>>, vector<16xi32>,
      tpu.vector_store %arg13[%swap3A_323], %add3A_322 {strides = array<i32>} : memref<16xi32, #tpu.memory_space<vmem>>, vector<16xi32>,
      %add3A_325 = arith.constant 16 : i32
      %add3A_326 = vector.broadcast %add3A_325 : i32 to vector<16xi32>
      %add3A_327 = arith.addi %get3A_267, %add3A_326 : vector<16xi32>
      %swap3A_328 = arith.constant 0 : index
      %swap3A_329 = tpu.vector_load %arg14[%swap3A_328] {strides = array<i32>} : memref<16xi32, #tpu.memory_space<vmem>>, vector<16xi32>,
      tpu.vector_store %arg14[%swap3A_328], %add3A_327 {strides = array<i32>} : memref<16xi32, #tpu.memory_space<vmem>>, vector<16xi32>,
      %scan3A_330 = arith.constant 0 : i32
      scf.yield %scan3A_330 : i32
    }
    %scan3A_14 = arith.constant 64 : i32
    %get3A = arith.constant 0 : index
    %get3A_15 = tpu.vector_load %arg13[%get3A] {strides = array<i32>} : memref<16xi32, #tpu.memory_space<vmem>>, vector<16xi32>,
    %reduce_max3A = arith.constant true
    %reduce_max3A_16 = vector.broadcast %reduce_max3A : i1 to vector<16xi1>
    %reduce_max3A_17 = arith.constant -2147483648 : i32
    %reduce_max3A_18 = vector.broadcast %reduce_max3A_17 : i32 to vector<16xi32>
    %reduce_max3A_19 = arith.xori %get3A_15, %reduce_max3A_18 : vector<16xi32>
    %reduce_max3A_20 = tpu.scan <max>, %reduce_max3A_19 masked %reduce_max3A_16 : vector<16xi32>, vector<16xi1> -> vector<16xi32>
    %reduce_max3A_21 = arith.xori %reduce_max3A_20, %reduce_max3A_18 : vector<16xi32>
    %reduce_max3A_22 = vector.extract %reduce_max3A_21[15] : i32 from vector<16xi32>
    %swap3A_23 = arith.constant 0 : index
    %swap3A_24 = tpu.vector_load %arg14[%swap3A_23] {strides = array<i32>} : memref<16xi32, #tpu.memory_space<vmem>>, vector<16xi32>,
    tpu.vector_store %arg14[%swap3A_23], %iota3A {strides = array<i32>} : memref<16xi32, #tpu.memory_space<vmem>>, vector<16xi32>,
    %add3A_25 = arith.constant 16 : i32
    %add3A_26 = arith.addi %reduce_max3A_22, %add3A_25 : i32
    %sub3A = arith.constant 1 : i32
    %sub3A_27 = arith.subi %add3A_26, %sub3A : i32
    %jit3A = arith.constant 16 : i32
    %div3A = arith.divsi %sub3A_27, %jit3A : i32
    %sign3A = arith.constant 0 : i32
    %sign3A_28 = arith.cmpi sgt, %sub3A_27, %sign3A : i32
    %sign3A_29 = arith.extui %sign3A_28 : i1 to i32
    %sign3A_30 = arith.constant 0 : i32
    %sign3A_31 = arith.cmpi slt, %sub3A_27, %sign3A_30 : i32
    %sign3A_32 = arith.extui %sign3A_31 : i1 to i32
    %sign3A_33 = arith.subi %sign3A_29, %sign3A_32 : i32
    %sign3A_34 = arith.constant 0 : i32
    %sign3A_35 = arith.cmpi sgt, %jit3A, %sign3A_34 : i32
    %sign3A_36 = arith.extui %sign3A_35 : i1 to i32
    %sign3A_37 = arith.constant 0 : i32
    %sign3A_38 = arith.cmpi slt, %jit3A, %sign3A_37 : i32
    %sign3A_39 = arith.extui %sign3A_38 : i1 to i32
    %sign3A_40 = arith.subi %sign3A_36, %sign3A_39 : i32
    %ne3A = arith.cmpi ne, %sign3A_33, %sign3A_40 : i32
    %rem3A = arith.remsi %sub3A_27, %jit3A : i32
    %ne3A_41 = arith.constant 0 : i32
    %ne3A_42 = arith.cmpi ne, %rem3A, %ne3A_41 : i32
    %and3A = arith.andi %ne3A, %ne3A_42 : i1
    %sub3A_43 = arith.constant 1 : i32
    %sub3A_44 = arith.subi %div3A, %sub3A_43 : i32
    %select_n3A = arith.select %and3A, %sub3A_44, %div3A : i32
    %while3A = arith.constant 0 : i32
    %while3A_45 = arith.constant 0 : i32
    %while3A_46 = arith.subi %select_n3A, %while3A : i32
    %while3A_47 = arith.addi %while3A, %while3A_46 : i32
    %while3A_48 = arith.constant 1 : i32
    %while3A_49 = arith.divsi %while3A_46, %while3A_48 : i32
    %while3A_50 = arith.muli %while3A_49, %while3A_48 : i32
    %while3A_51 = arith.addi %while3A, %while3A_50 : i32
    %while3A_52 = arith.constant 1 : i32
    %while3A_53 = scf.for %while3A_262 = %while3A to %while3A_51 step %while3A_52 iter_args(%while3A_263 = %while3A_45) -> (i32)  : i32 {
      %get3A_264 = arith.constant 0 : index
      %get3A_265 = tpu.vector_load %arg14[%get3A_264] {strides = array<i32>} : memref<16xi32, #tpu.memory_space<vmem>>, vector<16xi32>,
      %mul3A_266 = arith.constant 16 : i32
      %mul3A_267 = arith.muli %while3A_262, %mul3A_266 : i32
      %get3A_268 = arith.index_cast %mul3A_267 : i32 to index
      %get3A_269 = tpu.vector_load %arg9[%get3A_268] {strides = array<i32>} : memref<1024xi32, #tpu.memory_space<vmem>>, vector<16xi32>,
      %broadcast_in_dim3A_270 = arith.constant 0 : i32
      %broadcast_in_dim3A_271 = vector.broadcast %broadcast_in_dim3A_270 : i32 to vector<16xi32>
      %max3A = arith.maxsi %get3A_269, %broadcast_in_dim3A_271 : vector<16xi32>
      %broadcast_in_dim3A_272 = arith.constant 1023 : i32
      %broadcast_in_dim3A_273 = vector.broadcast %broadcast_in_dim3A_272 : i32 to vector<16xi32>
      %min3A = arith.minsi %max3A, %broadcast_in_dim3A_273 : vector<16xi32>
      %broadcast_in_dim3A_274 = arith.constant 0 : i32
      %broadcast_in_dim3A_275 = vector.broadcast %broadcast_in_dim3A_274 : i32 to vector<16xi32>
      %gather3A = tpu.vector_load_idx %arg8[%broadcast_in_dim3A_275, %min3A] : memref<16x1024xf32, #tpu.memory_space<vmem>>[vector<16xi32>, vector<16xi32>], vector<16xf32>,
      tpu.vector_store_idx %arg10[%broadcast_in_dim3A_275, %get3A_265], %gather3A : memref<16x1024xf32, #tpu.memory_space<vmem>>[vector<16xi32>, vector<16xi32>], vector<16xf32>,
      %broadcast_in_dim3A_276 = arith.constant 1 : i32
      %broadcast_in_dim3A_277 = vector.broadcast %broadcast_in_dim3A_276 : i32 to vector<16xi32>
      %gather3A_278 = tpu.vector_load_idx %arg8[%broadcast_in_dim3A_277, %min3A] : memref<16x1024xf32, #tpu.memory_space<vmem>>[vector<16xi32>, vector<16xi32>], vector<16xf32>,
      tpu.vector_store_idx %arg10[%broadcast_in_dim3A_277, %get3A_265], %gather3A_278 : memref<16x1024xf32, #tpu.memory_space<vmem>>[vector<16xi32>, vector<16xi32>], vector<16xf32>,
      %broadcast_in_dim3A_279 = arith.constant 2 : i32
      %broadcast_in_dim3A_280 = vector.broadcast %broadcast_in_dim3A_279 : i32 to vector<16xi32>
      %gather3A_281 = tpu.vector_load_idx %arg8[%broadcast_in_dim3A_280, %min3A] : memref<16x1024xf32, #tpu.memory_space<vmem>>[vector<16xi32>, vector<16xi32>], vector<16xf32>,
      tpu.vector_store_idx %arg10[%broadcast_in_dim3A_280, %get3A_265], %gather3A_281 : memref<16x1024xf32, #tpu.memory_space<vmem>>[vector<16xi32>, vector<16xi32>], vector<16xf32>,
      %broadcast_in_dim3A_282 = arith.constant 3 : i32
      %broadcast_in_dim3A_283 = vector.broadcast %broadcast_in_dim3A_282 : i32 to vector<16xi32>
      %gather3A_284 = tpu.vector_load_idx %arg8[%broadcast_in_dim3A_283, %min3A] : memref<16x1024xf32, #tpu.memory_space<vmem>>[vector<16xi32>, vector<16xi32>], vector<16xf32>,
      tpu.vector_store_idx %arg10[%broadcast_in_dim3A_283, %get3A_265], %gather3A_284 : memref<16x1024xf32, #tpu.memory_space<vmem>>[vector<16xi32>, vector<16xi32>], vector<16xf32>,
      %broadcast_in_dim3A_285 = arith.constant 4 : i32
      %broadcast_in_dim3A_286 = vector.broadcast %broadcast_in_dim3A_285 : i32 to vector<16xi32>
      %gather3A_287 = tpu.vector_load_idx %arg8[%broadcast_in_dim3A_286, %min3A] : memref<16x1024xf32, #tpu.memory_space<vmem>>[vector<16xi32>, vector<16xi32>], vector<16xf32>,
      tpu.vector_store_idx %arg10[%broadcast_in_dim3A_286, %get3A_265], %gather3A_287 : memref<16x1024xf32, #tpu.memory_space<vmem>>[vector<16xi32>, vector<16xi32>], vector<16xf32>,
      %broadcast_in_dim3A_288 = arith.constant 5 : i32
      %broadcast_in_dim3A_289 = vector.broadcast %broadcast_in_dim3A_288 : i32 to vector<16xi32>
      %gather3A_290 = tpu.vector_load_idx %arg8[%broadcast_in_dim3A_289, %min3A] : memref<16x1024xf32, #tpu.memory_space<vmem>>[vector<16xi32>, vector<16xi32>], vector<16xf32>,
      tpu.vector_store_idx %arg10[%broadcast_in_dim3A_289, %get3A_265], %gather3A_290 : memref<16x1024xf32, #tpu.memory_space<vmem>>[vector<16xi32>, vector<16xi32>], vector<16xf32>,
      %broadcast_in_dim3A_291 = arith.constant 6 : i32
      %broadcast_in_dim3A_292 = vector.broadcast %broadcast_in_dim3A_291 : i32 to vector<16xi32>
      %gather3A_293 = tpu.vector_load_idx %arg8[%broadcast_in_dim3A_292, %min3A] : memref<16x1024xf32, #tpu.memory_space<vmem>>[vector<16xi32>, vector<16xi32>], vector<16xf32>,
      tpu.vector_store_idx %arg10[%broadcast_in_dim3A_292, %get3A_265], %gather3A_293 : memref<16x1024xf32, #tpu.memory_space<vmem>>[vector<16xi32>, vector<16xi32>], vector<16xf32>,
      %broadcast_in_dim3A_294 = arith.constant 7 : i32
      %broadcast_in_dim3A_295 = vector.broadcast %broadcast_in_dim3A_294 : i32 to vector<16xi32>
      %gather3A_296 = tpu.vector_load_idx %arg8[%broadcast_in_dim3A_295, %min3A] : memref<16x1024xf32, #tpu.memory_space<vmem>>[vector<16xi32>, vector<16xi32>], vector<16xf32>,
      tpu.vector_store_idx %arg10[%broadcast_in_dim3A_295, %get3A_265], %gather3A_296 : memref<16x1024xf32, #tpu.memory_space<vmem>>[vector<16xi32>, vector<16xi32>], vector<16xf32>,
      %broadcast_in_dim3A_297 = arith.constant 8 : i32
      %broadcast_in_dim3A_298 = vector.broadcast %broadcast_in_dim3A_297 : i32 to vector<16xi32>
      %gather3A_299 = tpu.vector_load_idx %arg8[%broadcast_in_dim3A_298, %min3A] : memref<16x1024xf32, #tpu.memory_space<vmem>>[vector<16xi32>, vector<16xi32>], vector<16xf32>,
      tpu.vector_store_idx %arg10[%broadcast_in_dim3A_298, %get3A_265], %gather3A_299 : memref<16x1024xf32, #tpu.memory_space<vmem>>[vector<16xi32>, vector<16xi32>], vector<16xf32>,
      %add3A_300 = arith.constant 16 : i32
      %add3A_301 = vector.broadcast %add3A_300 : i32 to vector<16xi32>
      %add3A_302 = arith.addi %get3A_265, %add3A_301 : vector<16xi32>
      %swap3A_303 = arith.constant 0 : index
      %swap3A_304 = tpu.vector_load %arg14[%swap3A_303] {strides = array<i32>} : memref<16xi32, #tpu.memory_space<vmem>>, vector<16xi32>,
      tpu.vector_store %arg14[%swap3A_303], %add3A_302 {strides = array<i32>} : memref<16xi32, #tpu.memory_space<vmem>>, vector<16xi32>,
      %while3A_305 = arith.constant 0 : i32
      scf.yield %while3A_305 : i32
    }
    %while3A_54 = arith.constant 1 : i32
    %while3A_55 = scf.for %while3A_262 = %while3A_51 to %while3A_47 step %while3A_54 iter_args(%while3A_263 = %while3A_53) -> (i32)  : i32 {
      %get3A_264 = arith.constant 0 : index
      %get3A_265 = tpu.vector_load %arg14[%get3A_264] {strides = array<i32>} : memref<16xi32, #tpu.memory_space<vmem>>, vector<16xi32>,
      %mul3A_266 = arith.constant 16 : i32
      %mul3A_267 = arith.muli %while3A_262, %mul3A_266 : i32
      %get3A_268 = arith.index_cast %mul3A_267 : i32 to index
      %get3A_269 = tpu.vector_load %arg9[%get3A_268] {strides = array<i32>} : memref<1024xi32, #tpu.memory_space<vmem>>, vector<16xi32>,
      %broadcast_in_dim3A_270 = arith.constant 0 : i32
      %broadcast_in_dim3A_271 = vector.broadcast %broadcast_in_dim3A_270 : i32 to vector<16xi32>
      %max3A = arith.maxsi %get3A_269, %broadcast_in_dim3A_271 : vector<16xi32>
      %broadcast_in_dim3A_272 = arith.constant 1023 : i32
      %broadcast_in_dim3A_273 = vector.broadcast %broadcast_in_dim3A_272 : i32 to vector<16xi32>
      %min3A = arith.minsi %max3A, %broadcast_in_dim3A_273 : vector<16xi32>
      %broadcast_in_dim3A_274 = arith.constant 0 : i32
      %broadcast_in_dim3A_275 = vector.broadcast %broadcast_in_dim3A_274 : i32 to vector<16xi32>
      %gather3A = tpu.vector_load_idx %arg8[%broadcast_in_dim3A_275, %min3A] : memref<16x1024xf32, #tpu.memory_space<vmem>>[vector<16xi32>, vector<16xi32>], vector<16xf32>,
      tpu.vector_store_idx %arg10[%broadcast_in_dim3A_275, %get3A_265], %gather3A : memref<16x1024xf32, #tpu.memory_space<vmem>>[vector<16xi32>, vector<16xi32>], vector<16xf32>,
      %broadcast_in_dim3A_276 = arith.constant 1 : i32
      %broadcast_in_dim3A_277 = vector.broadcast %broadcast_in_dim3A_276 : i32 to vector<16xi32>
      %gather3A_278 = tpu.vector_load_idx %arg8[%broadcast_in_dim3A_277, %min3A] : memref<16x1024xf32, #tpu.memory_space<vmem>>[vector<16xi32>, vector<16xi32>], vector<16xf32>,
      tpu.vector_store_idx %arg10[%broadcast_in_dim3A_277, %get3A_265], %gather3A_278 : memref<16x1024xf32, #tpu.memory_space<vmem>>[vector<16xi32>, vector<16xi32>], vector<16xf32>,
      %broadcast_in_dim3A_279 = arith.constant 2 : i32
      %broadcast_in_dim3A_280 = vector.broadcast %broadcast_in_dim3A_279 : i32 to vector<16xi32>
      %gather3A_281 = tpu.vector_load_idx %arg8[%broadcast_in_dim3A_280, %min3A] : memref<16x1024xf32, #tpu.memory_space<vmem>>[vector<16xi32>, vector<16xi32>], vector<16xf32>,
      tpu.vector_store_idx %arg10[%broadcast_in_dim3A_280, %get3A_265], %gather3A_281 : memref<16x1024xf32, #tpu.memory_space<vmem>>[vector<16xi32>, vector<16xi32>], vector<16xf32>,
      %broadcast_in_dim3A_282 = arith.constant 3 : i32
      %broadcast_in_dim3A_283 = vector.broadcast %broadcast_in_dim3A_282 : i32 to vector<16xi32>
      %gather3A_284 = tpu.vector_load_idx %arg8[%broadcast_in_dim3A_283, %min3A] : memref<16x1024xf32, #tpu.memory_space<vmem>>[vector<16xi32>, vector<16xi32>], vector<16xf32>,
      tpu.vector_store_idx %arg10[%broadcast_in_dim3A_283, %get3A_265], %gather3A_284 : memref<16x1024xf32, #tpu.memory_space<vmem>>[vector<16xi32>, vector<16xi32>], vector<16xf32>,
      %broadcast_in_dim3A_285 = arith.constant 4 : i32
      %broadcast_in_dim3A_286 = vector.broadcast %broadcast_in_dim3A_285 : i32 to vector<16xi32>
      %gather3A_287 = tpu.vector_load_idx %arg8[%broadcast_in_dim3A_286, %min3A] : memref<16x1024xf32, #tpu.memory_space<vmem>>[vector<16xi32>, vector<16xi32>], vector<16xf32>,
      tpu.vector_store_idx %arg10[%broadcast_in_dim3A_286, %get3A_265], %gather3A_287 : memref<16x1024xf32, #tpu.memory_space<vmem>>[vector<16xi32>, vector<16xi32>], vector<16xf32>,
      %broadcast_in_dim3A_288 = arith.constant 5 : i32
      %broadcast_in_dim3A_289 = vector.broadcast %broadcast_in_dim3A_288 : i32 to vector<16xi32>
      %gather3A_290 = tpu.vector_load_idx %arg8[%broadcast_in_dim3A_289, %min3A] : memref<16x1024xf32, #tpu.memory_space<vmem>>[vector<16xi32>, vector<16xi32>], vector<16xf32>,
      tpu.vector_store_idx %arg10[%broadcast_in_dim3A_289, %get3A_265], %gather3A_290 : memref<16x1024xf32, #tpu.memory_space<vmem>>[vector<16xi32>, vector<16xi32>], vector<16xf32>,
      %broadcast_in_dim3A_291 = arith.constant 6 : i32
      %broadcast_in_dim3A_292 = vector.broadcast %broadcast_in_dim3A_291 : i32 to vector<16xi32>
      %gather3A_293 = tpu.vector_load_idx %arg8[%broadcast_in_dim3A_292, %min3A] : memref<16x1024xf32, #tpu.memory_space<vmem>>[vector<16xi32>, vector<16xi32>], vector<16xf32>,
      tpu.vector_store_idx %arg10[%broadcast_in_dim3A_292, %get3A_265], %gather3A_293 : memref<16x1024xf32, #tpu.memory_space<vmem>>[vector<16xi32>, vector<16xi32>], vector<16xf32>,
      %broadcast_in_dim3A_294 = arith.constant 7 : i32
      %broadcast_in_dim3A_295 = vector.broadcast %broadcast_in_dim3A_294 : i32 to vector<16xi32>
      %gather3A_296 = tpu.vector_load_idx %arg8[%broadcast_in_dim3A_295, %min3A] : memref<16x1024xf32, #tpu.memory_space<vmem>>[vector<16xi32>, vector<16xi32>], vector<16xf32>,
      tpu.vector_store_idx %arg10[%broadcast_in_dim3A_295, %get3A_265], %gather3A_296 : memref<16x1024xf32, #tpu.memory_space<vmem>>[vector<16xi32>, vector<16xi32>], vector<16xf32>,
      %broadcast_in_dim3A_297 = arith.constant 8 : i32
      %broadcast_in_dim3A_298 = vector.broadcast %broadcast_in_dim3A_297 : i32 to vector<16xi32>
      %gather3A_299 = tpu.vector_load_idx %arg8[%broadcast_in_dim3A_298, %min3A] : memref<16x1024xf32, #tpu.memory_space<vmem>>[vector<16xi32>, vector<16xi32>], vector<16xf32>,
      tpu.vector_store_idx %arg10[%broadcast_in_dim3A_298, %get3A_265], %gather3A_299 : memref<16x1024xf32, #tpu.memory_space<vmem>>[vector<16xi32>, vector<16xi32>], vector<16xf32>,
      %add3A_300 = arith.constant 16 : i32
      %add3A_301 = vector.broadcast %add3A_300 : i32 to vector<16xi32>
      %add3A_302 = arith.addi %get3A_265, %add3A_301 : vector<16xi32>
      %swap3A_303 = arith.constant 0 : index
      %swap3A_304 = tpu.vector_load %arg14[%swap3A_303] {strides = array<i32>} : memref<16xi32, #tpu.memory_space<vmem>>, vector<16xi32>,
      tpu.vector_store %arg14[%swap3A_303], %add3A_302 {strides = array<i32>} : memref<16xi32, #tpu.memory_space<vmem>>, vector<16xi32>,
      %while3A_305 = arith.constant 0 : i32
      scf.yield %while3A_305 : i32
    }
    %add3A_56 = arith.constant 128 : i32
    %add3A_57 = arith.addi %reduce_max3A_22, %add3A_56 : i32
    %sub3A_58 = arith.constant 1 : i32
    %sub3A_59 = arith.subi %add3A_57, %sub3A_58 : i32
    %jit3A_60 = arith.constant 128 : i32
    %div3A_61 = arith.divsi %sub3A_59, %jit3A_60 : i32
    %sign3A_62 = arith.constant 0 : i32
    %sign3A_63 = arith.cmpi sgt, %sub3A_59, %sign3A_62 : i32
    %sign3A_64 = arith.extui %sign3A_63 : i1 to i32
    %sign3A_65 = arith.constant 0 : i32
    %sign3A_66 = arith.cmpi slt, %sub3A_59, %sign3A_65 : i32
    %sign3A_67 = arith.extui %sign3A_66 : i1 to i32
    %sign3A_68 = arith.subi %sign3A_64, %sign3A_67 : i32
    %sign3A_69 = arith.constant 0 : i32
    %sign3A_70 = arith.cmpi sgt, %jit3A_60, %sign3A_69 : i32
    %sign3A_71 = arith.extui %sign3A_70 : i1 to i32
    %sign3A_72 = arith.constant 0 : i32
    %sign3A_73 = arith.cmpi slt, %jit3A_60, %sign3A_72 : i32
    %sign3A_74 = arith.extui %sign3A_73 : i1 to i32
    %sign3A_75 = arith.subi %sign3A_71, %sign3A_74 : i32
    %ne3A_76 = arith.cmpi ne, %sign3A_68, %sign3A_75 : i32
    %rem3A_77 = arith.remsi %sub3A_59, %jit3A_60 : i32
    %ne3A_78 = arith.constant 0 : i32
    %ne3A_79 = arith.cmpi ne, %rem3A_77, %ne3A_78 : i32
    %and3A_80 = arith.andi %ne3A_76, %ne3A_79 : i1
    %sub3A_81 = arith.constant 1 : i32
    %sub3A_82 = arith.subi %div3A_61, %sub3A_81 : i32
    %select_n3A_83 = arith.select %and3A_80, %sub3A_82, %div3A_61 : i32
    %gt3A = arith.constant 0 : i32
    %gt3A_84 = arith.cmpi sgt, %select_n3A_83, %gt3A : i32
    %convert_element_type3A = arith.extui %gt3A_84 : i1 to i32
    %cond3A = arith.constant 0 : i32
    %cond3A_85 = arith.cmpi ne, %convert_element_type3A, %cond3A : i32
    scf.if %cond3A_85 {
      %run_scoped3A = arith.constant 0 : i32
      "tpu.region"() ({
        %run_scoped3A_262 = tpu.sem_alloc : memref<!tpu.dma_semaphore, #tpu.memory_space<semaphore_mem>>
        %dma_start3A = arith.constant 0 : i32
        %dma_start3A_263 = arith.constant 0 : i32
        %dma_start3A_264 = tpu.memref_slice %arg10[%dma_start3A, %dma_start3A_263] : memref<16x1024xf32, #tpu.memory_space<vmem>> -> memref<16x128xf32, #tpu.memory_space<vmem>>
        %dma_start3A_265 = arith.constant 0 : i32
        %dma_start3A_266 = arith.constant 0 : i32
        %dma_start3A_267 = tpu.memref_slice %arg5[%add3A_4, %run_scoped3A, %dma_start3A_265, %dma_start3A_266] : memref<64x8x16x128xf32, #tpu.memory_space<hbm>> -> memref<1x1x16x128xf32, #tpu.memory_space<hbm>>
        %dma_start3A_268 = tpu.memref_squeeze %dma_start3A_267 : memref<1x1x16x128xf32, #tpu.memory_space<hbm>> -> memref<16x128xf32, #tpu.memory_space<hbm>>
        %dma_start3A_269 = arith.constant 0 : i32
        %dma_start3A_270 = arith.constant 0 : i32
        %dma_start3A_271 = tpu.memref_slice %arg5[%add3A_4, %run_scoped3A, %dma_start3A_269, %dma_start3A_270] : memref<64x8x16x128xf32, #tpu.memory_space<hbm>> -> memref<1x1x16x128xf32, #tpu.memory_space<hbm>>
        %dma_start3A_272 = tpu.memref_squeeze %dma_start3A_271 : memref<1x1x16x128xf32, #tpu.memory_space<hbm>> -> memref<16x128xf32, #tpu.memory_space<hbm>>
        %dma_start3A_273 = arith.constant 0 : i32
        %dma_start3A_274 = arith.constant 0 : i32
        %dma_start3A_275 = tpu.memref_slice %arg10[%dma_start3A_273, %dma_start3A_274] : memref<16x1024xf32, #tpu.memory_space<vmem>> -> memref<16x128xf32, #tpu.memory_space<vmem>>
        tpu.enqueue_dma source(%dma_start3A_275 : memref<16x128xf32, #tpu.memory_space<vmem>>) target(%dma_start3A_272 : memref<16x128xf32, #tpu.memory_space<hbm>>) target_semaphore(%run_scoped3A_262 : memref<!tpu.dma_semaphore, #tpu.memory_space<semaphore_mem>>)
        %dma_wait3A = arith.constant 0 : i32
        %dma_wait3A_276 = arith.constant 0 : i32
        %dma_wait3A_277 = tpu.memref_slice %arg10[%dma_wait3A, %dma_wait3A_276] : memref<16x1024xf32, #tpu.memory_space<vmem>> -> memref<16x128xf32, #tpu.memory_space<vmem>>
        %dma_wait3A_278 = arith.constant 0 : i32
        %dma_wait3A_279 = arith.constant 0 : i32
        %dma_wait3A_280 = tpu.memref_slice %arg5[%add3A_4, %run_scoped3A, %dma_wait3A_278, %dma_wait3A_279] : memref<64x8x16x128xf32, #tpu.memory_space<hbm>> -> memref<1x1x16x128xf32, #tpu.memory_space<hbm>>
        %dma_wait3A_281 = tpu.memref_squeeze %dma_wait3A_280 : memref<1x1x16x128xf32, #tpu.memory_space<hbm>> -> memref<16x128xf32, #tpu.memory_space<hbm>>
        %dma_wait3A_282 = arith.constant 0 : i32
        %dma_wait3A_283 = arith.constant 0 : i32
        %dma_wait3A_284 = tpu.memref_slice %arg5[%add3A_4, %run_scoped3A, %dma_wait3A_282, %dma_wait3A_283] : memref<64x8x16x128xf32, #tpu.memory_space<hbm>> -> memref<1x1x16x128xf32, #tpu.memory_space<hbm>>
        %dma_wait3A_285 = tpu.memref_squeeze %dma_wait3A_284 : memref<1x1x16x128xf32, #tpu.memory_space<hbm>> -> memref<16x128xf32, #tpu.memory_space<hbm>>
        %dma_wait3A_286 = arith.constant 0 : i32
        %dma_wait3A_287 = arith.constant 0 : i32
        %dma_wait3A_288 = tpu.memref_slice %arg10[%dma_wait3A_286, %dma_wait3A_287] : memref<16x1024xf32, #tpu.memory_space<vmem>> -> memref<16x128xf32, #tpu.memory_space<vmem>>
        tpu.wait_dma2 semaphore(%run_scoped3A_262 : memref<!tpu.dma_semaphore, #tpu.memory_space<semaphore_mem>>) src(%dma_wait3A_288 : memref<16x128xf32, #tpu.memory_space<vmem>>) dst(%dma_wait3A_285 : memref<16x128xf32, #tpu.memory_space<hbm>>)
        tpu.yield
      }) : () -> ()
    } else {
    }
    %gt3A_86 = arith.constant 1 : i32
    %gt3A_87 = arith.cmpi sgt, %select_n3A_83, %gt3A_86 : i32
    %convert_element_type3A_88 = arith.extui %gt3A_87 : i1 to i32
    %cond3A_89 = arith.constant 0 : i32
    %cond3A_90 = arith.cmpi ne, %convert_element_type3A_88, %cond3A_89 : i32
    scf.if %cond3A_90 {
      %run_scoped3A = arith.constant 1 : i32
      "tpu.region"() ({
        %run_scoped3A_262 = tpu.sem_alloc : memref<!tpu.dma_semaphore, #tpu.memory_space<semaphore_mem>>
        %dma_start3A = arith.constant 0 : i32
        %dma_start3A_263 = arith.constant 128 : i32
        %dma_start3A_264 = tpu.memref_slice %arg10[%dma_start3A, %dma_start3A_263] : memref<16x1024xf32, #tpu.memory_space<vmem>> -> memref<16x128xf32, #tpu.memory_space<vmem>>
        %dma_start3A_265 = arith.constant 0 : i32
        %dma_start3A_266 = arith.constant 0 : i32
        %dma_start3A_267 = tpu.memref_slice %arg5[%add3A_4, %run_scoped3A, %dma_start3A_265, %dma_start3A_266] : memref<64x8x16x128xf32, #tpu.memory_space<hbm>> -> memref<1x1x16x128xf32, #tpu.memory_space<hbm>>
        %dma_start3A_268 = tpu.memref_squeeze %dma_start3A_267 : memref<1x1x16x128xf32, #tpu.memory_space<hbm>> -> memref<16x128xf32, #tpu.memory_space<hbm>>
        %dma_start3A_269 = arith.constant 0 : i32
        %dma_start3A_270 = arith.constant 0 : i32
        %dma_start3A_271 = tpu.memref_slice %arg5[%add3A_4, %run_scoped3A, %dma_start3A_269, %dma_start3A_270] : memref<64x8x16x128xf32, #tpu.memory_space<hbm>> -> memref<1x1x16x128xf32, #tpu.memory_space<hbm>>
        %dma_start3A_272 = tpu.memref_squeeze %dma_start3A_271 : memref<1x1x16x128xf32, #tpu.memory_space<hbm>> -> memref<16x128xf32, #tpu.memory_space<hbm>>
        %dma_start3A_273 = arith.constant 0 : i32
        %dma_start3A_274 = arith.constant 128 : i32
        %dma_start3A_275 = tpu.memref_slice %arg10[%dma_start3A_273, %dma_start3A_274] : memref<16x1024xf32, #tpu.memory_space<vmem>> -> memref<16x128xf32, #tpu.memory_space<vmem>>
        tpu.enqueue_dma source(%dma_start3A_275 : memref<16x128xf32, #tpu.memory_space<vmem>>) target(%dma_start3A_272 : memref<16x128xf32, #tpu.memory_space<hbm>>) target_semaphore(%run_scoped3A_262 : memref<!tpu.dma_semaphore, #tpu.memory_space<semaphore_mem>>)
        %dma_wait3A = arith.constant 0 : i32
        %dma_wait3A_276 = arith.constant 128 : i32
        %dma_wait3A_277 = tpu.memref_slice %arg10[%dma_wait3A, %dma_wait3A_276] : memref<16x1024xf32, #tpu.memory_space<vmem>> -> memref<16x128xf32, #tpu.memory_space<vmem>>
        %dma_wait3A_278 = arith.constant 0 : i32
        %dma_wait3A_279 = arith.constant 0 : i32
        %dma_wait3A_280 = tpu.memref_slice %arg5[%add3A_4, %run_scoped3A, %dma_wait3A_278, %dma_wait3A_279] : memref<64x8x16x128xf32, #tpu.memory_space<hbm>> -> memref<1x1x16x128xf32, #tpu.memory_space<hbm>>
        %dma_wait3A_281 = tpu.memref_squeeze %dma_wait3A_280 : memref<1x1x16x128xf32, #tpu.memory_space<hbm>> -> memref<16x128xf32, #tpu.memory_space<hbm>>
        %dma_wait3A_282 = arith.constant 0 : i32
        %dma_wait3A_283 = arith.constant 0 : i32
        %dma_wait3A_284 = tpu.memref_slice %arg5[%add3A_4, %run_scoped3A, %dma_wait3A_282, %dma_wait3A_283] : memref<64x8x16x128xf32, #tpu.memory_space<hbm>> -> memref<1x1x16x128xf32, #tpu.memory_space<hbm>>
        %dma_wait3A_285 = tpu.memref_squeeze %dma_wait3A_284 : memref<1x1x16x128xf32, #tpu.memory_space<hbm>> -> memref<16x128xf32, #tpu.memory_space<hbm>>
        %dma_wait3A_286 = arith.constant 0 : i32
        %dma_wait3A_287 = arith.constant 128 : i32
        %dma_wait3A_288 = tpu.memref_slice %arg10[%dma_wait3A_286, %dma_wait3A_287] : memref<16x1024xf32, #tpu.memory_space<vmem>> -> memref<16x128xf32, #tpu.memory_space<vmem>>
        tpu.wait_dma2 semaphore(%run_scoped3A_262 : memref<!tpu.dma_semaphore, #tpu.memory_space<semaphore_mem>>) src(%dma_wait3A_288 : memref<16x128xf32, #tpu.memory_space<vmem>>) dst(%dma_wait3A_285 : memref<16x128xf32, #tpu.memory_space<hbm>>)
        tpu.yield
      }) : () -> ()
    } else {
    }
    %gt3A_91 = arith.constant 2 : i32
    %gt3A_92 = arith.cmpi sgt, %select_n3A_83, %gt3A_91 : i32
    %convert_element_type3A_93 = arith.extui %gt3A_92 : i1 to i32
    %cond3A_94 = arith.constant 0 : i32
    %cond3A_95 = arith.cmpi ne, %convert_element_type3A_93, %cond3A_94 : i32
    scf.if %cond3A_95 {
      %run_scoped3A = arith.constant 2 : i32
      "tpu.region"() ({
        %run_scoped3A_262 = tpu.sem_alloc : memref<!tpu.dma_semaphore, #tpu.memory_space<semaphore_mem>>
        %dma_start3A = arith.constant 0 : i32
        %dma_start3A_263 = arith.constant 256 : i32
        %dma_start3A_264 = tpu.memref_slice %arg10[%dma_start3A, %dma_start3A_263] : memref<16x1024xf32, #tpu.memory_space<vmem>> -> memref<16x128xf32, #tpu.memory_space<vmem>>
        %dma_start3A_265 = arith.constant 0 : i32
        %dma_start3A_266 = arith.constant 0 : i32
        %dma_start3A_267 = tpu.memref_slice %arg5[%add3A_4, %run_scoped3A, %dma_start3A_265, %dma_start3A_266] : memref<64x8x16x128xf32, #tpu.memory_space<hbm>> -> memref<1x1x16x128xf32, #tpu.memory_space<hbm>>
        %dma_start3A_268 = tpu.memref_squeeze %dma_start3A_267 : memref<1x1x16x128xf32, #tpu.memory_space<hbm>> -> memref<16x128xf32, #tpu.memory_space<hbm>>
        %dma_start3A_269 = arith.constant 0 : i32
        %dma_start3A_270 = arith.constant 0 : i32
        %dma_start3A_271 = tpu.memref_slice %arg5[%add3A_4, %run_scoped3A, %dma_start3A_269, %dma_start3A_270] : memref<64x8x16x128xf32, #tpu.memory_space<hbm>> -> memref<1x1x16x128xf32, #tpu.memory_space<hbm>>
        %dma_start3A_272 = tpu.memref_squeeze %dma_start3A_271 : memref<1x1x16x128xf32, #tpu.memory_space<hbm>> -> memref<16x128xf32, #tpu.memory_space<hbm>>
        %dma_start3A_273 = arith.constant 0 : i32
        %dma_start3A_274 = arith.constant 256 : i32
        %dma_start3A_275 = tpu.memref_slice %arg10[%dma_start3A_273, %dma_start3A_274] : memref<16x1024xf32, #tpu.memory_space<vmem>> -> memref<16x128xf32, #tpu.memory_space<vmem>>
        tpu.enqueue_dma source(%dma_start3A_275 : memref<16x128xf32, #tpu.memory_space<vmem>>) target(%dma_start3A_272 : memref<16x128xf32, #tpu.memory_space<hbm>>) target_semaphore(%run_scoped3A_262 : memref<!tpu.dma_semaphore, #tpu.memory_space<semaphore_mem>>)
        %dma_wait3A = arith.constant 0 : i32
        %dma_wait3A_276 = arith.constant 256 : i32
        %dma_wait3A_277 = tpu.memref_slice %arg10[%dma_wait3A, %dma_wait3A_276] : memref<16x1024xf32, #tpu.memory_space<vmem>> -> memref<16x128xf32, #tpu.memory_space<vmem>>
        %dma_wait3A_278 = arith.constant 0 : i32
        %dma_wait3A_279 = arith.constant 0 : i32
        %dma_wait3A_280 = tpu.memref_slice %arg5[%add3A_4, %run_scoped3A, %dma_wait3A_278, %dma_wait3A_279] : memref<64x8x16x128xf32, #tpu.memory_space<hbm>> -> memref<1x1x16x128xf32, #tpu.memory_space<hbm>>
        %dma_wait3A_281 = tpu.memref_squeeze %dma_wait3A_280 : memref<1x1x16x128xf32, #tpu.memory_space<hbm>> -> memref<16x128xf32, #tpu.memory_space<hbm>>
        %dma_wait3A_282 = arith.constant 0 : i32
        %dma_wait3A_283 = arith.constant 0 : i32
        %dma_wait3A_284 = tpu.memref_slice %arg5[%add3A_4, %run_scoped3A, %dma_wait3A_282, %dma_wait3A_283] : memref<64x8x16x128xf32, #tpu.memory_space<hbm>> -> memref<1x1x16x128xf32, #tpu.memory_space<hbm>>
        %dma_wait3A_285 = tpu.memref_squeeze %dma_wait3A_284 : memref<1x1x16x128xf32, #tpu.memory_space<hbm>> -> memref<16x128xf32, #tpu.memory_space<hbm>>
        %dma_wait3A_286 = arith.constant 0 : i32
        %dma_wait3A_287 = arith.constant 256 : i32
        %dma_wait3A_288 = tpu.memref_slice %arg10[%dma_wait3A_286, %dma_wait3A_287] : memref<16x1024xf32, #tpu.memory_space<vmem>> -> memref<16x128xf32, #tpu.memory_space<vmem>>
        tpu.wait_dma2 semaphore(%run_scoped3A_262 : memref<!tpu.dma_semaphore, #tpu.memory_space<semaphore_mem>>) src(%dma_wait3A_288 : memref<16x128xf32, #tpu.memory_space<vmem>>) dst(%dma_wait3A_285 : memref<16x128xf32, #tpu.memory_space<hbm>>)
        tpu.yield
      }) : () -> ()
    } else {
    }
    %gt3A_96 = arith.constant 3 : i32
    %gt3A_97 = arith.cmpi sgt, %select_n3A_83, %gt3A_96 : i32
    %convert_element_type3A_98 = arith.extui %gt3A_97 : i1 to i32
    %cond3A_99 = arith.constant 0 : i32
    %cond3A_100 = arith.cmpi ne, %convert_element_type3A_98, %cond3A_99 : i32
    scf.if %cond3A_100 {
      %run_scoped3A = arith.constant 3 : i32
      "tpu.region"() ({
        %run_scoped3A_262 = tpu.sem_alloc : memref<!tpu.dma_semaphore, #tpu.memory_space<semaphore_mem>>
        %dma_start3A = arith.constant 0 : i32
        %dma_start3A_263 = arith.constant 384 : i32
        %dma_start3A_264 = tpu.memref_slice %arg10[%dma_start3A, %dma_start3A_263] : memref<16x1024xf32, #tpu.memory_space<vmem>> -> memref<16x128xf32, #tpu.memory_space<vmem>>
        %dma_start3A_265 = arith.constant 0 : i32
        %dma_start3A_266 = arith.constant 0 : i32
        %dma_start3A_267 = tpu.memref_slice %arg5[%add3A_4, %run_scoped3A, %dma_start3A_265, %dma_start3A_266] : memref<64x8x16x128xf32, #tpu.memory_space<hbm>> -> memref<1x1x16x128xf32, #tpu.memory_space<hbm>>
        %dma_start3A_268 = tpu.memref_squeeze %dma_start3A_267 : memref<1x1x16x128xf32, #tpu.memory_space<hbm>> -> memref<16x128xf32, #tpu.memory_space<hbm>>
        %dma_start3A_269 = arith.constant 0 : i32
        %dma_start3A_270 = arith.constant 0 : i32
        %dma_start3A_271 = tpu.memref_slice %arg5[%add3A_4, %run_scoped3A, %dma_start3A_269, %dma_start3A_270] : memref<64x8x16x128xf32, #tpu.memory_space<hbm>> -> memref<1x1x16x128xf32, #tpu.memory_space<hbm>>
        %dma_start3A_272 = tpu.memref_squeeze %dma_start3A_271 : memref<1x1x16x128xf32, #tpu.memory_space<hbm>> -> memref<16x128xf32, #tpu.memory_space<hbm>>
        %dma_start3A_273 = arith.constant 0 : i32
        %dma_start3A_274 = arith.constant 384 : i32
        %dma_start3A_275 = tpu.memref_slice %arg10[%dma_start3A_273, %dma_start3A_274] : memref<16x1024xf32, #tpu.memory_space<vmem>> -> memref<16x128xf32, #tpu.memory_space<vmem>>
        tpu.enqueue_dma source(%dma_start3A_275 : memref<16x128xf32, #tpu.memory_space<vmem>>) target(%dma_start3A_272 : memref<16x128xf32, #tpu.memory_space<hbm>>) target_semaphore(%run_scoped3A_262 : memref<!tpu.dma_semaphore, #tpu.memory_space<semaphore_mem>>)
        %dma_wait3A = arith.constant 0 : i32
        %dma_wait3A_276 = arith.constant 384 : i32
        %dma_wait3A_277 = tpu.memref_slice %arg10[%dma_wait3A, %dma_wait3A_276] : memref<16x1024xf32, #tpu.memory_space<vmem>> -> memref<16x128xf32, #tpu.memory_space<vmem>>
        %dma_wait3A_278 = arith.constant 0 : i32
        %dma_wait3A_279 = arith.constant 0 : i32
        %dma_wait3A_280 = tpu.memref_slice %arg5[%add3A_4, %run_scoped3A, %dma_wait3A_278, %dma_wait3A_279] : memref<64x8x16x128xf32, #tpu.memory_space<hbm>> -> memref<1x1x16x128xf32, #tpu.memory_space<hbm>>
        %dma_wait3A_281 = tpu.memref_squeeze %dma_wait3A_280 : memref<1x1x16x128xf32, #tpu.memory_space<hbm>> -> memref<16x128xf32, #tpu.memory_space<hbm>>
        %dma_wait3A_282 = arith.constant 0 : i32
        %dma_wait3A_283 = arith.constant 0 : i32
        %dma_wait3A_284 = tpu.memref_slice %arg5[%add3A_4, %run_scoped3A, %dma_wait3A_282, %dma_wait3A_283] : memref<64x8x16x128xf32, #tpu.memory_space<hbm>> -> memref<1x1x16x128xf32, #tpu.memory_space<hbm>>
        %dma_wait3A_285 = tpu.memref_squeeze %dma_wait3A_284 : memref<1x1x16x128xf32, #tpu.memory_space<hbm>> -> memref<16x128xf32, #tpu.memory_space<hbm>>
        %dma_wait3A_286 = arith.constant 0 : i32
        %dma_wait3A_287 = arith.constant 384 : i32
        %dma_wait3A_288 = tpu.memref_slice %arg10[%dma_wait3A_286, %dma_wait3A_287] : memref<16x1024xf32, #tpu.memory_space<vmem>> -> memref<16x128xf32, #tpu.memory_space<vmem>>
        tpu.wait_dma2 semaphore(%run_scoped3A_262 : memref<!tpu.dma_semaphore, #tpu.memory_space<semaphore_mem>>) src(%dma_wait3A_288 : memref<16x128xf32, #tpu.memory_space<vmem>>) dst(%dma_wait3A_285 : memref<16x128xf32, #tpu.memory_space<hbm>>)
        tpu.yield
      }) : () -> ()
    } else {
    }
    %gt3A_101 = arith.constant 4 : i32
    %gt3A_102 = arith.cmpi sgt, %select_n3A_83, %gt3A_101 : i32
    %convert_element_type3A_103 = arith.extui %gt3A_102 : i1 to i32
    %cond3A_104 = arith.constant 0 : i32
    %cond3A_105 = arith.cmpi ne, %convert_element_type3A_103, %cond3A_104 : i32
    scf.if %cond3A_105 {
      %run_scoped3A = arith.constant 4 : i32
      "tpu.region"() ({
        %run_scoped3A_262 = tpu.sem_alloc : memref<!tpu.dma_semaphore, #tpu.memory_space<semaphore_mem>>
        %dma_start3A = arith.constant 0 : i32
        %dma_start3A_263 = arith.constant 512 : i32
        %dma_start3A_264 = tpu.memref_slice %arg10[%dma_start3A, %dma_start3A_263] : memref<16x1024xf32, #tpu.memory_space<vmem>> -> memref<16x128xf32, #tpu.memory_space<vmem>>
        %dma_start3A_265 = arith.constant 0 : i32
        %dma_start3A_266 = arith.constant 0 : i32
        %dma_start3A_267 = tpu.memref_slice %arg5[%add3A_4, %run_scoped3A, %dma_start3A_265, %dma_start3A_266] : memref<64x8x16x128xf32, #tpu.memory_space<hbm>> -> memref<1x1x16x128xf32, #tpu.memory_space<hbm>>
        %dma_start3A_268 = tpu.memref_squeeze %dma_start3A_267 : memref<1x1x16x128xf32, #tpu.memory_space<hbm>> -> memref<16x128xf32, #tpu.memory_space<hbm>>
        %dma_start3A_269 = arith.constant 0 : i32
        %dma_start3A_270 = arith.constant 0 : i32
        %dma_start3A_271 = tpu.memref_slice %arg5[%add3A_4, %run_scoped3A, %dma_start3A_269, %dma_start3A_270] : memref<64x8x16x128xf32, #tpu.memory_space<hbm>> -> memref<1x1x16x128xf32, #tpu.memory_space<hbm>>
        %dma_start3A_272 = tpu.memref_squeeze %dma_start3A_271 : memref<1x1x16x128xf32, #tpu.memory_space<hbm>> -> memref<16x128xf32, #tpu.memory_space<hbm>>
        %dma_start3A_273 = arith.constant 0 : i32
        %dma_start3A_274 = arith.constant 512 : i32
        %dma_start3A_275 = tpu.memref_slice %arg10[%dma_start3A_273, %dma_start3A_274] : memref<16x1024xf32, #tpu.memory_space<vmem>> -> memref<16x128xf32, #tpu.memory_space<vmem>>
        tpu.enqueue_dma source(%dma_start3A_275 : memref<16x128xf32, #tpu.memory_space<vmem>>) target(%dma_start3A_272 : memref<16x128xf32, #tpu.memory_space<hbm>>) target_semaphore(%run_scoped3A_262 : memref<!tpu.dma_semaphore, #tpu.memory_space<semaphore_mem>>)
        %dma_wait3A = arith.constant 0 : i32
        %dma_wait3A_276 = arith.constant 512 : i32
        %dma_wait3A_277 = tpu.memref_slice %arg10[%dma_wait3A, %dma_wait3A_276] : memref<16x1024xf32, #tpu.memory_space<vmem>> -> memref<16x128xf32, #tpu.memory_space<vmem>>
        %dma_wait3A_278 = arith.constant 0 : i32
        %dma_wait3A_279 = arith.constant 0 : i32
        %dma_wait3A_280 = tpu.memref_slice %arg5[%add3A_4, %run_scoped3A, %dma_wait3A_278, %dma_wait3A_279] : memref<64x8x16x128xf32, #tpu.memory_space<hbm>> -> memref<1x1x16x128xf32, #tpu.memory_space<hbm>>
        %dma_wait3A_281 = tpu.memref_squeeze %dma_wait3A_280 : memref<1x1x16x128xf32, #tpu.memory_space<hbm>> -> memref<16x128xf32, #tpu.memory_space<hbm>>
        %dma_wait3A_282 = arith.constant 0 : i32
        %dma_wait3A_283 = arith.constant 0 : i32
        %dma_wait3A_284 = tpu.memref_slice %arg5[%add3A_4, %run_scoped3A, %dma_wait3A_282, %dma_wait3A_283] : memref<64x8x16x128xf32, #tpu.memory_space<hbm>> -> memref<1x1x16x128xf32, #tpu.memory_space<hbm>>
        %dma_wait3A_285 = tpu.memref_squeeze %dma_wait3A_284 : memref<1x1x16x128xf32, #tpu.memory_space<hbm>> -> memref<16x128xf32, #tpu.memory_space<hbm>>
        %dma_wait3A_286 = arith.constant 0 : i32
        %dma_wait3A_287 = arith.constant 512 : i32
        %dma_wait3A_288 = tpu.memref_slice %arg10[%dma_wait3A_286, %dma_wait3A_287] : memref<16x1024xf32, #tpu.memory_space<vmem>> -> memref<16x128xf32, #tpu.memory_space<vmem>>
        tpu.wait_dma2 semaphore(%run_scoped3A_262 : memref<!tpu.dma_semaphore, #tpu.memory_space<semaphore_mem>>) src(%dma_wait3A_288 : memref<16x128xf32, #tpu.memory_space<vmem>>) dst(%dma_wait3A_285 : memref<16x128xf32, #tpu.memory_space<hbm>>)
        tpu.yield
      }) : () -> ()
    } else {
    }
    %gt3A_106 = arith.constant 5 : i32
    %gt3A_107 = arith.cmpi sgt, %select_n3A_83, %gt3A_106 : i32
    %convert_element_type3A_108 = arith.extui %gt3A_107 : i1 to i32
    %cond3A_109 = arith.constant 0 : i32
    %cond3A_110 = arith.cmpi ne, %convert_element_type3A_108, %cond3A_109 : i32
    scf.if %cond3A_110 {
      %run_scoped3A = arith.constant 5 : i32
      "tpu.region"() ({
        %run_scoped3A_262 = tpu.sem_alloc : memref<!tpu.dma_semaphore, #tpu.memory_space<semaphore_mem>>
        %dma_start3A = arith.constant 0 : i32
        %dma_start3A_263 = arith.constant 640 : i32
        %dma_start3A_264 = tpu.memref_slice %arg10[%dma_start3A, %dma_start3A_263] : memref<16x1024xf32, #tpu.memory_space<vmem>> -> memref<16x128xf32, #tpu.memory_space<vmem>>
        %dma_start3A_265 = arith.constant 0 : i32
        %dma_start3A_266 = arith.constant 0 : i32
        %dma_start3A_267 = tpu.memref_slice %arg5[%add3A_4, %run_scoped3A, %dma_start3A_265, %dma_start3A_266] : memref<64x8x16x128xf32, #tpu.memory_space<hbm>> -> memref<1x1x16x128xf32, #tpu.memory_space<hbm>>
        %dma_start3A_268 = tpu.memref_squeeze %dma_start3A_267 : memref<1x1x16x128xf32, #tpu.memory_space<hbm>> -> memref<16x128xf32, #tpu.memory_space<hbm>>
        %dma_start3A_269 = arith.constant 0 : i32
        %dma_start3A_270 = arith.constant 0 : i32
        %dma_start3A_271 = tpu.memref_slice %arg5[%add3A_4, %run_scoped3A, %dma_start3A_269, %dma_start3A_270] : memref<64x8x16x128xf32, #tpu.memory_space<hbm>> -> memref<1x1x16x128xf32, #tpu.memory_space<hbm>>
        %dma_start3A_272 = tpu.memref_squeeze %dma_start3A_271 : memref<1x1x16x128xf32, #tpu.memory_space<hbm>> -> memref<16x128xf32, #tpu.memory_space<hbm>>
        %dma_start3A_273 = arith.constant 0 : i32
        %dma_start3A_274 = arith.constant 640 : i32
        %dma_start3A_275 = tpu.memref_slice %arg10[%dma_start3A_273, %dma_start3A_274] : memref<16x1024xf32, #tpu.memory_space<vmem>> -> memref<16x128xf32, #tpu.memory_space<vmem>>
        tpu.enqueue_dma source(%dma_start3A_275 : memref<16x128xf32, #tpu.memory_space<vmem>>) target(%dma_start3A_272 : memref<16x128xf32, #tpu.memory_space<hbm>>) target_semaphore(%run_scoped3A_262 : memref<!tpu.dma_semaphore, #tpu.memory_space<semaphore_mem>>)
        %dma_wait3A = arith.constant 0 : i32
        %dma_wait3A_276 = arith.constant 640 : i32
        %dma_wait3A_277 = tpu.memref_slice %arg10[%dma_wait3A, %dma_wait3A_276] : memref<16x1024xf32, #tpu.memory_space<vmem>> -> memref<16x128xf32, #tpu.memory_space<vmem>>
        %dma_wait3A_278 = arith.constant 0 : i32
        %dma_wait3A_279 = arith.constant 0 : i32
        %dma_wait3A_280 = tpu.memref_slice %arg5[%add3A_4, %run_scoped3A, %dma_wait3A_278, %dma_wait3A_279] : memref<64x8x16x128xf32, #tpu.memory_space<hbm>> -> memref<1x1x16x128xf32, #tpu.memory_space<hbm>>
        %dma_wait3A_281 = tpu.memref_squeeze %dma_wait3A_280 : memref<1x1x16x128xf32, #tpu.memory_space<hbm>> -> memref<16x128xf32, #tpu.memory_space<hbm>>
        %dma_wait3A_282 = arith.constant 0 : i32
        %dma_wait3A_283 = arith.constant 0 : i32
        %dma_wait3A_284 = tpu.memref_slice %arg5[%add3A_4, %run_scoped3A, %dma_wait3A_282, %dma_wait3A_283] : memref<64x8x16x128xf32, #tpu.memory_space<hbm>> -> memref<1x1x16x128xf32, #tpu.memory_space<hbm>>
        %dma_wait3A_285 = tpu.memref_squeeze %dma_wait3A_284 : memref<1x1x16x128xf32, #tpu.memory_space<hbm>> -> memref<16x128xf32, #tpu.memory_space<hbm>>
        %dma_wait3A_286 = arith.constant 0 : i32
        %dma_wait3A_287 = arith.constant 640 : i32
        %dma_wait3A_288 = tpu.memref_slice %arg10[%dma_wait3A_286, %dma_wait3A_287] : memref<16x1024xf32, #tpu.memory_space<vmem>> -> memref<16x128xf32, #tpu.memory_space<vmem>>
        tpu.wait_dma2 semaphore(%run_scoped3A_262 : memref<!tpu.dma_semaphore, #tpu.memory_space<semaphore_mem>>) src(%dma_wait3A_288 : memref<16x128xf32, #tpu.memory_space<vmem>>) dst(%dma_wait3A_285 : memref<16x128xf32, #tpu.memory_space<hbm>>)
        tpu.yield
      }) : () -> ()
    } else {
    }
    %gt3A_111 = arith.constant 6 : i32
    %gt3A_112 = arith.cmpi sgt, %select_n3A_83, %gt3A_111 : i32
    %convert_element_type3A_113 = arith.extui %gt3A_112 : i1 to i32
    %cond3A_114 = arith.constant 0 : i32
    %cond3A_115 = arith.cmpi ne, %convert_element_type3A_113, %cond3A_114 : i32
    scf.if %cond3A_115 {
      %run_scoped3A = arith.constant 6 : i32
      "tpu.region"() ({
        %run_scoped3A_262 = tpu.sem_alloc : memref<!tpu.dma_semaphore, #tpu.memory_space<semaphore_mem>>
        %dma_start3A = arith.constant 0 : i32
        %dma_start3A_263 = arith.constant 768 : i32
        %dma_start3A_264 = tpu.memref_slice %arg10[%dma_start3A, %dma_start3A_263] : memref<16x1024xf32, #tpu.memory_space<vmem>> -> memref<16x128xf32, #tpu.memory_space<vmem>>
        %dma_start3A_265 = arith.constant 0 : i32
        %dma_start3A_266 = arith.constant 0 : i32
        %dma_start3A_267 = tpu.memref_slice %arg5[%add3A_4, %run_scoped3A, %dma_start3A_265, %dma_start3A_266] : memref<64x8x16x128xf32, #tpu.memory_space<hbm>> -> memref<1x1x16x128xf32, #tpu.memory_space<hbm>>
        %dma_start3A_268 = tpu.memref_squeeze %dma_start3A_267 : memref<1x1x16x128xf32, #tpu.memory_space<hbm>> -> memref<16x128xf32, #tpu.memory_space<hbm>>
        %dma_start3A_269 = arith.constant 0 : i32
        %dma_start3A_270 = arith.constant 0 : i32
        %dma_start3A_271 = tpu.memref_slice %arg5[%add3A_4, %run_scoped3A, %dma_start3A_269, %dma_start3A_270] : memref<64x8x16x128xf32, #tpu.memory_space<hbm>> -> memref<1x1x16x128xf32, #tpu.memory_space<hbm>>
        %dma_start3A_272 = tpu.memref_squeeze %dma_start3A_271 : memref<1x1x16x128xf32, #tpu.memory_space<hbm>> -> memref<16x128xf32, #tpu.memory_space<hbm>>
        %dma_start3A_273 = arith.constant 0 : i32
        %dma_start3A_274 = arith.constant 768 : i32
        %dma_start3A_275 = tpu.memref_slice %arg10[%dma_start3A_273, %dma_start3A_274] : memref<16x1024xf32, #tpu.memory_space<vmem>> -> memref<16x128xf32, #tpu.memory_space<vmem>>
        tpu.enqueue_dma source(%dma_start3A_275 : memref<16x128xf32, #tpu.memory_space<vmem>>) target(%dma_start3A_272 : memref<16x128xf32, #tpu.memory_space<hbm>>) target_semaphore(%run_scoped3A_262 : memref<!tpu.dma_semaphore, #tpu.memory_space<semaphore_mem>>)
        %dma_wait3A = arith.constant 0 : i32
        %dma_wait3A_276 = arith.constant 768 : i32
        %dma_wait3A_277 = tpu.memref_slice %arg10[%dma_wait3A, %dma_wait3A_276] : memref<16x1024xf32, #tpu.memory_space<vmem>> -> memref<16x128xf32, #tpu.memory_space<vmem>>
        %dma_wait3A_278 = arith.constant 0 : i32
        %dma_wait3A_279 = arith.constant 0 : i32
        %dma_wait3A_280 = tpu.memref_slice %arg5[%add3A_4, %run_scoped3A, %dma_wait3A_278, %dma_wait3A_279] : memref<64x8x16x128xf32, #tpu.memory_space<hbm>> -> memref<1x1x16x128xf32, #tpu.memory_space<hbm>>
        %dma_wait3A_281 = tpu.memref_squeeze %dma_wait3A_280 : memref<1x1x16x128xf32, #tpu.memory_space<hbm>> -> memref<16x128xf32, #tpu.memory_space<hbm>>
        %dma_wait3A_282 = arith.constant 0 : i32
        %dma_wait3A_283 = arith.constant 0 : i32
        %dma_wait3A_284 = tpu.memref_slice %arg5[%add3A_4, %run_scoped3A, %dma_wait3A_282, %dma_wait3A_283] : memref<64x8x16x128xf32, #tpu.memory_space<hbm>> -> memref<1x1x16x128xf32, #tpu.memory_space<hbm>>
        %dma_wait3A_285 = tpu.memref_squeeze %dma_wait3A_284 : memref<1x1x16x128xf32, #tpu.memory_space<hbm>> -> memref<16x128xf32, #tpu.memory_space<hbm>>
        %dma_wait3A_286 = arith.constant 0 : i32
        %dma_wait3A_287 = arith.constant 768 : i32
        %dma_wait3A_288 = tpu.memref_slice %arg10[%dma_wait3A_286, %dma_wait3A_287] : memref<16x1024xf32, #tpu.memory_space<vmem>> -> memref<16x128xf32, #tpu.memory_space<vmem>>
        tpu.wait_dma2 semaphore(%run_scoped3A_262 : memref<!tpu.dma_semaphore, #tpu.memory_space<semaphore_mem>>) src(%dma_wait3A_288 : memref<16x128xf32, #tpu.memory_space<vmem>>) dst(%dma_wait3A_285 : memref<16x128xf32, #tpu.memory_space<hbm>>)
        tpu.yield
      }) : () -> ()
    } else {
    }
    %gt3A_116 = arith.constant 7 : i32
    %gt3A_117 = arith.cmpi sgt, %select_n3A_83, %gt3A_116 : i32
    %convert_element_type3A_118 = arith.extui %gt3A_117 : i1 to i32
    %cond3A_119 = arith.constant 0 : i32
    %cond3A_120 = arith.cmpi ne, %convert_element_type3A_118, %cond3A_119 : i32
    scf.if %cond3A_120 {
      %run_scoped3A = arith.constant 7 : i32
      "tpu.region"() ({
        %run_scoped3A_262 = tpu.sem_alloc : memref<!tpu.dma_semaphore, #tpu.memory_space<semaphore_mem>>
        %dma_start3A = arith.constant 0 : i32
        %dma_start3A_263 = arith.constant 896 : i32
        %dma_start3A_264 = tpu.memref_slice %arg10[%dma_start3A, %dma_start3A_263] : memref<16x1024xf32, #tpu.memory_space<vmem>> -> memref<16x128xf32, #tpu.memory_space<vmem>>
        %dma_start3A_265 = arith.constant 0 : i32
        %dma_start3A_266 = arith.constant 0 : i32
        %dma_start3A_267 = tpu.memref_slice %arg5[%add3A_4, %run_scoped3A, %dma_start3A_265, %dma_start3A_266] : memref<64x8x16x128xf32, #tpu.memory_space<hbm>> -> memref<1x1x16x128xf32, #tpu.memory_space<hbm>>
        %dma_start3A_268 = tpu.memref_squeeze %dma_start3A_267 : memref<1x1x16x128xf32, #tpu.memory_space<hbm>> -> memref<16x128xf32, #tpu.memory_space<hbm>>
        %dma_start3A_269 = arith.constant 0 : i32
        %dma_start3A_270 = arith.constant 0 : i32
        %dma_start3A_271 = tpu.memref_slice %arg5[%add3A_4, %run_scoped3A, %dma_start3A_269, %dma_start3A_270] : memref<64x8x16x128xf32, #tpu.memory_space<hbm>> -> memref<1x1x16x128xf32, #tpu.memory_space<hbm>>
        %dma_start3A_272 = tpu.memref_squeeze %dma_start3A_271 : memref<1x1x16x128xf32, #tpu.memory_space<hbm>> -> memref<16x128xf32, #tpu.memory_space<hbm>>
        %dma_start3A_273 = arith.constant 0 : i32
        %dma_start3A_274 = arith.constant 896 : i32
        %dma_start3A_275 = tpu.memref_slice %arg10[%dma_start3A_273, %dma_start3A_274] : memref<16x1024xf32, #tpu.memory_space<vmem>> -> memref<16x128xf32, #tpu.memory_space<vmem>>
        tpu.enqueue_dma source(%dma_start3A_275 : memref<16x128xf32, #tpu.memory_space<vmem>>) target(%dma_start3A_272 : memref<16x128xf32, #tpu.memory_space<hbm>>) target_semaphore(%run_scoped3A_262 : memref<!tpu.dma_semaphore, #tpu.memory_space<semaphore_mem>>)
        %dma_wait3A = arith.constant 0 : i32
        %dma_wait3A_276 = arith.constant 896 : i32
        %dma_wait3A_277 = tpu.memref_slice %arg10[%dma_wait3A, %dma_wait3A_276] : memref<16x1024xf32, #tpu.memory_space<vmem>> -> memref<16x128xf32, #tpu.memory_space<vmem>>
        %dma_wait3A_278 = arith.constant 0 : i32
        %dma_wait3A_279 = arith.constant 0 : i32
        %dma_wait3A_280 = tpu.memref_slice %arg5[%add3A_4, %run_scoped3A, %dma_wait3A_278, %dma_wait3A_279] : memref<64x8x16x128xf32, #tpu.memory_space<hbm>> -> memref<1x1x16x128xf32, #tpu.memory_space<hbm>>
        %dma_wait3A_281 = tpu.memref_squeeze %dma_wait3A_280 : memref<1x1x16x128xf32, #tpu.memory_space<hbm>> -> memref<16x128xf32, #tpu.memory_space<hbm>>
        %dma_wait3A_282 = arith.constant 0 : i32
        %dma_wait3A_283 = arith.constant 0 : i32
        %dma_wait3A_284 = tpu.memref_slice %arg5[%add3A_4, %run_scoped3A, %dma_wait3A_282, %dma_wait3A_283] : memref<64x8x16x128xf32, #tpu.memory_space<hbm>> -> memref<1x1x16x128xf32, #tpu.memory_space<hbm>>
        %dma_wait3A_285 = tpu.memref_squeeze %dma_wait3A_284 : memref<1x1x16x128xf32, #tpu.memory_space<hbm>> -> memref<16x128xf32, #tpu.memory_space<hbm>>
        %dma_wait3A_286 = arith.constant 0 : i32
        %dma_wait3A_287 = arith.constant 896 : i32
        %dma_wait3A_288 = tpu.memref_slice %arg10[%dma_wait3A_286, %dma_wait3A_287] : memref<16x1024xf32, #tpu.memory_space<vmem>> -> memref<16x128xf32, #tpu.memory_space<vmem>>
        tpu.wait_dma2 semaphore(%run_scoped3A_262 : memref<!tpu.dma_semaphore, #tpu.memory_space<semaphore_mem>>) src(%dma_wait3A_288 : memref<16x128xf32, #tpu.memory_space<vmem>>) dst(%dma_wait3A_285 : memref<16x128xf32, #tpu.memory_space<hbm>>)
        tpu.yield
      }) : () -> ()
    } else {
    }
    %swap3A_121 = arith.constant 0 : index
    %swap3A_122 = tpu.vector_load %arg11[%swap3A_121] {strides = array<i32>} : memref<16xi32, #tpu.memory_space<vmem>>, vector<16xi32>,
    tpu.vector_store %arg11[%swap3A_121], %get3A_15 {strides = array<i32>} : memref<16xi32, #tpu.memory_space<vmem>>, vector<16xi32>,
    "tpu.region"() ({
      %run_scoped3A = tpu.sem_alloc : memref<!tpu.dma_semaphore, #tpu.memory_space<semaphore_mem>>
      %dma_start3A = arith.constant 0 : i32
      %dma_start3A_262 = tpu.memref_slice %arg6[%add3A_4, %dma_start3A] : memref<64x16xi32, #tpu.memory_space<hbm>> -> memref<1x16xi32, #tpu.memory_space<hbm>>
      %dma_start3A_263 = tpu.memref_squeeze %dma_start3A_262 : memref<1x16xi32, #tpu.memory_space<hbm>> -> memref<16xi32, #tpu.memory_space<hbm>>
      %dma_start3A_264 = arith.constant 0 : i32
      %dma_start3A_265 = tpu.memref_slice %arg6[%add3A_4, %dma_start3A_264] : memref<64x16xi32, #tpu.memory_space<hbm>> -> memref<1x16xi32, #tpu.memory_space<hbm>>
      %dma_start3A_266 = tpu.memref_squeeze %dma_start3A_265 : memref<1x16xi32, #tpu.memory_space<hbm>> -> memref<16xi32, #tpu.memory_space<hbm>>
      tpu.enqueue_dma source(%arg11 : memref<16xi32, #tpu.memory_space<vmem>>) target(%dma_start3A_266 : memref<16xi32, #tpu.memory_space<hbm>>) target_semaphore(%run_scoped3A : memref<!tpu.dma_semaphore, #tpu.memory_space<semaphore_mem>>)
      %dma_wait3A = arith.constant 0 : i32
      %dma_wait3A_267 = tpu.memref_slice %arg6[%add3A_4, %dma_wait3A] : memref<64x16xi32, #tpu.memory_space<hbm>> -> memref<1x16xi32, #tpu.memory_space<hbm>>
      %dma_wait3A_268 = tpu.memref_squeeze %dma_wait3A_267 : memref<1x16xi32, #tpu.memory_space<hbm>> -> memref<16xi32, #tpu.memory_space<hbm>>
      %dma_wait3A_269 = arith.constant 0 : i32
      %dma_wait3A_270 = tpu.memref_slice %arg6[%add3A_4, %dma_wait3A_269] : memref<64x16xi32, #tpu.memory_space<hbm>> -> memref<1x16xi32, #tpu.memory_space<hbm>>
      %dma_wait3A_271 = tpu.memref_squeeze %dma_wait3A_270 : memref<1x16xi32, #tpu.memory_space<hbm>> -> memref<16xi32, #tpu.memory_space<hbm>>
      tpu.wait_dma2 semaphore(%run_scoped3A : memref<!tpu.dma_semaphore, #tpu.memory_space<semaphore_mem>>) src(%arg11 : memref<16xi32, #tpu.memory_space<vmem>>) dst(%dma_wait3A_271 : memref<16xi32, #tpu.memory_space<hbm>>)
      tpu.yield
    }) : () -> ()
    %mul3A_123 = arith.constant 2 : i32
    %mul3A_124 = arith.muli %add3A, %mul3A_123 : i32
    %add3A_125 = arith.constant 1 : i32
    %add3A_126 = arith.addi %mul3A_124, %add3A_125 : i32
    "tpu.region"() ({
      %run_scoped3A = tpu.sem_alloc : memref<!tpu.dma_semaphore, #tpu.memory_space<semaphore_mem>>
      %dma_start3A = arith.constant 0 : i32
      %dma_start3A_262 = arith.constant 0 : i32
      %dma_start3A_263 = tpu.memref_slice %arg4[%add3A_126, %dma_start3A, %dma_start3A_262] : memref<64x2x16xf32, #tpu.memory_space<hbm>> -> memref<1x2x16xf32, #tpu.memory_space<hbm>>
      %dma_start3A_264 = tpu.memref_squeeze %dma_start3A_263 : memref<1x2x16xf32, #tpu.memory_space<hbm>> -> memref<2x16xf32, #tpu.memory_space<hbm>>
      %dma_start3A_265 = arith.constant 0 : i32
      %dma_start3A_266 = arith.constant 0 : i32
      %dma_start3A_267 = tpu.memref_slice %arg4[%add3A_126, %dma_start3A_265, %dma_start3A_266] : memref<64x2x16xf32, #tpu.memory_space<hbm>> -> memref<1x2x16xf32, #tpu.memory_space<hbm>>
      %dma_start3A_268 = tpu.memref_squeeze %dma_start3A_267 : memref<1x2x16xf32, #tpu.memory_space<hbm>> -> memref<2x16xf32, #tpu.memory_space<hbm>>
      tpu.enqueue_dma source(%dma_start3A_268 : memref<2x16xf32, #tpu.memory_space<hbm>>) target(%arg12 : memref<2x16xf32, #tpu.memory_space<vmem>>) target_semaphore(%run_scoped3A : memref<!tpu.dma_semaphore, #tpu.memory_space<semaphore_mem>>)
      %dma_wait3A = arith.constant 0 : i32
      %dma_wait3A_269 = arith.constant 0 : i32
      %dma_wait3A_270 = tpu.memref_slice %arg4[%add3A_126, %dma_wait3A, %dma_wait3A_269] : memref<64x2x16xf32, #tpu.memory_space<hbm>> -> memref<1x2x16xf32, #tpu.memory_space<hbm>>
      %dma_wait3A_271 = tpu.memref_squeeze %dma_wait3A_270 : memref<1x2x16xf32, #tpu.memory_space<hbm>> -> memref<2x16xf32, #tpu.memory_space<hbm>>
      %dma_wait3A_272 = arith.constant 0 : i32
      %dma_wait3A_273 = arith.constant 0 : i32
      %dma_wait3A_274 = tpu.memref_slice %arg4[%add3A_126, %dma_wait3A_272, %dma_wait3A_273] : memref<64x2x16xf32, #tpu.memory_space<hbm>> -> memref<1x2x16xf32, #tpu.memory_space<hbm>>
      %dma_wait3A_275 = tpu.memref_squeeze %dma_wait3A_274 : memref<1x2x16xf32, #tpu.memory_space<hbm>> -> memref<2x16xf32, #tpu.memory_space<hbm>>
      tpu.wait_dma2 semaphore(%run_scoped3A : memref<!tpu.dma_semaphore, #tpu.memory_space<semaphore_mem>>) src(%dma_wait3A_275 : memref<2x16xf32, #tpu.memory_space<hbm>>) dst(%arg12 : memref<2x16xf32, #tpu.memory_space<vmem>>)
      tpu.yield
    }) : () -> ()
    %broadcast_in_dim3A_127 = arith.constant 0 : i32
    %broadcast_in_dim3A_128 = vector.broadcast %broadcast_in_dim3A_127 : i32 to vector<16xi32>
    %swap3A_129 = arith.constant 0 : index
    %swap3A_130 = tpu.vector_load %arg13[%swap3A_129] {strides = array<i32>} : memref<16xi32, #tpu.memory_space<vmem>>, vector<16xi32>,
    tpu.vector_store %arg13[%swap3A_129], %broadcast_in_dim3A_128 {strides = array<i32>} : memref<16xi32, #tpu.memory_space<vmem>>, vector<16xi32>,
    %swap3A_131 = arith.constant 0 : index
    %swap3A_132 = tpu.vector_load %arg14[%swap3A_131] {strides = array<i32>} : memref<16xi32, #tpu.memory_space<vmem>>, vector<16xi32>,
    tpu.vector_store %arg14[%swap3A_131], %iota3A {strides = array<i32>} : memref<16xi32, #tpu.memory_space<vmem>>, vector<16xi32>,
    %scan3A_133 = arith.constant 0 : i32
    %scan3A_134 = arith.constant 0 : i32
    %scan3A_135 = arith.constant 64 : i32
    %scan3A_136 = arith.addi %scan3A_134, %scan3A_135 : i32
    %scan3A_137 = arith.constant 1 : i32
    %scan3A_138 = scf.for %scan3A_262 = %scan3A_134 to %scan3A_136 step %scan3A_137 iter_args(%scan3A_263 = %scan3A_133) -> (i32)  : i32 {
      %get3A_264 = arith.constant 0 : index
      %get3A_265 = tpu.vector_load %arg13[%get3A_264] {strides = array<i32>} : memref<16xi32, #tpu.memory_space<vmem>>, vector<16xi32>,
      %get3A_266 = arith.constant 0 : index
      %get3A_267 = tpu.vector_load %arg14[%get3A_266] {strides = array<i32>} : memref<16xi32, #tpu.memory_space<vmem>>, vector<16xi32>,
      %get3A_268 = arith.constant 0 : i32
      %get3A_269 = arith.index_cast %get3A_268 : i32 to index
      %get3A_270 = arith.constant 0 : index
      %get3A_271 = tpu.vector_load %arg12[%get3A_269, %get3A_270] {strides = array<i32>} : memref<2x16xf32, #tpu.memory_space<vmem>>, vector<16xf32>,
      %get3A_272 = arith.constant 1 : i32
      %get3A_273 = arith.index_cast %get3A_272 : i32 to index
      %get3A_274 = arith.constant 0 : index
      %get3A_275 = tpu.vector_load %arg12[%get3A_273, %get3A_274] {strides = array<i32>} : memref<2x16xf32, #tpu.memory_space<vmem>>, vector<16xf32>,
      %mul3A_276 = arith.constant 16 : i32
      %mul3A_277 = arith.muli %scan3A_262, %mul3A_276 : i32
      %get3A_278 = arith.constant 0 : i32
      %get3A_279 = arith.index_cast %get3A_278 : i32 to index
      %get3A_280 = arith.index_cast %mul3A_277 : i32 to index
      %get3A_281 = tpu.vector_load %arg7[%get3A_279, %get3A_280] {strides = array<i32>} : memref<8x1024xf32, #tpu.memory_space<vmem>>, vector<16xf32>,
      %mul3A_282 = arith.constant 16 : i32
      %mul3A_283 = arith.muli %scan3A_262, %mul3A_282 : i32
      %get3A_284 = arith.constant 1 : i32
      %get3A_285 = arith.index_cast %get3A_284 : i32 to index
      %get3A_286 = arith.index_cast %mul3A_283 : i32 to index
      %get3A_287 = tpu.vector_load %arg7[%get3A_285, %get3A_286] {strides = array<i32>} : memref<8x1024xf32, #tpu.memory_space<vmem>>, vector<16xf32>,
      %mul3A_288 = arith.constant 16 : i32
      %mul3A_289 = arith.muli %scan3A_262, %mul3A_288 : i32
      %get3A_290 = arith.constant 2 : i32
      %get3A_291 = arith.index_cast %get3A_290 : i32 to index
      %get3A_292 = arith.index_cast %mul3A_289 : i32 to index
      %get3A_293 = tpu.vector_load %arg7[%get3A_291, %get3A_292] {strides = array<i32>} : memref<8x1024xf32, #tpu.memory_space<vmem>>, vector<16xf32>,
      %mul3A_294 = arith.constant 16 : i32
      %mul3A_295 = arith.muli %scan3A_262, %mul3A_294 : i32
      %get3A_296 = arith.constant 3 : i32
      %get3A_297 = arith.index_cast %get3A_296 : i32 to index
      %get3A_298 = arith.index_cast %mul3A_295 : i32 to index
      %get3A_299 = tpu.vector_load %arg7[%get3A_297, %get3A_298] {strides = array<i32>} : memref<8x1024xf32, #tpu.memory_space<vmem>>, vector<16xf32>,
      %add3A_300 = arith.constant 1.500000e+01 : f32
      %add3A_301 = vector.broadcast %add3A_300 : f32 to vector<16xf32>
      %add3A_302 = arith.addf %get3A_271, %add3A_301 : vector<16xf32>
      %min3A = arith.minimumf %get3A_287, %add3A_302 : vector<16xf32>
      %max3A = arith.maximumf %get3A_281, %get3A_271 : vector<16xf32>
      %gt3A_303 = arith.cmpf ogt, %min3A, %max3A : vector<16xf32>
      %add3A_304 = arith.constant 1.500000e+01 : f32
      %add3A_305 = vector.broadcast %add3A_304 : f32 to vector<16xf32>
      %add3A_306 = arith.addf %get3A_275, %add3A_305 : vector<16xf32>
      %min3A_307 = arith.minimumf %get3A_299, %add3A_306 : vector<16xf32>
      %max3A_308 = arith.maximumf %get3A_293, %get3A_275 : vector<16xf32>
      %gt3A_309 = arith.cmpf ogt, %min3A_307, %max3A_308 : vector<16xf32>
      %broadcast_in_dim3A_310 = arith.constant 1 : i32
      %broadcast_in_dim3A_311 = vector.broadcast %broadcast_in_dim3A_310 : i32 to vector<16xi32>
      %broadcast_in_dim3A_312 = arith.constant 0 : i32
      %broadcast_in_dim3A_313 = vector.broadcast %broadcast_in_dim3A_312 : i32 to vector<16xi32>
      %select_n3A_314 = arith.select %gt3A_303, %broadcast_in_dim3A_311, %broadcast_in_dim3A_313 : vector<16xi1>, vector<16xi32>
      %select_n3A_315 = arith.select %gt3A_309, %broadcast_in_dim3A_311, %broadcast_in_dim3A_313 : vector<16xi1>, vector<16xi32>
      %mul3A_316 = arith.muli %select_n3A_314, %select_n3A_315 : vector<16xi32>
      %gt3A_317 = arith.cmpi sgt, %mul3A_316, %broadcast_in_dim3A_313 : vector<16xi32>
      %broadcast_in_dim3A_318 = arith.constant true
      %broadcast_in_dim3A_319 = vector.broadcast %broadcast_in_dim3A_318 : i1 to vector<16xi1>
      %masked_cumsum3A = tpu.scan <sum>, %mul3A_316 masked %broadcast_in_dim3A_319 : vector<16xi32>, vector<16xi1> -> vector<16xi32>
      %add3A_320 = arith.addi %get3A_265, %masked_cumsum3A : vector<16xi32>
      %sub3A_321 = arith.subi %add3A_320, %mul3A_316 : vector<16xi32>
      tpu.vector_store_idx %arg9[%sub3A_321], %get3A_267 masked %gt3A_317 : memref<1024xi32, #tpu.memory_space<vmem>>[vector<16xi32>], vector<16xi32>, vector<16xi1>
      %all_reduce_population_count3A = tpu.all_reduce %gt3A_317 {dim = 0 : i64, kind = #tpu.reduction_kind<sum>} : vector<16xi1> -> vector<16xi32>
      %add3A_322 = arith.addi %get3A_265, %all_reduce_population_count3A : vector<16xi32>
      %swap3A_323 = arith.constant 0 : index
      %swap3A_324 = tpu.vector_load %arg13[%swap3A_323] {strides = array<i32>} : memref<16xi32, #tpu.memory_space<vmem>>, vector<16xi32>,
      tpu.vector_store %arg13[%swap3A_323], %add3A_322 {strides = array<i32>} : memref<16xi32, #tpu.memory_space<vmem>>, vector<16xi32>,
      %add3A_325 = arith.constant 16 : i32
      %add3A_326 = vector.broadcast %add3A_325 : i32 to vector<16xi32>
      %add3A_327 = arith.addi %get3A_267, %add3A_326 : vector<16xi32>
      %swap3A_328 = arith.constant 0 : index
      %swap3A_329 = tpu.vector_load %arg14[%swap3A_328] {strides = array<i32>} : memref<16xi32, #tpu.memory_space<vmem>>, vector<16xi32>,
      tpu.vector_store %arg14[%swap3A_328], %add3A_327 {strides = array<i32>} : memref<16xi32, #tpu.memory_space<vmem>>, vector<16xi32>,
      %scan3A_330 = arith.constant 0 : i32
      scf.yield %scan3A_330 : i32
    }
    %scan3A_139 = arith.constant 64 : i32
    %get3A_140 = arith.constant 0 : index
    %get3A_141 = tpu.vector_load %arg13[%get3A_140] {strides = array<i32>} : memref<16xi32, #tpu.memory_space<vmem>>, vector<16xi32>,
    %reduce_max3A_142 = arith.constant true
    %reduce_max3A_143 = vector.broadcast %reduce_max3A_142 : i1 to vector<16xi1>
    %reduce_max3A_144 = arith.constant -2147483648 : i32
    %reduce_max3A_145 = vector.broadcast %reduce_max3A_144 : i32 to vector<16xi32>
    %reduce_max3A_146 = arith.xori %get3A_141, %reduce_max3A_145 : vector<16xi32>
    %reduce_max3A_147 = tpu.scan <max>, %reduce_max3A_146 masked %reduce_max3A_143 : vector<16xi32>, vector<16xi1> -> vector<16xi32>
    %reduce_max3A_148 = arith.xori %reduce_max3A_147, %reduce_max3A_145 : vector<16xi32>
    %reduce_max3A_149 = vector.extract %reduce_max3A_148[15] : i32 from vector<16xi32>
    %swap3A_150 = arith.constant 0 : index
    %swap3A_151 = tpu.vector_load %arg14[%swap3A_150] {strides = array<i32>} : memref<16xi32, #tpu.memory_space<vmem>>, vector<16xi32>,
    tpu.vector_store %arg14[%swap3A_150], %iota3A {strides = array<i32>} : memref<16xi32, #tpu.memory_space<vmem>>, vector<16xi32>,
    %add3A_152 = arith.constant 16 : i32
    %add3A_153 = arith.addi %reduce_max3A_149, %add3A_152 : i32
    %sub3A_154 = arith.constant 1 : i32
    %sub3A_155 = arith.subi %add3A_153, %sub3A_154 : i32
    %jit3A_156 = arith.constant 16 : i32
    %div3A_157 = arith.divsi %sub3A_155, %jit3A_156 : i32
    %sign3A_158 = arith.constant 0 : i32
    %sign3A_159 = arith.cmpi sgt, %sub3A_155, %sign3A_158 : i32
    %sign3A_160 = arith.extui %sign3A_159 : i1 to i32
    %sign3A_161 = arith.constant 0 : i32
    %sign3A_162 = arith.cmpi slt, %sub3A_155, %sign3A_161 : i32
    %sign3A_163 = arith.extui %sign3A_162 : i1 to i32
    %sign3A_164 = arith.subi %sign3A_160, %sign3A_163 : i32
    %sign3A_165 = arith.constant 0 : i32
    %sign3A_166 = arith.cmpi sgt, %jit3A_156, %sign3A_165 : i32
    %sign3A_167 = arith.extui %sign3A_166 : i1 to i32
    %sign3A_168 = arith.constant 0 : i32
    %sign3A_169 = arith.cmpi slt, %jit3A_156, %sign3A_168 : i32
    %sign3A_170 = arith.extui %sign3A_169 : i1 to i32
    %sign3A_171 = arith.subi %sign3A_167, %sign3A_170 : i32
    %ne3A_172 = arith.cmpi ne, %sign3A_164, %sign3A_171 : i32
    %rem3A_173 = arith.remsi %sub3A_155, %jit3A_156 : i32
    %ne3A_174 = arith.constant 0 : i32
    %ne3A_175 = arith.cmpi ne, %rem3A_173, %ne3A_174 : i32
    %and3A_176 = arith.andi %ne3A_172, %ne3A_175 : i1
    %sub3A_177 = arith.constant 1 : i32
    %sub3A_178 = arith.subi %div3A_157, %sub3A_177 : i32
    %select_n3A_179 = arith.select %and3A_176, %sub3A_178, %div3A_157 : i32
    %while3A_180 = arith.constant 0 : i32
    %while3A_181 = arith.constant 0 : i32
    %while3A_182 = arith.subi %select_n3A_179, %while3A_180 : i32
    %while3A_183 = arith.addi %while3A_180, %while3A_182 : i32
    %while3A_184 = arith.constant 1 : i32
    %while3A_185 = arith.divsi %while3A_182, %while3A_184 : i32
    %while3A_186 = arith.muli %while3A_185, %while3A_184 : i32
    %while3A_187 = arith.addi %while3A_180, %while3A_186 : i32
    %while3A_188 = arith.constant 1 : i32
    %while3A_189 = scf.for %while3A_262 = %while3A_180 to %while3A_187 step %while3A_188 iter_args(%while3A_263 = %while3A_181) -> (i32)  : i32 {
      %get3A_264 = arith.constant 0 : index
      %get3A_265 = tpu.vector_load %arg14[%get3A_264] {strides = array<i32>} : memref<16xi32, #tpu.memory_space<vmem>>, vector<16xi32>,
      %mul3A_266 = arith.constant 16 : i32
      %mul3A_267 = arith.muli %while3A_262, %mul3A_266 : i32
      %get3A_268 = arith.index_cast %mul3A_267 : i32 to index
      %get3A_269 = tpu.vector_load %arg9[%get3A_268] {strides = array<i32>} : memref<1024xi32, #tpu.memory_space<vmem>>, vector<16xi32>,
      %broadcast_in_dim3A_270 = arith.constant 0 : i32
      %broadcast_in_dim3A_271 = vector.broadcast %broadcast_in_dim3A_270 : i32 to vector<16xi32>
      %max3A = arith.maxsi %get3A_269, %broadcast_in_dim3A_271 : vector<16xi32>
      %broadcast_in_dim3A_272 = arith.constant 1023 : i32
      %broadcast_in_dim3A_273 = vector.broadcast %broadcast_in_dim3A_272 : i32 to vector<16xi32>
      %min3A = arith.minsi %max3A, %broadcast_in_dim3A_273 : vector<16xi32>
      %broadcast_in_dim3A_274 = arith.constant 0 : i32
      %broadcast_in_dim3A_275 = vector.broadcast %broadcast_in_dim3A_274 : i32 to vector<16xi32>
      %gather3A = tpu.vector_load_idx %arg8[%broadcast_in_dim3A_275, %min3A] : memref<16x1024xf32, #tpu.memory_space<vmem>>[vector<16xi32>, vector<16xi32>], vector<16xf32>,
      tpu.vector_store_idx %arg10[%broadcast_in_dim3A_275, %get3A_265], %gather3A : memref<16x1024xf32, #tpu.memory_space<vmem>>[vector<16xi32>, vector<16xi32>], vector<16xf32>,
      %broadcast_in_dim3A_276 = arith.constant 1 : i32
      %broadcast_in_dim3A_277 = vector.broadcast %broadcast_in_dim3A_276 : i32 to vector<16xi32>
      %gather3A_278 = tpu.vector_load_idx %arg8[%broadcast_in_dim3A_277, %min3A] : memref<16x1024xf32, #tpu.memory_space<vmem>>[vector<16xi32>, vector<16xi32>], vector<16xf32>,
      tpu.vector_store_idx %arg10[%broadcast_in_dim3A_277, %get3A_265], %gather3A_278 : memref<16x1024xf32, #tpu.memory_space<vmem>>[vector<16xi32>, vector<16xi32>], vector<16xf32>,
      %broadcast_in_dim3A_279 = arith.constant 2 : i32
      %broadcast_in_dim3A_280 = vector.broadcast %broadcast_in_dim3A_279 : i32 to vector<16xi32>
      %gather3A_281 = tpu.vector_load_idx %arg8[%broadcast_in_dim3A_280, %min3A] : memref<16x1024xf32, #tpu.memory_space<vmem>>[vector<16xi32>, vector<16xi32>], vector<16xf32>,
      tpu.vector_store_idx %arg10[%broadcast_in_dim3A_280, %get3A_265], %gather3A_281 : memref<16x1024xf32, #tpu.memory_space<vmem>>[vector<16xi32>, vector<16xi32>], vector<16xf32>,
      %broadcast_in_dim3A_282 = arith.constant 3 : i32
      %broadcast_in_dim3A_283 = vector.broadcast %broadcast_in_dim3A_282 : i32 to vector<16xi32>
      %gather3A_284 = tpu.vector_load_idx %arg8[%broadcast_in_dim3A_283, %min3A] : memref<16x1024xf32, #tpu.memory_space<vmem>>[vector<16xi32>, vector<16xi32>], vector<16xf32>,
      tpu.vector_store_idx %arg10[%broadcast_in_dim3A_283, %get3A_265], %gather3A_284 : memref<16x1024xf32, #tpu.memory_space<vmem>>[vector<16xi32>, vector<16xi32>], vector<16xf32>,
      %broadcast_in_dim3A_285 = arith.constant 4 : i32
      %broadcast_in_dim3A_286 = vector.broadcast %broadcast_in_dim3A_285 : i32 to vector<16xi32>
      %gather3A_287 = tpu.vector_load_idx %arg8[%broadcast_in_dim3A_286, %min3A] : memref<16x1024xf32, #tpu.memory_space<vmem>>[vector<16xi32>, vector<16xi32>], vector<16xf32>,
      tpu.vector_store_idx %arg10[%broadcast_in_dim3A_286, %get3A_265], %gather3A_287 : memref<16x1024xf32, #tpu.memory_space<vmem>>[vector<16xi32>, vector<16xi32>], vector<16xf32>,
      %broadcast_in_dim3A_288 = arith.constant 5 : i32
      %broadcast_in_dim3A_289 = vector.broadcast %broadcast_in_dim3A_288 : i32 to vector<16xi32>
      %gather3A_290 = tpu.vector_load_idx %arg8[%broadcast_in_dim3A_289, %min3A] : memref<16x1024xf32, #tpu.memory_space<vmem>>[vector<16xi32>, vector<16xi32>], vector<16xf32>,
      tpu.vector_store_idx %arg10[%broadcast_in_dim3A_289, %get3A_265], %gather3A_290 : memref<16x1024xf32, #tpu.memory_space<vmem>>[vector<16xi32>, vector<16xi32>], vector<16xf32>,
      %broadcast_in_dim3A_291 = arith.constant 6 : i32
      %broadcast_in_dim3A_292 = vector.broadcast %broadcast_in_dim3A_291 : i32 to vector<16xi32>
      %gather3A_293 = tpu.vector_load_idx %arg8[%broadcast_in_dim3A_292, %min3A] : memref<16x1024xf32, #tpu.memory_space<vmem>>[vector<16xi32>, vector<16xi32>], vector<16xf32>,
      tpu.vector_store_idx %arg10[%broadcast_in_dim3A_292, %get3A_265], %gather3A_293 : memref<16x1024xf32, #tpu.memory_space<vmem>>[vector<16xi32>, vector<16xi32>], vector<16xf32>,
      %broadcast_in_dim3A_294 = arith.constant 7 : i32
      %broadcast_in_dim3A_295 = vector.broadcast %broadcast_in_dim3A_294 : i32 to vector<16xi32>
      %gather3A_296 = tpu.vector_load_idx %arg8[%broadcast_in_dim3A_295, %min3A] : memref<16x1024xf32, #tpu.memory_space<vmem>>[vector<16xi32>, vector<16xi32>], vector<16xf32>,
      tpu.vector_store_idx %arg10[%broadcast_in_dim3A_295, %get3A_265], %gather3A_296 : memref<16x1024xf32, #tpu.memory_space<vmem>>[vector<16xi32>, vector<16xi32>], vector<16xf32>,
      %broadcast_in_dim3A_297 = arith.constant 8 : i32
      %broadcast_in_dim3A_298 = vector.broadcast %broadcast_in_dim3A_297 : i32 to vector<16xi32>
      %gather3A_299 = tpu.vector_load_idx %arg8[%broadcast_in_dim3A_298, %min3A] : memref<16x1024xf32, #tpu.memory_space<vmem>>[vector<16xi32>, vector<16xi32>], vector<16xf32>,
      tpu.vector_store_idx %arg10[%broadcast_in_dim3A_298, %get3A_265], %gather3A_299 : memref<16x1024xf32, #tpu.memory_space<vmem>>[vector<16xi32>, vector<16xi32>], vector<16xf32>,
      %add3A_300 = arith.constant 16 : i32
      %add3A_301 = vector.broadcast %add3A_300 : i32 to vector<16xi32>
      %add3A_302 = arith.addi %get3A_265, %add3A_301 : vector<16xi32>
      %swap3A_303 = arith.constant 0 : index
      %swap3A_304 = tpu.vector_load %arg14[%swap3A_303] {strides = array<i32>} : memref<16xi32, #tpu.memory_space<vmem>>, vector<16xi32>,
      tpu.vector_store %arg14[%swap3A_303], %add3A_302 {strides = array<i32>} : memref<16xi32, #tpu.memory_space<vmem>>, vector<16xi32>,
      %while3A_305 = arith.constant 0 : i32
      scf.yield %while3A_305 : i32
    }
    %while3A_190 = arith.constant 1 : i32
    %while3A_191 = scf.for %while3A_262 = %while3A_187 to %while3A_183 step %while3A_190 iter_args(%while3A_263 = %while3A_189) -> (i32)  : i32 {
      %get3A_264 = arith.constant 0 : index
      %get3A_265 = tpu.vector_load %arg14[%get3A_264] {strides = array<i32>} : memref<16xi32, #tpu.memory_space<vmem>>, vector<16xi32>,
      %mul3A_266 = arith.constant 16 : i32
      %mul3A_267 = arith.muli %while3A_262, %mul3A_266 : i32
      %get3A_268 = arith.index_cast %mul3A_267 : i32 to index
      %get3A_269 = tpu.vector_load %arg9[%get3A_268] {strides = array<i32>} : memref<1024xi32, #tpu.memory_space<vmem>>, vector<16xi32>,
      %broadcast_in_dim3A_270 = arith.constant 0 : i32
      %broadcast_in_dim3A_271 = vector.broadcast %broadcast_in_dim3A_270 : i32 to vector<16xi32>
      %max3A = arith.maxsi %get3A_269, %broadcast_in_dim3A_271 : vector<16xi32>
      %broadcast_in_dim3A_272 = arith.constant 1023 : i32
      %broadcast_in_dim3A_273 = vector.broadcast %broadcast_in_dim3A_272 : i32 to vector<16xi32>
      %min3A = arith.minsi %max3A, %broadcast_in_dim3A_273 : vector<16xi32>
      %broadcast_in_dim3A_274 = arith.constant 0 : i32
      %broadcast_in_dim3A_275 = vector.broadcast %broadcast_in_dim3A_274 : i32 to vector<16xi32>
      %gather3A = tpu.vector_load_idx %arg8[%broadcast_in_dim3A_275, %min3A] : memref<16x1024xf32, #tpu.memory_space<vmem>>[vector<16xi32>, vector<16xi32>], vector<16xf32>,
      tpu.vector_store_idx %arg10[%broadcast_in_dim3A_275, %get3A_265], %gather3A : memref<16x1024xf32, #tpu.memory_space<vmem>>[vector<16xi32>, vector<16xi32>], vector<16xf32>,
      %broadcast_in_dim3A_276 = arith.constant 1 : i32
      %broadcast_in_dim3A_277 = vector.broadcast %broadcast_in_dim3A_276 : i32 to vector<16xi32>
      %gather3A_278 = tpu.vector_load_idx %arg8[%broadcast_in_dim3A_277, %min3A] : memref<16x1024xf32, #tpu.memory_space<vmem>>[vector<16xi32>, vector<16xi32>], vector<16xf32>,
      tpu.vector_store_idx %arg10[%broadcast_in_dim3A_277, %get3A_265], %gather3A_278 : memref<16x1024xf32, #tpu.memory_space<vmem>>[vector<16xi32>, vector<16xi32>], vector<16xf32>,
      %broadcast_in_dim3A_279 = arith.constant 2 : i32
      %broadcast_in_dim3A_280 = vector.broadcast %broadcast_in_dim3A_279 : i32 to vector<16xi32>
      %gather3A_281 = tpu.vector_load_idx %arg8[%broadcast_in_dim3A_280, %min3A] : memref<16x1024xf32, #tpu.memory_space<vmem>>[vector<16xi32>, vector<16xi32>], vector<16xf32>,
      tpu.vector_store_idx %arg10[%broadcast_in_dim3A_280, %get3A_265], %gather3A_281 : memref<16x1024xf32, #tpu.memory_space<vmem>>[vector<16xi32>, vector<16xi32>], vector<16xf32>,
      %broadcast_in_dim3A_282 = arith.constant 3 : i32
      %broadcast_in_dim3A_283 = vector.broadcast %broadcast_in_dim3A_282 : i32 to vector<16xi32>
      %gather3A_284 = tpu.vector_load_idx %arg8[%broadcast_in_dim3A_283, %min3A] : memref<16x1024xf32, #tpu.memory_space<vmem>>[vector<16xi32>, vector<16xi32>], vector<16xf32>,
      tpu.vector_store_idx %arg10[%broadcast_in_dim3A_283, %get3A_265], %gather3A_284 : memref<16x1024xf32, #tpu.memory_space<vmem>>[vector<16xi32>, vector<16xi32>], vector<16xf32>,
      %broadcast_in_dim3A_285 = arith.constant 4 : i32
      %broadcast_in_dim3A_286 = vector.broadcast %broadcast_in_dim3A_285 : i32 to vector<16xi32>
      %gather3A_287 = tpu.vector_load_idx %arg8[%broadcast_in_dim3A_286, %min3A] : memref<16x1024xf32, #tpu.memory_space<vmem>>[vector<16xi32>, vector<16xi32>], vector<16xf32>,
      tpu.vector_store_idx %arg10[%broadcast_in_dim3A_286, %get3A_265], %gather3A_287 : memref<16x1024xf32, #tpu.memory_space<vmem>>[vector<16xi32>, vector<16xi32>], vector<16xf32>,
      %broadcast_in_dim3A_288 = arith.constant 5 : i32
      %broadcast_in_dim3A_289 = vector.broadcast %broadcast_in_dim3A_288 : i32 to vector<16xi32>
      %gather3A_290 = tpu.vector_load_idx %arg8[%broadcast_in_dim3A_289, %min3A] : memref<16x1024xf32, #tpu.memory_space<vmem>>[vector<16xi32>, vector<16xi32>], vector<16xf32>,
      tpu.vector_store_idx %arg10[%broadcast_in_dim3A_289, %get3A_265], %gather3A_290 : memref<16x1024xf32, #tpu.memory_space<vmem>>[vector<16xi32>, vector<16xi32>], vector<16xf32>,
      %broadcast_in_dim3A_291 = arith.constant 6 : i32
      %broadcast_in_dim3A_292 = vector.broadcast %broadcast_in_dim3A_291 : i32 to vector<16xi32>
      %gather3A_293 = tpu.vector_load_idx %arg8[%broadcast_in_dim3A_292, %min3A] : memref<16x1024xf32, #tpu.memory_space<vmem>>[vector<16xi32>, vector<16xi32>], vector<16xf32>,
      tpu.vector_store_idx %arg10[%broadcast_in_dim3A_292, %get3A_265], %gather3A_293 : memref<16x1024xf32, #tpu.memory_space<vmem>>[vector<16xi32>, vector<16xi32>], vector<16xf32>,
      %broadcast_in_dim3A_294 = arith.constant 7 : i32
      %broadcast_in_dim3A_295 = vector.broadcast %broadcast_in_dim3A_294 : i32 to vector<16xi32>
      %gather3A_296 = tpu.vector_load_idx %arg8[%broadcast_in_dim3A_295, %min3A] : memref<16x1024xf32, #tpu.memory_space<vmem>>[vector<16xi32>, vector<16xi32>], vector<16xf32>,
      tpu.vector_store_idx %arg10[%broadcast_in_dim3A_295, %get3A_265], %gather3A_296 : memref<16x1024xf32, #tpu.memory_space<vmem>>[vector<16xi32>, vector<16xi32>], vector<16xf32>,
      %broadcast_in_dim3A_297 = arith.constant 8 : i32
      %broadcast_in_dim3A_298 = vector.broadcast %broadcast_in_dim3A_297 : i32 to vector<16xi32>
      %gather3A_299 = tpu.vector_load_idx %arg8[%broadcast_in_dim3A_298, %min3A] : memref<16x1024xf32, #tpu.memory_space<vmem>>[vector<16xi32>, vector<16xi32>], vector<16xf32>,
      tpu.vector_store_idx %arg10[%broadcast_in_dim3A_298, %get3A_265], %gather3A_299 : memref<16x1024xf32, #tpu.memory_space<vmem>>[vector<16xi32>, vector<16xi32>], vector<16xf32>,
      %add3A_300 = arith.constant 16 : i32
      %add3A_301 = vector.broadcast %add3A_300 : i32 to vector<16xi32>
      %add3A_302 = arith.addi %get3A_265, %add3A_301 : vector<16xi32>
      %swap3A_303 = arith.constant 0 : index
      %swap3A_304 = tpu.vector_load %arg14[%swap3A_303] {strides = array<i32>} : memref<16xi32, #tpu.memory_space<vmem>>, vector<16xi32>,
      tpu.vector_store %arg14[%swap3A_303], %add3A_302 {strides = array<i32>} : memref<16xi32, #tpu.memory_space<vmem>>, vector<16xi32>,
      %while3A_305 = arith.constant 0 : i32
      scf.yield %while3A_305 : i32
    }
    %add3A_192 = arith.constant 128 : i32
    %add3A_193 = arith.addi %reduce_max3A_149, %add3A_192 : i32
    %sub3A_194 = arith.constant 1 : i32
    %sub3A_195 = arith.subi %add3A_193, %sub3A_194 : i32
    %jit3A_196 = arith.constant 128 : i32
    %div3A_197 = arith.divsi %sub3A_195, %jit3A_196 : i32
    %sign3A_198 = arith.constant 0 : i32
    %sign3A_199 = arith.cmpi sgt, %sub3A_195, %sign3A_198 : i32
    %sign3A_200 = arith.extui %sign3A_199 : i1 to i32
    %sign3A_201 = arith.constant 0 : i32
    %sign3A_202 = arith.cmpi slt, %sub3A_195, %sign3A_201 : i32
    %sign3A_203 = arith.extui %sign3A_202 : i1 to i32
    %sign3A_204 = arith.subi %sign3A_200, %sign3A_203 : i32
    %sign3A_205 = arith.constant 0 : i32
    %sign3A_206 = arith.cmpi sgt, %jit3A_196, %sign3A_205 : i32
    %sign3A_207 = arith.extui %sign3A_206 : i1 to i32
    %sign3A_208 = arith.constant 0 : i32
    %sign3A_209 = arith.cmpi slt, %jit3A_196, %sign3A_208 : i32
    %sign3A_210 = arith.extui %sign3A_209 : i1 to i32
    %sign3A_211 = arith.subi %sign3A_207, %sign3A_210 : i32
    %ne3A_212 = arith.cmpi ne, %sign3A_204, %sign3A_211 : i32
    %rem3A_213 = arith.remsi %sub3A_195, %jit3A_196 : i32
    %ne3A_214 = arith.constant 0 : i32
    %ne3A_215 = arith.cmpi ne, %rem3A_213, %ne3A_214 : i32
    %and3A_216 = arith.andi %ne3A_212, %ne3A_215 : i1
    %sub3A_217 = arith.constant 1 : i32
    %sub3A_218 = arith.subi %div3A_197, %sub3A_217 : i32
    %select_n3A_219 = arith.select %and3A_216, %sub3A_218, %div3A_197 : i32
    %gt3A_220 = arith.constant 0 : i32
    %gt3A_221 = arith.cmpi sgt, %select_n3A_219, %gt3A_220 : i32
    %convert_element_type3A_222 = arith.extui %gt3A_221 : i1 to i32
    %cond3A_223 = arith.constant 0 : i32
    %cond3A_224 = arith.cmpi ne, %convert_element_type3A_222, %cond3A_223 : i32
    scf.if %cond3A_224 {
      %run_scoped3A = arith.constant 0 : i32
      "tpu.region"() ({
        %run_scoped3A_262 = tpu.sem_alloc : memref<!tpu.dma_semaphore, #tpu.memory_space<semaphore_mem>>
        %dma_start3A = arith.constant 0 : i32
        %dma_start3A_263 = arith.constant 0 : i32
        %dma_start3A_264 = tpu.memref_slice %arg10[%dma_start3A, %dma_start3A_263] : memref<16x1024xf32, #tpu.memory_space<vmem>> -> memref<16x128xf32, #tpu.memory_space<vmem>>
        %dma_start3A_265 = arith.constant 0 : i32
        %dma_start3A_266 = arith.constant 0 : i32
        %dma_start3A_267 = tpu.memref_slice %arg5[%add3A_126, %run_scoped3A, %dma_start3A_265, %dma_start3A_266] : memref<64x8x16x128xf32, #tpu.memory_space<hbm>> -> memref<1x1x16x128xf32, #tpu.memory_space<hbm>>
        %dma_start3A_268 = tpu.memref_squeeze %dma_start3A_267 : memref<1x1x16x128xf32, #tpu.memory_space<hbm>> -> memref<16x128xf32, #tpu.memory_space<hbm>>
        %dma_start3A_269 = arith.constant 0 : i32
        %dma_start3A_270 = arith.constant 0 : i32
        %dma_start3A_271 = tpu.memref_slice %arg5[%add3A_126, %run_scoped3A, %dma_start3A_269, %dma_start3A_270] : memref<64x8x16x128xf32, #tpu.memory_space<hbm>> -> memref<1x1x16x128xf32, #tpu.memory_space<hbm>>
        %dma_start3A_272 = tpu.memref_squeeze %dma_start3A_271 : memref<1x1x16x128xf32, #tpu.memory_space<hbm>> -> memref<16x128xf32, #tpu.memory_space<hbm>>
        %dma_start3A_273 = arith.constant 0 : i32
        %dma_start3A_274 = arith.constant 0 : i32
        %dma_start3A_275 = tpu.memref_slice %arg10[%dma_start3A_273, %dma_start3A_274] : memref<16x1024xf32, #tpu.memory_space<vmem>> -> memref<16x128xf32, #tpu.memory_space<vmem>>
        tpu.enqueue_dma source(%dma_start3A_275 : memref<16x128xf32, #tpu.memory_space<vmem>>) target(%dma_start3A_272 : memref<16x128xf32, #tpu.memory_space<hbm>>) target_semaphore(%run_scoped3A_262 : memref<!tpu.dma_semaphore, #tpu.memory_space<semaphore_mem>>)
        %dma_wait3A = arith.constant 0 : i32
        %dma_wait3A_276 = arith.constant 0 : i32
        %dma_wait3A_277 = tpu.memref_slice %arg10[%dma_wait3A, %dma_wait3A_276] : memref<16x1024xf32, #tpu.memory_space<vmem>> -> memref<16x128xf32, #tpu.memory_space<vmem>>
        %dma_wait3A_278 = arith.constant 0 : i32
        %dma_wait3A_279 = arith.constant 0 : i32
        %dma_wait3A_280 = tpu.memref_slice %arg5[%add3A_126, %run_scoped3A, %dma_wait3A_278, %dma_wait3A_279] : memref<64x8x16x128xf32, #tpu.memory_space<hbm>> -> memref<1x1x16x128xf32, #tpu.memory_space<hbm>>
        %dma_wait3A_281 = tpu.memref_squeeze %dma_wait3A_280 : memref<1x1x16x128xf32, #tpu.memory_space<hbm>> -> memref<16x128xf32, #tpu.memory_space<hbm>>
        %dma_wait3A_282 = arith.constant 0 : i32
        %dma_wait3A_283 = arith.constant 0 : i32
        %dma_wait3A_284 = tpu.memref_slice %arg5[%add3A_126, %run_scoped3A, %dma_wait3A_282, %dma_wait3A_283] : memref<64x8x16x128xf32, #tpu.memory_space<hbm>> -> memref<1x1x16x128xf32, #tpu.memory_space<hbm>>
        %dma_wait3A_285 = tpu.memref_squeeze %dma_wait3A_284 : memref<1x1x16x128xf32, #tpu.memory_space<hbm>> -> memref<16x128xf32, #tpu.memory_space<hbm>>
        %dma_wait3A_286 = arith.constant 0 : i32
        %dma_wait3A_287 = arith.constant 0 : i32
        %dma_wait3A_288 = tpu.memref_slice %arg10[%dma_wait3A_286, %dma_wait3A_287] : memref<16x1024xf32, #tpu.memory_space<vmem>> -> memref<16x128xf32, #tpu.memory_space<vmem>>
        tpu.wait_dma2 semaphore(%run_scoped3A_262 : memref<!tpu.dma_semaphore, #tpu.memory_space<semaphore_mem>>) src(%dma_wait3A_288 : memref<16x128xf32, #tpu.memory_space<vmem>>) dst(%dma_wait3A_285 : memref<16x128xf32, #tpu.memory_space<hbm>>)
        tpu.yield
      }) : () -> ()
    } else {
    }
    %gt3A_225 = arith.constant 1 : i32
    %gt3A_226 = arith.cmpi sgt, %select_n3A_219, %gt3A_225 : i32
    %convert_element_type3A_227 = arith.extui %gt3A_226 : i1 to i32
    %cond3A_228 = arith.constant 0 : i32
    %cond3A_229 = arith.cmpi ne, %convert_element_type3A_227, %cond3A_228 : i32
    scf.if %cond3A_229 {
      %run_scoped3A = arith.constant 1 : i32
      "tpu.region"() ({
        %run_scoped3A_262 = tpu.sem_alloc : memref<!tpu.dma_semaphore, #tpu.memory_space<semaphore_mem>>
        %dma_start3A = arith.constant 0 : i32
        %dma_start3A_263 = arith.constant 128 : i32
        %dma_start3A_264 = tpu.memref_slice %arg10[%dma_start3A, %dma_start3A_263] : memref<16x1024xf32, #tpu.memory_space<vmem>> -> memref<16x128xf32, #tpu.memory_space<vmem>>
        %dma_start3A_265 = arith.constant 0 : i32
        %dma_start3A_266 = arith.constant 0 : i32
        %dma_start3A_267 = tpu.memref_slice %arg5[%add3A_126, %run_scoped3A, %dma_start3A_265, %dma_start3A_266] : memref<64x8x16x128xf32, #tpu.memory_space<hbm>> -> memref<1x1x16x128xf32, #tpu.memory_space<hbm>>
        %dma_start3A_268 = tpu.memref_squeeze %dma_start3A_267 : memref<1x1x16x128xf32, #tpu.memory_space<hbm>> -> memref<16x128xf32, #tpu.memory_space<hbm>>
        %dma_start3A_269 = arith.constant 0 : i32
        %dma_start3A_270 = arith.constant 0 : i32
        %dma_start3A_271 = tpu.memref_slice %arg5[%add3A_126, %run_scoped3A, %dma_start3A_269, %dma_start3A_270] : memref<64x8x16x128xf32, #tpu.memory_space<hbm>> -> memref<1x1x16x128xf32, #tpu.memory_space<hbm>>
        %dma_start3A_272 = tpu.memref_squeeze %dma_start3A_271 : memref<1x1x16x128xf32, #tpu.memory_space<hbm>> -> memref<16x128xf32, #tpu.memory_space<hbm>>
        %dma_start3A_273 = arith.constant 0 : i32
        %dma_start3A_274 = arith.constant 128 : i32
        %dma_start3A_275 = tpu.memref_slice %arg10[%dma_start3A_273, %dma_start3A_274] : memref<16x1024xf32, #tpu.memory_space<vmem>> -> memref<16x128xf32, #tpu.memory_space<vmem>>
        tpu.enqueue_dma source(%dma_start3A_275 : memref<16x128xf32, #tpu.memory_space<vmem>>) target(%dma_start3A_272 : memref<16x128xf32, #tpu.memory_space<hbm>>) target_semaphore(%run_scoped3A_262 : memref<!tpu.dma_semaphore, #tpu.memory_space<semaphore_mem>>)
        %dma_wait3A = arith.constant 0 : i32
        %dma_wait3A_276 = arith.constant 128 : i32
        %dma_wait3A_277 = tpu.memref_slice %arg10[%dma_wait3A, %dma_wait3A_276] : memref<16x1024xf32, #tpu.memory_space<vmem>> -> memref<16x128xf32, #tpu.memory_space<vmem>>
        %dma_wait3A_278 = arith.constant 0 : i32
        %dma_wait3A_279 = arith.constant 0 : i32
        %dma_wait3A_280 = tpu.memref_slice %arg5[%add3A_126, %run_scoped3A, %dma_wait3A_278, %dma_wait3A_279] : memref<64x8x16x128xf32, #tpu.memory_space<hbm>> -> memref<1x1x16x128xf32, #tpu.memory_space<hbm>>
        %dma_wait3A_281 = tpu.memref_squeeze %dma_wait3A_280 : memref<1x1x16x128xf32, #tpu.memory_space<hbm>> -> memref<16x128xf32, #tpu.memory_space<hbm>>
        %dma_wait3A_282 = arith.constant 0 : i32
        %dma_wait3A_283 = arith.constant 0 : i32
        %dma_wait3A_284 = tpu.memref_slice %arg5[%add3A_126, %run_scoped3A, %dma_wait3A_282, %dma_wait3A_283] : memref<64x8x16x128xf32, #tpu.memory_space<hbm>> -> memref<1x1x16x128xf32, #tpu.memory_space<hbm>>
        %dma_wait3A_285 = tpu.memref_squeeze %dma_wait3A_284 : memref<1x1x16x128xf32, #tpu.memory_space<hbm>> -> memref<16x128xf32, #tpu.memory_space<hbm>>
        %dma_wait3A_286 = arith.constant 0 : i32
        %dma_wait3A_287 = arith.constant 128 : i32
        %dma_wait3A_288 = tpu.memref_slice %arg10[%dma_wait3A_286, %dma_wait3A_287] : memref<16x1024xf32, #tpu.memory_space<vmem>> -> memref<16x128xf32, #tpu.memory_space<vmem>>
        tpu.wait_dma2 semaphore(%run_scoped3A_262 : memref<!tpu.dma_semaphore, #tpu.memory_space<semaphore_mem>>) src(%dma_wait3A_288 : memref<16x128xf32, #tpu.memory_space<vmem>>) dst(%dma_wait3A_285 : memref<16x128xf32, #tpu.memory_space<hbm>>)
        tpu.yield
      }) : () -> ()
    } else {
    }
    %gt3A_230 = arith.constant 2 : i32
    %gt3A_231 = arith.cmpi sgt, %select_n3A_219, %gt3A_230 : i32
    %convert_element_type3A_232 = arith.extui %gt3A_231 : i1 to i32
    %cond3A_233 = arith.constant 0 : i32
    %cond3A_234 = arith.cmpi ne, %convert_element_type3A_232, %cond3A_233 : i32
    scf.if %cond3A_234 {
      %run_scoped3A = arith.constant 2 : i32
      "tpu.region"() ({
        %run_scoped3A_262 = tpu.sem_alloc : memref<!tpu.dma_semaphore, #tpu.memory_space<semaphore_mem>>
        %dma_start3A = arith.constant 0 : i32
        %dma_start3A_263 = arith.constant 256 : i32
        %dma_start3A_264 = tpu.memref_slice %arg10[%dma_start3A, %dma_start3A_263] : memref<16x1024xf32, #tpu.memory_space<vmem>> -> memref<16x128xf32, #tpu.memory_space<vmem>>
        %dma_start3A_265 = arith.constant 0 : i32
        %dma_start3A_266 = arith.constant 0 : i32
        %dma_start3A_267 = tpu.memref_slice %arg5[%add3A_126, %run_scoped3A, %dma_start3A_265, %dma_start3A_266] : memref<64x8x16x128xf32, #tpu.memory_space<hbm>> -> memref<1x1x16x128xf32, #tpu.memory_space<hbm>>
        %dma_start3A_268 = tpu.memref_squeeze %dma_start3A_267 : memref<1x1x16x128xf32, #tpu.memory_space<hbm>> -> memref<16x128xf32, #tpu.memory_space<hbm>>
        %dma_start3A_269 = arith.constant 0 : i32
        %dma_start3A_270 = arith.constant 0 : i32
        %dma_start3A_271 = tpu.memref_slice %arg5[%add3A_126, %run_scoped3A, %dma_start3A_269, %dma_start3A_270] : memref<64x8x16x128xf32, #tpu.memory_space<hbm>> -> memref<1x1x16x128xf32, #tpu.memory_space<hbm>>
        %dma_start3A_272 = tpu.memref_squeeze %dma_start3A_271 : memref<1x1x16x128xf32, #tpu.memory_space<hbm>> -> memref<16x128xf32, #tpu.memory_space<hbm>>
        %dma_start3A_273 = arith.constant 0 : i32
        %dma_start3A_274 = arith.constant 256 : i32
        %dma_start3A_275 = tpu.memref_slice %arg10[%dma_start3A_273, %dma_start3A_274] : memref<16x1024xf32, #tpu.memory_space<vmem>> -> memref<16x128xf32, #tpu.memory_space<vmem>>
        tpu.enqueue_dma source(%dma_start3A_275 : memref<16x128xf32, #tpu.memory_space<vmem>>) target(%dma_start3A_272 : memref<16x128xf32, #tpu.memory_space<hbm>>) target_semaphore(%run_scoped3A_262 : memref<!tpu.dma_semaphore, #tpu.memory_space<semaphore_mem>>)
        %dma_wait3A = arith.constant 0 : i32
        %dma_wait3A_276 = arith.constant 256 : i32
        %dma_wait3A_277 = tpu.memref_slice %arg10[%dma_wait3A, %dma_wait3A_276] : memref<16x1024xf32, #tpu.memory_space<vmem>> -> memref<16x128xf32, #tpu.memory_space<vmem>>
        %dma_wait3A_278 = arith.constant 0 : i32
        %dma_wait3A_279 = arith.constant 0 : i32
        %dma_wait3A_280 = tpu.memref_slice %arg5[%add3A_126, %run_scoped3A, %dma_wait3A_278, %dma_wait3A_279] : memref<64x8x16x128xf32, #tpu.memory_space<hbm>> -> memref<1x1x16x128xf32, #tpu.memory_space<hbm>>
        %dma_wait3A_281 = tpu.memref_squeeze %dma_wait3A_280 : memref<1x1x16x128xf32, #tpu.memory_space<hbm>> -> memref<16x128xf32, #tpu.memory_space<hbm>>
        %dma_wait3A_282 = arith.constant 0 : i32
        %dma_wait3A_283 = arith.constant 0 : i32
        %dma_wait3A_284 = tpu.memref_slice %arg5[%add3A_126, %run_scoped3A, %dma_wait3A_282, %dma_wait3A_283] : memref<64x8x16x128xf32, #tpu.memory_space<hbm>> -> memref<1x1x16x128xf32, #tpu.memory_space<hbm>>
        %dma_wait3A_285 = tpu.memref_squeeze %dma_wait3A_284 : memref<1x1x16x128xf32, #tpu.memory_space<hbm>> -> memref<16x128xf32, #tpu.memory_space<hbm>>
        %dma_wait3A_286 = arith.constant 0 : i32
        %dma_wait3A_287 = arith.constant 256 : i32
        %dma_wait3A_288 = tpu.memref_slice %arg10[%dma_wait3A_286, %dma_wait3A_287] : memref<16x1024xf32, #tpu.memory_space<vmem>> -> memref<16x128xf32, #tpu.memory_space<vmem>>
        tpu.wait_dma2 semaphore(%run_scoped3A_262 : memref<!tpu.dma_semaphore, #tpu.memory_space<semaphore_mem>>) src(%dma_wait3A_288 : memref<16x128xf32, #tpu.memory_space<vmem>>) dst(%dma_wait3A_285 : memref<16x128xf32, #tpu.memory_space<hbm>>)
        tpu.yield
      }) : () -> ()
    } else {
    }
    %gt3A_235 = arith.constant 3 : i32
    %gt3A_236 = arith.cmpi sgt, %select_n3A_219, %gt3A_235 : i32
    %convert_element_type3A_237 = arith.extui %gt3A_236 : i1 to i32
    %cond3A_238 = arith.constant 0 : i32
    %cond3A_239 = arith.cmpi ne, %convert_element_type3A_237, %cond3A_238 : i32
    scf.if %cond3A_239 {
      %run_scoped3A = arith.constant 3 : i32
      "tpu.region"() ({
        %run_scoped3A_262 = tpu.sem_alloc : memref<!tpu.dma_semaphore, #tpu.memory_space<semaphore_mem>>
        %dma_start3A = arith.constant 0 : i32
        %dma_start3A_263 = arith.constant 384 : i32
        %dma_start3A_264 = tpu.memref_slice %arg10[%dma_start3A, %dma_start3A_263] : memref<16x1024xf32, #tpu.memory_space<vmem>> -> memref<16x128xf32, #tpu.memory_space<vmem>>
        %dma_start3A_265 = arith.constant 0 : i32
        %dma_start3A_266 = arith.constant 0 : i32
        %dma_start3A_267 = tpu.memref_slice %arg5[%add3A_126, %run_scoped3A, %dma_start3A_265, %dma_start3A_266] : memref<64x8x16x128xf32, #tpu.memory_space<hbm>> -> memref<1x1x16x128xf32, #tpu.memory_space<hbm>>
        %dma_start3A_268 = tpu.memref_squeeze %dma_start3A_267 : memref<1x1x16x128xf32, #tpu.memory_space<hbm>> -> memref<16x128xf32, #tpu.memory_space<hbm>>
        %dma_start3A_269 = arith.constant 0 : i32
        %dma_start3A_270 = arith.constant 0 : i32
        %dma_start3A_271 = tpu.memref_slice %arg5[%add3A_126, %run_scoped3A, %dma_start3A_269, %dma_start3A_270] : memref<64x8x16x128xf32, #tpu.memory_space<hbm>> -> memref<1x1x16x128xf32, #tpu.memory_space<hbm>>
        %dma_start3A_272 = tpu.memref_squeeze %dma_start3A_271 : memref<1x1x16x128xf32, #tpu.memory_space<hbm>> -> memref<16x128xf32, #tpu.memory_space<hbm>>
        %dma_start3A_273 = arith.constant 0 : i32
        %dma_start3A_274 = arith.constant 384 : i32
        %dma_start3A_275 = tpu.memref_slice %arg10[%dma_start3A_273, %dma_start3A_274] : memref<16x1024xf32, #tpu.memory_space<vmem>> -> memref<16x128xf32, #tpu.memory_space<vmem>>
        tpu.enqueue_dma source(%dma_start3A_275 : memref<16x128xf32, #tpu.memory_space<vmem>>) target(%dma_start3A_272 : memref<16x128xf32, #tpu.memory_space<hbm>>) target_semaphore(%run_scoped3A_262 : memref<!tpu.dma_semaphore, #tpu.memory_space<semaphore_mem>>)
        %dma_wait3A = arith.constant 0 : i32
        %dma_wait3A_276 = arith.constant 384 : i32
        %dma_wait3A_277 = tpu.memref_slice %arg10[%dma_wait3A, %dma_wait3A_276] : memref<16x1024xf32, #tpu.memory_space<vmem>> -> memref<16x128xf32, #tpu.memory_space<vmem>>
        %dma_wait3A_278 = arith.constant 0 : i32
        %dma_wait3A_279 = arith.constant 0 : i32
        %dma_wait3A_280 = tpu.memref_slice %arg5[%add3A_126, %run_scoped3A, %dma_wait3A_278, %dma_wait3A_279] : memref<64x8x16x128xf32, #tpu.memory_space<hbm>> -> memref<1x1x16x128xf32, #tpu.memory_space<hbm>>
        %dma_wait3A_281 = tpu.memref_squeeze %dma_wait3A_280 : memref<1x1x16x128xf32, #tpu.memory_space<hbm>> -> memref<16x128xf32, #tpu.memory_space<hbm>>
        %dma_wait3A_282 = arith.constant 0 : i32
        %dma_wait3A_283 = arith.constant 0 : i32
        %dma_wait3A_284 = tpu.memref_slice %arg5[%add3A_126, %run_scoped3A, %dma_wait3A_282, %dma_wait3A_283] : memref<64x8x16x128xf32, #tpu.memory_space<hbm>> -> memref<1x1x16x128xf32, #tpu.memory_space<hbm>>
        %dma_wait3A_285 = tpu.memref_squeeze %dma_wait3A_284 : memref<1x1x16x128xf32, #tpu.memory_space<hbm>> -> memref<16x128xf32, #tpu.memory_space<hbm>>
        %dma_wait3A_286 = arith.constant 0 : i32
        %dma_wait3A_287 = arith.constant 384 : i32
        %dma_wait3A_288 = tpu.memref_slice %arg10[%dma_wait3A_286, %dma_wait3A_287] : memref<16x1024xf32, #tpu.memory_space<vmem>> -> memref<16x128xf32, #tpu.memory_space<vmem>>
        tpu.wait_dma2 semaphore(%run_scoped3A_262 : memref<!tpu.dma_semaphore, #tpu.memory_space<semaphore_mem>>) src(%dma_wait3A_288 : memref<16x128xf32, #tpu.memory_space<vmem>>) dst(%dma_wait3A_285 : memref<16x128xf32, #tpu.memory_space<hbm>>)
        tpu.yield
      }) : () -> ()
    } else {
    }
    %gt3A_240 = arith.constant 4 : i32
    %gt3A_241 = arith.cmpi sgt, %select_n3A_219, %gt3A_240 : i32
    %convert_element_type3A_242 = arith.extui %gt3A_241 : i1 to i32
    %cond3A_243 = arith.constant 0 : i32
    %cond3A_244 = arith.cmpi ne, %convert_element_type3A_242, %cond3A_243 : i32
    scf.if %cond3A_244 {
      %run_scoped3A = arith.constant 4 : i32
      "tpu.region"() ({
        %run_scoped3A_262 = tpu.sem_alloc : memref<!tpu.dma_semaphore, #tpu.memory_space<semaphore_mem>>
        %dma_start3A = arith.constant 0 : i32
        %dma_start3A_263 = arith.constant 512 : i32
        %dma_start3A_264 = tpu.memref_slice %arg10[%dma_start3A, %dma_start3A_263] : memref<16x1024xf32, #tpu.memory_space<vmem>> -> memref<16x128xf32, #tpu.memory_space<vmem>>
        %dma_start3A_265 = arith.constant 0 : i32
        %dma_start3A_266 = arith.constant 0 : i32
        %dma_start3A_267 = tpu.memref_slice %arg5[%add3A_126, %run_scoped3A, %dma_start3A_265, %dma_start3A_266] : memref<64x8x16x128xf32, #tpu.memory_space<hbm>> -> memref<1x1x16x128xf32, #tpu.memory_space<hbm>>
        %dma_start3A_268 = tpu.memref_squeeze %dma_start3A_267 : memref<1x1x16x128xf32, #tpu.memory_space<hbm>> -> memref<16x128xf32, #tpu.memory_space<hbm>>
        %dma_start3A_269 = arith.constant 0 : i32
        %dma_start3A_270 = arith.constant 0 : i32
        %dma_start3A_271 = tpu.memref_slice %arg5[%add3A_126, %run_scoped3A, %dma_start3A_269, %dma_start3A_270] : memref<64x8x16x128xf32, #tpu.memory_space<hbm>> -> memref<1x1x16x128xf32, #tpu.memory_space<hbm>>
        %dma_start3A_272 = tpu.memref_squeeze %dma_start3A_271 : memref<1x1x16x128xf32, #tpu.memory_space<hbm>> -> memref<16x128xf32, #tpu.memory_space<hbm>>
        %dma_start3A_273 = arith.constant 0 : i32
        %dma_start3A_274 = arith.constant 512 : i32
        %dma_start3A_275 = tpu.memref_slice %arg10[%dma_start3A_273, %dma_start3A_274] : memref<16x1024xf32, #tpu.memory_space<vmem>> -> memref<16x128xf32, #tpu.memory_space<vmem>>
        tpu.enqueue_dma source(%dma_start3A_275 : memref<16x128xf32, #tpu.memory_space<vmem>>) target(%dma_start3A_272 : memref<16x128xf32, #tpu.memory_space<hbm>>) target_semaphore(%run_scoped3A_262 : memref<!tpu.dma_semaphore, #tpu.memory_space<semaphore_mem>>)
        %dma_wait3A = arith.constant 0 : i32
        %dma_wait3A_276 = arith.constant 512 : i32
        %dma_wait3A_277 = tpu.memref_slice %arg10[%dma_wait3A, %dma_wait3A_276] : memref<16x1024xf32, #tpu.memory_space<vmem>> -> memref<16x128xf32, #tpu.memory_space<vmem>>
        %dma_wait3A_278 = arith.constant 0 : i32
        %dma_wait3A_279 = arith.constant 0 : i32
        %dma_wait3A_280 = tpu.memref_slice %arg5[%add3A_126, %run_scoped3A, %dma_wait3A_278, %dma_wait3A_279] : memref<64x8x16x128xf32, #tpu.memory_space<hbm>> -> memref<1x1x16x128xf32, #tpu.memory_space<hbm>>
        %dma_wait3A_281 = tpu.memref_squeeze %dma_wait3A_280 : memref<1x1x16x128xf32, #tpu.memory_space<hbm>> -> memref<16x128xf32, #tpu.memory_space<hbm>>
        %dma_wait3A_282 = arith.constant 0 : i32
        %dma_wait3A_283 = arith.constant 0 : i32
        %dma_wait3A_284 = tpu.memref_slice %arg5[%add3A_126, %run_scoped3A, %dma_wait3A_282, %dma_wait3A_283] : memref<64x8x16x128xf32, #tpu.memory_space<hbm>> -> memref<1x1x16x128xf32, #tpu.memory_space<hbm>>
        %dma_wait3A_285 = tpu.memref_squeeze %dma_wait3A_284 : memref<1x1x16x128xf32, #tpu.memory_space<hbm>> -> memref<16x128xf32, #tpu.memory_space<hbm>>
        %dma_wait3A_286 = arith.constant 0 : i32
        %dma_wait3A_287 = arith.constant 512 : i32
        %dma_wait3A_288 = tpu.memref_slice %arg10[%dma_wait3A_286, %dma_wait3A_287] : memref<16x1024xf32, #tpu.memory_space<vmem>> -> memref<16x128xf32, #tpu.memory_space<vmem>>
        tpu.wait_dma2 semaphore(%run_scoped3A_262 : memref<!tpu.dma_semaphore, #tpu.memory_space<semaphore_mem>>) src(%dma_wait3A_288 : memref<16x128xf32, #tpu.memory_space<vmem>>) dst(%dma_wait3A_285 : memref<16x128xf32, #tpu.memory_space<hbm>>)
        tpu.yield
      }) : () -> ()
    } else {
    }
    %gt3A_245 = arith.constant 5 : i32
    %gt3A_246 = arith.cmpi sgt, %select_n3A_219, %gt3A_245 : i32
    %convert_element_type3A_247 = arith.extui %gt3A_246 : i1 to i32
    %cond3A_248 = arith.constant 0 : i32
    %cond3A_249 = arith.cmpi ne, %convert_element_type3A_247, %cond3A_248 : i32
    scf.if %cond3A_249 {
      %run_scoped3A = arith.constant 5 : i32
      "tpu.region"() ({
        %run_scoped3A_262 = tpu.sem_alloc : memref<!tpu.dma_semaphore, #tpu.memory_space<semaphore_mem>>
        %dma_start3A = arith.constant 0 : i32
        %dma_start3A_263 = arith.constant 640 : i32
        %dma_start3A_264 = tpu.memref_slice %arg10[%dma_start3A, %dma_start3A_263] : memref<16x1024xf32, #tpu.memory_space<vmem>> -> memref<16x128xf32, #tpu.memory_space<vmem>>
        %dma_start3A_265 = arith.constant 0 : i32
        %dma_start3A_266 = arith.constant 0 : i32
        %dma_start3A_267 = tpu.memref_slice %arg5[%add3A_126, %run_scoped3A, %dma_start3A_265, %dma_start3A_266] : memref<64x8x16x128xf32, #tpu.memory_space<hbm>> -> memref<1x1x16x128xf32, #tpu.memory_space<hbm>>
        %dma_start3A_268 = tpu.memref_squeeze %dma_start3A_267 : memref<1x1x16x128xf32, #tpu.memory_space<hbm>> -> memref<16x128xf32, #tpu.memory_space<hbm>>
        %dma_start3A_269 = arith.constant 0 : i32
        %dma_start3A_270 = arith.constant 0 : i32
        %dma_start3A_271 = tpu.memref_slice %arg5[%add3A_126, %run_scoped3A, %dma_start3A_269, %dma_start3A_270] : memref<64x8x16x128xf32, #tpu.memory_space<hbm>> -> memref<1x1x16x128xf32, #tpu.memory_space<hbm>>
        %dma_start3A_272 = tpu.memref_squeeze %dma_start3A_271 : memref<1x1x16x128xf32, #tpu.memory_space<hbm>> -> memref<16x128xf32, #tpu.memory_space<hbm>>
        %dma_start3A_273 = arith.constant 0 : i32
        %dma_start3A_274 = arith.constant 640 : i32
        %dma_start3A_275 = tpu.memref_slice %arg10[%dma_start3A_273, %dma_start3A_274] : memref<16x1024xf32, #tpu.memory_space<vmem>> -> memref<16x128xf32, #tpu.memory_space<vmem>>
        tpu.enqueue_dma source(%dma_start3A_275 : memref<16x128xf32, #tpu.memory_space<vmem>>) target(%dma_start3A_272 : memref<16x128xf32, #tpu.memory_space<hbm>>) target_semaphore(%run_scoped3A_262 : memref<!tpu.dma_semaphore, #tpu.memory_space<semaphore_mem>>)
        %dma_wait3A = arith.constant 0 : i32
        %dma_wait3A_276 = arith.constant 640 : i32
        %dma_wait3A_277 = tpu.memref_slice %arg10[%dma_wait3A, %dma_wait3A_276] : memref<16x1024xf32, #tpu.memory_space<vmem>> -> memref<16x128xf32, #tpu.memory_space<vmem>>
        %dma_wait3A_278 = arith.constant 0 : i32
        %dma_wait3A_279 = arith.constant 0 : i32
        %dma_wait3A_280 = tpu.memref_slice %arg5[%add3A_126, %run_scoped3A, %dma_wait3A_278, %dma_wait3A_279] : memref<64x8x16x128xf32, #tpu.memory_space<hbm>> -> memref<1x1x16x128xf32, #tpu.memory_space<hbm>>
        %dma_wait3A_281 = tpu.memref_squeeze %dma_wait3A_280 : memref<1x1x16x128xf32, #tpu.memory_space<hbm>> -> memref<16x128xf32, #tpu.memory_space<hbm>>
        %dma_wait3A_282 = arith.constant 0 : i32
        %dma_wait3A_283 = arith.constant 0 : i32
        %dma_wait3A_284 = tpu.memref_slice %arg5[%add3A_126, %run_scoped3A, %dma_wait3A_282, %dma_wait3A_283] : memref<64x8x16x128xf32, #tpu.memory_space<hbm>> -> memref<1x1x16x128xf32, #tpu.memory_space<hbm>>
        %dma_wait3A_285 = tpu.memref_squeeze %dma_wait3A_284 : memref<1x1x16x128xf32, #tpu.memory_space<hbm>> -> memref<16x128xf32, #tpu.memory_space<hbm>>
        %dma_wait3A_286 = arith.constant 0 : i32
        %dma_wait3A_287 = arith.constant 640 : i32
        %dma_wait3A_288 = tpu.memref_slice %arg10[%dma_wait3A_286, %dma_wait3A_287] : memref<16x1024xf32, #tpu.memory_space<vmem>> -> memref<16x128xf32, #tpu.memory_space<vmem>>
        tpu.wait_dma2 semaphore(%run_scoped3A_262 : memref<!tpu.dma_semaphore, #tpu.memory_space<semaphore_mem>>) src(%dma_wait3A_288 : memref<16x128xf32, #tpu.memory_space<vmem>>) dst(%dma_wait3A_285 : memref<16x128xf32, #tpu.memory_space<hbm>>)
        tpu.yield
      }) : () -> ()
    } else {
    }
    %gt3A_250 = arith.constant 6 : i32
    %gt3A_251 = arith.cmpi sgt, %select_n3A_219, %gt3A_250 : i32
    %convert_element_type3A_252 = arith.extui %gt3A_251 : i1 to i32
    %cond3A_253 = arith.constant 0 : i32
    %cond3A_254 = arith.cmpi ne, %convert_element_type3A_252, %cond3A_253 : i32
    scf.if %cond3A_254 {
      %run_scoped3A = arith.constant 6 : i32
      "tpu.region"() ({
        %run_scoped3A_262 = tpu.sem_alloc : memref<!tpu.dma_semaphore, #tpu.memory_space<semaphore_mem>>
        %dma_start3A = arith.constant 0 : i32
        %dma_start3A_263 = arith.constant 768 : i32
        %dma_start3A_264 = tpu.memref_slice %arg10[%dma_start3A, %dma_start3A_263] : memref<16x1024xf32, #tpu.memory_space<vmem>> -> memref<16x128xf32, #tpu.memory_space<vmem>>
        %dma_start3A_265 = arith.constant 0 : i32
        %dma_start3A_266 = arith.constant 0 : i32
        %dma_start3A_267 = tpu.memref_slice %arg5[%add3A_126, %run_scoped3A, %dma_start3A_265, %dma_start3A_266] : memref<64x8x16x128xf32, #tpu.memory_space<hbm>> -> memref<1x1x16x128xf32, #tpu.memory_space<hbm>>
        %dma_start3A_268 = tpu.memref_squeeze %dma_start3A_267 : memref<1x1x16x128xf32, #tpu.memory_space<hbm>> -> memref<16x128xf32, #tpu.memory_space<hbm>>
        %dma_start3A_269 = arith.constant 0 : i32
        %dma_start3A_270 = arith.constant 0 : i32
        %dma_start3A_271 = tpu.memref_slice %arg5[%add3A_126, %run_scoped3A, %dma_start3A_269, %dma_start3A_270] : memref<64x8x16x128xf32, #tpu.memory_space<hbm>> -> memref<1x1x16x128xf32, #tpu.memory_space<hbm>>
        %dma_start3A_272 = tpu.memref_squeeze %dma_start3A_271 : memref<1x1x16x128xf32, #tpu.memory_space<hbm>> -> memref<16x128xf32, #tpu.memory_space<hbm>>
        %dma_start3A_273 = arith.constant 0 : i32
        %dma_start3A_274 = arith.constant 768 : i32
        %dma_start3A_275 = tpu.memref_slice %arg10[%dma_start3A_273, %dma_start3A_274] : memref<16x1024xf32, #tpu.memory_space<vmem>> -> memref<16x128xf32, #tpu.memory_space<vmem>>
        tpu.enqueue_dma source(%dma_start3A_275 : memref<16x128xf32, #tpu.memory_space<vmem>>) target(%dma_start3A_272 : memref<16x128xf32, #tpu.memory_space<hbm>>) target_semaphore(%run_scoped3A_262 : memref<!tpu.dma_semaphore, #tpu.memory_space<semaphore_mem>>)
        %dma_wait3A = arith.constant 0 : i32
        %dma_wait3A_276 = arith.constant 768 : i32
        %dma_wait3A_277 = tpu.memref_slice %arg10[%dma_wait3A, %dma_wait3A_276] : memref<16x1024xf32, #tpu.memory_space<vmem>> -> memref<16x128xf32, #tpu.memory_space<vmem>>
        %dma_wait3A_278 = arith.constant 0 : i32
        %dma_wait3A_279 = arith.constant 0 : i32
        %dma_wait3A_280 = tpu.memref_slice %arg5[%add3A_126, %run_scoped3A, %dma_wait3A_278, %dma_wait3A_279] : memref<64x8x16x128xf32, #tpu.memory_space<hbm>> -> memref<1x1x16x128xf32, #tpu.memory_space<hbm>>
        %dma_wait3A_281 = tpu.memref_squeeze %dma_wait3A_280 : memref<1x1x16x128xf32, #tpu.memory_space<hbm>> -> memref<16x128xf32, #tpu.memory_space<hbm>>
        %dma_wait3A_282 = arith.constant 0 : i32
        %dma_wait3A_283 = arith.constant 0 : i32
        %dma_wait3A_284 = tpu.memref_slice %arg5[%add3A_126, %run_scoped3A, %dma_wait3A_282, %dma_wait3A_283] : memref<64x8x16x128xf32, #tpu.memory_space<hbm>> -> memref<1x1x16x128xf32, #tpu.memory_space<hbm>>
        %dma_wait3A_285 = tpu.memref_squeeze %dma_wait3A_284 : memref<1x1x16x128xf32, #tpu.memory_space<hbm>> -> memref<16x128xf32, #tpu.memory_space<hbm>>
        %dma_wait3A_286 = arith.constant 0 : i32
        %dma_wait3A_287 = arith.constant 768 : i32
        %dma_wait3A_288 = tpu.memref_slice %arg10[%dma_wait3A_286, %dma_wait3A_287] : memref<16x1024xf32, #tpu.memory_space<vmem>> -> memref<16x128xf32, #tpu.memory_space<vmem>>
        tpu.wait_dma2 semaphore(%run_scoped3A_262 : memref<!tpu.dma_semaphore, #tpu.memory_space<semaphore_mem>>) src(%dma_wait3A_288 : memref<16x128xf32, #tpu.memory_space<vmem>>) dst(%dma_wait3A_285 : memref<16x128xf32, #tpu.memory_space<hbm>>)
        tpu.yield
      }) : () -> ()
    } else {
    }
    %gt3A_255 = arith.constant 7 : i32
    %gt3A_256 = arith.cmpi sgt, %select_n3A_219, %gt3A_255 : i32
    %convert_element_type3A_257 = arith.extui %gt3A_256 : i1 to i32
    %cond3A_258 = arith.constant 0 : i32
    %cond3A_259 = arith.cmpi ne, %convert_element_type3A_257, %cond3A_258 : i32
    scf.if %cond3A_259 {
      %run_scoped3A = arith.constant 7 : i32
      "tpu.region"() ({
        %run_scoped3A_262 = tpu.sem_alloc : memref<!tpu.dma_semaphore, #tpu.memory_space<semaphore_mem>>
        %dma_start3A = arith.constant 0 : i32
        %dma_start3A_263 = arith.constant 896 : i32
        %dma_start3A_264 = tpu.memref_slice %arg10[%dma_start3A, %dma_start3A_263] : memref<16x1024xf32, #tpu.memory_space<vmem>> -> memref<16x128xf32, #tpu.memory_space<vmem>>
        %dma_start3A_265 = arith.constant 0 : i32
        %dma_start3A_266 = arith.constant 0 : i32
        %dma_start3A_267 = tpu.memref_slice %arg5[%add3A_126, %run_scoped3A, %dma_start3A_265, %dma_start3A_266] : memref<64x8x16x128xf32, #tpu.memory_space<hbm>> -> memref<1x1x16x128xf32, #tpu.memory_space<hbm>>
        %dma_start3A_268 = tpu.memref_squeeze %dma_start3A_267 : memref<1x1x16x128xf32, #tpu.memory_space<hbm>> -> memref<16x128xf32, #tpu.memory_space<hbm>>
        %dma_start3A_269 = arith.constant 0 : i32
        %dma_start3A_270 = arith.constant 0 : i32
        %dma_start3A_271 = tpu.memref_slice %arg5[%add3A_126, %run_scoped3A, %dma_start3A_269, %dma_start3A_270] : memref<64x8x16x128xf32, #tpu.memory_space<hbm>> -> memref<1x1x16x128xf32, #tpu.memory_space<hbm>>
        %dma_start3A_272 = tpu.memref_squeeze %dma_start3A_271 : memref<1x1x16x128xf32, #tpu.memory_space<hbm>> -> memref<16x128xf32, #tpu.memory_space<hbm>>
        %dma_start3A_273 = arith.constant 0 : i32
        %dma_start3A_274 = arith.constant 896 : i32
        %dma_start3A_275 = tpu.memref_slice %arg10[%dma_start3A_273, %dma_start3A_274] : memref<16x1024xf32, #tpu.memory_space<vmem>> -> memref<16x128xf32, #tpu.memory_space<vmem>>
        tpu.enqueue_dma source(%dma_start3A_275 : memref<16x128xf32, #tpu.memory_space<vmem>>) target(%dma_start3A_272 : memref<16x128xf32, #tpu.memory_space<hbm>>) target_semaphore(%run_scoped3A_262 : memref<!tpu.dma_semaphore, #tpu.memory_space<semaphore_mem>>)
        %dma_wait3A = arith.constant 0 : i32
        %dma_wait3A_276 = arith.constant 896 : i32
        %dma_wait3A_277 = tpu.memref_slice %arg10[%dma_wait3A, %dma_wait3A_276] : memref<16x1024xf32, #tpu.memory_space<vmem>> -> memref<16x128xf32, #tpu.memory_space<vmem>>
        %dma_wait3A_278 = arith.constant 0 : i32
        %dma_wait3A_279 = arith.constant 0 : i32
        %dma_wait3A_280 = tpu.memref_slice %arg5[%add3A_126, %run_scoped3A, %dma_wait3A_278, %dma_wait3A_279] : memref<64x8x16x128xf32, #tpu.memory_space<hbm>> -> memref<1x1x16x128xf32, #tpu.memory_space<hbm>>
        %dma_wait3A_281 = tpu.memref_squeeze %dma_wait3A_280 : memref<1x1x16x128xf32, #tpu.memory_space<hbm>> -> memref<16x128xf32, #tpu.memory_space<hbm>>
        %dma_wait3A_282 = arith.constant 0 : i32
        %dma_wait3A_283 = arith.constant 0 : i32
        %dma_wait3A_284 = tpu.memref_slice %arg5[%add3A_126, %run_scoped3A, %dma_wait3A_282, %dma_wait3A_283] : memref<64x8x16x128xf32, #tpu.memory_space<hbm>> -> memref<1x1x16x128xf32, #tpu.memory_space<hbm>>
        %dma_wait3A_285 = tpu.memref_squeeze %dma_wait3A_284 : memref<1x1x16x128xf32, #tpu.memory_space<hbm>> -> memref<16x128xf32, #tpu.memory_space<hbm>>
        %dma_wait3A_286 = arith.constant 0 : i32
        %dma_wait3A_287 = arith.constant 896 : i32
        %dma_wait3A_288 = tpu.memref_slice %arg10[%dma_wait3A_286, %dma_wait3A_287] : memref<16x1024xf32, #tpu.memory_space<vmem>> -> memref<16x128xf32, #tpu.memory_space<vmem>>
        tpu.wait_dma2 semaphore(%run_scoped3A_262 : memref<!tpu.dma_semaphore, #tpu.memory_space<semaphore_mem>>) src(%dma_wait3A_288 : memref<16x128xf32, #tpu.memory_space<vmem>>) dst(%dma_wait3A_285 : memref<16x128xf32, #tpu.memory_space<hbm>>)
        tpu.yield
      }) : () -> ()
    } else {
    }
    %swap3A_260 = arith.constant 0 : index
    %swap3A_261 = tpu.vector_load %arg11[%swap3A_260] {strides = array<i32>} : memref<16xi32, #tpu.memory_space<vmem>>, vector<16xi32>,
    tpu.vector_store %arg11[%swap3A_260], %get3A_141 {strides = array<i32>} : memref<16xi32, #tpu.memory_space<vmem>>, vector<16xi32>,
    "tpu.region"() ({
      %run_scoped3A = tpu.sem_alloc : memref<!tpu.dma_semaphore, #tpu.memory_space<semaphore_mem>>
      %dma_start3A = arith.constant 0 : i32
      %dma_start3A_262 = tpu.memref_slice %arg6[%add3A_126, %dma_start3A] : memref<64x16xi32, #tpu.memory_space<hbm>> -> memref<1x16xi32, #tpu.memory_space<hbm>>
      %dma_start3A_263 = tpu.memref_squeeze %dma_start3A_262 : memref<1x16xi32, #tpu.memory_space<hbm>> -> memref<16xi32, #tpu.memory_space<hbm>>
      %dma_start3A_264 = arith.constant 0 : i32
      %dma_start3A_265 = tpu.memref_slice %arg6[%add3A_126, %dma_start3A_264] : memref<64x16xi32, #tpu.memory_space<hbm>> -> memref<1x16xi32, #tpu.memory_space<hbm>>
      %dma_start3A_266 = tpu.memref_squeeze %dma_start3A_265 : memref<1x16xi32, #tpu.memory_space<hbm>> -> memref<16xi32, #tpu.memory_space<hbm>>
      tpu.enqueue_dma source(%arg11 : memref<16xi32, #tpu.memory_space<vmem>>) target(%dma_start3A_266 : memref<16xi32, #tpu.memory_space<hbm>>) target_semaphore(%run_scoped3A : memref<!tpu.dma_semaphore, #tpu.memory_space<semaphore_mem>>)
      %dma_wait3A = arith.constant 0 : i32
      %dma_wait3A_267 = tpu.memref_slice %arg6[%add3A_126, %dma_wait3A] : memref<64x16xi32, #tpu.memory_space<hbm>> -> memref<1x16xi32, #tpu.memory_space<hbm>>
      %dma_wait3A_268 = tpu.memref_squeeze %dma_wait3A_267 : memref<1x16xi32, #tpu.memory_space<hbm>> -> memref<16xi32, #tpu.memory_space<hbm>>
      %dma_wait3A_269 = arith.constant 0 : i32
      %dma_wait3A_270 = tpu.memref_slice %arg6[%add3A_126, %dma_wait3A_269] : memref<64x16xi32, #tpu.memory_space<hbm>> -> memref<1x16xi32, #tpu.memory_space<hbm>>
      %dma_wait3A_271 = tpu.memref_squeeze %dma_wait3A_270 : memref<1x16xi32, #tpu.memory_space<hbm>> -> memref<16xi32, #tpu.memory_space<hbm>>
      tpu.wait_dma2 semaphore(%run_scoped3A : memref<!tpu.dma_semaphore, #tpu.memory_space<semaphore_mem>>) src(%arg11 : memref<16xi32, #tpu.memory_space<vmem>>) dst(%dma_wait3A_271 : memref<16xi32, #tpu.memory_space<hbm>>)
      tpu.yield
    }) : () -> ()
    return
  }
}

module attributes {stable_mosaic.version = 14 : i64} {
  func.func @_prep_kernel(%arg0: memref<16x1024xf32, #tpu.memory_space<vmem>>, %arg1: memref<8x1024xf32, #tpu.memory_space<vmem>>, %arg2: memref<16x1024xf32, #tpu.memory_space<vmem>>, %arg3: memref<8x1024xf32, #tpu.memory_space<vmem>>, %arg4: memref<1x1024xf32, #tpu.memory_space<vmem>>) attributes {dimension_semantics = [], scalar_prefetch = 0 : i64, scratch_operands = 0 : i64, tpu.core_type = #tpu.core_type<tc>} {
    %get3A = arith.constant 0 : index
    %get3A_0 = arith.constant 0 : index
    %get3A_1 = vector.load %arg1[%get3A, %get3A_0] : memref<8x1024xf32, #tpu.memory_space<vmem>>, vector<1x1024xf32>
    %get3A_2 = arith.constant 1 : index
    %get3A_3 = arith.constant 0 : index
    %get3A_4 = vector.load %arg1[%get3A_2, %get3A_3] : memref<8x1024xf32, #tpu.memory_space<vmem>>, vector<1x1024xf32>
    %get3A_5 = arith.constant 2 : index
    %get3A_6 = arith.constant 0 : index
    %get3A_7 = vector.load %arg1[%get3A_5, %get3A_6] : memref<8x1024xf32, #tpu.memory_space<vmem>>, vector<1x1024xf32>
    %mul3A = arith.mulf %get3A_1, %get3A_7 : vector<1x1024xf32>
    %mul3A_8 = arith.mulf %get3A_4, %get3A_4 : vector<1x1024xf32>
    %sub3A = arith.subf %mul3A, %mul3A_8 : vector<1x1024xf32>
    %add3A = arith.addf %get3A_1, %get3A_7 : vector<1x1024xf32>
    %mul3A_9 = arith.constant 5.000000e-01 : f32
    %mul3A_10 = vector.broadcast %mul3A_9 : f32 to vector<1x1024xf32>
    %mul3A_11 = arith.mulf %mul3A_10, %add3A : vector<1x1024xf32>
    %mul3A_12 = arith.mulf %mul3A_11, %mul3A_11 : vector<1x1024xf32>
    %sub3A_13 = arith.subf %mul3A_12, %sub3A : vector<1x1024xf32>
    %max3A = arith.constant 1.000000e-01 : f32
    %max3A_14 = vector.broadcast %max3A : f32 to vector<1x1024xf32>
    %max3A_15 = arith.maximumf %sub3A_13, %max3A_14 : vector<1x1024xf32>
    %sqrt3A = math.sqrt %max3A_15 : vector<1x1024xf32>
    %add3A_16 = arith.addf %mul3A_11, %sqrt3A : vector<1x1024xf32>
    %sqrt3A_17 = math.sqrt %add3A_16 : vector<1x1024xf32>
    %mul3A_18 = arith.constant 3.000000e+00 : f32
    %mul3A_19 = vector.broadcast %mul3A_18 : f32 to vector<1x1024xf32>
    %mul3A_20 = arith.mulf %mul3A_19, %sqrt3A_17 : vector<1x1024xf32>
    %ceil3A = math.ceil %mul3A_20 : vector<1x1024xf32>
    %swap3A = arith.constant 0 : index
    %swap3A_21 = arith.constant 0 : index
    %swap3A_22 = vector.load %arg4[%swap3A, %swap3A_21] : memref<1x1024xf32, #tpu.memory_space<vmem>>, vector<1x1024xf32>
    tpu.vector_store %arg4[%swap3A, %swap3A_21], %ceil3A {strides = array<i32>} : memref<1x1024xf32, #tpu.memory_space<vmem>>, vector<1x1024xf32>,
    %get3A_23 = arith.constant 0 : index
    %get3A_24 = arith.constant 0 : index
    %get3A_25 = vector.load %arg0[%get3A_23, %get3A_24] : memref<16x1024xf32, #tpu.memory_space<vmem>>, vector<1x1024xf32>
    %get3A_26 = arith.constant 1 : index
    %get3A_27 = arith.constant 0 : index
    %get3A_28 = vector.load %arg0[%get3A_26, %get3A_27] : memref<16x1024xf32, #tpu.memory_space<vmem>>, vector<1x1024xf32>
    %get3A_29 = arith.constant 2 : index
    %get3A_30 = arith.constant 0 : index
    %get3A_31 = vector.load %arg0[%get3A_29, %get3A_30] : memref<16x1024xf32, #tpu.memory_space<vmem>>, vector<1x1024xf32>
    %get3A_32 = arith.constant 3 : index
    %get3A_33 = arith.constant 0 : index
    %get3A_34 = vector.load %arg0[%get3A_32, %get3A_33] : memref<16x1024xf32, #tpu.memory_space<vmem>>, vector<1x1024xf32>
    %get3A_35 = arith.constant 4 : index
    %get3A_36 = arith.constant 0 : index
    %get3A_37 = vector.load %arg0[%get3A_35, %get3A_36] : memref<16x1024xf32, #tpu.memory_space<vmem>>, vector<1x1024xf32>
    %mul3A_38 = arith.mulf %get3A_31, %get3A_37 : vector<1x1024xf32>
    %mul3A_39 = arith.mulf %get3A_34, %get3A_34 : vector<1x1024xf32>
    %sub3A_40 = arith.subf %mul3A_38, %mul3A_39 : vector<1x1024xf32>
    %swap3A_41 = arith.constant 0 : index
    %swap3A_42 = arith.constant 0 : index
    %swap3A_43 = vector.load %arg2[%swap3A_41, %swap3A_42] : memref<16x1024xf32, #tpu.memory_space<vmem>>, vector<1x1024xf32>
    tpu.vector_store %arg2[%swap3A_41, %swap3A_42], %get3A_25 {strides = array<i32>} : memref<16x1024xf32, #tpu.memory_space<vmem>>, vector<1x1024xf32>,
    %swap3A_44 = arith.constant 1 : index
    %swap3A_45 = arith.constant 0 : index
    %swap3A_46 = vector.load %arg2[%swap3A_44, %swap3A_45] : memref<16x1024xf32, #tpu.memory_space<vmem>>, vector<1x1024xf32>
    tpu.vector_store %arg2[%swap3A_44, %swap3A_45], %get3A_28 {strides = array<i32>} : memref<16x1024xf32, #tpu.memory_space<vmem>>, vector<1x1024xf32>,
    %div3A = arith.divf %get3A_37, %sub3A_40 : vector<1x1024xf32>
    %swap3A_47 = arith.constant 2 : index
    %swap3A_48 = arith.constant 0 : index
    %swap3A_49 = vector.load %arg2[%swap3A_47, %swap3A_48] : memref<16x1024xf32, #tpu.memory_space<vmem>>, vector<1x1024xf32>
    tpu.vector_store %arg2[%swap3A_47, %swap3A_48], %div3A {strides = array<i32>} : memref<16x1024xf32, #tpu.memory_space<vmem>>, vector<1x1024xf32>,
    %div3A_50 = arith.divf %get3A_31, %sub3A_40 : vector<1x1024xf32>
    %swap3A_51 = arith.constant 3 : index
    %swap3A_52 = arith.constant 0 : index
    %swap3A_53 = vector.load %arg2[%swap3A_51, %swap3A_52] : memref<16x1024xf32, #tpu.memory_space<vmem>>, vector<1x1024xf32>
    tpu.vector_store %arg2[%swap3A_51, %swap3A_52], %div3A_50 {strides = array<i32>} : memref<16x1024xf32, #tpu.memory_space<vmem>>, vector<1x1024xf32>,
    %neg3A = arith.constant 0.000000e+00 : f32
    %neg3A_54 = vector.broadcast %neg3A : f32 to vector<1x1024xf32>
    %neg3A_55 = arith.subf %neg3A_54, %get3A_34 : vector<1x1024xf32>
    %div3A_56 = arith.divf %neg3A_55, %sub3A_40 : vector<1x1024xf32>
    %swap3A_57 = arith.constant 4 : index
    %swap3A_58 = arith.constant 0 : index
    %swap3A_59 = vector.load %arg2[%swap3A_57, %swap3A_58] : memref<16x1024xf32, #tpu.memory_space<vmem>>, vector<1x1024xf32>
    tpu.vector_store %arg2[%swap3A_57, %swap3A_58], %div3A_56 {strides = array<i32>} : memref<16x1024xf32, #tpu.memory_space<vmem>>, vector<1x1024xf32>,
    %get3A_60 = arith.constant 5 : index
    %get3A_61 = arith.constant 0 : index
    %get3A_62 = vector.load %arg0[%get3A_60, %get3A_61] : memref<16x1024xf32, #tpu.memory_space<vmem>>, vector<11x1024xf32>
    %swap3A_63 = arith.constant 5 : index
    %swap3A_64 = arith.constant 0 : index
    %swap3A_65 = vector.load %arg2[%swap3A_63, %swap3A_64] : memref<16x1024xf32, #tpu.memory_space<vmem>>, vector<11x1024xf32>
    tpu.vector_store %arg2[%swap3A_63, %swap3A_64], %get3A_62 {strides = array<i32>} : memref<16x1024xf32, #tpu.memory_space<vmem>>, vector<11x1024xf32>,
    %add3A_66 = arith.addf %get3A_31, %get3A_37 : vector<1x1024xf32>
    %mul3A_67 = arith.constant 5.000000e-01 : f32
    %mul3A_68 = vector.broadcast %mul3A_67 : f32 to vector<1x1024xf32>
    %mul3A_69 = arith.mulf %mul3A_68, %add3A_66 : vector<1x1024xf32>
    %mul3A_70 = arith.mulf %mul3A_69, %mul3A_69 : vector<1x1024xf32>
    %sub3A_71 = arith.subf %mul3A_70, %sub3A_40 : vector<1x1024xf32>
    %max3A_72 = arith.constant 1.000000e-01 : f32
    %max3A_73 = vector.broadcast %max3A_72 : f32 to vector<1x1024xf32>
    %max3A_74 = arith.maximumf %sub3A_71, %max3A_73 : vector<1x1024xf32>
    %sqrt3A_75 = math.sqrt %max3A_74 : vector<1x1024xf32>
    %add3A_76 = arith.addf %mul3A_69, %sqrt3A_75 : vector<1x1024xf32>
    %sqrt3A_77 = math.sqrt %add3A_76 : vector<1x1024xf32>
    %mul3A_78 = arith.constant 3.000000e+00 : f32
    %mul3A_79 = vector.broadcast %mul3A_78 : f32 to vector<1x1024xf32>
    %mul3A_80 = arith.mulf %mul3A_79, %sqrt3A_77 : vector<1x1024xf32>
    %ceil3A_81 = math.ceil %mul3A_80 : vector<1x1024xf32>
    %sub3A_82 = arith.subf %get3A_25, %ceil3A_81 : vector<1x1024xf32>
    %jit3A = arith.constant 0.000000e+00 : f32
    %jit3A_83 = arith.constant 1.270000e+02 : f32
    %max3A_84 = vector.broadcast %jit3A : f32 to vector<1x1024xf32>
    %max3A_85 = arith.maximumf %max3A_84, %sub3A_82 : vector<1x1024xf32>
    %min3A = vector.broadcast %jit3A_83 : f32 to vector<1x1024xf32>
    %min3A_86 = arith.minimumf %min3A, %max3A_85 : vector<1x1024xf32>
    %swap3A_87 = arith.constant 0 : index
    %swap3A_88 = arith.constant 0 : index
    %swap3A_89 = vector.load %arg3[%swap3A_87, %swap3A_88] : memref<8x1024xf32, #tpu.memory_space<vmem>>, vector<1x1024xf32>
    tpu.vector_store %arg3[%swap3A_87, %swap3A_88], %min3A_86 {strides = array<i32>} : memref<8x1024xf32, #tpu.memory_space<vmem>>, vector<1x1024xf32>,
    %add3A_90 = arith.addf %get3A_25, %ceil3A_81 : vector<1x1024xf32>
    %jit3A_91 = arith.constant 0.000000e+00 : f32
    %jit3A_92 = arith.constant 1.270000e+02 : f32
    %max3A_93 = vector.broadcast %jit3A_91 : f32 to vector<1x1024xf32>
    %max3A_94 = arith.maximumf %max3A_93, %add3A_90 : vector<1x1024xf32>
    %min3A_95 = vector.broadcast %jit3A_92 : f32 to vector<1x1024xf32>
    %min3A_96 = arith.minimumf %min3A_95, %max3A_94 : vector<1x1024xf32>
    %swap3A_97 = arith.constant 1 : index
    %swap3A_98 = arith.constant 0 : index
    %swap3A_99 = vector.load %arg3[%swap3A_97, %swap3A_98] : memref<8x1024xf32, #tpu.memory_space<vmem>>, vector<1x1024xf32>
    tpu.vector_store %arg3[%swap3A_97, %swap3A_98], %min3A_96 {strides = array<i32>} : memref<8x1024xf32, #tpu.memory_space<vmem>>, vector<1x1024xf32>,
    %sub3A_100 = arith.subf %get3A_28, %ceil3A_81 : vector<1x1024xf32>
    %jit3A_101 = arith.constant 0.000000e+00 : f32
    %jit3A_102 = arith.constant 1.270000e+02 : f32
    %max3A_103 = vector.broadcast %jit3A_101 : f32 to vector<1x1024xf32>
    %max3A_104 = arith.maximumf %max3A_103, %sub3A_100 : vector<1x1024xf32>
    %min3A_105 = vector.broadcast %jit3A_102 : f32 to vector<1x1024xf32>
    %min3A_106 = arith.minimumf %min3A_105, %max3A_104 : vector<1x1024xf32>
    %swap3A_107 = arith.constant 2 : index
    %swap3A_108 = arith.constant 0 : index
    %swap3A_109 = vector.load %arg3[%swap3A_107, %swap3A_108] : memref<8x1024xf32, #tpu.memory_space<vmem>>, vector<1x1024xf32>
    tpu.vector_store %arg3[%swap3A_107, %swap3A_108], %min3A_106 {strides = array<i32>} : memref<8x1024xf32, #tpu.memory_space<vmem>>, vector<1x1024xf32>,
    %add3A_110 = arith.addf %get3A_28, %ceil3A_81 : vector<1x1024xf32>
    %jit3A_111 = arith.constant 0.000000e+00 : f32
    %jit3A_112 = arith.constant 1.270000e+02 : f32
    %max3A_113 = vector.broadcast %jit3A_111 : f32 to vector<1x1024xf32>
    %max3A_114 = arith.maximumf %max3A_113, %add3A_110 : vector<1x1024xf32>
    %min3A_115 = vector.broadcast %jit3A_112 : f32 to vector<1x1024xf32>
    %min3A_116 = arith.minimumf %min3A_115, %max3A_114 : vector<1x1024xf32>
    %swap3A_117 = arith.constant 3 : index
    %swap3A_118 = arith.constant 0 : index
    %swap3A_119 = vector.load %arg3[%swap3A_117, %swap3A_118] : memref<8x1024xf32, #tpu.memory_space<vmem>>, vector<1x1024xf32>
    tpu.vector_store %arg3[%swap3A_117, %swap3A_118], %min3A_116 {strides = array<i32>} : memref<8x1024xf32, #tpu.memory_space<vmem>>, vector<1x1024xf32>,
    %broadcast_in_dim3A = arith.constant 0.000000e+00 : f32
    %broadcast_in_dim3A_120 = vector.broadcast %broadcast_in_dim3A : f32 to vector<4x1024xf32>
    %swap3A_121 = arith.constant 4 : index
    %swap3A_122 = arith.constant 0 : index
    %swap3A_123 = vector.load %arg3[%swap3A_121, %swap3A_122] : memref<8x1024xf32, #tpu.memory_space<vmem>>, vector<4x1024xf32>
    tpu.vector_store %arg3[%swap3A_121, %swap3A_122], %broadcast_in_dim3A_120 {strides = array<i32>} : memref<8x1024xf32, #tpu.memory_space<vmem>>, vector<4x1024xf32>,
    return
  }
}

module attributes {stable_mosaic.version = 14 : i64} {
  func.func @_raster_kernel(%arg0: i32, %arg1: memref<64xi32, #tpu.memory_space<smem>>, %arg2: memref<8x8x16x128xf32, #tpu.memory_space<vmem>>, %arg3: memref<8x8x256xf32, #tpu.memory_space<vmem>>) attributes {dimension_semantics = [#tpu.dimension_semantics<arbitrary>], iteration_bounds = array<i64: 8>, scalar_prefetch = 1 : i64, scratch_operands = 0 : i64, tpu.core_type = #tpu.core_type<tc>, window_params = [{transform_indices = @transform_0, window_bounds = array<i64: 8, 8, 16, 128>}, {transform_indices = @transform_1, window_bounds = array<i64: 8, 8, 256>}]} {
    %mul3A = arith.constant 8 : i32
    %mul3A_0 = arith.muli %arg0, %mul3A : i32
    %jit3A = arith.constant 8 : i32
    %eq3A = arith.constant 0 : i32
    %eq3A_1 = arith.cmpi eq, %jit3A, %eq3A : i32
    %jit3A_2 = arith.constant 1 : i32
    %select_n3A = arith.select %eq3A_1, %jit3A_2, %jit3A : i32
    %rem3A = arith.remsi %mul3A_0, %select_n3A : i32
    %ne3A = arith.constant 0 : i32
    %ne3A_3 = arith.cmpi ne, %rem3A, %ne3A : i32
    %lt3A = arith.constant 0 : i32
    %lt3A_4 = arith.cmpi slt, %rem3A, %lt3A : i32
    %lt3A_5 = arith.constant 0 : i32
    %lt3A_6 = arith.cmpi slt, %select_n3A, %lt3A_5 : i32
    %ne3A_7 = arith.xori %lt3A_4, %lt3A_6 : i1
    %and3A = arith.andi %ne3A_7, %ne3A_3 : i1
    %add3A = arith.addi %rem3A, %select_n3A : i32
    %select_n3A_8 = arith.select %and3A, %add3A, %rem3A : i32
    %mul3A_9 = arith.constant 16 : i32
    %mul3A_10 = arith.muli %select_n3A_8, %mul3A_9 : i32
    %jit3A_11 = arith.constant 8 : i32
    %div3A = arith.divsi %mul3A_0, %jit3A_11 : i32
    %sign3A = arith.constant 0 : i32
    %sign3A_12 = arith.cmpi sgt, %mul3A_0, %sign3A : i32
    %sign3A_13 = arith.extui %sign3A_12 : i1 to i32
    %sign3A_14 = arith.constant 0 : i32
    %sign3A_15 = arith.cmpi slt, %mul3A_0, %sign3A_14 : i32
    %sign3A_16 = arith.extui %sign3A_15 : i1 to i32
    %sign3A_17 = arith.subi %sign3A_13, %sign3A_16 : i32
    %sign3A_18 = arith.constant 0 : i32
    %sign3A_19 = arith.cmpi sgt, %jit3A_11, %sign3A_18 : i32
    %sign3A_20 = arith.extui %sign3A_19 : i1 to i32
    %sign3A_21 = arith.constant 0 : i32
    %sign3A_22 = arith.cmpi slt, %jit3A_11, %sign3A_21 : i32
    %sign3A_23 = arith.extui %sign3A_22 : i1 to i32
    %sign3A_24 = arith.subi %sign3A_20, %sign3A_23 : i32
    %ne3A_25 = arith.cmpi ne, %sign3A_17, %sign3A_24 : i32
    %rem3A_26 = arith.remsi %mul3A_0, %jit3A_11 : i32
    %ne3A_27 = arith.constant 0 : i32
    %ne3A_28 = arith.cmpi ne, %rem3A_26, %ne3A_27 : i32
    %and3A_29 = arith.andi %ne3A_25, %ne3A_28 : i1
    %sub3A = arith.constant 1 : i32
    %sub3A_30 = arith.subi %div3A, %sub3A : i32
    %select_n3A_31 = arith.select %and3A_29, %sub3A_30, %div3A : i32
    %mul3A_32 = arith.constant 16 : i32
    %mul3A_33 = arith.muli %select_n3A_31, %mul3A_32 : i32
    %add3A_34 = arith.constant 0 : i32
    %add3A_35 = arith.addi %mul3A_0, %add3A_34 : i32
    %get3A = arith.index_cast %add3A_35 : i32 to index
    %get3A_36 = memref.load %arg1[%get3A] : memref<64xi32, #tpu.memory_space<smem>>
    %add3A_37 = arith.constant 1 : i32
    %add3A_38 = arith.addi %mul3A_0, %add3A_37 : i32
    %get3A_39 = arith.index_cast %add3A_38 : i32 to index
    %get3A_40 = memref.load %arg1[%get3A_39] : memref<64xi32, #tpu.memory_space<smem>>
    %add3A_41 = arith.constant 2 : i32
    %add3A_42 = arith.addi %mul3A_0, %add3A_41 : i32
    %get3A_43 = arith.index_cast %add3A_42 : i32 to index
    %get3A_44 = memref.load %arg1[%get3A_43] : memref<64xi32, #tpu.memory_space<smem>>
    %add3A_45 = arith.constant 3 : i32
    %add3A_46 = arith.addi %mul3A_0, %add3A_45 : i32
    %get3A_47 = arith.index_cast %add3A_46 : i32 to index
    %get3A_48 = memref.load %arg1[%get3A_47] : memref<64xi32, #tpu.memory_space<smem>>
    %add3A_49 = arith.constant 4 : i32
    %add3A_50 = arith.addi %mul3A_0, %add3A_49 : i32
    %get3A_51 = arith.index_cast %add3A_50 : i32 to index
    %get3A_52 = memref.load %arg1[%get3A_51] : memref<64xi32, #tpu.memory_space<smem>>
    %add3A_53 = arith.constant 5 : i32
    %add3A_54 = arith.addi %mul3A_0, %add3A_53 : i32
    %get3A_55 = arith.index_cast %add3A_54 : i32 to index
    %get3A_56 = memref.load %arg1[%get3A_55] : memref<64xi32, #tpu.memory_space<smem>>
    %add3A_57 = arith.constant 6 : i32
    %add3A_58 = arith.addi %mul3A_0, %add3A_57 : i32
    %get3A_59 = arith.index_cast %add3A_58 : i32 to index
    %get3A_60 = memref.load %arg1[%get3A_59] : memref<64xi32, #tpu.memory_space<smem>>
    %add3A_61 = arith.constant 7 : i32
    %add3A_62 = arith.addi %mul3A_0, %add3A_61 : i32
    %get3A_63 = arith.index_cast %add3A_62 : i32 to index
    %get3A_64 = memref.load %arg1[%get3A_63] : memref<64xi32, #tpu.memory_space<smem>>
    %max3A = arith.maxsi %get3A_36, %get3A_40 : i32
    %max3A_65 = arith.maxsi %max3A, %get3A_44 : i32
    %max3A_66 = arith.maxsi %max3A_65, %get3A_48 : i32
    %max3A_67 = arith.maxsi %max3A_66, %get3A_52 : i32
    %max3A_68 = arith.maxsi %max3A_67, %get3A_56 : i32
    %max3A_69 = arith.maxsi %max3A_68, %get3A_60 : i32
    %max3A_70 = arith.maxsi %max3A_69, %get3A_64 : i32
    %add3A_71 = arith.constant 128 : i32
    %add3A_72 = arith.addi %max3A_70, %add3A_71 : i32
    %sub3A_73 = arith.constant 1 : i32
    %sub3A_74 = arith.subi %add3A_72, %sub3A_73 : i32
    %jit3A_75 = arith.constant 128 : i32
    %div3A_76 = arith.divsi %sub3A_74, %jit3A_75 : i32
    %sign3A_77 = arith.constant 0 : i32
    %sign3A_78 = arith.cmpi sgt, %sub3A_74, %sign3A_77 : i32
    %sign3A_79 = arith.extui %sign3A_78 : i1 to i32
    %sign3A_80 = arith.constant 0 : i32
    %sign3A_81 = arith.cmpi slt, %sub3A_74, %sign3A_80 : i32
    %sign3A_82 = arith.extui %sign3A_81 : i1 to i32
    %sign3A_83 = arith.subi %sign3A_79, %sign3A_82 : i32
    %sign3A_84 = arith.constant 0 : i32
    %sign3A_85 = arith.cmpi sgt, %jit3A_75, %sign3A_84 : i32
    %sign3A_86 = arith.extui %sign3A_85 : i1 to i32
    %sign3A_87 = arith.constant 0 : i32
    %sign3A_88 = arith.cmpi slt, %jit3A_75, %sign3A_87 : i32
    %sign3A_89 = arith.extui %sign3A_88 : i1 to i32
    %sign3A_90 = arith.subi %sign3A_86, %sign3A_89 : i32
    %ne3A_91 = arith.cmpi ne, %sign3A_83, %sign3A_90 : i32
    %rem3A_92 = arith.remsi %sub3A_74, %jit3A_75 : i32
    %ne3A_93 = arith.constant 0 : i32
    %ne3A_94 = arith.cmpi ne, %rem3A_92, %ne3A_93 : i32
    %and3A_95 = arith.andi %ne3A_91, %ne3A_94 : i1
    %sub3A_96 = arith.constant 1 : i32
    %sub3A_97 = arith.subi %div3A_76, %sub3A_96 : i32
    %select_n3A_98 = arith.select %and3A_95, %sub3A_97, %div3A_76 : i32
    %iota3A = tpu.iota {dimensions = array<i32: 1>} : vector<1x256xi32>
    %jit3A_99 = arith.constant 16 : i32
    %div3A_100 = vector.broadcast %jit3A_99 : i32 to vector<1x256xi32>
    %div3A_101 = arith.divsi %iota3A, %div3A_100 : vector<1x256xi32>
    %sign3A_102 = arith.constant 0 : i32
    %sign3A_103 = vector.broadcast %sign3A_102 : i32 to vector<1x256xi32>
    %sign3A_104 = arith.cmpi sgt, %iota3A, %sign3A_103 : vector<1x256xi32>
    %sign3A_105 = arith.extui %sign3A_104 : vector<1x256xi1> to vector<1x256xi32>
    %sign3A_106 = arith.constant 0 : i32
    %sign3A_107 = vector.broadcast %sign3A_106 : i32 to vector<1x256xi32>
    %sign3A_108 = arith.cmpi slt, %iota3A, %sign3A_107 : vector<1x256xi32>
    %sign3A_109 = arith.extui %sign3A_108 : vector<1x256xi1> to vector<1x256xi32>
    %sign3A_110 = arith.subi %sign3A_105, %sign3A_109 : vector<1x256xi32>
    %sign3A_111 = arith.constant 0 : i32
    %sign3A_112 = arith.cmpi sgt, %jit3A_99, %sign3A_111 : i32
    %sign3A_113 = arith.extui %sign3A_112 : i1 to i32
    %sign3A_114 = arith.constant 0 : i32
    %sign3A_115 = arith.cmpi slt, %jit3A_99, %sign3A_114 : i32
    %sign3A_116 = arith.extui %sign3A_115 : i1 to i32
    %sign3A_117 = arith.subi %sign3A_113, %sign3A_116 : i32
    %ne3A_118 = vector.broadcast %sign3A_117 : i32 to vector<1x256xi32>
    %ne3A_119 = arith.cmpi ne, %sign3A_110, %ne3A_118 : vector<1x256xi32>
    %rem3A_120 = vector.broadcast %jit3A_99 : i32 to vector<1x256xi32>
    %rem3A_121 = arith.remsi %iota3A, %rem3A_120 : vector<1x256xi32>
    %ne3A_122 = arith.constant 0 : i32
    %ne3A_123 = vector.broadcast %ne3A_122 : i32 to vector<1x256xi32>
    %ne3A_124 = arith.cmpi ne, %rem3A_121, %ne3A_123 : vector<1x256xi32>
    %and3A_125 = arith.andi %ne3A_119, %ne3A_124 : vector<1x256xi1>
    %sub3A_126 = arith.constant 1 : i32
    %sub3A_127 = vector.broadcast %sub3A_126 : i32 to vector<1x256xi32>
    %sub3A_128 = arith.subi %div3A_101, %sub3A_127 : vector<1x256xi32>
    %select_n3A_129 = arith.select %and3A_125, %sub3A_128, %div3A_101 : vector<1x256xi1>, vector<1x256xi32>
    %add3A_130 = vector.broadcast %mul3A_33 : i32 to vector<1x256xi32>
    %add3A_131 = arith.addi %add3A_130, %select_n3A_129 : vector<1x256xi32>
    %convert_element_type3A = arith.sitofp %add3A_131 : vector<1x256xi32> to vector<1x256xf32>
    %add3A_132 = arith.constant 0 : i32
    %add3A_133 = arith.addi %mul3A_10, %add3A_132 : i32
    %jit3A_134 = arith.constant 16 : i32
    %eq3A_135 = arith.constant 0 : i32
    %eq3A_136 = arith.cmpi eq, %jit3A_134, %eq3A_135 : i32
    %jit3A_137 = arith.constant 1 : i32
    %select_n3A_138 = arith.select %eq3A_136, %jit3A_137, %jit3A_134 : i32
    %rem3A_139 = vector.broadcast %select_n3A_138 : i32 to vector<1x256xi32>
    %rem3A_140 = arith.remsi %iota3A, %rem3A_139 : vector<1x256xi32>
    %ne3A_141 = arith.constant 0 : i32
    %ne3A_142 = vector.broadcast %ne3A_141 : i32 to vector<1x256xi32>
    %ne3A_143 = arith.cmpi ne, %rem3A_140, %ne3A_142 : vector<1x256xi32>
    %lt3A_144 = arith.constant 0 : i32
    %lt3A_145 = vector.broadcast %lt3A_144 : i32 to vector<1x256xi32>
    %lt3A_146 = arith.cmpi slt, %rem3A_140, %lt3A_145 : vector<1x256xi32>
    %lt3A_147 = arith.constant 0 : i32
    %lt3A_148 = arith.cmpi slt, %select_n3A_138, %lt3A_147 : i32
    %ne3A_149 = vector.broadcast %lt3A_148 : i1 to vector<1x256xi1>
    %ne3A_150 = vector.broadcast %ne3A_149 : vector<1x256xi1> to vector<1x256xi1>
    %ne3A_151 = arith.xori %lt3A_146, %ne3A_150 : vector<1x256xi1>
    %and3A_152 = arith.andi %ne3A_151, %ne3A_143 : vector<1x256xi1>
    %add3A_153 = vector.broadcast %select_n3A_138 : i32 to vector<1x256xi32>
    %add3A_154 = arith.addi %rem3A_140, %add3A_153 : vector<1x256xi32>
    %select_n3A_155 = arith.select %and3A_152, %add3A_154, %rem3A_140 : vector<1x256xi1>, vector<1x256xi32>
    %add3A_156 = vector.broadcast %add3A_133 : i32 to vector<1x256xi32>
    %add3A_157 = arith.addi %add3A_156, %select_n3A_155 : vector<1x256xi32>
    %convert_element_type3A_158 = arith.sitofp %add3A_157 : vector<1x256xi32> to vector<1x256xf32>
    %add3A_159 = arith.constant 16 : i32
    %add3A_160 = arith.addi %mul3A_10, %add3A_159 : i32
    %jit3A_161 = arith.constant 16 : i32
    %eq3A_162 = arith.constant 0 : i32
    %eq3A_163 = arith.cmpi eq, %jit3A_161, %eq3A_162 : i32
    %jit3A_164 = arith.constant 1 : i32
    %select_n3A_165 = arith.select %eq3A_163, %jit3A_164, %jit3A_161 : i32
    %rem3A_166 = vector.broadcast %select_n3A_165 : i32 to vector<1x256xi32>
    %rem3A_167 = arith.remsi %iota3A, %rem3A_166 : vector<1x256xi32>
    %ne3A_168 = arith.constant 0 : i32
    %ne3A_169 = vector.broadcast %ne3A_168 : i32 to vector<1x256xi32>
    %ne3A_170 = arith.cmpi ne, %rem3A_167, %ne3A_169 : vector<1x256xi32>
    %lt3A_171 = arith.constant 0 : i32
    %lt3A_172 = vector.broadcast %lt3A_171 : i32 to vector<1x256xi32>
    %lt3A_173 = arith.cmpi slt, %rem3A_167, %lt3A_172 : vector<1x256xi32>
    %lt3A_174 = arith.constant 0 : i32
    %lt3A_175 = arith.cmpi slt, %select_n3A_165, %lt3A_174 : i32
    %ne3A_176 = vector.broadcast %lt3A_175 : i1 to vector<1x256xi1>
    %ne3A_177 = vector.broadcast %ne3A_176 : vector<1x256xi1> to vector<1x256xi1>
    %ne3A_178 = arith.xori %lt3A_173, %ne3A_177 : vector<1x256xi1>
    %and3A_179 = arith.andi %ne3A_178, %ne3A_170 : vector<1x256xi1>
    %add3A_180 = vector.broadcast %select_n3A_165 : i32 to vector<1x256xi32>
    %add3A_181 = arith.addi %rem3A_167, %add3A_180 : vector<1x256xi32>
    %select_n3A_182 = arith.select %and3A_179, %add3A_181, %rem3A_167 : vector<1x256xi1>, vector<1x256xi32>
    %add3A_183 = vector.broadcast %add3A_160 : i32 to vector<1x256xi32>
    %add3A_184 = arith.addi %add3A_183, %select_n3A_182 : vector<1x256xi32>
    %convert_element_type3A_185 = arith.sitofp %add3A_184 : vector<1x256xi32> to vector<1x256xf32>
    %add3A_186 = arith.constant 32 : i32
    %add3A_187 = arith.addi %mul3A_10, %add3A_186 : i32
    %jit3A_188 = arith.constant 16 : i32
    %eq3A_189 = arith.constant 0 : i32
    %eq3A_190 = arith.cmpi eq, %jit3A_188, %eq3A_189 : i32
    %jit3A_191 = arith.constant 1 : i32
    %select_n3A_192 = arith.select %eq3A_190, %jit3A_191, %jit3A_188 : i32
    %rem3A_193 = vector.broadcast %select_n3A_192 : i32 to vector<1x256xi32>
    %rem3A_194 = arith.remsi %iota3A, %rem3A_193 : vector<1x256xi32>
    %ne3A_195 = arith.constant 0 : i32
    %ne3A_196 = vector.broadcast %ne3A_195 : i32 to vector<1x256xi32>
    %ne3A_197 = arith.cmpi ne, %rem3A_194, %ne3A_196 : vector<1x256xi32>
    %lt3A_198 = arith.constant 0 : i32
    %lt3A_199 = vector.broadcast %lt3A_198 : i32 to vector<1x256xi32>
    %lt3A_200 = arith.cmpi slt, %rem3A_194, %lt3A_199 : vector<1x256xi32>
    %lt3A_201 = arith.constant 0 : i32
    %lt3A_202 = arith.cmpi slt, %select_n3A_192, %lt3A_201 : i32
    %ne3A_203 = vector.broadcast %lt3A_202 : i1 to vector<1x256xi1>
    %ne3A_204 = vector.broadcast %ne3A_203 : vector<1x256xi1> to vector<1x256xi1>
    %ne3A_205 = arith.xori %lt3A_200, %ne3A_204 : vector<1x256xi1>
    %and3A_206 = arith.andi %ne3A_205, %ne3A_197 : vector<1x256xi1>
    %add3A_207 = vector.broadcast %select_n3A_192 : i32 to vector<1x256xi32>
    %add3A_208 = arith.addi %rem3A_194, %add3A_207 : vector<1x256xi32>
    %select_n3A_209 = arith.select %and3A_206, %add3A_208, %rem3A_194 : vector<1x256xi1>, vector<1x256xi32>
    %add3A_210 = vector.broadcast %add3A_187 : i32 to vector<1x256xi32>
    %add3A_211 = arith.addi %add3A_210, %select_n3A_209 : vector<1x256xi32>
    %convert_element_type3A_212 = arith.sitofp %add3A_211 : vector<1x256xi32> to vector<1x256xf32>
    %add3A_213 = arith.constant 48 : i32
    %add3A_214 = arith.addi %mul3A_10, %add3A_213 : i32
    %jit3A_215 = arith.constant 16 : i32
    %eq3A_216 = arith.constant 0 : i32
    %eq3A_217 = arith.cmpi eq, %jit3A_215, %eq3A_216 : i32
    %jit3A_218 = arith.constant 1 : i32
    %select_n3A_219 = arith.select %eq3A_217, %jit3A_218, %jit3A_215 : i32
    %rem3A_220 = vector.broadcast %select_n3A_219 : i32 to vector<1x256xi32>
    %rem3A_221 = arith.remsi %iota3A, %rem3A_220 : vector<1x256xi32>
    %ne3A_222 = arith.constant 0 : i32
    %ne3A_223 = vector.broadcast %ne3A_222 : i32 to vector<1x256xi32>
    %ne3A_224 = arith.cmpi ne, %rem3A_221, %ne3A_223 : vector<1x256xi32>
    %lt3A_225 = arith.constant 0 : i32
    %lt3A_226 = vector.broadcast %lt3A_225 : i32 to vector<1x256xi32>
    %lt3A_227 = arith.cmpi slt, %rem3A_221, %lt3A_226 : vector<1x256xi32>
    %lt3A_228 = arith.constant 0 : i32
    %lt3A_229 = arith.cmpi slt, %select_n3A_219, %lt3A_228 : i32
    %ne3A_230 = vector.broadcast %lt3A_229 : i1 to vector<1x256xi1>
    %ne3A_231 = vector.broadcast %ne3A_230 : vector<1x256xi1> to vector<1x256xi1>
    %ne3A_232 = arith.xori %lt3A_227, %ne3A_231 : vector<1x256xi1>
    %and3A_233 = arith.andi %ne3A_232, %ne3A_224 : vector<1x256xi1>
    %add3A_234 = vector.broadcast %select_n3A_219 : i32 to vector<1x256xi32>
    %add3A_235 = arith.addi %rem3A_221, %add3A_234 : vector<1x256xi32>
    %select_n3A_236 = arith.select %and3A_233, %add3A_235, %rem3A_221 : vector<1x256xi1>, vector<1x256xi32>
    %add3A_237 = vector.broadcast %add3A_214 : i32 to vector<1x256xi32>
    %add3A_238 = arith.addi %add3A_237, %select_n3A_236 : vector<1x256xi32>
    %convert_element_type3A_239 = arith.sitofp %add3A_238 : vector<1x256xi32> to vector<1x256xf32>
    %add3A_240 = arith.constant 64 : i32
    %add3A_241 = arith.addi %mul3A_10, %add3A_240 : i32
    %jit3A_242 = arith.constant 16 : i32
    %eq3A_243 = arith.constant 0 : i32
    %eq3A_244 = arith.cmpi eq, %jit3A_242, %eq3A_243 : i32
    %jit3A_245 = arith.constant 1 : i32
    %select_n3A_246 = arith.select %eq3A_244, %jit3A_245, %jit3A_242 : i32
    %rem3A_247 = vector.broadcast %select_n3A_246 : i32 to vector<1x256xi32>
    %rem3A_248 = arith.remsi %iota3A, %rem3A_247 : vector<1x256xi32>
    %ne3A_249 = arith.constant 0 : i32
    %ne3A_250 = vector.broadcast %ne3A_249 : i32 to vector<1x256xi32>
    %ne3A_251 = arith.cmpi ne, %rem3A_248, %ne3A_250 : vector<1x256xi32>
    %lt3A_252 = arith.constant 0 : i32
    %lt3A_253 = vector.broadcast %lt3A_252 : i32 to vector<1x256xi32>
    %lt3A_254 = arith.cmpi slt, %rem3A_248, %lt3A_253 : vector<1x256xi32>
    %lt3A_255 = arith.constant 0 : i32
    %lt3A_256 = arith.cmpi slt, %select_n3A_246, %lt3A_255 : i32
    %ne3A_257 = vector.broadcast %lt3A_256 : i1 to vector<1x256xi1>
    %ne3A_258 = vector.broadcast %ne3A_257 : vector<1x256xi1> to vector<1x256xi1>
    %ne3A_259 = arith.xori %lt3A_254, %ne3A_258 : vector<1x256xi1>
    %and3A_260 = arith.andi %ne3A_259, %ne3A_251 : vector<1x256xi1>
    %add3A_261 = vector.broadcast %select_n3A_246 : i32 to vector<1x256xi32>
    %add3A_262 = arith.addi %rem3A_248, %add3A_261 : vector<1x256xi32>
    %select_n3A_263 = arith.select %and3A_260, %add3A_262, %rem3A_248 : vector<1x256xi1>, vector<1x256xi32>
    %add3A_264 = vector.broadcast %add3A_241 : i32 to vector<1x256xi32>
    %add3A_265 = arith.addi %add3A_264, %select_n3A_263 : vector<1x256xi32>
    %convert_element_type3A_266 = arith.sitofp %add3A_265 : vector<1x256xi32> to vector<1x256xf32>
    %add3A_267 = arith.constant 80 : i32
    %add3A_268 = arith.addi %mul3A_10, %add3A_267 : i32
    %jit3A_269 = arith.constant 16 : i32
    %eq3A_270 = arith.constant 0 : i32
    %eq3A_271 = arith.cmpi eq, %jit3A_269, %eq3A_270 : i32
    %jit3A_272 = arith.constant 1 : i32
    %select_n3A_273 = arith.select %eq3A_271, %jit3A_272, %jit3A_269 : i32
    %rem3A_274 = vector.broadcast %select_n3A_273 : i32 to vector<1x256xi32>
    %rem3A_275 = arith.remsi %iota3A, %rem3A_274 : vector<1x256xi32>
    %ne3A_276 = arith.constant 0 : i32
    %ne3A_277 = vector.broadcast %ne3A_276 : i32 to vector<1x256xi32>
    %ne3A_278 = arith.cmpi ne, %rem3A_275, %ne3A_277 : vector<1x256xi32>
    %lt3A_279 = arith.constant 0 : i32
    %lt3A_280 = vector.broadcast %lt3A_279 : i32 to vector<1x256xi32>
    %lt3A_281 = arith.cmpi slt, %rem3A_275, %lt3A_280 : vector<1x256xi32>
    %lt3A_282 = arith.constant 0 : i32
    %lt3A_283 = arith.cmpi slt, %select_n3A_273, %lt3A_282 : i32
    %ne3A_284 = vector.broadcast %lt3A_283 : i1 to vector<1x256xi1>
    %ne3A_285 = vector.broadcast %ne3A_284 : vector<1x256xi1> to vector<1x256xi1>
    %ne3A_286 = arith.xori %lt3A_281, %ne3A_285 : vector<1x256xi1>
    %and3A_287 = arith.andi %ne3A_286, %ne3A_278 : vector<1x256xi1>
    %add3A_288 = vector.broadcast %select_n3A_273 : i32 to vector<1x256xi32>
    %add3A_289 = arith.addi %rem3A_275, %add3A_288 : vector<1x256xi32>
    %select_n3A_290 = arith.select %and3A_287, %add3A_289, %rem3A_275 : vector<1x256xi1>, vector<1x256xi32>
    %add3A_291 = vector.broadcast %add3A_268 : i32 to vector<1x256xi32>
    %add3A_292 = arith.addi %add3A_291, %select_n3A_290 : vector<1x256xi32>
    %convert_element_type3A_293 = arith.sitofp %add3A_292 : vector<1x256xi32> to vector<1x256xf32>
    %add3A_294 = arith.constant 96 : i32
    %add3A_295 = arith.addi %mul3A_10, %add3A_294 : i32
    %jit3A_296 = arith.constant 16 : i32
    %eq3A_297 = arith.constant 0 : i32
    %eq3A_298 = arith.cmpi eq, %jit3A_296, %eq3A_297 : i32
    %jit3A_299 = arith.constant 1 : i32
    %select_n3A_300 = arith.select %eq3A_298, %jit3A_299, %jit3A_296 : i32
    %rem3A_301 = vector.broadcast %select_n3A_300 : i32 to vector<1x256xi32>
    %rem3A_302 = arith.remsi %iota3A, %rem3A_301 : vector<1x256xi32>
    %ne3A_303 = arith.constant 0 : i32
    %ne3A_304 = vector.broadcast %ne3A_303 : i32 to vector<1x256xi32>
    %ne3A_305 = arith.cmpi ne, %rem3A_302, %ne3A_304 : vector<1x256xi32>
    %lt3A_306 = arith.constant 0 : i32
    %lt3A_307 = vector.broadcast %lt3A_306 : i32 to vector<1x256xi32>
    %lt3A_308 = arith.cmpi slt, %rem3A_302, %lt3A_307 : vector<1x256xi32>
    %lt3A_309 = arith.constant 0 : i32
    %lt3A_310 = arith.cmpi slt, %select_n3A_300, %lt3A_309 : i32
    %ne3A_311 = vector.broadcast %lt3A_310 : i1 to vector<1x256xi1>
    %ne3A_312 = vector.broadcast %ne3A_311 : vector<1x256xi1> to vector<1x256xi1>
    %ne3A_313 = arith.xori %lt3A_308, %ne3A_312 : vector<1x256xi1>
    %and3A_314 = arith.andi %ne3A_313, %ne3A_305 : vector<1x256xi1>
    %add3A_315 = vector.broadcast %select_n3A_300 : i32 to vector<1x256xi32>
    %add3A_316 = arith.addi %rem3A_302, %add3A_315 : vector<1x256xi32>
    %select_n3A_317 = arith.select %and3A_314, %add3A_316, %rem3A_302 : vector<1x256xi1>, vector<1x256xi32>
    %add3A_318 = vector.broadcast %add3A_295 : i32 to vector<1x256xi32>
    %add3A_319 = arith.addi %add3A_318, %select_n3A_317 : vector<1x256xi32>
    %convert_element_type3A_320 = arith.sitofp %add3A_319 : vector<1x256xi32> to vector<1x256xf32>
    %add3A_321 = arith.constant 112 : i32
    %add3A_322 = arith.addi %mul3A_10, %add3A_321 : i32
    %jit3A_323 = arith.constant 16 : i32
    %eq3A_324 = arith.constant 0 : i32
    %eq3A_325 = arith.cmpi eq, %jit3A_323, %eq3A_324 : i32
    %jit3A_326 = arith.constant 1 : i32
    %select_n3A_327 = arith.select %eq3A_325, %jit3A_326, %jit3A_323 : i32
    %rem3A_328 = vector.broadcast %select_n3A_327 : i32 to vector<1x256xi32>
    %rem3A_329 = arith.remsi %iota3A, %rem3A_328 : vector<1x256xi32>
    %ne3A_330 = arith.constant 0 : i32
    %ne3A_331 = vector.broadcast %ne3A_330 : i32 to vector<1x256xi32>
    %ne3A_332 = arith.cmpi ne, %rem3A_329, %ne3A_331 : vector<1x256xi32>
    %lt3A_333 = arith.constant 0 : i32
    %lt3A_334 = vector.broadcast %lt3A_333 : i32 to vector<1x256xi32>
    %lt3A_335 = arith.cmpi slt, %rem3A_329, %lt3A_334 : vector<1x256xi32>
    %lt3A_336 = arith.constant 0 : i32
    %lt3A_337 = arith.cmpi slt, %select_n3A_327, %lt3A_336 : i32
    %ne3A_338 = vector.broadcast %lt3A_337 : i1 to vector<1x256xi1>
    %ne3A_339 = vector.broadcast %ne3A_338 : vector<1x256xi1> to vector<1x256xi1>
    %ne3A_340 = arith.xori %lt3A_335, %ne3A_339 : vector<1x256xi1>
    %and3A_341 = arith.andi %ne3A_340, %ne3A_332 : vector<1x256xi1>
    %add3A_342 = vector.broadcast %select_n3A_327 : i32 to vector<1x256xi32>
    %add3A_343 = arith.addi %rem3A_329, %add3A_342 : vector<1x256xi32>
    %select_n3A_344 = arith.select %and3A_341, %add3A_343, %rem3A_329 : vector<1x256xi1>, vector<1x256xi32>
    %add3A_345 = vector.broadcast %add3A_322 : i32 to vector<1x256xi32>
    %add3A_346 = arith.addi %add3A_345, %select_n3A_344 : vector<1x256xi32>
    %convert_element_type3A_347 = arith.sitofp %add3A_346 : vector<1x256xi32> to vector<1x256xf32>
    %iota3A_348 = tpu.iota {dimensions = array<i32: 1>} : vector<128x128xi32>
    %iota3A_349 = tpu.iota {dimensions = array<i32: 0>} : vector<128x128xi32>
    %lt3A_350 = arith.cmpi slt, %iota3A_348, %iota3A_349 : vector<128x128xi32>
    %convert_element_type3A_351 = arith.extui %lt3A_350 : vector<128x128xi1> to vector<128x128xi32>
    %convert_element_type3A_352 = arith.sitofp %convert_element_type3A_351 : vector<128x128xi32> to vector<128x128xf32>
    %iota3A_353 = tpu.iota {dimensions = array<i32: 0>} : vector<128x1xi32>
    %broadcast_in_dim3A = arith.constant 1.000000e+00 : f32
    %broadcast_in_dim3A_354 = vector.broadcast %broadcast_in_dim3A : f32 to vector<1x256xf32>
    %broadcast_in_dim3A_355 = arith.constant 0.000000e+00 : f32
    %broadcast_in_dim3A_356 = vector.broadcast %broadcast_in_dim3A_355 : f32 to vector<1x256xf32>
    %broadcast_in_dim3A_357 = arith.constant 0.000000e+00 : f32
    %broadcast_in_dim3A_358 = vector.broadcast %broadcast_in_dim3A_357 : f32 to vector<1x256xf32>
    %broadcast_in_dim3A_359 = arith.constant 0.000000e+00 : f32
    %broadcast_in_dim3A_360 = vector.broadcast %broadcast_in_dim3A_359 : f32 to vector<1x256xf32>
    %broadcast_in_dim3A_361 = arith.constant 0.000000e+00 : f32
    %broadcast_in_dim3A_362 = vector.broadcast %broadcast_in_dim3A_361 : f32 to vector<1x256xf32>
    %while3A = arith.constant 0 : i32
    %while3A_363 = arith.subi %select_n3A_98, %while3A : i32
    %while3A_364 = arith.addi %while3A, %while3A_363 : i32
    %while3A_365 = arith.constant 1 : i32
    %while3A_366 = arith.divsi %while3A_363, %while3A_365 : i32
    %while3A_367 = arith.muli %while3A_366, %while3A_365 : i32
    %while3A_368 = arith.addi %while3A, %while3A_367 : i32
    %while3A_369 = arith.constant 1 : i32
    %while3A_370:40 = scf.for %while3A_636 = %while3A to %while3A_368 step %while3A_369 iter_args(%while3A_637 = %broadcast_in_dim3A_354, %while3A_638 = %broadcast_in_dim3A_356, %while3A_639 = %broadcast_in_dim3A_358, %while3A_640 = %broadcast_in_dim3A_360, %while3A_641 = %broadcast_in_dim3A_362, %while3A_642 = %broadcast_in_dim3A_354, %while3A_643 = %broadcast_in_dim3A_356, %while3A_644 = %broadcast_in_dim3A_358, %while3A_645 = %broadcast_in_dim3A_360, %while3A_646 = %broadcast_in_dim3A_362, %while3A_647 = %broadcast_in_dim3A_354, %while3A_648 = %broadcast_in_dim3A_356, %while3A_649 = %broadcast_in_dim3A_358, %while3A_650 = %broadcast_in_dim3A_360, %while3A_651 = %broadcast_in_dim3A_362, %while3A_652 = %broadcast_in_dim3A_354, %while3A_653 = %broadcast_in_dim3A_356, %while3A_654 = %broadcast_in_dim3A_358, %while3A_655 = %broadcast_in_dim3A_360, %while3A_656 = %broadcast_in_dim3A_362, %while3A_657 = %broadcast_in_dim3A_354, %while3A_658 = %broadcast_in_dim3A_356, %while3A_659 = %broadcast_in_dim3A_358, %while3A_660 = %broadcast_in_dim3A_360, %while3A_661 = %broadcast_in_dim3A_362, %while3A_662 = %broadcast_in_dim3A_354, %while3A_663 = %broadcast_in_dim3A_356, %while3A_664 = %broadcast_in_dim3A_358, %while3A_665 = %broadcast_in_dim3A_360, %while3A_666 = %broadcast_in_dim3A_362, %while3A_667 = %broadcast_in_dim3A_354, %while3A_668 = %broadcast_in_dim3A_356, %while3A_669 = %broadcast_in_dim3A_358, %while3A_670 = %broadcast_in_dim3A_360, %while3A_671 = %broadcast_in_dim3A_362, %while3A_672 = %broadcast_in_dim3A_354, %while3A_673 = %broadcast_in_dim3A_356, %while3A_674 = %broadcast_in_dim3A_358, %while3A_675 = %broadcast_in_dim3A_360, %while3A_676 = %broadcast_in_dim3A_362) -> (vector<1x256xf32>, vector<1x256xf32>, vector<1x256xf32>, vector<1x256xf32>, vector<1x256xf32>, vector<1x256xf32>, vector<1x256xf32>, vector<1x256xf32>, vector<1x256xf32>, vector<1x256xf32>, vector<1x256xf32>, vector<1x256xf32>, vector<1x256xf32>, vector<1x256xf32>, vector<1x256xf32>, vector<1x256xf32>, vector<1x256xf32>, vector<1x256xf32>, vector<1x256xf32>, vector<1x256xf32>, vector<1x256xf32>, vector<1x256xf32>, vector<1x256xf32>, vector<1x256xf32>, vector<1x256xf32>, vector<1x256xf32>, vector<1x256xf32>, vector<1x256xf32>, vector<1x256xf32>, vector<1x256xf32>, vector<1x256xf32>, vector<1x256xf32>, vector<1x256xf32>, vector<1x256xf32>, vector<1x256xf32>, vector<1x256xf32>, vector<1x256xf32>, vector<1x256xf32>, vector<1x256xf32>, vector<1x256xf32>)  : i32 {
      %get3A_677 = arith.constant 0 : index
      %get3A_678 = arith.index_cast %while3A_636 : i32 to index
      %get3A_679 = arith.constant 0 : index
      %get3A_680 = arith.constant 0 : index
      %get3A_681 = vector.load %arg2[%get3A_677, %get3A_678, %get3A_679, %get3A_680] : memref<8x8x16x128xf32, #tpu.memory_space<vmem>>, vector<1x1x16x128xf32>
      %get3A_682 = vector.shape_cast %get3A_681 : vector<1x1x16x128xf32> to vector<16x128xf32>
      %transpose3A = tpu.transpose %get3A_682, [1, 0] : vector<16x128xf32> -> vector<128x16xf32>
      %slice3A = vector.extract_strided_slice %transpose3A {offsets = [0, 0], sizes = [128, 1], strides = [1, 1]} : vector<128x16xf32> to vector<128x1xf32>
      %slice3A_683 = vector.extract_strided_slice %transpose3A {offsets = [0, 1], sizes = [128, 1], strides = [1, 1]} : vector<128x16xf32> to vector<128x1xf32>
      %slice3A_684 = vector.extract_strided_slice %transpose3A {offsets = [0, 2], sizes = [128, 1], strides = [1, 1]} : vector<128x16xf32> to vector<128x1xf32>
      %slice3A_685 = vector.extract_strided_slice %transpose3A {offsets = [0, 3], sizes = [128, 1], strides = [1, 1]} : vector<128x16xf32> to vector<128x1xf32>
      %slice3A_686 = vector.extract_strided_slice %transpose3A {offsets = [0, 4], sizes = [128, 1], strides = [1, 1]} : vector<128x16xf32> to vector<128x1xf32>
      %slice3A_687 = vector.extract_strided_slice %transpose3A {offsets = [0, 5], sizes = [128, 1], strides = [1, 1]} : vector<128x16xf32> to vector<128x1xf32>
      %slice3A_688 = vector.extract_strided_slice %transpose3A {offsets = [0, 6], sizes = [128, 1], strides = [1, 1]} : vector<128x16xf32> to vector<128x1xf32>
      %slice3A_689 = vector.extract_strided_slice %transpose3A {offsets = [0, 7], sizes = [128, 1], strides = [1, 1]} : vector<128x16xf32> to vector<128x1xf32>
      %slice3A_690 = vector.extract_strided_slice %transpose3A {offsets = [0, 8], sizes = [128, 1], strides = [1, 1]} : vector<128x16xf32> to vector<128x1xf32>
      %mul3A_691 = arith.constant 128 : i32
      %mul3A_692 = arith.muli %while3A_636, %mul3A_691 : i32
      %add3A_693 = vector.broadcast %mul3A_692 : i32 to vector<128x1xi32>
      %add3A_694 = arith.addi %iota3A_353, %add3A_693 : vector<128x1xi32>
      %lt3A_695 = vector.broadcast %get3A_36 : i32 to vector<128x1xi32>
      %lt3A_696 = arith.cmpi slt, %add3A_694, %lt3A_695 : vector<128x1xi32>
      %sub3A_697 = vector.broadcast %convert_element_type3A_158 : vector<1x256xf32> to vector<128x256xf32>
      %sub3A_698 = vector.broadcast %slice3A : vector<128x1xf32> to vector<128x256xf32>
      %sub3A_699 = arith.subf %sub3A_697, %sub3A_698 : vector<128x256xf32>
      %sub3A_700 = vector.broadcast %convert_element_type3A : vector<1x256xf32> to vector<128x256xf32>
      %sub3A_701 = vector.broadcast %slice3A_683 : vector<128x1xf32> to vector<128x256xf32>
      %sub3A_702 = arith.subf %sub3A_700, %sub3A_701 : vector<128x256xf32>
      %mul3A_703 = arith.mulf %sub3A_699, %sub3A_699 : vector<128x256xf32>
      %mul3A_704 = vector.broadcast %slice3A_684 : vector<128x1xf32> to vector<128x256xf32>
      %mul3A_705 = arith.mulf %mul3A_703, %mul3A_704 : vector<128x256xf32>
      %mul3A_706 = arith.mulf %sub3A_702, %sub3A_702 : vector<128x256xf32>
      %mul3A_707 = vector.broadcast %slice3A_685 : vector<128x1xf32> to vector<128x256xf32>
      %mul3A_708 = arith.mulf %mul3A_706, %mul3A_707 : vector<128x256xf32>
      %add3A_709 = arith.addf %mul3A_705, %mul3A_708 : vector<128x256xf32>
      %mul3A_710 = arith.mulf %sub3A_699, %sub3A_702 : vector<128x256xf32>
      %mul3A_711 = arith.constant 2.000000e+00 : f32
      %mul3A_712 = vector.broadcast %mul3A_711 : f32 to vector<128x256xf32>
      %mul3A_713 = arith.mulf %mul3A_712, %mul3A_710 : vector<128x256xf32>
      %mul3A_714 = vector.broadcast %slice3A_686 : vector<128x1xf32> to vector<128x256xf32>
      %mul3A_715 = arith.mulf %mul3A_713, %mul3A_714 : vector<128x256xf32>
      %add3A_716 = arith.addf %add3A_709, %mul3A_715 : vector<128x256xf32>
      %mul3A_717 = arith.constant -5.000000e-01 : f32
      %mul3A_718 = vector.broadcast %mul3A_717 : f32 to vector<128x256xf32>
      %mul3A_719 = arith.mulf %mul3A_718, %add3A_716 : vector<128x256xf32>
      %exp3A = math.exp %mul3A_719 : vector<128x256xf32>
      %mul3A_720 = vector.broadcast %slice3A_687 : vector<128x1xf32> to vector<128x256xf32>
      %mul3A_721 = arith.mulf %exp3A, %mul3A_720 : vector<128x256xf32>
      %min3A = arith.constant 9.900000e-01 : f32
      %min3A_722 = vector.broadcast %min3A : f32 to vector<128x256xf32>
      %min3A_723 = arith.minimumf %mul3A_721, %min3A_722 : vector<128x256xf32>
      %jit3A_724 = arith.constant 0.000000e+00 : f32
      %broadcast_in_dim3A_725 = vector.shape_cast %lt3A_696 : vector<128x1xi1> to vector<128x1xi1>
      %broadcast_in_dim3A_726 = vector.broadcast %broadcast_in_dim3A_725 : vector<128x1xi1> to vector<128x256xi1>
      %broadcast_in_dim3A_727 = vector.broadcast %jit3A_724 : f32 to vector<128x256xf32>
      %select_n3A_728 = arith.select %broadcast_in_dim3A_726, %min3A_723, %broadcast_in_dim3A_727 : vector<128x256xi1>, vector<128x256xf32>
      %neg3A = arith.constant 0.000000e+00 : f32
      %neg3A_729 = vector.broadcast %neg3A : f32 to vector<128x256xf32>
      %neg3A_730 = arith.subf %neg3A_729, %select_n3A_728 : vector<128x256xf32>
      %log1p3A = math.log1p %neg3A_730 : vector<128x256xf32>
      %dot_general3A = arith.constant dense<0.000000e+00> : vector<128x256xf32>
      %dot_general3A_731 = tpu.matmul %convert_element_type3A_352, %log1p3A, %dot_general3A {dimension_numbers = #tpu.dot_dimension_numbers<[1], [0], [0], [1], [0, 0, 1, 1], [], []>, transpose_lhs_hint = false} : vector<128x128xf32>, vector<128x256xf32>, vector<128x256xf32> -> vector<128x256xf32>
      %exp3A_732 = math.exp %dot_general3A_731 : vector<128x256xf32>
      %mul3A_733 = vector.broadcast %while3A_637 : vector<1x256xf32> to vector<128x256xf32>
      %mul3A_734 = arith.mulf %mul3A_733, %exp3A_732 : vector<128x256xf32>
      %mul3A_735 = arith.mulf %mul3A_734, %select_n3A_728 : vector<128x256xf32>
      %mul3A_736 = vector.broadcast %slice3A_688 : vector<128x1xf32> to vector<128x256xf32>
      %mul3A_737 = arith.mulf %mul3A_735, %mul3A_736 : vector<128x256xf32>
      %reduce_sum3A = arith.constant dense<0.000000e+00> : vector<256xf32>
      %reduce_sum3A_738 = vector.multi_reduction <add>, %mul3A_737, %reduce_sum3A [0] : vector<128x256xf32> to vector<256xf32>
      %broadcast_in_dim3A_739 = vector.shape_cast %reduce_sum3A_738 : vector<256xf32> to vector<1x256xf32>
      %add3A_740 = arith.addf %while3A_638, %broadcast_in_dim3A_739 : vector<1x256xf32>
      %mul3A_741 = vector.broadcast %slice3A_689 : vector<128x1xf32> to vector<128x256xf32>
      %mul3A_742 = arith.mulf %mul3A_735, %mul3A_741 : vector<128x256xf32>
      %reduce_sum3A_743 = arith.constant dense<0.000000e+00> : vector<256xf32>
      %reduce_sum3A_744 = vector.multi_reduction <add>, %mul3A_742, %reduce_sum3A_743 [0] : vector<128x256xf32> to vector<256xf32>
      %broadcast_in_dim3A_745 = vector.shape_cast %reduce_sum3A_744 : vector<256xf32> to vector<1x256xf32>
      %add3A_746 = arith.addf %while3A_639, %broadcast_in_dim3A_745 : vector<1x256xf32>
      %mul3A_747 = vector.broadcast %slice3A_690 : vector<128x1xf32> to vector<128x256xf32>
      %mul3A_748 = arith.mulf %mul3A_735, %mul3A_747 : vector<128x256xf32>
      %reduce_sum3A_749 = arith.constant dense<0.000000e+00> : vector<256xf32>
      %reduce_sum3A_750 = vector.multi_reduction <add>, %mul3A_748, %reduce_sum3A_749 [0] : vector<128x256xf32> to vector<256xf32>
      %broadcast_in_dim3A_751 = vector.shape_cast %reduce_sum3A_750 : vector<256xf32> to vector<1x256xf32>
      %add3A_752 = arith.addf %while3A_640, %broadcast_in_dim3A_751 : vector<1x256xf32>
      %reduce_sum3A_753 = arith.constant dense<0.000000e+00> : vector<256xf32>
      %reduce_sum3A_754 = vector.multi_reduction <add>, %mul3A_735, %reduce_sum3A_753 [0] : vector<128x256xf32> to vector<256xf32>
      %broadcast_in_dim3A_755 = vector.shape_cast %reduce_sum3A_754 : vector<256xf32> to vector<1x256xf32>
      %add3A_756 = arith.addf %while3A_641, %broadcast_in_dim3A_755 : vector<1x256xf32>
      %reduce_sum3A_757 = arith.constant dense<0.000000e+00> : vector<256xf32>
      %reduce_sum3A_758 = vector.multi_reduction <add>, %log1p3A, %reduce_sum3A_757 [0] : vector<128x256xf32> to vector<256xf32>
      %broadcast_in_dim3A_759 = vector.shape_cast %reduce_sum3A_758 : vector<256xf32> to vector<1x256xf32>
      %exp3A_760 = math.exp %broadcast_in_dim3A_759 : vector<1x256xf32>
      %mul3A_761 = arith.mulf %while3A_637, %exp3A_760 : vector<1x256xf32>
      %get3A_762 = arith.constant 1 : index
      %get3A_763 = arith.index_cast %while3A_636 : i32 to index
      %get3A_764 = arith.constant 0 : index
      %get3A_765 = arith.constant 0 : index
      %get3A_766 = vector.load %arg2[%get3A_762, %get3A_763, %get3A_764, %get3A_765] : memref<8x8x16x128xf32, #tpu.memory_space<vmem>>, vector<1x1x16x128xf32>
      %get3A_767 = vector.shape_cast %get3A_766 : vector<1x1x16x128xf32> to vector<16x128xf32>
      %transpose3A_768 = tpu.transpose %get3A_767, [1, 0] : vector<16x128xf32> -> vector<128x16xf32>
      %slice3A_769 = vector.extract_strided_slice %transpose3A_768 {offsets = [0, 0], sizes = [128, 1], strides = [1, 1]} : vector<128x16xf32> to vector<128x1xf32>
      %slice3A_770 = vector.extract_strided_slice %transpose3A_768 {offsets = [0, 1], sizes = [128, 1], strides = [1, 1]} : vector<128x16xf32> to vector<128x1xf32>
      %slice3A_771 = vector.extract_strided_slice %transpose3A_768 {offsets = [0, 2], sizes = [128, 1], strides = [1, 1]} : vector<128x16xf32> to vector<128x1xf32>
      %slice3A_772 = vector.extract_strided_slice %transpose3A_768 {offsets = [0, 3], sizes = [128, 1], strides = [1, 1]} : vector<128x16xf32> to vector<128x1xf32>
      %slice3A_773 = vector.extract_strided_slice %transpose3A_768 {offsets = [0, 4], sizes = [128, 1], strides = [1, 1]} : vector<128x16xf32> to vector<128x1xf32>
      %slice3A_774 = vector.extract_strided_slice %transpose3A_768 {offsets = [0, 5], sizes = [128, 1], strides = [1, 1]} : vector<128x16xf32> to vector<128x1xf32>
      %slice3A_775 = vector.extract_strided_slice %transpose3A_768 {offsets = [0, 6], sizes = [128, 1], strides = [1, 1]} : vector<128x16xf32> to vector<128x1xf32>
      %slice3A_776 = vector.extract_strided_slice %transpose3A_768 {offsets = [0, 7], sizes = [128, 1], strides = [1, 1]} : vector<128x16xf32> to vector<128x1xf32>
      %slice3A_777 = vector.extract_strided_slice %transpose3A_768 {offsets = [0, 8], sizes = [128, 1], strides = [1, 1]} : vector<128x16xf32> to vector<128x1xf32>
      %mul3A_778 = arith.constant 128 : i32
      %mul3A_779 = arith.muli %while3A_636, %mul3A_778 : i32
      %add3A_780 = vector.broadcast %mul3A_779 : i32 to vector<128x1xi32>
      %add3A_781 = arith.addi %iota3A_353, %add3A_780 : vector<128x1xi32>
      %lt3A_782 = vector.broadcast %get3A_40 : i32 to vector<128x1xi32>
      %lt3A_783 = arith.cmpi slt, %add3A_781, %lt3A_782 : vector<128x1xi32>
      %sub3A_784 = vector.broadcast %convert_element_type3A_185 : vector<1x256xf32> to vector<128x256xf32>
      %sub3A_785 = vector.broadcast %slice3A_769 : vector<128x1xf32> to vector<128x256xf32>
      %sub3A_786 = arith.subf %sub3A_784, %sub3A_785 : vector<128x256xf32>
      %sub3A_787 = vector.broadcast %convert_element_type3A : vector<1x256xf32> to vector<128x256xf32>
      %sub3A_788 = vector.broadcast %slice3A_770 : vector<128x1xf32> to vector<128x256xf32>
      %sub3A_789 = arith.subf %sub3A_787, %sub3A_788 : vector<128x256xf32>
      %mul3A_790 = arith.mulf %sub3A_786, %sub3A_786 : vector<128x256xf32>
      %mul3A_791 = vector.broadcast %slice3A_771 : vector<128x1xf32> to vector<128x256xf32>
      %mul3A_792 = arith.mulf %mul3A_790, %mul3A_791 : vector<128x256xf32>
      %mul3A_793 = arith.mulf %sub3A_789, %sub3A_789 : vector<128x256xf32>
      %mul3A_794 = vector.broadcast %slice3A_772 : vector<128x1xf32> to vector<128x256xf32>
      %mul3A_795 = arith.mulf %mul3A_793, %mul3A_794 : vector<128x256xf32>
      %add3A_796 = arith.addf %mul3A_792, %mul3A_795 : vector<128x256xf32>
      %mul3A_797 = arith.mulf %sub3A_786, %sub3A_789 : vector<128x256xf32>
      %mul3A_798 = arith.constant 2.000000e+00 : f32
      %mul3A_799 = vector.broadcast %mul3A_798 : f32 to vector<128x256xf32>
      %mul3A_800 = arith.mulf %mul3A_799, %mul3A_797 : vector<128x256xf32>
      %mul3A_801 = vector.broadcast %slice3A_773 : vector<128x1xf32> to vector<128x256xf32>
      %mul3A_802 = arith.mulf %mul3A_800, %mul3A_801 : vector<128x256xf32>
      %add3A_803 = arith.addf %add3A_796, %mul3A_802 : vector<128x256xf32>
      %mul3A_804 = arith.constant -5.000000e-01 : f32
      %mul3A_805 = vector.broadcast %mul3A_804 : f32 to vector<128x256xf32>
      %mul3A_806 = arith.mulf %mul3A_805, %add3A_803 : vector<128x256xf32>
      %exp3A_807 = math.exp %mul3A_806 : vector<128x256xf32>
      %mul3A_808 = vector.broadcast %slice3A_774 : vector<128x1xf32> to vector<128x256xf32>
      %mul3A_809 = arith.mulf %exp3A_807, %mul3A_808 : vector<128x256xf32>
      %min3A_810 = arith.constant 9.900000e-01 : f32
      %min3A_811 = vector.broadcast %min3A_810 : f32 to vector<128x256xf32>
      %min3A_812 = arith.minimumf %mul3A_809, %min3A_811 : vector<128x256xf32>
      %jit3A_813 = arith.constant 0.000000e+00 : f32
      %broadcast_in_dim3A_814 = vector.shape_cast %lt3A_783 : vector<128x1xi1> to vector<128x1xi1>
      %broadcast_in_dim3A_815 = vector.broadcast %broadcast_in_dim3A_814 : vector<128x1xi1> to vector<128x256xi1>
      %broadcast_in_dim3A_816 = vector.broadcast %jit3A_813 : f32 to vector<128x256xf32>
      %select_n3A_817 = arith.select %broadcast_in_dim3A_815, %min3A_812, %broadcast_in_dim3A_816 : vector<128x256xi1>, vector<128x256xf32>
      %neg3A_818 = arith.constant 0.000000e+00 : f32
      %neg3A_819 = vector.broadcast %neg3A_818 : f32 to vector<128x256xf32>
      %neg3A_820 = arith.subf %neg3A_819, %select_n3A_817 : vector<128x256xf32>
      %log1p3A_821 = math.log1p %neg3A_820 : vector<128x256xf32>
      %dot_general3A_822 = arith.constant dense<0.000000e+00> : vector<128x256xf32>
      %dot_general3A_823 = tpu.matmul %convert_element_type3A_352, %log1p3A_821, %dot_general3A_822 {dimension_numbers = #tpu.dot_dimension_numbers<[1], [0], [0], [1], [0, 0, 1, 1], [], []>, transpose_lhs_hint = false} : vector<128x128xf32>, vector<128x256xf32>, vector<128x256xf32> -> vector<128x256xf32>
      %exp3A_824 = math.exp %dot_general3A_823 : vector<128x256xf32>
      %mul3A_825 = vector.broadcast %while3A_642 : vector<1x256xf32> to vector<128x256xf32>
      %mul3A_826 = arith.mulf %mul3A_825, %exp3A_824 : vector<128x256xf32>
      %mul3A_827 = arith.mulf %mul3A_826, %select_n3A_817 : vector<128x256xf32>
      %mul3A_828 = vector.broadcast %slice3A_775 : vector<128x1xf32> to vector<128x256xf32>
      %mul3A_829 = arith.mulf %mul3A_827, %mul3A_828 : vector<128x256xf32>
      %reduce_sum3A_830 = arith.constant dense<0.000000e+00> : vector<256xf32>
      %reduce_sum3A_831 = vector.multi_reduction <add>, %mul3A_829, %reduce_sum3A_830 [0] : vector<128x256xf32> to vector<256xf32>
      %broadcast_in_dim3A_832 = vector.shape_cast %reduce_sum3A_831 : vector<256xf32> to vector<1x256xf32>
      %add3A_833 = arith.addf %while3A_643, %broadcast_in_dim3A_832 : vector<1x256xf32>
      %mul3A_834 = vector.broadcast %slice3A_776 : vector<128x1xf32> to vector<128x256xf32>
      %mul3A_835 = arith.mulf %mul3A_827, %mul3A_834 : vector<128x256xf32>
      %reduce_sum3A_836 = arith.constant dense<0.000000e+00> : vector<256xf32>
      %reduce_sum3A_837 = vector.multi_reduction <add>, %mul3A_835, %reduce_sum3A_836 [0] : vector<128x256xf32> to vector<256xf32>
      %broadcast_in_dim3A_838 = vector.shape_cast %reduce_sum3A_837 : vector<256xf32> to vector<1x256xf32>
      %add3A_839 = arith.addf %while3A_644, %broadcast_in_dim3A_838 : vector<1x256xf32>
      %mul3A_840 = vector.broadcast %slice3A_777 : vector<128x1xf32> to vector<128x256xf32>
      %mul3A_841 = arith.mulf %mul3A_827, %mul3A_840 : vector<128x256xf32>
      %reduce_sum3A_842 = arith.constant dense<0.000000e+00> : vector<256xf32>
      %reduce_sum3A_843 = vector.multi_reduction <add>, %mul3A_841, %reduce_sum3A_842 [0] : vector<128x256xf32> to vector<256xf32>
      %broadcast_in_dim3A_844 = vector.shape_cast %reduce_sum3A_843 : vector<256xf32> to vector<1x256xf32>
      %add3A_845 = arith.addf %while3A_645, %broadcast_in_dim3A_844 : vector<1x256xf32>
      %reduce_sum3A_846 = arith.constant dense<0.000000e+00> : vector<256xf32>
      %reduce_sum3A_847 = vector.multi_reduction <add>, %mul3A_827, %reduce_sum3A_846 [0] : vector<128x256xf32> to vector<256xf32>
      %broadcast_in_dim3A_848 = vector.shape_cast %reduce_sum3A_847 : vector<256xf32> to vector<1x256xf32>
      %add3A_849 = arith.addf %while3A_646, %broadcast_in_dim3A_848 : vector<1x256xf32>
      %reduce_sum3A_850 = arith.constant dense<0.000000e+00> : vector<256xf32>
      %reduce_sum3A_851 = vector.multi_reduction <add>, %log1p3A_821, %reduce_sum3A_850 [0] : vector<128x256xf32> to vector<256xf32>
      %broadcast_in_dim3A_852 = vector.shape_cast %reduce_sum3A_851 : vector<256xf32> to vector<1x256xf32>
      %exp3A_853 = math.exp %broadcast_in_dim3A_852 : vector<1x256xf32>
      %mul3A_854 = arith.mulf %while3A_642, %exp3A_853 : vector<1x256xf32>
      %get3A_855 = arith.constant 2 : index
      %get3A_856 = arith.index_cast %while3A_636 : i32 to index
      %get3A_857 = arith.constant 0 : index
      %get3A_858 = arith.constant 0 : index
      %get3A_859 = vector.load %arg2[%get3A_855, %get3A_856, %get3A_857, %get3A_858] : memref<8x8x16x128xf32, #tpu.memory_space<vmem>>, vector<1x1x16x128xf32>
      %get3A_860 = vector.shape_cast %get3A_859 : vector<1x1x16x128xf32> to vector<16x128xf32>
      %transpose3A_861 = tpu.transpose %get3A_860, [1, 0] : vector<16x128xf32> -> vector<128x16xf32>
      %slice3A_862 = vector.extract_strided_slice %transpose3A_861 {offsets = [0, 0], sizes = [128, 1], strides = [1, 1]} : vector<128x16xf32> to vector<128x1xf32>
      %slice3A_863 = vector.extract_strided_slice %transpose3A_861 {offsets = [0, 1], sizes = [128, 1], strides = [1, 1]} : vector<128x16xf32> to vector<128x1xf32>
      %slice3A_864 = vector.extract_strided_slice %transpose3A_861 {offsets = [0, 2], sizes = [128, 1], strides = [1, 1]} : vector<128x16xf32> to vector<128x1xf32>
      %slice3A_865 = vector.extract_strided_slice %transpose3A_861 {offsets = [0, 3], sizes = [128, 1], strides = [1, 1]} : vector<128x16xf32> to vector<128x1xf32>
      %slice3A_866 = vector.extract_strided_slice %transpose3A_861 {offsets = [0, 4], sizes = [128, 1], strides = [1, 1]} : vector<128x16xf32> to vector<128x1xf32>
      %slice3A_867 = vector.extract_strided_slice %transpose3A_861 {offsets = [0, 5], sizes = [128, 1], strides = [1, 1]} : vector<128x16xf32> to vector<128x1xf32>
      %slice3A_868 = vector.extract_strided_slice %transpose3A_861 {offsets = [0, 6], sizes = [128, 1], strides = [1, 1]} : vector<128x16xf32> to vector<128x1xf32>
      %slice3A_869 = vector.extract_strided_slice %transpose3A_861 {offsets = [0, 7], sizes = [128, 1], strides = [1, 1]} : vector<128x16xf32> to vector<128x1xf32>
      %slice3A_870 = vector.extract_strided_slice %transpose3A_861 {offsets = [0, 8], sizes = [128, 1], strides = [1, 1]} : vector<128x16xf32> to vector<128x1xf32>
      %mul3A_871 = arith.constant 128 : i32
      %mul3A_872 = arith.muli %while3A_636, %mul3A_871 : i32
      %add3A_873 = vector.broadcast %mul3A_872 : i32 to vector<128x1xi32>
      %add3A_874 = arith.addi %iota3A_353, %add3A_873 : vector<128x1xi32>
      %lt3A_875 = vector.broadcast %get3A_44 : i32 to vector<128x1xi32>
      %lt3A_876 = arith.cmpi slt, %add3A_874, %lt3A_875 : vector<128x1xi32>
      %sub3A_877 = vector.broadcast %convert_element_type3A_212 : vector<1x256xf32> to vector<128x256xf32>
      %sub3A_878 = vector.broadcast %slice3A_862 : vector<128x1xf32> to vector<128x256xf32>
      %sub3A_879 = arith.subf %sub3A_877, %sub3A_878 : vector<128x256xf32>
      %sub3A_880 = vector.broadcast %convert_element_type3A : vector<1x256xf32> to vector<128x256xf32>
      %sub3A_881 = vector.broadcast %slice3A_863 : vector<128x1xf32> to vector<128x256xf32>
      %sub3A_882 = arith.subf %sub3A_880, %sub3A_881 : vector<128x256xf32>
      %mul3A_883 = arith.mulf %sub3A_879, %sub3A_879 : vector<128x256xf32>
      %mul3A_884 = vector.broadcast %slice3A_864 : vector<128x1xf32> to vector<128x256xf32>
      %mul3A_885 = arith.mulf %mul3A_883, %mul3A_884 : vector<128x256xf32>
      %mul3A_886 = arith.mulf %sub3A_882, %sub3A_882 : vector<128x256xf32>
      %mul3A_887 = vector.broadcast %slice3A_865 : vector<128x1xf32> to vector<128x256xf32>
      %mul3A_888 = arith.mulf %mul3A_886, %mul3A_887 : vector<128x256xf32>
      %add3A_889 = arith.addf %mul3A_885, %mul3A_888 : vector<128x256xf32>
      %mul3A_890 = arith.mulf %sub3A_879, %sub3A_882 : vector<128x256xf32>
      %mul3A_891 = arith.constant 2.000000e+00 : f32
      %mul3A_892 = vector.broadcast %mul3A_891 : f32 to vector<128x256xf32>
      %mul3A_893 = arith.mulf %mul3A_892, %mul3A_890 : vector<128x256xf32>
      %mul3A_894 = vector.broadcast %slice3A_866 : vector<128x1xf32> to vector<128x256xf32>
      %mul3A_895 = arith.mulf %mul3A_893, %mul3A_894 : vector<128x256xf32>
      %add3A_896 = arith.addf %add3A_889, %mul3A_895 : vector<128x256xf32>
      %mul3A_897 = arith.constant -5.000000e-01 : f32
      %mul3A_898 = vector.broadcast %mul3A_897 : f32 to vector<128x256xf32>
      %mul3A_899 = arith.mulf %mul3A_898, %add3A_896 : vector<128x256xf32>
      %exp3A_900 = math.exp %mul3A_899 : vector<128x256xf32>
      %mul3A_901 = vector.broadcast %slice3A_867 : vector<128x1xf32> to vector<128x256xf32>
      %mul3A_902 = arith.mulf %exp3A_900, %mul3A_901 : vector<128x256xf32>
      %min3A_903 = arith.constant 9.900000e-01 : f32
      %min3A_904 = vector.broadcast %min3A_903 : f32 to vector<128x256xf32>
      %min3A_905 = arith.minimumf %mul3A_902, %min3A_904 : vector<128x256xf32>
      %jit3A_906 = arith.constant 0.000000e+00 : f32
      %broadcast_in_dim3A_907 = vector.shape_cast %lt3A_876 : vector<128x1xi1> to vector<128x1xi1>
      %broadcast_in_dim3A_908 = vector.broadcast %broadcast_in_dim3A_907 : vector<128x1xi1> to vector<128x256xi1>
      %broadcast_in_dim3A_909 = vector.broadcast %jit3A_906 : f32 to vector<128x256xf32>
      %select_n3A_910 = arith.select %broadcast_in_dim3A_908, %min3A_905, %broadcast_in_dim3A_909 : vector<128x256xi1>, vector<128x256xf32>
      %neg3A_911 = arith.constant 0.000000e+00 : f32
      %neg3A_912 = vector.broadcast %neg3A_911 : f32 to vector<128x256xf32>
      %neg3A_913 = arith.subf %neg3A_912, %select_n3A_910 : vector<128x256xf32>
      %log1p3A_914 = math.log1p %neg3A_913 : vector<128x256xf32>
      %dot_general3A_915 = arith.constant dense<0.000000e+00> : vector<128x256xf32>
      %dot_general3A_916 = tpu.matmul %convert_element_type3A_352, %log1p3A_914, %dot_general3A_915 {dimension_numbers = #tpu.dot_dimension_numbers<[1], [0], [0], [1], [0, 0, 1, 1], [], []>, transpose_lhs_hint = false} : vector<128x128xf32>, vector<128x256xf32>, vector<128x256xf32> -> vector<128x256xf32>
      %exp3A_917 = math.exp %dot_general3A_916 : vector<128x256xf32>
      %mul3A_918 = vector.broadcast %while3A_647 : vector<1x256xf32> to vector<128x256xf32>
      %mul3A_919 = arith.mulf %mul3A_918, %exp3A_917 : vector<128x256xf32>
      %mul3A_920 = arith.mulf %mul3A_919, %select_n3A_910 : vector<128x256xf32>
      %mul3A_921 = vector.broadcast %slice3A_868 : vector<128x1xf32> to vector<128x256xf32>
      %mul3A_922 = arith.mulf %mul3A_920, %mul3A_921 : vector<128x256xf32>
      %reduce_sum3A_923 = arith.constant dense<0.000000e+00> : vector<256xf32>
      %reduce_sum3A_924 = vector.multi_reduction <add>, %mul3A_922, %reduce_sum3A_923 [0] : vector<128x256xf32> to vector<256xf32>
      %broadcast_in_dim3A_925 = vector.shape_cast %reduce_sum3A_924 : vector<256xf32> to vector<1x256xf32>
      %add3A_926 = arith.addf %while3A_648, %broadcast_in_dim3A_925 : vector<1x256xf32>
      %mul3A_927 = vector.broadcast %slice3A_869 : vector<128x1xf32> to vector<128x256xf32>
      %mul3A_928 = arith.mulf %mul3A_920, %mul3A_927 : vector<128x256xf32>
      %reduce_sum3A_929 = arith.constant dense<0.000000e+00> : vector<256xf32>
      %reduce_sum3A_930 = vector.multi_reduction <add>, %mul3A_928, %reduce_sum3A_929 [0] : vector<128x256xf32> to vector<256xf32>
      %broadcast_in_dim3A_931 = vector.shape_cast %reduce_sum3A_930 : vector<256xf32> to vector<1x256xf32>
      %add3A_932 = arith.addf %while3A_649, %broadcast_in_dim3A_931 : vector<1x256xf32>
      %mul3A_933 = vector.broadcast %slice3A_870 : vector<128x1xf32> to vector<128x256xf32>
      %mul3A_934 = arith.mulf %mul3A_920, %mul3A_933 : vector<128x256xf32>
      %reduce_sum3A_935 = arith.constant dense<0.000000e+00> : vector<256xf32>
      %reduce_sum3A_936 = vector.multi_reduction <add>, %mul3A_934, %reduce_sum3A_935 [0] : vector<128x256xf32> to vector<256xf32>
      %broadcast_in_dim3A_937 = vector.shape_cast %reduce_sum3A_936 : vector<256xf32> to vector<1x256xf32>
      %add3A_938 = arith.addf %while3A_650, %broadcast_in_dim3A_937 : vector<1x256xf32>
      %reduce_sum3A_939 = arith.constant dense<0.000000e+00> : vector<256xf32>
      %reduce_sum3A_940 = vector.multi_reduction <add>, %mul3A_920, %reduce_sum3A_939 [0] : vector<128x256xf32> to vector<256xf32>
      %broadcast_in_dim3A_941 = vector.shape_cast %reduce_sum3A_940 : vector<256xf32> to vector<1x256xf32>
      %add3A_942 = arith.addf %while3A_651, %broadcast_in_dim3A_941 : vector<1x256xf32>
      %reduce_sum3A_943 = arith.constant dense<0.000000e+00> : vector<256xf32>
      %reduce_sum3A_944 = vector.multi_reduction <add>, %log1p3A_914, %reduce_sum3A_943 [0] : vector<128x256xf32> to vector<256xf32>
      %broadcast_in_dim3A_945 = vector.shape_cast %reduce_sum3A_944 : vector<256xf32> to vector<1x256xf32>
      %exp3A_946 = math.exp %broadcast_in_dim3A_945 : vector<1x256xf32>
      %mul3A_947 = arith.mulf %while3A_647, %exp3A_946 : vector<1x256xf32>
      %get3A_948 = arith.constant 3 : index
      %get3A_949 = arith.index_cast %while3A_636 : i32 to index
      %get3A_950 = arith.constant 0 : index
      %get3A_951 = arith.constant 0 : index
      %get3A_952 = vector.load %arg2[%get3A_948, %get3A_949, %get3A_950, %get3A_951] : memref<8x8x16x128xf32, #tpu.memory_space<vmem>>, vector<1x1x16x128xf32>
      %get3A_953 = vector.shape_cast %get3A_952 : vector<1x1x16x128xf32> to vector<16x128xf32>
      %transpose3A_954 = tpu.transpose %get3A_953, [1, 0] : vector<16x128xf32> -> vector<128x16xf32>
      %slice3A_955 = vector.extract_strided_slice %transpose3A_954 {offsets = [0, 0], sizes = [128, 1], strides = [1, 1]} : vector<128x16xf32> to vector<128x1xf32>
      %slice3A_956 = vector.extract_strided_slice %transpose3A_954 {offsets = [0, 1], sizes = [128, 1], strides = [1, 1]} : vector<128x16xf32> to vector<128x1xf32>
      %slice3A_957 = vector.extract_strided_slice %transpose3A_954 {offsets = [0, 2], sizes = [128, 1], strides = [1, 1]} : vector<128x16xf32> to vector<128x1xf32>
      %slice3A_958 = vector.extract_strided_slice %transpose3A_954 {offsets = [0, 3], sizes = [128, 1], strides = [1, 1]} : vector<128x16xf32> to vector<128x1xf32>
      %slice3A_959 = vector.extract_strided_slice %transpose3A_954 {offsets = [0, 4], sizes = [128, 1], strides = [1, 1]} : vector<128x16xf32> to vector<128x1xf32>
      %slice3A_960 = vector.extract_strided_slice %transpose3A_954 {offsets = [0, 5], sizes = [128, 1], strides = [1, 1]} : vector<128x16xf32> to vector<128x1xf32>
      %slice3A_961 = vector.extract_strided_slice %transpose3A_954 {offsets = [0, 6], sizes = [128, 1], strides = [1, 1]} : vector<128x16xf32> to vector<128x1xf32>
      %slice3A_962 = vector.extract_strided_slice %transpose3A_954 {offsets = [0, 7], sizes = [128, 1], strides = [1, 1]} : vector<128x16xf32> to vector<128x1xf32>
      %slice3A_963 = vector.extract_strided_slice %transpose3A_954 {offsets = [0, 8], sizes = [128, 1], strides = [1, 1]} : vector<128x16xf32> to vector<128x1xf32>
      %mul3A_964 = arith.constant 128 : i32
      %mul3A_965 = arith.muli %while3A_636, %mul3A_964 : i32
      %add3A_966 = vector.broadcast %mul3A_965 : i32 to vector<128x1xi32>
      %add3A_967 = arith.addi %iota3A_353, %add3A_966 : vector<128x1xi32>
      %lt3A_968 = vector.broadcast %get3A_48 : i32 to vector<128x1xi32>
      %lt3A_969 = arith.cmpi slt, %add3A_967, %lt3A_968 : vector<128x1xi32>
      %sub3A_970 = vector.broadcast %convert_element_type3A_239 : vector<1x256xf32> to vector<128x256xf32>
      %sub3A_971 = vector.broadcast %slice3A_955 : vector<128x1xf32> to vector<128x256xf32>
      %sub3A_972 = arith.subf %sub3A_970, %sub3A_971 : vector<128x256xf32>
      %sub3A_973 = vector.broadcast %convert_element_type3A : vector<1x256xf32> to vector<128x256xf32>
      %sub3A_974 = vector.broadcast %slice3A_956 : vector<128x1xf32> to vector<128x256xf32>
      %sub3A_975 = arith.subf %sub3A_973, %sub3A_974 : vector<128x256xf32>
      %mul3A_976 = arith.mulf %sub3A_972, %sub3A_972 : vector<128x256xf32>
      %mul3A_977 = vector.broadcast %slice3A_957 : vector<128x1xf32> to vector<128x256xf32>
      %mul3A_978 = arith.mulf %mul3A_976, %mul3A_977 : vector<128x256xf32>
      %mul3A_979 = arith.mulf %sub3A_975, %sub3A_975 : vector<128x256xf32>
      %mul3A_980 = vector.broadcast %slice3A_958 : vector<128x1xf32> to vector<128x256xf32>
      %mul3A_981 = arith.mulf %mul3A_979, %mul3A_980 : vector<128x256xf32>
      %add3A_982 = arith.addf %mul3A_978, %mul3A_981 : vector<128x256xf32>
      %mul3A_983 = arith.mulf %sub3A_972, %sub3A_975 : vector<128x256xf32>
      %mul3A_984 = arith.constant 2.000000e+00 : f32
      %mul3A_985 = vector.broadcast %mul3A_984 : f32 to vector<128x256xf32>
      %mul3A_986 = arith.mulf %mul3A_985, %mul3A_983 : vector<128x256xf32>
      %mul3A_987 = vector.broadcast %slice3A_959 : vector<128x1xf32> to vector<128x256xf32>
      %mul3A_988 = arith.mulf %mul3A_986, %mul3A_987 : vector<128x256xf32>
      %add3A_989 = arith.addf %add3A_982, %mul3A_988 : vector<128x256xf32>
      %mul3A_990 = arith.constant -5.000000e-01 : f32
      %mul3A_991 = vector.broadcast %mul3A_990 : f32 to vector<128x256xf32>
      %mul3A_992 = arith.mulf %mul3A_991, %add3A_989 : vector<128x256xf32>
      %exp3A_993 = math.exp %mul3A_992 : vector<128x256xf32>
      %mul3A_994 = vector.broadcast %slice3A_960 : vector<128x1xf32> to vector<128x256xf32>
      %mul3A_995 = arith.mulf %exp3A_993, %mul3A_994 : vector<128x256xf32>
      %min3A_996 = arith.constant 9.900000e-01 : f32
      %min3A_997 = vector.broadcast %min3A_996 : f32 to vector<128x256xf32>
      %min3A_998 = arith.minimumf %mul3A_995, %min3A_997 : vector<128x256xf32>
      %jit3A_999 = arith.constant 0.000000e+00 : f32
      %broadcast_in_dim3A_1000 = vector.shape_cast %lt3A_969 : vector<128x1xi1> to vector<128x1xi1>
      %broadcast_in_dim3A_1001 = vector.broadcast %broadcast_in_dim3A_1000 : vector<128x1xi1> to vector<128x256xi1>
      %broadcast_in_dim3A_1002 = vector.broadcast %jit3A_999 : f32 to vector<128x256xf32>
      %select_n3A_1003 = arith.select %broadcast_in_dim3A_1001, %min3A_998, %broadcast_in_dim3A_1002 : vector<128x256xi1>, vector<128x256xf32>
      %neg3A_1004 = arith.constant 0.000000e+00 : f32
      %neg3A_1005 = vector.broadcast %neg3A_1004 : f32 to vector<128x256xf32>
      %neg3A_1006 = arith.subf %neg3A_1005, %select_n3A_1003 : vector<128x256xf32>
      %log1p3A_1007 = math.log1p %neg3A_1006 : vector<128x256xf32>
      %dot_general3A_1008 = arith.constant dense<0.000000e+00> : vector<128x256xf32>
      %dot_general3A_1009 = tpu.matmul %convert_element_type3A_352, %log1p3A_1007, %dot_general3A_1008 {dimension_numbers = #tpu.dot_dimension_numbers<[1], [0], [0], [1], [0, 0, 1, 1], [], []>, transpose_lhs_hint = false} : vector<128x128xf32>, vector<128x256xf32>, vector<128x256xf32> -> vector<128x256xf32>
      %exp3A_1010 = math.exp %dot_general3A_1009 : vector<128x256xf32>
      %mul3A_1011 = vector.broadcast %while3A_652 : vector<1x256xf32> to vector<128x256xf32>
      %mul3A_1012 = arith.mulf %mul3A_1011, %exp3A_1010 : vector<128x256xf32>
      %mul3A_1013 = arith.mulf %mul3A_1012, %select_n3A_1003 : vector<128x256xf32>
      %mul3A_1014 = vector.broadcast %slice3A_961 : vector<128x1xf32> to vector<128x256xf32>
      %mul3A_1015 = arith.mulf %mul3A_1013, %mul3A_1014 : vector<128x256xf32>
      %reduce_sum3A_1016 = arith.constant dense<0.000000e+00> : vector<256xf32>
      %reduce_sum3A_1017 = vector.multi_reduction <add>, %mul3A_1015, %reduce_sum3A_1016 [0] : vector<128x256xf32> to vector<256xf32>
      %broadcast_in_dim3A_1018 = vector.shape_cast %reduce_sum3A_1017 : vector<256xf32> to vector<1x256xf32>
      %add3A_1019 = arith.addf %while3A_653, %broadcast_in_dim3A_1018 : vector<1x256xf32>
      %mul3A_1020 = vector.broadcast %slice3A_962 : vector<128x1xf32> to vector<128x256xf32>
      %mul3A_1021 = arith.mulf %mul3A_1013, %mul3A_1020 : vector<128x256xf32>
      %reduce_sum3A_1022 = arith.constant dense<0.000000e+00> : vector<256xf32>
      %reduce_sum3A_1023 = vector.multi_reduction <add>, %mul3A_1021, %reduce_sum3A_1022 [0] : vector<128x256xf32> to vector<256xf32>
      %broadcast_in_dim3A_1024 = vector.shape_cast %reduce_sum3A_1023 : vector<256xf32> to vector<1x256xf32>
      %add3A_1025 = arith.addf %while3A_654, %broadcast_in_dim3A_1024 : vector<1x256xf32>
      %mul3A_1026 = vector.broadcast %slice3A_963 : vector<128x1xf32> to vector<128x256xf32>
      %mul3A_1027 = arith.mulf %mul3A_1013, %mul3A_1026 : vector<128x256xf32>
      %reduce_sum3A_1028 = arith.constant dense<0.000000e+00> : vector<256xf32>
      %reduce_sum3A_1029 = vector.multi_reduction <add>, %mul3A_1027, %reduce_sum3A_1028 [0] : vector<128x256xf32> to vector<256xf32>
      %broadcast_in_dim3A_1030 = vector.shape_cast %reduce_sum3A_1029 : vector<256xf32> to vector<1x256xf32>
      %add3A_1031 = arith.addf %while3A_655, %broadcast_in_dim3A_1030 : vector<1x256xf32>
      %reduce_sum3A_1032 = arith.constant dense<0.000000e+00> : vector<256xf32>
      %reduce_sum3A_1033 = vector.multi_reduction <add>, %mul3A_1013, %reduce_sum3A_1032 [0] : vector<128x256xf32> to vector<256xf32>
      %broadcast_in_dim3A_1034 = vector.shape_cast %reduce_sum3A_1033 : vector<256xf32> to vector<1x256xf32>
      %add3A_1035 = arith.addf %while3A_656, %broadcast_in_dim3A_1034 : vector<1x256xf32>
      %reduce_sum3A_1036 = arith.constant dense<0.000000e+00> : vector<256xf32>
      %reduce_sum3A_1037 = vector.multi_reduction <add>, %log1p3A_1007, %reduce_sum3A_1036 [0] : vector<128x256xf32> to vector<256xf32>
      %broadcast_in_dim3A_1038 = vector.shape_cast %reduce_sum3A_1037 : vector<256xf32> to vector<1x256xf32>
      %exp3A_1039 = math.exp %broadcast_in_dim3A_1038 : vector<1x256xf32>
      %mul3A_1040 = arith.mulf %while3A_652, %exp3A_1039 : vector<1x256xf32>
      %get3A_1041 = arith.constant 4 : index
      %get3A_1042 = arith.index_cast %while3A_636 : i32 to index
      %get3A_1043 = arith.constant 0 : index
      %get3A_1044 = arith.constant 0 : index
      %get3A_1045 = vector.load %arg2[%get3A_1041, %get3A_1042, %get3A_1043, %get3A_1044] : memref<8x8x16x128xf32, #tpu.memory_space<vmem>>, vector<1x1x16x128xf32>
      %get3A_1046 = vector.shape_cast %get3A_1045 : vector<1x1x16x128xf32> to vector<16x128xf32>
      %transpose3A_1047 = tpu.transpose %get3A_1046, [1, 0] : vector<16x128xf32> -> vector<128x16xf32>
      %slice3A_1048 = vector.extract_strided_slice %transpose3A_1047 {offsets = [0, 0], sizes = [128, 1], strides = [1, 1]} : vector<128x16xf32> to vector<128x1xf32>
      %slice3A_1049 = vector.extract_strided_slice %transpose3A_1047 {offsets = [0, 1], sizes = [128, 1], strides = [1, 1]} : vector<128x16xf32> to vector<128x1xf32>
      %slice3A_1050 = vector.extract_strided_slice %transpose3A_1047 {offsets = [0, 2], sizes = [128, 1], strides = [1, 1]} : vector<128x16xf32> to vector<128x1xf32>
      %slice3A_1051 = vector.extract_strided_slice %transpose3A_1047 {offsets = [0, 3], sizes = [128, 1], strides = [1, 1]} : vector<128x16xf32> to vector<128x1xf32>
      %slice3A_1052 = vector.extract_strided_slice %transpose3A_1047 {offsets = [0, 4], sizes = [128, 1], strides = [1, 1]} : vector<128x16xf32> to vector<128x1xf32>
      %slice3A_1053 = vector.extract_strided_slice %transpose3A_1047 {offsets = [0, 5], sizes = [128, 1], strides = [1, 1]} : vector<128x16xf32> to vector<128x1xf32>
      %slice3A_1054 = vector.extract_strided_slice %transpose3A_1047 {offsets = [0, 6], sizes = [128, 1], strides = [1, 1]} : vector<128x16xf32> to vector<128x1xf32>
      %slice3A_1055 = vector.extract_strided_slice %transpose3A_1047 {offsets = [0, 7], sizes = [128, 1], strides = [1, 1]} : vector<128x16xf32> to vector<128x1xf32>
      %slice3A_1056 = vector.extract_strided_slice %transpose3A_1047 {offsets = [0, 8], sizes = [128, 1], strides = [1, 1]} : vector<128x16xf32> to vector<128x1xf32>
      %mul3A_1057 = arith.constant 128 : i32
      %mul3A_1058 = arith.muli %while3A_636, %mul3A_1057 : i32
      %add3A_1059 = vector.broadcast %mul3A_1058 : i32 to vector<128x1xi32>
      %add3A_1060 = arith.addi %iota3A_353, %add3A_1059 : vector<128x1xi32>
      %lt3A_1061 = vector.broadcast %get3A_52 : i32 to vector<128x1xi32>
      %lt3A_1062 = arith.cmpi slt, %add3A_1060, %lt3A_1061 : vector<128x1xi32>
      %sub3A_1063 = vector.broadcast %convert_element_type3A_266 : vector<1x256xf32> to vector<128x256xf32>
      %sub3A_1064 = vector.broadcast %slice3A_1048 : vector<128x1xf32> to vector<128x256xf32>
      %sub3A_1065 = arith.subf %sub3A_1063, %sub3A_1064 : vector<128x256xf32>
      %sub3A_1066 = vector.broadcast %convert_element_type3A : vector<1x256xf32> to vector<128x256xf32>
      %sub3A_1067 = vector.broadcast %slice3A_1049 : vector<128x1xf32> to vector<128x256xf32>
      %sub3A_1068 = arith.subf %sub3A_1066, %sub3A_1067 : vector<128x256xf32>
      %mul3A_1069 = arith.mulf %sub3A_1065, %sub3A_1065 : vector<128x256xf32>
      %mul3A_1070 = vector.broadcast %slice3A_1050 : vector<128x1xf32> to vector<128x256xf32>
      %mul3A_1071 = arith.mulf %mul3A_1069, %mul3A_1070 : vector<128x256xf32>
      %mul3A_1072 = arith.mulf %sub3A_1068, %sub3A_1068 : vector<128x256xf32>
      %mul3A_1073 = vector.broadcast %slice3A_1051 : vector<128x1xf32> to vector<128x256xf32>
      %mul3A_1074 = arith.mulf %mul3A_1072, %mul3A_1073 : vector<128x256xf32>
      %add3A_1075 = arith.addf %mul3A_1071, %mul3A_1074 : vector<128x256xf32>
      %mul3A_1076 = arith.mulf %sub3A_1065, %sub3A_1068 : vector<128x256xf32>
      %mul3A_1077 = arith.constant 2.000000e+00 : f32
      %mul3A_1078 = vector.broadcast %mul3A_1077 : f32 to vector<128x256xf32>
      %mul3A_1079 = arith.mulf %mul3A_1078, %mul3A_1076 : vector<128x256xf32>
      %mul3A_1080 = vector.broadcast %slice3A_1052 : vector<128x1xf32> to vector<128x256xf32>
      %mul3A_1081 = arith.mulf %mul3A_1079, %mul3A_1080 : vector<128x256xf32>
      %add3A_1082 = arith.addf %add3A_1075, %mul3A_1081 : vector<128x256xf32>
      %mul3A_1083 = arith.constant -5.000000e-01 : f32
      %mul3A_1084 = vector.broadcast %mul3A_1083 : f32 to vector<128x256xf32>
      %mul3A_1085 = arith.mulf %mul3A_1084, %add3A_1082 : vector<128x256xf32>
      %exp3A_1086 = math.exp %mul3A_1085 : vector<128x256xf32>
      %mul3A_1087 = vector.broadcast %slice3A_1053 : vector<128x1xf32> to vector<128x256xf32>
      %mul3A_1088 = arith.mulf %exp3A_1086, %mul3A_1087 : vector<128x256xf32>
      %min3A_1089 = arith.constant 9.900000e-01 : f32
      %min3A_1090 = vector.broadcast %min3A_1089 : f32 to vector<128x256xf32>
      %min3A_1091 = arith.minimumf %mul3A_1088, %min3A_1090 : vector<128x256xf32>
      %jit3A_1092 = arith.constant 0.000000e+00 : f32
      %broadcast_in_dim3A_1093 = vector.shape_cast %lt3A_1062 : vector<128x1xi1> to vector<128x1xi1>
      %broadcast_in_dim3A_1094 = vector.broadcast %broadcast_in_dim3A_1093 : vector<128x1xi1> to vector<128x256xi1>
      %broadcast_in_dim3A_1095 = vector.broadcast %jit3A_1092 : f32 to vector<128x256xf32>
      %select_n3A_1096 = arith.select %broadcast_in_dim3A_1094, %min3A_1091, %broadcast_in_dim3A_1095 : vector<128x256xi1>, vector<128x256xf32>
      %neg3A_1097 = arith.constant 0.000000e+00 : f32
      %neg3A_1098 = vector.broadcast %neg3A_1097 : f32 to vector<128x256xf32>
      %neg3A_1099 = arith.subf %neg3A_1098, %select_n3A_1096 : vector<128x256xf32>
      %log1p3A_1100 = math.log1p %neg3A_1099 : vector<128x256xf32>
      %dot_general3A_1101 = arith.constant dense<0.000000e+00> : vector<128x256xf32>
      %dot_general3A_1102 = tpu.matmul %convert_element_type3A_352, %log1p3A_1100, %dot_general3A_1101 {dimension_numbers = #tpu.dot_dimension_numbers<[1], [0], [0], [1], [0, 0, 1, 1], [], []>, transpose_lhs_hint = false} : vector<128x128xf32>, vector<128x256xf32>, vector<128x256xf32> -> vector<128x256xf32>
      %exp3A_1103 = math.exp %dot_general3A_1102 : vector<128x256xf32>
      %mul3A_1104 = vector.broadcast %while3A_657 : vector<1x256xf32> to vector<128x256xf32>
      %mul3A_1105 = arith.mulf %mul3A_1104, %exp3A_1103 : vector<128x256xf32>
      %mul3A_1106 = arith.mulf %mul3A_1105, %select_n3A_1096 : vector<128x256xf32>
      %mul3A_1107 = vector.broadcast %slice3A_1054 : vector<128x1xf32> to vector<128x256xf32>
      %mul3A_1108 = arith.mulf %mul3A_1106, %mul3A_1107 : vector<128x256xf32>
      %reduce_sum3A_1109 = arith.constant dense<0.000000e+00> : vector<256xf32>
      %reduce_sum3A_1110 = vector.multi_reduction <add>, %mul3A_1108, %reduce_sum3A_1109 [0] : vector<128x256xf32> to vector<256xf32>
      %broadcast_in_dim3A_1111 = vector.shape_cast %reduce_sum3A_1110 : vector<256xf32> to vector<1x256xf32>
      %add3A_1112 = arith.addf %while3A_658, %broadcast_in_dim3A_1111 : vector<1x256xf32>
      %mul3A_1113 = vector.broadcast %slice3A_1055 : vector<128x1xf32> to vector<128x256xf32>
      %mul3A_1114 = arith.mulf %mul3A_1106, %mul3A_1113 : vector<128x256xf32>
      %reduce_sum3A_1115 = arith.constant dense<0.000000e+00> : vector<256xf32>
      %reduce_sum3A_1116 = vector.multi_reduction <add>, %mul3A_1114, %reduce_sum3A_1115 [0] : vector<128x256xf32> to vector<256xf32>
      %broadcast_in_dim3A_1117 = vector.shape_cast %reduce_sum3A_1116 : vector<256xf32> to vector<1x256xf32>
      %add3A_1118 = arith.addf %while3A_659, %broadcast_in_dim3A_1117 : vector<1x256xf32>
      %mul3A_1119 = vector.broadcast %slice3A_1056 : vector<128x1xf32> to vector<128x256xf32>
      %mul3A_1120 = arith.mulf %mul3A_1106, %mul3A_1119 : vector<128x256xf32>
      %reduce_sum3A_1121 = arith.constant dense<0.000000e+00> : vector<256xf32>
      %reduce_sum3A_1122 = vector.multi_reduction <add>, %mul3A_1120, %reduce_sum3A_1121 [0] : vector<128x256xf32> to vector<256xf32>
      %broadcast_in_dim3A_1123 = vector.shape_cast %reduce_sum3A_1122 : vector<256xf32> to vector<1x256xf32>
      %add3A_1124 = arith.addf %while3A_660, %broadcast_in_dim3A_1123 : vector<1x256xf32>
      %reduce_sum3A_1125 = arith.constant dense<0.000000e+00> : vector<256xf32>
      %reduce_sum3A_1126 = vector.multi_reduction <add>, %mul3A_1106, %reduce_sum3A_1125 [0] : vector<128x256xf32> to vector<256xf32>
      %broadcast_in_dim3A_1127 = vector.shape_cast %reduce_sum3A_1126 : vector<256xf32> to vector<1x256xf32>
      %add3A_1128 = arith.addf %while3A_661, %broadcast_in_dim3A_1127 : vector<1x256xf32>
      %reduce_sum3A_1129 = arith.constant dense<0.000000e+00> : vector<256xf32>
      %reduce_sum3A_1130 = vector.multi_reduction <add>, %log1p3A_1100, %reduce_sum3A_1129 [0] : vector<128x256xf32> to vector<256xf32>
      %broadcast_in_dim3A_1131 = vector.shape_cast %reduce_sum3A_1130 : vector<256xf32> to vector<1x256xf32>
      %exp3A_1132 = math.exp %broadcast_in_dim3A_1131 : vector<1x256xf32>
      %mul3A_1133 = arith.mulf %while3A_657, %exp3A_1132 : vector<1x256xf32>
      %get3A_1134 = arith.constant 5 : index
      %get3A_1135 = arith.index_cast %while3A_636 : i32 to index
      %get3A_1136 = arith.constant 0 : index
      %get3A_1137 = arith.constant 0 : index
      %get3A_1138 = vector.load %arg2[%get3A_1134, %get3A_1135, %get3A_1136, %get3A_1137] : memref<8x8x16x128xf32, #tpu.memory_space<vmem>>, vector<1x1x16x128xf32>
      %get3A_1139 = vector.shape_cast %get3A_1138 : vector<1x1x16x128xf32> to vector<16x128xf32>
      %transpose3A_1140 = tpu.transpose %get3A_1139, [1, 0] : vector<16x128xf32> -> vector<128x16xf32>
      %slice3A_1141 = vector.extract_strided_slice %transpose3A_1140 {offsets = [0, 0], sizes = [128, 1], strides = [1, 1]} : vector<128x16xf32> to vector<128x1xf32>
      %slice3A_1142 = vector.extract_strided_slice %transpose3A_1140 {offsets = [0, 1], sizes = [128, 1], strides = [1, 1]} : vector<128x16xf32> to vector<128x1xf32>
      %slice3A_1143 = vector.extract_strided_slice %transpose3A_1140 {offsets = [0, 2], sizes = [128, 1], strides = [1, 1]} : vector<128x16xf32> to vector<128x1xf32>
      %slice3A_1144 = vector.extract_strided_slice %transpose3A_1140 {offsets = [0, 3], sizes = [128, 1], strides = [1, 1]} : vector<128x16xf32> to vector<128x1xf32>
      %slice3A_1145 = vector.extract_strided_slice %transpose3A_1140 {offsets = [0, 4], sizes = [128, 1], strides = [1, 1]} : vector<128x16xf32> to vector<128x1xf32>
      %slice3A_1146 = vector.extract_strided_slice %transpose3A_1140 {offsets = [0, 5], sizes = [128, 1], strides = [1, 1]} : vector<128x16xf32> to vector<128x1xf32>
      %slice3A_1147 = vector.extract_strided_slice %transpose3A_1140 {offsets = [0, 6], sizes = [128, 1], strides = [1, 1]} : vector<128x16xf32> to vector<128x1xf32>
      %slice3A_1148 = vector.extract_strided_slice %transpose3A_1140 {offsets = [0, 7], sizes = [128, 1], strides = [1, 1]} : vector<128x16xf32> to vector<128x1xf32>
      %slice3A_1149 = vector.extract_strided_slice %transpose3A_1140 {offsets = [0, 8], sizes = [128, 1], strides = [1, 1]} : vector<128x16xf32> to vector<128x1xf32>
      %mul3A_1150 = arith.constant 128 : i32
      %mul3A_1151 = arith.muli %while3A_636, %mul3A_1150 : i32
      %add3A_1152 = vector.broadcast %mul3A_1151 : i32 to vector<128x1xi32>
      %add3A_1153 = arith.addi %iota3A_353, %add3A_1152 : vector<128x1xi32>
      %lt3A_1154 = vector.broadcast %get3A_56 : i32 to vector<128x1xi32>
      %lt3A_1155 = arith.cmpi slt, %add3A_1153, %lt3A_1154 : vector<128x1xi32>
      %sub3A_1156 = vector.broadcast %convert_element_type3A_293 : vector<1x256xf32> to vector<128x256xf32>
      %sub3A_1157 = vector.broadcast %slice3A_1141 : vector<128x1xf32> to vector<128x256xf32>
      %sub3A_1158 = arith.subf %sub3A_1156, %sub3A_1157 : vector<128x256xf32>
      %sub3A_1159 = vector.broadcast %convert_element_type3A : vector<1x256xf32> to vector<128x256xf32>
      %sub3A_1160 = vector.broadcast %slice3A_1142 : vector<128x1xf32> to vector<128x256xf32>
      %sub3A_1161 = arith.subf %sub3A_1159, %sub3A_1160 : vector<128x256xf32>
      %mul3A_1162 = arith.mulf %sub3A_1158, %sub3A_1158 : vector<128x256xf32>
      %mul3A_1163 = vector.broadcast %slice3A_1143 : vector<128x1xf32> to vector<128x256xf32>
      %mul3A_1164 = arith.mulf %mul3A_1162, %mul3A_1163 : vector<128x256xf32>
      %mul3A_1165 = arith.mulf %sub3A_1161, %sub3A_1161 : vector<128x256xf32>
      %mul3A_1166 = vector.broadcast %slice3A_1144 : vector<128x1xf32> to vector<128x256xf32>
      %mul3A_1167 = arith.mulf %mul3A_1165, %mul3A_1166 : vector<128x256xf32>
      %add3A_1168 = arith.addf %mul3A_1164, %mul3A_1167 : vector<128x256xf32>
      %mul3A_1169 = arith.mulf %sub3A_1158, %sub3A_1161 : vector<128x256xf32>
      %mul3A_1170 = arith.constant 2.000000e+00 : f32
      %mul3A_1171 = vector.broadcast %mul3A_1170 : f32 to vector<128x256xf32>
      %mul3A_1172 = arith.mulf %mul3A_1171, %mul3A_1169 : vector<128x256xf32>
      %mul3A_1173 = vector.broadcast %slice3A_1145 : vector<128x1xf32> to vector<128x256xf32>
      %mul3A_1174 = arith.mulf %mul3A_1172, %mul3A_1173 : vector<128x256xf32>
      %add3A_1175 = arith.addf %add3A_1168, %mul3A_1174 : vector<128x256xf32>
      %mul3A_1176 = arith.constant -5.000000e-01 : f32
      %mul3A_1177 = vector.broadcast %mul3A_1176 : f32 to vector<128x256xf32>
      %mul3A_1178 = arith.mulf %mul3A_1177, %add3A_1175 : vector<128x256xf32>
      %exp3A_1179 = math.exp %mul3A_1178 : vector<128x256xf32>
      %mul3A_1180 = vector.broadcast %slice3A_1146 : vector<128x1xf32> to vector<128x256xf32>
      %mul3A_1181 = arith.mulf %exp3A_1179, %mul3A_1180 : vector<128x256xf32>
      %min3A_1182 = arith.constant 9.900000e-01 : f32
      %min3A_1183 = vector.broadcast %min3A_1182 : f32 to vector<128x256xf32>
      %min3A_1184 = arith.minimumf %mul3A_1181, %min3A_1183 : vector<128x256xf32>
      %jit3A_1185 = arith.constant 0.000000e+00 : f32
      %broadcast_in_dim3A_1186 = vector.shape_cast %lt3A_1155 : vector<128x1xi1> to vector<128x1xi1>
      %broadcast_in_dim3A_1187 = vector.broadcast %broadcast_in_dim3A_1186 : vector<128x1xi1> to vector<128x256xi1>
      %broadcast_in_dim3A_1188 = vector.broadcast %jit3A_1185 : f32 to vector<128x256xf32>
      %select_n3A_1189 = arith.select %broadcast_in_dim3A_1187, %min3A_1184, %broadcast_in_dim3A_1188 : vector<128x256xi1>, vector<128x256xf32>
      %neg3A_1190 = arith.constant 0.000000e+00 : f32
      %neg3A_1191 = vector.broadcast %neg3A_1190 : f32 to vector<128x256xf32>
      %neg3A_1192 = arith.subf %neg3A_1191, %select_n3A_1189 : vector<128x256xf32>
      %log1p3A_1193 = math.log1p %neg3A_1192 : vector<128x256xf32>
      %dot_general3A_1194 = arith.constant dense<0.000000e+00> : vector<128x256xf32>
      %dot_general3A_1195 = tpu.matmul %convert_element_type3A_352, %log1p3A_1193, %dot_general3A_1194 {dimension_numbers = #tpu.dot_dimension_numbers<[1], [0], [0], [1], [0, 0, 1, 1], [], []>, transpose_lhs_hint = false} : vector<128x128xf32>, vector<128x256xf32>, vector<128x256xf32> -> vector<128x256xf32>
      %exp3A_1196 = math.exp %dot_general3A_1195 : vector<128x256xf32>
      %mul3A_1197 = vector.broadcast %while3A_662 : vector<1x256xf32> to vector<128x256xf32>
      %mul3A_1198 = arith.mulf %mul3A_1197, %exp3A_1196 : vector<128x256xf32>
      %mul3A_1199 = arith.mulf %mul3A_1198, %select_n3A_1189 : vector<128x256xf32>
      %mul3A_1200 = vector.broadcast %slice3A_1147 : vector<128x1xf32> to vector<128x256xf32>
      %mul3A_1201 = arith.mulf %mul3A_1199, %mul3A_1200 : vector<128x256xf32>
      %reduce_sum3A_1202 = arith.constant dense<0.000000e+00> : vector<256xf32>
      %reduce_sum3A_1203 = vector.multi_reduction <add>, %mul3A_1201, %reduce_sum3A_1202 [0] : vector<128x256xf32> to vector<256xf32>
      %broadcast_in_dim3A_1204 = vector.shape_cast %reduce_sum3A_1203 : vector<256xf32> to vector<1x256xf32>
      %add3A_1205 = arith.addf %while3A_663, %broadcast_in_dim3A_1204 : vector<1x256xf32>
      %mul3A_1206 = vector.broadcast %slice3A_1148 : vector<128x1xf32> to vector<128x256xf32>
      %mul3A_1207 = arith.mulf %mul3A_1199, %mul3A_1206 : vector<128x256xf32>
      %reduce_sum3A_1208 = arith.constant dense<0.000000e+00> : vector<256xf32>
      %reduce_sum3A_1209 = vector.multi_reduction <add>, %mul3A_1207, %reduce_sum3A_1208 [0] : vector<128x256xf32> to vector<256xf32>
      %broadcast_in_dim3A_1210 = vector.shape_cast %reduce_sum3A_1209 : vector<256xf32> to vector<1x256xf32>
      %add3A_1211 = arith.addf %while3A_664, %broadcast_in_dim3A_1210 : vector<1x256xf32>
      %mul3A_1212 = vector.broadcast %slice3A_1149 : vector<128x1xf32> to vector<128x256xf32>
      %mul3A_1213 = arith.mulf %mul3A_1199, %mul3A_1212 : vector<128x256xf32>
      %reduce_sum3A_1214 = arith.constant dense<0.000000e+00> : vector<256xf32>
      %reduce_sum3A_1215 = vector.multi_reduction <add>, %mul3A_1213, %reduce_sum3A_1214 [0] : vector<128x256xf32> to vector<256xf32>
      %broadcast_in_dim3A_1216 = vector.shape_cast %reduce_sum3A_1215 : vector<256xf32> to vector<1x256xf32>
      %add3A_1217 = arith.addf %while3A_665, %broadcast_in_dim3A_1216 : vector<1x256xf32>
      %reduce_sum3A_1218 = arith.constant dense<0.000000e+00> : vector<256xf32>
      %reduce_sum3A_1219 = vector.multi_reduction <add>, %mul3A_1199, %reduce_sum3A_1218 [0] : vector<128x256xf32> to vector<256xf32>
      %broadcast_in_dim3A_1220 = vector.shape_cast %reduce_sum3A_1219 : vector<256xf32> to vector<1x256xf32>
      %add3A_1221 = arith.addf %while3A_666, %broadcast_in_dim3A_1220 : vector<1x256xf32>
      %reduce_sum3A_1222 = arith.constant dense<0.000000e+00> : vector<256xf32>
      %reduce_sum3A_1223 = vector.multi_reduction <add>, %log1p3A_1193, %reduce_sum3A_1222 [0] : vector<128x256xf32> to vector<256xf32>
      %broadcast_in_dim3A_1224 = vector.shape_cast %reduce_sum3A_1223 : vector<256xf32> to vector<1x256xf32>
      %exp3A_1225 = math.exp %broadcast_in_dim3A_1224 : vector<1x256xf32>
      %mul3A_1226 = arith.mulf %while3A_662, %exp3A_1225 : vector<1x256xf32>
      %get3A_1227 = arith.constant 6 : index
      %get3A_1228 = arith.index_cast %while3A_636 : i32 to index
      %get3A_1229 = arith.constant 0 : index
      %get3A_1230 = arith.constant 0 : index
      %get3A_1231 = vector.load %arg2[%get3A_1227, %get3A_1228, %get3A_1229, %get3A_1230] : memref<8x8x16x128xf32, #tpu.memory_space<vmem>>, vector<1x1x16x128xf32>
      %get3A_1232 = vector.shape_cast %get3A_1231 : vector<1x1x16x128xf32> to vector<16x128xf32>
      %transpose3A_1233 = tpu.transpose %get3A_1232, [1, 0] : vector<16x128xf32> -> vector<128x16xf32>
      %slice3A_1234 = vector.extract_strided_slice %transpose3A_1233 {offsets = [0, 0], sizes = [128, 1], strides = [1, 1]} : vector<128x16xf32> to vector<128x1xf32>
      %slice3A_1235 = vector.extract_strided_slice %transpose3A_1233 {offsets = [0, 1], sizes = [128, 1], strides = [1, 1]} : vector<128x16xf32> to vector<128x1xf32>
      %slice3A_1236 = vector.extract_strided_slice %transpose3A_1233 {offsets = [0, 2], sizes = [128, 1], strides = [1, 1]} : vector<128x16xf32> to vector<128x1xf32>
      %slice3A_1237 = vector.extract_strided_slice %transpose3A_1233 {offsets = [0, 3], sizes = [128, 1], strides = [1, 1]} : vector<128x16xf32> to vector<128x1xf32>
      %slice3A_1238 = vector.extract_strided_slice %transpose3A_1233 {offsets = [0, 4], sizes = [128, 1], strides = [1, 1]} : vector<128x16xf32> to vector<128x1xf32>
      %slice3A_1239 = vector.extract_strided_slice %transpose3A_1233 {offsets = [0, 5], sizes = [128, 1], strides = [1, 1]} : vector<128x16xf32> to vector<128x1xf32>
      %slice3A_1240 = vector.extract_strided_slice %transpose3A_1233 {offsets = [0, 6], sizes = [128, 1], strides = [1, 1]} : vector<128x16xf32> to vector<128x1xf32>
      %slice3A_1241 = vector.extract_strided_slice %transpose3A_1233 {offsets = [0, 7], sizes = [128, 1], strides = [1, 1]} : vector<128x16xf32> to vector<128x1xf32>
      %slice3A_1242 = vector.extract_strided_slice %transpose3A_1233 {offsets = [0, 8], sizes = [128, 1], strides = [1, 1]} : vector<128x16xf32> to vector<128x1xf32>
      %mul3A_1243 = arith.constant 128 : i32
      %mul3A_1244 = arith.muli %while3A_636, %mul3A_1243 : i32
      %add3A_1245 = vector.broadcast %mul3A_1244 : i32 to vector<128x1xi32>
      %add3A_1246 = arith.addi %iota3A_353, %add3A_1245 : vector<128x1xi32>
      %lt3A_1247 = vector.broadcast %get3A_60 : i32 to vector<128x1xi32>
      %lt3A_1248 = arith.cmpi slt, %add3A_1246, %lt3A_1247 : vector<128x1xi32>
      %sub3A_1249 = vector.broadcast %convert_element_type3A_320 : vector<1x256xf32> to vector<128x256xf32>
      %sub3A_1250 = vector.broadcast %slice3A_1234 : vector<128x1xf32> to vector<128x256xf32>
      %sub3A_1251 = arith.subf %sub3A_1249, %sub3A_1250 : vector<128x256xf32>
      %sub3A_1252 = vector.broadcast %convert_element_type3A : vector<1x256xf32> to vector<128x256xf32>
      %sub3A_1253 = vector.broadcast %slice3A_1235 : vector<128x1xf32> to vector<128x256xf32>
      %sub3A_1254 = arith.subf %sub3A_1252, %sub3A_1253 : vector<128x256xf32>
      %mul3A_1255 = arith.mulf %sub3A_1251, %sub3A_1251 : vector<128x256xf32>
      %mul3A_1256 = vector.broadcast %slice3A_1236 : vector<128x1xf32> to vector<128x256xf32>
      %mul3A_1257 = arith.mulf %mul3A_1255, %mul3A_1256 : vector<128x256xf32>
      %mul3A_1258 = arith.mulf %sub3A_1254, %sub3A_1254 : vector<128x256xf32>
      %mul3A_1259 = vector.broadcast %slice3A_1237 : vector<128x1xf32> to vector<128x256xf32>
      %mul3A_1260 = arith.mulf %mul3A_1258, %mul3A_1259 : vector<128x256xf32>
      %add3A_1261 = arith.addf %mul3A_1257, %mul3A_1260 : vector<128x256xf32>
      %mul3A_1262 = arith.mulf %sub3A_1251, %sub3A_1254 : vector<128x256xf32>
      %mul3A_1263 = arith.constant 2.000000e+00 : f32
      %mul3A_1264 = vector.broadcast %mul3A_1263 : f32 to vector<128x256xf32>
      %mul3A_1265 = arith.mulf %mul3A_1264, %mul3A_1262 : vector<128x256xf32>
      %mul3A_1266 = vector.broadcast %slice3A_1238 : vector<128x1xf32> to vector<128x256xf32>
      %mul3A_1267 = arith.mulf %mul3A_1265, %mul3A_1266 : vector<128x256xf32>
      %add3A_1268 = arith.addf %add3A_1261, %mul3A_1267 : vector<128x256xf32>
      %mul3A_1269 = arith.constant -5.000000e-01 : f32
      %mul3A_1270 = vector.broadcast %mul3A_1269 : f32 to vector<128x256xf32>
      %mul3A_1271 = arith.mulf %mul3A_1270, %add3A_1268 : vector<128x256xf32>
      %exp3A_1272 = math.exp %mul3A_1271 : vector<128x256xf32>
      %mul3A_1273 = vector.broadcast %slice3A_1239 : vector<128x1xf32> to vector<128x256xf32>
      %mul3A_1274 = arith.mulf %exp3A_1272, %mul3A_1273 : vector<128x256xf32>
      %min3A_1275 = arith.constant 9.900000e-01 : f32
      %min3A_1276 = vector.broadcast %min3A_1275 : f32 to vector<128x256xf32>
      %min3A_1277 = arith.minimumf %mul3A_1274, %min3A_1276 : vector<128x256xf32>
      %jit3A_1278 = arith.constant 0.000000e+00 : f32
      %broadcast_in_dim3A_1279 = vector.shape_cast %lt3A_1248 : vector<128x1xi1> to vector<128x1xi1>
      %broadcast_in_dim3A_1280 = vector.broadcast %broadcast_in_dim3A_1279 : vector<128x1xi1> to vector<128x256xi1>
      %broadcast_in_dim3A_1281 = vector.broadcast %jit3A_1278 : f32 to vector<128x256xf32>
      %select_n3A_1282 = arith.select %broadcast_in_dim3A_1280, %min3A_1277, %broadcast_in_dim3A_1281 : vector<128x256xi1>, vector<128x256xf32>
      %neg3A_1283 = arith.constant 0.000000e+00 : f32
      %neg3A_1284 = vector.broadcast %neg3A_1283 : f32 to vector<128x256xf32>
      %neg3A_1285 = arith.subf %neg3A_1284, %select_n3A_1282 : vector<128x256xf32>
      %log1p3A_1286 = math.log1p %neg3A_1285 : vector<128x256xf32>
      %dot_general3A_1287 = arith.constant dense<0.000000e+00> : vector<128x256xf32>
      %dot_general3A_1288 = tpu.matmul %convert_element_type3A_352, %log1p3A_1286, %dot_general3A_1287 {dimension_numbers = #tpu.dot_dimension_numbers<[1], [0], [0], [1], [0, 0, 1, 1], [], []>, transpose_lhs_hint = false} : vector<128x128xf32>, vector<128x256xf32>, vector<128x256xf32> -> vector<128x256xf32>
      %exp3A_1289 = math.exp %dot_general3A_1288 : vector<128x256xf32>
      %mul3A_1290 = vector.broadcast %while3A_667 : vector<1x256xf32> to vector<128x256xf32>
      %mul3A_1291 = arith.mulf %mul3A_1290, %exp3A_1289 : vector<128x256xf32>
      %mul3A_1292 = arith.mulf %mul3A_1291, %select_n3A_1282 : vector<128x256xf32>
      %mul3A_1293 = vector.broadcast %slice3A_1240 : vector<128x1xf32> to vector<128x256xf32>
      %mul3A_1294 = arith.mulf %mul3A_1292, %mul3A_1293 : vector<128x256xf32>
      %reduce_sum3A_1295 = arith.constant dense<0.000000e+00> : vector<256xf32>
      %reduce_sum3A_1296 = vector.multi_reduction <add>, %mul3A_1294, %reduce_sum3A_1295 [0] : vector<128x256xf32> to vector<256xf32>
      %broadcast_in_dim3A_1297 = vector.shape_cast %reduce_sum3A_1296 : vector<256xf32> to vector<1x256xf32>
      %add3A_1298 = arith.addf %while3A_668, %broadcast_in_dim3A_1297 : vector<1x256xf32>
      %mul3A_1299 = vector.broadcast %slice3A_1241 : vector<128x1xf32> to vector<128x256xf32>
      %mul3A_1300 = arith.mulf %mul3A_1292, %mul3A_1299 : vector<128x256xf32>
      %reduce_sum3A_1301 = arith.constant dense<0.000000e+00> : vector<256xf32>
      %reduce_sum3A_1302 = vector.multi_reduction <add>, %mul3A_1300, %reduce_sum3A_1301 [0] : vector<128x256xf32> to vector<256xf32>
      %broadcast_in_dim3A_1303 = vector.shape_cast %reduce_sum3A_1302 : vector<256xf32> to vector<1x256xf32>
      %add3A_1304 = arith.addf %while3A_669, %broadcast_in_dim3A_1303 : vector<1x256xf32>
      %mul3A_1305 = vector.broadcast %slice3A_1242 : vector<128x1xf32> to vector<128x256xf32>
      %mul3A_1306 = arith.mulf %mul3A_1292, %mul3A_1305 : vector<128x256xf32>
      %reduce_sum3A_1307 = arith.constant dense<0.000000e+00> : vector<256xf32>
      %reduce_sum3A_1308 = vector.multi_reduction <add>, %mul3A_1306, %reduce_sum3A_1307 [0] : vector<128x256xf32> to vector<256xf32>
      %broadcast_in_dim3A_1309 = vector.shape_cast %reduce_sum3A_1308 : vector<256xf32> to vector<1x256xf32>
      %add3A_1310 = arith.addf %while3A_670, %broadcast_in_dim3A_1309 : vector<1x256xf32>
      %reduce_sum3A_1311 = arith.constant dense<0.000000e+00> : vector<256xf32>
      %reduce_sum3A_1312 = vector.multi_reduction <add>, %mul3A_1292, %reduce_sum3A_1311 [0] : vector<128x256xf32> to vector<256xf32>
      %broadcast_in_dim3A_1313 = vector.shape_cast %reduce_sum3A_1312 : vector<256xf32> to vector<1x256xf32>
      %add3A_1314 = arith.addf %while3A_671, %broadcast_in_dim3A_1313 : vector<1x256xf32>
      %reduce_sum3A_1315 = arith.constant dense<0.000000e+00> : vector<256xf32>
      %reduce_sum3A_1316 = vector.multi_reduction <add>, %log1p3A_1286, %reduce_sum3A_1315 [0] : vector<128x256xf32> to vector<256xf32>
      %broadcast_in_dim3A_1317 = vector.shape_cast %reduce_sum3A_1316 : vector<256xf32> to vector<1x256xf32>
      %exp3A_1318 = math.exp %broadcast_in_dim3A_1317 : vector<1x256xf32>
      %mul3A_1319 = arith.mulf %while3A_667, %exp3A_1318 : vector<1x256xf32>
      %get3A_1320 = arith.constant 7 : index
      %get3A_1321 = arith.index_cast %while3A_636 : i32 to index
      %get3A_1322 = arith.constant 0 : index
      %get3A_1323 = arith.constant 0 : index
      %get3A_1324 = vector.load %arg2[%get3A_1320, %get3A_1321, %get3A_1322, %get3A_1323] : memref<8x8x16x128xf32, #tpu.memory_space<vmem>>, vector<1x1x16x128xf32>
      %get3A_1325 = vector.shape_cast %get3A_1324 : vector<1x1x16x128xf32> to vector<16x128xf32>
      %transpose3A_1326 = tpu.transpose %get3A_1325, [1, 0] : vector<16x128xf32> -> vector<128x16xf32>
      %slice3A_1327 = vector.extract_strided_slice %transpose3A_1326 {offsets = [0, 0], sizes = [128, 1], strides = [1, 1]} : vector<128x16xf32> to vector<128x1xf32>
      %slice3A_1328 = vector.extract_strided_slice %transpose3A_1326 {offsets = [0, 1], sizes = [128, 1], strides = [1, 1]} : vector<128x16xf32> to vector<128x1xf32>
      %slice3A_1329 = vector.extract_strided_slice %transpose3A_1326 {offsets = [0, 2], sizes = [128, 1], strides = [1, 1]} : vector<128x16xf32> to vector<128x1xf32>
      %slice3A_1330 = vector.extract_strided_slice %transpose3A_1326 {offsets = [0, 3], sizes = [128, 1], strides = [1, 1]} : vector<128x16xf32> to vector<128x1xf32>
      %slice3A_1331 = vector.extract_strided_slice %transpose3A_1326 {offsets = [0, 4], sizes = [128, 1], strides = [1, 1]} : vector<128x16xf32> to vector<128x1xf32>
      %slice3A_1332 = vector.extract_strided_slice %transpose3A_1326 {offsets = [0, 5], sizes = [128, 1], strides = [1, 1]} : vector<128x16xf32> to vector<128x1xf32>
      %slice3A_1333 = vector.extract_strided_slice %transpose3A_1326 {offsets = [0, 6], sizes = [128, 1], strides = [1, 1]} : vector<128x16xf32> to vector<128x1xf32>
      %slice3A_1334 = vector.extract_strided_slice %transpose3A_1326 {offsets = [0, 7], sizes = [128, 1], strides = [1, 1]} : vector<128x16xf32> to vector<128x1xf32>
      %slice3A_1335 = vector.extract_strided_slice %transpose3A_1326 {offsets = [0, 8], sizes = [128, 1], strides = [1, 1]} : vector<128x16xf32> to vector<128x1xf32>
      %mul3A_1336 = arith.constant 128 : i32
      %mul3A_1337 = arith.muli %while3A_636, %mul3A_1336 : i32
      %add3A_1338 = vector.broadcast %mul3A_1337 : i32 to vector<128x1xi32>
      %add3A_1339 = arith.addi %iota3A_353, %add3A_1338 : vector<128x1xi32>
      %lt3A_1340 = vector.broadcast %get3A_64 : i32 to vector<128x1xi32>
      %lt3A_1341 = arith.cmpi slt, %add3A_1339, %lt3A_1340 : vector<128x1xi32>
      %sub3A_1342 = vector.broadcast %convert_element_type3A_347 : vector<1x256xf32> to vector<128x256xf32>
      %sub3A_1343 = vector.broadcast %slice3A_1327 : vector<128x1xf32> to vector<128x256xf32>
      %sub3A_1344 = arith.subf %sub3A_1342, %sub3A_1343 : vector<128x256xf32>
      %sub3A_1345 = vector.broadcast %convert_element_type3A : vector<1x256xf32> to vector<128x256xf32>
      %sub3A_1346 = vector.broadcast %slice3A_1328 : vector<128x1xf32> to vector<128x256xf32>
      %sub3A_1347 = arith.subf %sub3A_1345, %sub3A_1346 : vector<128x256xf32>
      %mul3A_1348 = arith.mulf %sub3A_1344, %sub3A_1344 : vector<128x256xf32>
      %mul3A_1349 = vector.broadcast %slice3A_1329 : vector<128x1xf32> to vector<128x256xf32>
      %mul3A_1350 = arith.mulf %mul3A_1348, %mul3A_1349 : vector<128x256xf32>
      %mul3A_1351 = arith.mulf %sub3A_1347, %sub3A_1347 : vector<128x256xf32>
      %mul3A_1352 = vector.broadcast %slice3A_1330 : vector<128x1xf32> to vector<128x256xf32>
      %mul3A_1353 = arith.mulf %mul3A_1351, %mul3A_1352 : vector<128x256xf32>
      %add3A_1354 = arith.addf %mul3A_1350, %mul3A_1353 : vector<128x256xf32>
      %mul3A_1355 = arith.mulf %sub3A_1344, %sub3A_1347 : vector<128x256xf32>
      %mul3A_1356 = arith.constant 2.000000e+00 : f32
      %mul3A_1357 = vector.broadcast %mul3A_1356 : f32 to vector<128x256xf32>
      %mul3A_1358 = arith.mulf %mul3A_1357, %mul3A_1355 : vector<128x256xf32>
      %mul3A_1359 = vector.broadcast %slice3A_1331 : vector<128x1xf32> to vector<128x256xf32>
      %mul3A_1360 = arith.mulf %mul3A_1358, %mul3A_1359 : vector<128x256xf32>
      %add3A_1361 = arith.addf %add3A_1354, %mul3A_1360 : vector<128x256xf32>
      %mul3A_1362 = arith.constant -5.000000e-01 : f32
      %mul3A_1363 = vector.broadcast %mul3A_1362 : f32 to vector<128x256xf32>
      %mul3A_1364 = arith.mulf %mul3A_1363, %add3A_1361 : vector<128x256xf32>
      %exp3A_1365 = math.exp %mul3A_1364 : vector<128x256xf32>
      %mul3A_1366 = vector.broadcast %slice3A_1332 : vector<128x1xf32> to vector<128x256xf32>
      %mul3A_1367 = arith.mulf %exp3A_1365, %mul3A_1366 : vector<128x256xf32>
      %min3A_1368 = arith.constant 9.900000e-01 : f32
      %min3A_1369 = vector.broadcast %min3A_1368 : f32 to vector<128x256xf32>
      %min3A_1370 = arith.minimumf %mul3A_1367, %min3A_1369 : vector<128x256xf32>
      %jit3A_1371 = arith.constant 0.000000e+00 : f32
      %broadcast_in_dim3A_1372 = vector.shape_cast %lt3A_1341 : vector<128x1xi1> to vector<128x1xi1>
      %broadcast_in_dim3A_1373 = vector.broadcast %broadcast_in_dim3A_1372 : vector<128x1xi1> to vector<128x256xi1>
      %broadcast_in_dim3A_1374 = vector.broadcast %jit3A_1371 : f32 to vector<128x256xf32>
      %select_n3A_1375 = arith.select %broadcast_in_dim3A_1373, %min3A_1370, %broadcast_in_dim3A_1374 : vector<128x256xi1>, vector<128x256xf32>
      %neg3A_1376 = arith.constant 0.000000e+00 : f32
      %neg3A_1377 = vector.broadcast %neg3A_1376 : f32 to vector<128x256xf32>
      %neg3A_1378 = arith.subf %neg3A_1377, %select_n3A_1375 : vector<128x256xf32>
      %log1p3A_1379 = math.log1p %neg3A_1378 : vector<128x256xf32>
      %dot_general3A_1380 = arith.constant dense<0.000000e+00> : vector<128x256xf32>
      %dot_general3A_1381 = tpu.matmul %convert_element_type3A_352, %log1p3A_1379, %dot_general3A_1380 {dimension_numbers = #tpu.dot_dimension_numbers<[1], [0], [0], [1], [0, 0, 1, 1], [], []>, transpose_lhs_hint = false} : vector<128x128xf32>, vector<128x256xf32>, vector<128x256xf32> -> vector<128x256xf32>
      %exp3A_1382 = math.exp %dot_general3A_1381 : vector<128x256xf32>
      %mul3A_1383 = vector.broadcast %while3A_672 : vector<1x256xf32> to vector<128x256xf32>
      %mul3A_1384 = arith.mulf %mul3A_1383, %exp3A_1382 : vector<128x256xf32>
      %mul3A_1385 = arith.mulf %mul3A_1384, %select_n3A_1375 : vector<128x256xf32>
      %mul3A_1386 = vector.broadcast %slice3A_1333 : vector<128x1xf32> to vector<128x256xf32>
      %mul3A_1387 = arith.mulf %mul3A_1385, %mul3A_1386 : vector<128x256xf32>
      %reduce_sum3A_1388 = arith.constant dense<0.000000e+00> : vector<256xf32>
      %reduce_sum3A_1389 = vector.multi_reduction <add>, %mul3A_1387, %reduce_sum3A_1388 [0] : vector<128x256xf32> to vector<256xf32>
      %broadcast_in_dim3A_1390 = vector.shape_cast %reduce_sum3A_1389 : vector<256xf32> to vector<1x256xf32>
      %add3A_1391 = arith.addf %while3A_673, %broadcast_in_dim3A_1390 : vector<1x256xf32>
      %mul3A_1392 = vector.broadcast %slice3A_1334 : vector<128x1xf32> to vector<128x256xf32>
      %mul3A_1393 = arith.mulf %mul3A_1385, %mul3A_1392 : vector<128x256xf32>
      %reduce_sum3A_1394 = arith.constant dense<0.000000e+00> : vector<256xf32>
      %reduce_sum3A_1395 = vector.multi_reduction <add>, %mul3A_1393, %reduce_sum3A_1394 [0] : vector<128x256xf32> to vector<256xf32>
      %broadcast_in_dim3A_1396 = vector.shape_cast %reduce_sum3A_1395 : vector<256xf32> to vector<1x256xf32>
      %add3A_1397 = arith.addf %while3A_674, %broadcast_in_dim3A_1396 : vector<1x256xf32>
      %mul3A_1398 = vector.broadcast %slice3A_1335 : vector<128x1xf32> to vector<128x256xf32>
      %mul3A_1399 = arith.mulf %mul3A_1385, %mul3A_1398 : vector<128x256xf32>
      %reduce_sum3A_1400 = arith.constant dense<0.000000e+00> : vector<256xf32>
      %reduce_sum3A_1401 = vector.multi_reduction <add>, %mul3A_1399, %reduce_sum3A_1400 [0] : vector<128x256xf32> to vector<256xf32>
      %broadcast_in_dim3A_1402 = vector.shape_cast %reduce_sum3A_1401 : vector<256xf32> to vector<1x256xf32>
      %add3A_1403 = arith.addf %while3A_675, %broadcast_in_dim3A_1402 : vector<1x256xf32>
      %reduce_sum3A_1404 = arith.constant dense<0.000000e+00> : vector<256xf32>
      %reduce_sum3A_1405 = vector.multi_reduction <add>, %mul3A_1385, %reduce_sum3A_1404 [0] : vector<128x256xf32> to vector<256xf32>
      %broadcast_in_dim3A_1406 = vector.shape_cast %reduce_sum3A_1405 : vector<256xf32> to vector<1x256xf32>
      %add3A_1407 = arith.addf %while3A_676, %broadcast_in_dim3A_1406 : vector<1x256xf32>
      %reduce_sum3A_1408 = arith.constant dense<0.000000e+00> : vector<256xf32>
      %reduce_sum3A_1409 = vector.multi_reduction <add>, %log1p3A_1379, %reduce_sum3A_1408 [0] : vector<128x256xf32> to vector<256xf32>
      %broadcast_in_dim3A_1410 = vector.shape_cast %reduce_sum3A_1409 : vector<256xf32> to vector<1x256xf32>
      %exp3A_1411 = math.exp %broadcast_in_dim3A_1410 : vector<1x256xf32>
      %mul3A_1412 = arith.mulf %while3A_672, %exp3A_1411 : vector<1x256xf32>
      scf.yield %mul3A_761, %add3A_740, %add3A_746, %add3A_752, %add3A_756, %mul3A_854, %add3A_833, %add3A_839, %add3A_845, %add3A_849, %mul3A_947, %add3A_926, %add3A_932, %add3A_938, %add3A_942, %mul3A_1040, %add3A_1019, %add3A_1025, %add3A_1031, %add3A_1035, %mul3A_1133, %add3A_1112, %add3A_1118, %add3A_1124, %add3A_1128, %mul3A_1226, %add3A_1205, %add3A_1211, %add3A_1217, %add3A_1221, %mul3A_1319, %add3A_1298, %add3A_1304, %add3A_1310, %add3A_1314, %mul3A_1412, %add3A_1391, %add3A_1397, %add3A_1403, %add3A_1407 : vector<1x256xf32>, vector<1x256xf32>, vector<1x256xf32>, vector<1x256xf32>, vector<1x256xf32>, vector<1x256xf32>, vector<1x256xf32>, vector<1x256xf32>, vector<1x256xf32>, vector<1x256xf32>, vector<1x256xf32>, vector<1x256xf32>, vector<1x256xf32>, vector<1x256xf32>, vector<1x256xf32>, vector<1x256xf32>, vector<1x256xf32>, vector<1x256xf32>, vector<1x256xf32>, vector<1x256xf32>, vector<1x256xf32>, vector<1x256xf32>, vector<1x256xf32>, vector<1x256xf32>, vector<1x256xf32>, vector<1x256xf32>, vector<1x256xf32>, vector<1x256xf32>, vector<1x256xf32>, vector<1x256xf32>, vector<1x256xf32>, vector<1x256xf32>, vector<1x256xf32>, vector<1x256xf32>, vector<1x256xf32>, vector<1x256xf32>, vector<1x256xf32>, vector<1x256xf32>, vector<1x256xf32>, vector<1x256xf32>
    }
    %while3A_371 = arith.constant 1 : i32
    %while3A_372:40 = scf.for %while3A_636 = %while3A_368 to %while3A_364 step %while3A_371 iter_args(%while3A_637 = %while3A_370#0, %while3A_638 = %while3A_370#1, %while3A_639 = %while3A_370#2, %while3A_640 = %while3A_370#3, %while3A_641 = %while3A_370#4, %while3A_642 = %while3A_370#5, %while3A_643 = %while3A_370#6, %while3A_644 = %while3A_370#7, %while3A_645 = %while3A_370#8, %while3A_646 = %while3A_370#9, %while3A_647 = %while3A_370#10, %while3A_648 = %while3A_370#11, %while3A_649 = %while3A_370#12, %while3A_650 = %while3A_370#13, %while3A_651 = %while3A_370#14, %while3A_652 = %while3A_370#15, %while3A_653 = %while3A_370#16, %while3A_654 = %while3A_370#17, %while3A_655 = %while3A_370#18, %while3A_656 = %while3A_370#19, %while3A_657 = %while3A_370#20, %while3A_658 = %while3A_370#21, %while3A_659 = %while3A_370#22, %while3A_660 = %while3A_370#23, %while3A_661 = %while3A_370#24, %while3A_662 = %while3A_370#25, %while3A_663 = %while3A_370#26, %while3A_664 = %while3A_370#27, %while3A_665 = %while3A_370#28, %while3A_666 = %while3A_370#29, %while3A_667 = %while3A_370#30, %while3A_668 = %while3A_370#31, %while3A_669 = %while3A_370#32, %while3A_670 = %while3A_370#33, %while3A_671 = %while3A_370#34, %while3A_672 = %while3A_370#35, %while3A_673 = %while3A_370#36, %while3A_674 = %while3A_370#37, %while3A_675 = %while3A_370#38, %while3A_676 = %while3A_370#39) -> (vector<1x256xf32>, vector<1x256xf32>, vector<1x256xf32>, vector<1x256xf32>, vector<1x256xf32>, vector<1x256xf32>, vector<1x256xf32>, vector<1x256xf32>, vector<1x256xf32>, vector<1x256xf32>, vector<1x256xf32>, vector<1x256xf32>, vector<1x256xf32>, vector<1x256xf32>, vector<1x256xf32>, vector<1x256xf32>, vector<1x256xf32>, vector<1x256xf32>, vector<1x256xf32>, vector<1x256xf32>, vector<1x256xf32>, vector<1x256xf32>, vector<1x256xf32>, vector<1x256xf32>, vector<1x256xf32>, vector<1x256xf32>, vector<1x256xf32>, vector<1x256xf32>, vector<1x256xf32>, vector<1x256xf32>, vector<1x256xf32>, vector<1x256xf32>, vector<1x256xf32>, vector<1x256xf32>, vector<1x256xf32>, vector<1x256xf32>, vector<1x256xf32>, vector<1x256xf32>, vector<1x256xf32>, vector<1x256xf32>)  : i32 {
      %get3A_677 = arith.constant 0 : index
      %get3A_678 = arith.index_cast %while3A_636 : i32 to index
      %get3A_679 = arith.constant 0 : index
      %get3A_680 = arith.constant 0 : index
      %get3A_681 = vector.load %arg2[%get3A_677, %get3A_678, %get3A_679, %get3A_680] : memref<8x8x16x128xf32, #tpu.memory_space<vmem>>, vector<1x1x16x128xf32>
      %get3A_682 = vector.shape_cast %get3A_681 : vector<1x1x16x128xf32> to vector<16x128xf32>
      %transpose3A = tpu.transpose %get3A_682, [1, 0] : vector<16x128xf32> -> vector<128x16xf32>
      %slice3A = vector.extract_strided_slice %transpose3A {offsets = [0, 0], sizes = [128, 1], strides = [1, 1]} : vector<128x16xf32> to vector<128x1xf32>
      %slice3A_683 = vector.extract_strided_slice %transpose3A {offsets = [0, 1], sizes = [128, 1], strides = [1, 1]} : vector<128x16xf32> to vector<128x1xf32>
      %slice3A_684 = vector.extract_strided_slice %transpose3A {offsets = [0, 2], sizes = [128, 1], strides = [1, 1]} : vector<128x16xf32> to vector<128x1xf32>
      %slice3A_685 = vector.extract_strided_slice %transpose3A {offsets = [0, 3], sizes = [128, 1], strides = [1, 1]} : vector<128x16xf32> to vector<128x1xf32>
      %slice3A_686 = vector.extract_strided_slice %transpose3A {offsets = [0, 4], sizes = [128, 1], strides = [1, 1]} : vector<128x16xf32> to vector<128x1xf32>
      %slice3A_687 = vector.extract_strided_slice %transpose3A {offsets = [0, 5], sizes = [128, 1], strides = [1, 1]} : vector<128x16xf32> to vector<128x1xf32>
      %slice3A_688 = vector.extract_strided_slice %transpose3A {offsets = [0, 6], sizes = [128, 1], strides = [1, 1]} : vector<128x16xf32> to vector<128x1xf32>
      %slice3A_689 = vector.extract_strided_slice %transpose3A {offsets = [0, 7], sizes = [128, 1], strides = [1, 1]} : vector<128x16xf32> to vector<128x1xf32>
      %slice3A_690 = vector.extract_strided_slice %transpose3A {offsets = [0, 8], sizes = [128, 1], strides = [1, 1]} : vector<128x16xf32> to vector<128x1xf32>
      %mul3A_691 = arith.constant 128 : i32
      %mul3A_692 = arith.muli %while3A_636, %mul3A_691 : i32
      %add3A_693 = vector.broadcast %mul3A_692 : i32 to vector<128x1xi32>
      %add3A_694 = arith.addi %iota3A_353, %add3A_693 : vector<128x1xi32>
      %lt3A_695 = vector.broadcast %get3A_36 : i32 to vector<128x1xi32>
      %lt3A_696 = arith.cmpi slt, %add3A_694, %lt3A_695 : vector<128x1xi32>
      %sub3A_697 = vector.broadcast %convert_element_type3A_158 : vector<1x256xf32> to vector<128x256xf32>
      %sub3A_698 = vector.broadcast %slice3A : vector<128x1xf32> to vector<128x256xf32>
      %sub3A_699 = arith.subf %sub3A_697, %sub3A_698 : vector<128x256xf32>
      %sub3A_700 = vector.broadcast %convert_element_type3A : vector<1x256xf32> to vector<128x256xf32>
      %sub3A_701 = vector.broadcast %slice3A_683 : vector<128x1xf32> to vector<128x256xf32>
      %sub3A_702 = arith.subf %sub3A_700, %sub3A_701 : vector<128x256xf32>
      %mul3A_703 = arith.mulf %sub3A_699, %sub3A_699 : vector<128x256xf32>
      %mul3A_704 = vector.broadcast %slice3A_684 : vector<128x1xf32> to vector<128x256xf32>
      %mul3A_705 = arith.mulf %mul3A_703, %mul3A_704 : vector<128x256xf32>
      %mul3A_706 = arith.mulf %sub3A_702, %sub3A_702 : vector<128x256xf32>
      %mul3A_707 = vector.broadcast %slice3A_685 : vector<128x1xf32> to vector<128x256xf32>
      %mul3A_708 = arith.mulf %mul3A_706, %mul3A_707 : vector<128x256xf32>
      %add3A_709 = arith.addf %mul3A_705, %mul3A_708 : vector<128x256xf32>
      %mul3A_710 = arith.mulf %sub3A_699, %sub3A_702 : vector<128x256xf32>
      %mul3A_711 = arith.constant 2.000000e+00 : f32
      %mul3A_712 = vector.broadcast %mul3A_711 : f32 to vector<128x256xf32>
      %mul3A_713 = arith.mulf %mul3A_712, %mul3A_710 : vector<128x256xf32>
      %mul3A_714 = vector.broadcast %slice3A_686 : vector<128x1xf32> to vector<128x256xf32>
      %mul3A_715 = arith.mulf %mul3A_713, %mul3A_714 : vector<128x256xf32>
      %add3A_716 = arith.addf %add3A_709, %mul3A_715 : vector<128x256xf32>
      %mul3A_717 = arith.constant -5.000000e-01 : f32
      %mul3A_718 = vector.broadcast %mul3A_717 : f32 to vector<128x256xf32>
      %mul3A_719 = arith.mulf %mul3A_718, %add3A_716 : vector<128x256xf32>
      %exp3A = math.exp %mul3A_719 : vector<128x256xf32>
      %mul3A_720 = vector.broadcast %slice3A_687 : vector<128x1xf32> to vector<128x256xf32>
      %mul3A_721 = arith.mulf %exp3A, %mul3A_720 : vector<128x256xf32>
      %min3A = arith.constant 9.900000e-01 : f32
      %min3A_722 = vector.broadcast %min3A : f32 to vector<128x256xf32>
      %min3A_723 = arith.minimumf %mul3A_721, %min3A_722 : vector<128x256xf32>
      %jit3A_724 = arith.constant 0.000000e+00 : f32
      %broadcast_in_dim3A_725 = vector.shape_cast %lt3A_696 : vector<128x1xi1> to vector<128x1xi1>
      %broadcast_in_dim3A_726 = vector.broadcast %broadcast_in_dim3A_725 : vector<128x1xi1> to vector<128x256xi1>
      %broadcast_in_dim3A_727 = vector.broadcast %jit3A_724 : f32 to vector<128x256xf32>
      %select_n3A_728 = arith.select %broadcast_in_dim3A_726, %min3A_723, %broadcast_in_dim3A_727 : vector<128x256xi1>, vector<128x256xf32>
      %neg3A = arith.constant 0.000000e+00 : f32
      %neg3A_729 = vector.broadcast %neg3A : f32 to vector<128x256xf32>
      %neg3A_730 = arith.subf %neg3A_729, %select_n3A_728 : vector<128x256xf32>
      %log1p3A = math.log1p %neg3A_730 : vector<128x256xf32>
      %dot_general3A = arith.constant dense<0.000000e+00> : vector<128x256xf32>
      %dot_general3A_731 = tpu.matmul %convert_element_type3A_352, %log1p3A, %dot_general3A {dimension_numbers = #tpu.dot_dimension_numbers<[1], [0], [0], [1], [0, 0, 1, 1], [], []>, transpose_lhs_hint = false} : vector<128x128xf32>, vector<128x256xf32>, vector<128x256xf32> -> vector<128x256xf32>
      %exp3A_732 = math.exp %dot_general3A_731 : vector<128x256xf32>
      %mul3A_733 = vector.broadcast %while3A_637 : vector<1x256xf32> to vector<128x256xf32>
      %mul3A_734 = arith.mulf %mul3A_733, %exp3A_732 : vector<128x256xf32>
      %mul3A_735 = arith.mulf %mul3A_734, %select_n3A_728 : vector<128x256xf32>
      %mul3A_736 = vector.broadcast %slice3A_688 : vector<128x1xf32> to vector<128x256xf32>
      %mul3A_737 = arith.mulf %mul3A_735, %mul3A_736 : vector<128x256xf32>
      %reduce_sum3A = arith.constant dense<0.000000e+00> : vector<256xf32>
      %reduce_sum3A_738 = vector.multi_reduction <add>, %mul3A_737, %reduce_sum3A [0] : vector<128x256xf32> to vector<256xf32>
      %broadcast_in_dim3A_739 = vector.shape_cast %reduce_sum3A_738 : vector<256xf32> to vector<1x256xf32>
      %add3A_740 = arith.addf %while3A_638, %broadcast_in_dim3A_739 : vector<1x256xf32>
      %mul3A_741 = vector.broadcast %slice3A_689 : vector<128x1xf32> to vector<128x256xf32>
      %mul3A_742 = arith.mulf %mul3A_735, %mul3A_741 : vector<128x256xf32>
      %reduce_sum3A_743 = arith.constant dense<0.000000e+00> : vector<256xf32>
      %reduce_sum3A_744 = vector.multi_reduction <add>, %mul3A_742, %reduce_sum3A_743 [0] : vector<128x256xf32> to vector<256xf32>
      %broadcast_in_dim3A_745 = vector.shape_cast %reduce_sum3A_744 : vector<256xf32> to vector<1x256xf32>
      %add3A_746 = arith.addf %while3A_639, %broadcast_in_dim3A_745 : vector<1x256xf32>
      %mul3A_747 = vector.broadcast %slice3A_690 : vector<128x1xf32> to vector<128x256xf32>
      %mul3A_748 = arith.mulf %mul3A_735, %mul3A_747 : vector<128x256xf32>
      %reduce_sum3A_749 = arith.constant dense<0.000000e+00> : vector<256xf32>
      %reduce_sum3A_750 = vector.multi_reduction <add>, %mul3A_748, %reduce_sum3A_749 [0] : vector<128x256xf32> to vector<256xf32>
      %broadcast_in_dim3A_751 = vector.shape_cast %reduce_sum3A_750 : vector<256xf32> to vector<1x256xf32>
      %add3A_752 = arith.addf %while3A_640, %broadcast_in_dim3A_751 : vector<1x256xf32>
      %reduce_sum3A_753 = arith.constant dense<0.000000e+00> : vector<256xf32>
      %reduce_sum3A_754 = vector.multi_reduction <add>, %mul3A_735, %reduce_sum3A_753 [0] : vector<128x256xf32> to vector<256xf32>
      %broadcast_in_dim3A_755 = vector.shape_cast %reduce_sum3A_754 : vector<256xf32> to vector<1x256xf32>
      %add3A_756 = arith.addf %while3A_641, %broadcast_in_dim3A_755 : vector<1x256xf32>
      %reduce_sum3A_757 = arith.constant dense<0.000000e+00> : vector<256xf32>
      %reduce_sum3A_758 = vector.multi_reduction <add>, %log1p3A, %reduce_sum3A_757 [0] : vector<128x256xf32> to vector<256xf32>
      %broadcast_in_dim3A_759 = vector.shape_cast %reduce_sum3A_758 : vector<256xf32> to vector<1x256xf32>
      %exp3A_760 = math.exp %broadcast_in_dim3A_759 : vector<1x256xf32>
      %mul3A_761 = arith.mulf %while3A_637, %exp3A_760 : vector<1x256xf32>
      %get3A_762 = arith.constant 1 : index
      %get3A_763 = arith.index_cast %while3A_636 : i32 to index
      %get3A_764 = arith.constant 0 : index
      %get3A_765 = arith.constant 0 : index
      %get3A_766 = vector.load %arg2[%get3A_762, %get3A_763, %get3A_764, %get3A_765] : memref<8x8x16x128xf32, #tpu.memory_space<vmem>>, vector<1x1x16x128xf32>
      %get3A_767 = vector.shape_cast %get3A_766 : vector<1x1x16x128xf32> to vector<16x128xf32>
      %transpose3A_768 = tpu.transpose %get3A_767, [1, 0] : vector<16x128xf32> -> vector<128x16xf32>
      %slice3A_769 = vector.extract_strided_slice %transpose3A_768 {offsets = [0, 0], sizes = [128, 1], strides = [1, 1]} : vector<128x16xf32> to vector<128x1xf32>
      %slice3A_770 = vector.extract_strided_slice %transpose3A_768 {offsets = [0, 1], sizes = [128, 1], strides = [1, 1]} : vector<128x16xf32> to vector<128x1xf32>
      %slice3A_771 = vector.extract_strided_slice %transpose3A_768 {offsets = [0, 2], sizes = [128, 1], strides = [1, 1]} : vector<128x16xf32> to vector<128x1xf32>
      %slice3A_772 = vector.extract_strided_slice %transpose3A_768 {offsets = [0, 3], sizes = [128, 1], strides = [1, 1]} : vector<128x16xf32> to vector<128x1xf32>
      %slice3A_773 = vector.extract_strided_slice %transpose3A_768 {offsets = [0, 4], sizes = [128, 1], strides = [1, 1]} : vector<128x16xf32> to vector<128x1xf32>
      %slice3A_774 = vector.extract_strided_slice %transpose3A_768 {offsets = [0, 5], sizes = [128, 1], strides = [1, 1]} : vector<128x16xf32> to vector<128x1xf32>
      %slice3A_775 = vector.extract_strided_slice %transpose3A_768 {offsets = [0, 6], sizes = [128, 1], strides = [1, 1]} : vector<128x16xf32> to vector<128x1xf32>
      %slice3A_776 = vector.extract_strided_slice %transpose3A_768 {offsets = [0, 7], sizes = [128, 1], strides = [1, 1]} : vector<128x16xf32> to vector<128x1xf32>
      %slice3A_777 = vector.extract_strided_slice %transpose3A_768 {offsets = [0, 8], sizes = [128, 1], strides = [1, 1]} : vector<128x16xf32> to vector<128x1xf32>
      %mul3A_778 = arith.constant 128 : i32
      %mul3A_779 = arith.muli %while3A_636, %mul3A_778 : i32
      %add3A_780 = vector.broadcast %mul3A_779 : i32 to vector<128x1xi32>
      %add3A_781 = arith.addi %iota3A_353, %add3A_780 : vector<128x1xi32>
      %lt3A_782 = vector.broadcast %get3A_40 : i32 to vector<128x1xi32>
      %lt3A_783 = arith.cmpi slt, %add3A_781, %lt3A_782 : vector<128x1xi32>
      %sub3A_784 = vector.broadcast %convert_element_type3A_185 : vector<1x256xf32> to vector<128x256xf32>
      %sub3A_785 = vector.broadcast %slice3A_769 : vector<128x1xf32> to vector<128x256xf32>
      %sub3A_786 = arith.subf %sub3A_784, %sub3A_785 : vector<128x256xf32>
      %sub3A_787 = vector.broadcast %convert_element_type3A : vector<1x256xf32> to vector<128x256xf32>
      %sub3A_788 = vector.broadcast %slice3A_770 : vector<128x1xf32> to vector<128x256xf32>
      %sub3A_789 = arith.subf %sub3A_787, %sub3A_788 : vector<128x256xf32>
      %mul3A_790 = arith.mulf %sub3A_786, %sub3A_786 : vector<128x256xf32>
      %mul3A_791 = vector.broadcast %slice3A_771 : vector<128x1xf32> to vector<128x256xf32>
      %mul3A_792 = arith.mulf %mul3A_790, %mul3A_791 : vector<128x256xf32>
      %mul3A_793 = arith.mulf %sub3A_789, %sub3A_789 : vector<128x256xf32>
      %mul3A_794 = vector.broadcast %slice3A_772 : vector<128x1xf32> to vector<128x256xf32>
      %mul3A_795 = arith.mulf %mul3A_793, %mul3A_794 : vector<128x256xf32>
      %add3A_796 = arith.addf %mul3A_792, %mul3A_795 : vector<128x256xf32>
      %mul3A_797 = arith.mulf %sub3A_786, %sub3A_789 : vector<128x256xf32>
      %mul3A_798 = arith.constant 2.000000e+00 : f32
      %mul3A_799 = vector.broadcast %mul3A_798 : f32 to vector<128x256xf32>
      %mul3A_800 = arith.mulf %mul3A_799, %mul3A_797 : vector<128x256xf32>
      %mul3A_801 = vector.broadcast %slice3A_773 : vector<128x1xf32> to vector<128x256xf32>
      %mul3A_802 = arith.mulf %mul3A_800, %mul3A_801 : vector<128x256xf32>
      %add3A_803 = arith.addf %add3A_796, %mul3A_802 : vector<128x256xf32>
      %mul3A_804 = arith.constant -5.000000e-01 : f32
      %mul3A_805 = vector.broadcast %mul3A_804 : f32 to vector<128x256xf32>
      %mul3A_806 = arith.mulf %mul3A_805, %add3A_803 : vector<128x256xf32>
      %exp3A_807 = math.exp %mul3A_806 : vector<128x256xf32>
      %mul3A_808 = vector.broadcast %slice3A_774 : vector<128x1xf32> to vector<128x256xf32>
      %mul3A_809 = arith.mulf %exp3A_807, %mul3A_808 : vector<128x256xf32>
      %min3A_810 = arith.constant 9.900000e-01 : f32
      %min3A_811 = vector.broadcast %min3A_810 : f32 to vector<128x256xf32>
      %min3A_812 = arith.minimumf %mul3A_809, %min3A_811 : vector<128x256xf32>
      %jit3A_813 = arith.constant 0.000000e+00 : f32
      %broadcast_in_dim3A_814 = vector.shape_cast %lt3A_783 : vector<128x1xi1> to vector<128x1xi1>
      %broadcast_in_dim3A_815 = vector.broadcast %broadcast_in_dim3A_814 : vector<128x1xi1> to vector<128x256xi1>
      %broadcast_in_dim3A_816 = vector.broadcast %jit3A_813 : f32 to vector<128x256xf32>
      %select_n3A_817 = arith.select %broadcast_in_dim3A_815, %min3A_812, %broadcast_in_dim3A_816 : vector<128x256xi1>, vector<128x256xf32>
      %neg3A_818 = arith.constant 0.000000e+00 : f32
      %neg3A_819 = vector.broadcast %neg3A_818 : f32 to vector<128x256xf32>
      %neg3A_820 = arith.subf %neg3A_819, %select_n3A_817 : vector<128x256xf32>
      %log1p3A_821 = math.log1p %neg3A_820 : vector<128x256xf32>
      %dot_general3A_822 = arith.constant dense<0.000000e+00> : vector<128x256xf32>
      %dot_general3A_823 = tpu.matmul %convert_element_type3A_352, %log1p3A_821, %dot_general3A_822 {dimension_numbers = #tpu.dot_dimension_numbers<[1], [0], [0], [1], [0, 0, 1, 1], [], []>, transpose_lhs_hint = false} : vector<128x128xf32>, vector<128x256xf32>, vector<128x256xf32> -> vector<128x256xf32>
      %exp3A_824 = math.exp %dot_general3A_823 : vector<128x256xf32>
      %mul3A_825 = vector.broadcast %while3A_642 : vector<1x256xf32> to vector<128x256xf32>
      %mul3A_826 = arith.mulf %mul3A_825, %exp3A_824 : vector<128x256xf32>
      %mul3A_827 = arith.mulf %mul3A_826, %select_n3A_817 : vector<128x256xf32>
      %mul3A_828 = vector.broadcast %slice3A_775 : vector<128x1xf32> to vector<128x256xf32>
      %mul3A_829 = arith.mulf %mul3A_827, %mul3A_828 : vector<128x256xf32>
      %reduce_sum3A_830 = arith.constant dense<0.000000e+00> : vector<256xf32>
      %reduce_sum3A_831 = vector.multi_reduction <add>, %mul3A_829, %reduce_sum3A_830 [0] : vector<128x256xf32> to vector<256xf32>
      %broadcast_in_dim3A_832 = vector.shape_cast %reduce_sum3A_831 : vector<256xf32> to vector<1x256xf32>
      %add3A_833 = arith.addf %while3A_643, %broadcast_in_dim3A_832 : vector<1x256xf32>
      %mul3A_834 = vector.broadcast %slice3A_776 : vector<128x1xf32> to vector<128x256xf32>
      %mul3A_835 = arith.mulf %mul3A_827, %mul3A_834 : vector<128x256xf32>
      %reduce_sum3A_836 = arith.constant dense<0.000000e+00> : vector<256xf32>
      %reduce_sum3A_837 = vector.multi_reduction <add>, %mul3A_835, %reduce_sum3A_836 [0] : vector<128x256xf32> to vector<256xf32>
      %broadcast_in_dim3A_838 = vector.shape_cast %reduce_sum3A_837 : vector<256xf32> to vector<1x256xf32>
      %add3A_839 = arith.addf %while3A_644, %broadcast_in_dim3A_838 : vector<1x256xf32>
      %mul3A_840 = vector.broadcast %slice3A_777 : vector<128x1xf32> to vector<128x256xf32>
      %mul3A_841 = arith.mulf %mul3A_827, %mul3A_840 : vector<128x256xf32>
      %reduce_sum3A_842 = arith.constant dense<0.000000e+00> : vector<256xf32>
      %reduce_sum3A_843 = vector.multi_reduction <add>, %mul3A_841, %reduce_sum3A_842 [0] : vector<128x256xf32> to vector<256xf32>
      %broadcast_in_dim3A_844 = vector.shape_cast %reduce_sum3A_843 : vector<256xf32> to vector<1x256xf32>
      %add3A_845 = arith.addf %while3A_645, %broadcast_in_dim3A_844 : vector<1x256xf32>
      %reduce_sum3A_846 = arith.constant dense<0.000000e+00> : vector<256xf32>
      %reduce_sum3A_847 = vector.multi_reduction <add>, %mul3A_827, %reduce_sum3A_846 [0] : vector<128x256xf32> to vector<256xf32>
      %broadcast_in_dim3A_848 = vector.shape_cast %reduce_sum3A_847 : vector<256xf32> to vector<1x256xf32>
      %add3A_849 = arith.addf %while3A_646, %broadcast_in_dim3A_848 : vector<1x256xf32>
      %reduce_sum3A_850 = arith.constant dense<0.000000e+00> : vector<256xf32>
      %reduce_sum3A_851 = vector.multi_reduction <add>, %log1p3A_821, %reduce_sum3A_850 [0] : vector<128x256xf32> to vector<256xf32>
      %broadcast_in_dim3A_852 = vector.shape_cast %reduce_sum3A_851 : vector<256xf32> to vector<1x256xf32>
      %exp3A_853 = math.exp %broadcast_in_dim3A_852 : vector<1x256xf32>
      %mul3A_854 = arith.mulf %while3A_642, %exp3A_853 : vector<1x256xf32>
      %get3A_855 = arith.constant 2 : index
      %get3A_856 = arith.index_cast %while3A_636 : i32 to index
      %get3A_857 = arith.constant 0 : index
      %get3A_858 = arith.constant 0 : index
      %get3A_859 = vector.load %arg2[%get3A_855, %get3A_856, %get3A_857, %get3A_858] : memref<8x8x16x128xf32, #tpu.memory_space<vmem>>, vector<1x1x16x128xf32>
      %get3A_860 = vector.shape_cast %get3A_859 : vector<1x1x16x128xf32> to vector<16x128xf32>
      %transpose3A_861 = tpu.transpose %get3A_860, [1, 0] : vector<16x128xf32> -> vector<128x16xf32>
      %slice3A_862 = vector.extract_strided_slice %transpose3A_861 {offsets = [0, 0], sizes = [128, 1], strides = [1, 1]} : vector<128x16xf32> to vector<128x1xf32>
      %slice3A_863 = vector.extract_strided_slice %transpose3A_861 {offsets = [0, 1], sizes = [128, 1], strides = [1, 1]} : vector<128x16xf32> to vector<128x1xf32>
      %slice3A_864 = vector.extract_strided_slice %transpose3A_861 {offsets = [0, 2], sizes = [128, 1], strides = [1, 1]} : vector<128x16xf32> to vector<128x1xf32>
      %slice3A_865 = vector.extract_strided_slice %transpose3A_861 {offsets = [0, 3], sizes = [128, 1], strides = [1, 1]} : vector<128x16xf32> to vector<128x1xf32>
      %slice3A_866 = vector.extract_strided_slice %transpose3A_861 {offsets = [0, 4], sizes = [128, 1], strides = [1, 1]} : vector<128x16xf32> to vector<128x1xf32>
      %slice3A_867 = vector.extract_strided_slice %transpose3A_861 {offsets = [0, 5], sizes = [128, 1], strides = [1, 1]} : vector<128x16xf32> to vector<128x1xf32>
      %slice3A_868 = vector.extract_strided_slice %transpose3A_861 {offsets = [0, 6], sizes = [128, 1], strides = [1, 1]} : vector<128x16xf32> to vector<128x1xf32>
      %slice3A_869 = vector.extract_strided_slice %transpose3A_861 {offsets = [0, 7], sizes = [128, 1], strides = [1, 1]} : vector<128x16xf32> to vector<128x1xf32>
      %slice3A_870 = vector.extract_strided_slice %transpose3A_861 {offsets = [0, 8], sizes = [128, 1], strides = [1, 1]} : vector<128x16xf32> to vector<128x1xf32>
      %mul3A_871 = arith.constant 128 : i32
      %mul3A_872 = arith.muli %while3A_636, %mul3A_871 : i32
      %add3A_873 = vector.broadcast %mul3A_872 : i32 to vector<128x1xi32>
      %add3A_874 = arith.addi %iota3A_353, %add3A_873 : vector<128x1xi32>
      %lt3A_875 = vector.broadcast %get3A_44 : i32 to vector<128x1xi32>
      %lt3A_876 = arith.cmpi slt, %add3A_874, %lt3A_875 : vector<128x1xi32>
      %sub3A_877 = vector.broadcast %convert_element_type3A_212 : vector<1x256xf32> to vector<128x256xf32>
      %sub3A_878 = vector.broadcast %slice3A_862 : vector<128x1xf32> to vector<128x256xf32>
      %sub3A_879 = arith.subf %sub3A_877, %sub3A_878 : vector<128x256xf32>
      %sub3A_880 = vector.broadcast %convert_element_type3A : vector<1x256xf32> to vector<128x256xf32>
      %sub3A_881 = vector.broadcast %slice3A_863 : vector<128x1xf32> to vector<128x256xf32>
      %sub3A_882 = arith.subf %sub3A_880, %sub3A_881 : vector<128x256xf32>
      %mul3A_883 = arith.mulf %sub3A_879, %sub3A_879 : vector<128x256xf32>
      %mul3A_884 = vector.broadcast %slice3A_864 : vector<128x1xf32> to vector<128x256xf32>
      %mul3A_885 = arith.mulf %mul3A_883, %mul3A_884 : vector<128x256xf32>
      %mul3A_886 = arith.mulf %sub3A_882, %sub3A_882 : vector<128x256xf32>
      %mul3A_887 = vector.broadcast %slice3A_865 : vector<128x1xf32> to vector<128x256xf32>
      %mul3A_888 = arith.mulf %mul3A_886, %mul3A_887 : vector<128x256xf32>
      %add3A_889 = arith.addf %mul3A_885, %mul3A_888 : vector<128x256xf32>
      %mul3A_890 = arith.mulf %sub3A_879, %sub3A_882 : vector<128x256xf32>
      %mul3A_891 = arith.constant 2.000000e+00 : f32
      %mul3A_892 = vector.broadcast %mul3A_891 : f32 to vector<128x256xf32>
      %mul3A_893 = arith.mulf %mul3A_892, %mul3A_890 : vector<128x256xf32>
      %mul3A_894 = vector.broadcast %slice3A_866 : vector<128x1xf32> to vector<128x256xf32>
      %mul3A_895 = arith.mulf %mul3A_893, %mul3A_894 : vector<128x256xf32>
      %add3A_896 = arith.addf %add3A_889, %mul3A_895 : vector<128x256xf32>
      %mul3A_897 = arith.constant -5.000000e-01 : f32
      %mul3A_898 = vector.broadcast %mul3A_897 : f32 to vector<128x256xf32>
      %mul3A_899 = arith.mulf %mul3A_898, %add3A_896 : vector<128x256xf32>
      %exp3A_900 = math.exp %mul3A_899 : vector<128x256xf32>
      %mul3A_901 = vector.broadcast %slice3A_867 : vector<128x1xf32> to vector<128x256xf32>
      %mul3A_902 = arith.mulf %exp3A_900, %mul3A_901 : vector<128x256xf32>
      %min3A_903 = arith.constant 9.900000e-01 : f32
      %min3A_904 = vector.broadcast %min3A_903 : f32 to vector<128x256xf32>
      %min3A_905 = arith.minimumf %mul3A_902, %min3A_904 : vector<128x256xf32>
      %jit3A_906 = arith.constant 0.000000e+00 : f32
      %broadcast_in_dim3A_907 = vector.shape_cast %lt3A_876 : vector<128x1xi1> to vector<128x1xi1>
      %broadcast_in_dim3A_908 = vector.broadcast %broadcast_in_dim3A_907 : vector<128x1xi1> to vector<128x256xi1>
      %broadcast_in_dim3A_909 = vector.broadcast %jit3A_906 : f32 to vector<128x256xf32>
      %select_n3A_910 = arith.select %broadcast_in_dim3A_908, %min3A_905, %broadcast_in_dim3A_909 : vector<128x256xi1>, vector<128x256xf32>
      %neg3A_911 = arith.constant 0.000000e+00 : f32
      %neg3A_912 = vector.broadcast %neg3A_911 : f32 to vector<128x256xf32>
      %neg3A_913 = arith.subf %neg3A_912, %select_n3A_910 : vector<128x256xf32>
      %log1p3A_914 = math.log1p %neg3A_913 : vector<128x256xf32>
      %dot_general3A_915 = arith.constant dense<0.000000e+00> : vector<128x256xf32>
      %dot_general3A_916 = tpu.matmul %convert_element_type3A_352, %log1p3A_914, %dot_general3A_915 {dimension_numbers = #tpu.dot_dimension_numbers<[1], [0], [0], [1], [0, 0, 1, 1], [], []>, transpose_lhs_hint = false} : vector<128x128xf32>, vector<128x256xf32>, vector<128x256xf32> -> vector<128x256xf32>
      %exp3A_917 = math.exp %dot_general3A_916 : vector<128x256xf32>
      %mul3A_918 = vector.broadcast %while3A_647 : vector<1x256xf32> to vector<128x256xf32>
      %mul3A_919 = arith.mulf %mul3A_918, %exp3A_917 : vector<128x256xf32>
      %mul3A_920 = arith.mulf %mul3A_919, %select_n3A_910 : vector<128x256xf32>
      %mul3A_921 = vector.broadcast %slice3A_868 : vector<128x1xf32> to vector<128x256xf32>
      %mul3A_922 = arith.mulf %mul3A_920, %mul3A_921 : vector<128x256xf32>
      %reduce_sum3A_923 = arith.constant dense<0.000000e+00> : vector<256xf32>
      %reduce_sum3A_924 = vector.multi_reduction <add>, %mul3A_922, %reduce_sum3A_923 [0] : vector<128x256xf32> to vector<256xf32>
      %broadcast_in_dim3A_925 = vector.shape_cast %reduce_sum3A_924 : vector<256xf32> to vector<1x256xf32>
      %add3A_926 = arith.addf %while3A_648, %broadcast_in_dim3A_925 : vector<1x256xf32>
      %mul3A_927 = vector.broadcast %slice3A_869 : vector<128x1xf32> to vector<128x256xf32>
      %mul3A_928 = arith.mulf %mul3A_920, %mul3A_927 : vector<128x256xf32>
      %reduce_sum3A_929 = arith.constant dense<0.000000e+00> : vector<256xf32>
      %reduce_sum3A_930 = vector.multi_reduction <add>, %mul3A_928, %reduce_sum3A_929 [0] : vector<128x256xf32> to vector<256xf32>
      %broadcast_in_dim3A_931 = vector.shape_cast %reduce_sum3A_930 : vector<256xf32> to vector<1x256xf32>
      %add3A_932 = arith.addf %while3A_649, %broadcast_in_dim3A_931 : vector<1x256xf32>
      %mul3A_933 = vector.broadcast %slice3A_870 : vector<128x1xf32> to vector<128x256xf32>
      %mul3A_934 = arith.mulf %mul3A_920, %mul3A_933 : vector<128x256xf32>
      %reduce_sum3A_935 = arith.constant dense<0.000000e+00> : vector<256xf32>
      %reduce_sum3A_936 = vector.multi_reduction <add>, %mul3A_934, %reduce_sum3A_935 [0] : vector<128x256xf32> to vector<256xf32>
      %broadcast_in_dim3A_937 = vector.shape_cast %reduce_sum3A_936 : vector<256xf32> to vector<1x256xf32>
      %add3A_938 = arith.addf %while3A_650, %broadcast_in_dim3A_937 : vector<1x256xf32>
      %reduce_sum3A_939 = arith.constant dense<0.000000e+00> : vector<256xf32>
      %reduce_sum3A_940 = vector.multi_reduction <add>, %mul3A_920, %reduce_sum3A_939 [0] : vector<128x256xf32> to vector<256xf32>
      %broadcast_in_dim3A_941 = vector.shape_cast %reduce_sum3A_940 : vector<256xf32> to vector<1x256xf32>
      %add3A_942 = arith.addf %while3A_651, %broadcast_in_dim3A_941 : vector<1x256xf32>
      %reduce_sum3A_943 = arith.constant dense<0.000000e+00> : vector<256xf32>
      %reduce_sum3A_944 = vector.multi_reduction <add>, %log1p3A_914, %reduce_sum3A_943 [0] : vector<128x256xf32> to vector<256xf32>
      %broadcast_in_dim3A_945 = vector.shape_cast %reduce_sum3A_944 : vector<256xf32> to vector<1x256xf32>
      %exp3A_946 = math.exp %broadcast_in_dim3A_945 : vector<1x256xf32>
      %mul3A_947 = arith.mulf %while3A_647, %exp3A_946 : vector<1x256xf32>
      %get3A_948 = arith.constant 3 : index
      %get3A_949 = arith.index_cast %while3A_636 : i32 to index
      %get3A_950 = arith.constant 0 : index
      %get3A_951 = arith.constant 0 : index
      %get3A_952 = vector.load %arg2[%get3A_948, %get3A_949, %get3A_950, %get3A_951] : memref<8x8x16x128xf32, #tpu.memory_space<vmem>>, vector<1x1x16x128xf32>
      %get3A_953 = vector.shape_cast %get3A_952 : vector<1x1x16x128xf32> to vector<16x128xf32>
      %transpose3A_954 = tpu.transpose %get3A_953, [1, 0] : vector<16x128xf32> -> vector<128x16xf32>
      %slice3A_955 = vector.extract_strided_slice %transpose3A_954 {offsets = [0, 0], sizes = [128, 1], strides = [1, 1]} : vector<128x16xf32> to vector<128x1xf32>
      %slice3A_956 = vector.extract_strided_slice %transpose3A_954 {offsets = [0, 1], sizes = [128, 1], strides = [1, 1]} : vector<128x16xf32> to vector<128x1xf32>
      %slice3A_957 = vector.extract_strided_slice %transpose3A_954 {offsets = [0, 2], sizes = [128, 1], strides = [1, 1]} : vector<128x16xf32> to vector<128x1xf32>
      %slice3A_958 = vector.extract_strided_slice %transpose3A_954 {offsets = [0, 3], sizes = [128, 1], strides = [1, 1]} : vector<128x16xf32> to vector<128x1xf32>
      %slice3A_959 = vector.extract_strided_slice %transpose3A_954 {offsets = [0, 4], sizes = [128, 1], strides = [1, 1]} : vector<128x16xf32> to vector<128x1xf32>
      %slice3A_960 = vector.extract_strided_slice %transpose3A_954 {offsets = [0, 5], sizes = [128, 1], strides = [1, 1]} : vector<128x16xf32> to vector<128x1xf32>
      %slice3A_961 = vector.extract_strided_slice %transpose3A_954 {offsets = [0, 6], sizes = [128, 1], strides = [1, 1]} : vector<128x16xf32> to vector<128x1xf32>
      %slice3A_962 = vector.extract_strided_slice %transpose3A_954 {offsets = [0, 7], sizes = [128, 1], strides = [1, 1]} : vector<128x16xf32> to vector<128x1xf32>
      %slice3A_963 = vector.extract_strided_slice %transpose3A_954 {offsets = [0, 8], sizes = [128, 1], strides = [1, 1]} : vector<128x16xf32> to vector<128x1xf32>
      %mul3A_964 = arith.constant 128 : i32
      %mul3A_965 = arith.muli %while3A_636, %mul3A_964 : i32
      %add3A_966 = vector.broadcast %mul3A_965 : i32 to vector<128x1xi32>
      %add3A_967 = arith.addi %iota3A_353, %add3A_966 : vector<128x1xi32>
      %lt3A_968 = vector.broadcast %get3A_48 : i32 to vector<128x1xi32>
      %lt3A_969 = arith.cmpi slt, %add3A_967, %lt3A_968 : vector<128x1xi32>
      %sub3A_970 = vector.broadcast %convert_element_type3A_239 : vector<1x256xf32> to vector<128x256xf32>
      %sub3A_971 = vector.broadcast %slice3A_955 : vector<128x1xf32> to vector<128x256xf32>
      %sub3A_972 = arith.subf %sub3A_970, %sub3A_971 : vector<128x256xf32>
      %sub3A_973 = vector.broadcast %convert_element_type3A : vector<1x256xf32> to vector<128x256xf32>
      %sub3A_974 = vector.broadcast %slice3A_956 : vector<128x1xf32> to vector<128x256xf32>
      %sub3A_975 = arith.subf %sub3A_973, %sub3A_974 : vector<128x256xf32>
      %mul3A_976 = arith.mulf %sub3A_972, %sub3A_972 : vector<128x256xf32>
      %mul3A_977 = vector.broadcast %slice3A_957 : vector<128x1xf32> to vector<128x256xf32>
      %mul3A_978 = arith.mulf %mul3A_976, %mul3A_977 : vector<128x256xf32>
      %mul3A_979 = arith.mulf %sub3A_975, %sub3A_975 : vector<128x256xf32>
      %mul3A_980 = vector.broadcast %slice3A_958 : vector<128x1xf32> to vector<128x256xf32>
      %mul3A_981 = arith.mulf %mul3A_979, %mul3A_980 : vector<128x256xf32>
      %add3A_982 = arith.addf %mul3A_978, %mul3A_981 : vector<128x256xf32>
      %mul3A_983 = arith.mulf %sub3A_972, %sub3A_975 : vector<128x256xf32>
      %mul3A_984 = arith.constant 2.000000e+00 : f32
      %mul3A_985 = vector.broadcast %mul3A_984 : f32 to vector<128x256xf32>
      %mul3A_986 = arith.mulf %mul3A_985, %mul3A_983 : vector<128x256xf32>
      %mul3A_987 = vector.broadcast %slice3A_959 : vector<128x1xf32> to vector<128x256xf32>
      %mul3A_988 = arith.mulf %mul3A_986, %mul3A_987 : vector<128x256xf32>
      %add3A_989 = arith.addf %add3A_982, %mul3A_988 : vector<128x256xf32>
      %mul3A_990 = arith.constant -5.000000e-01 : f32
      %mul3A_991 = vector.broadcast %mul3A_990 : f32 to vector<128x256xf32>
      %mul3A_992 = arith.mulf %mul3A_991, %add3A_989 : vector<128x256xf32>
      %exp3A_993 = math.exp %mul3A_992 : vector<128x256xf32>
      %mul3A_994 = vector.broadcast %slice3A_960 : vector<128x1xf32> to vector<128x256xf32>
      %mul3A_995 = arith.mulf %exp3A_993, %mul3A_994 : vector<128x256xf32>
      %min3A_996 = arith.constant 9.900000e-01 : f32
      %min3A_997 = vector.broadcast %min3A_996 : f32 to vector<128x256xf32>
      %min3A_998 = arith.minimumf %mul3A_995, %min3A_997 : vector<128x256xf32>
      %jit3A_999 = arith.constant 0.000000e+00 : f32
      %broadcast_in_dim3A_1000 = vector.shape_cast %lt3A_969 : vector<128x1xi1> to vector<128x1xi1>
      %broadcast_in_dim3A_1001 = vector.broadcast %broadcast_in_dim3A_1000 : vector<128x1xi1> to vector<128x256xi1>
      %broadcast_in_dim3A_1002 = vector.broadcast %jit3A_999 : f32 to vector<128x256xf32>
      %select_n3A_1003 = arith.select %broadcast_in_dim3A_1001, %min3A_998, %broadcast_in_dim3A_1002 : vector<128x256xi1>, vector<128x256xf32>
      %neg3A_1004 = arith.constant 0.000000e+00 : f32
      %neg3A_1005 = vector.broadcast %neg3A_1004 : f32 to vector<128x256xf32>
      %neg3A_1006 = arith.subf %neg3A_1005, %select_n3A_1003 : vector<128x256xf32>
      %log1p3A_1007 = math.log1p %neg3A_1006 : vector<128x256xf32>
      %dot_general3A_1008 = arith.constant dense<0.000000e+00> : vector<128x256xf32>
      %dot_general3A_1009 = tpu.matmul %convert_element_type3A_352, %log1p3A_1007, %dot_general3A_1008 {dimension_numbers = #tpu.dot_dimension_numbers<[1], [0], [0], [1], [0, 0, 1, 1], [], []>, transpose_lhs_hint = false} : vector<128x128xf32>, vector<128x256xf32>, vector<128x256xf32> -> vector<128x256xf32>
      %exp3A_1010 = math.exp %dot_general3A_1009 : vector<128x256xf32>
      %mul3A_1011 = vector.broadcast %while3A_652 : vector<1x256xf32> to vector<128x256xf32>
      %mul3A_1012 = arith.mulf %mul3A_1011, %exp3A_1010 : vector<128x256xf32>
      %mul3A_1013 = arith.mulf %mul3A_1012, %select_n3A_1003 : vector<128x256xf32>
      %mul3A_1014 = vector.broadcast %slice3A_961 : vector<128x1xf32> to vector<128x256xf32>
      %mul3A_1015 = arith.mulf %mul3A_1013, %mul3A_1014 : vector<128x256xf32>
      %reduce_sum3A_1016 = arith.constant dense<0.000000e+00> : vector<256xf32>
      %reduce_sum3A_1017 = vector.multi_reduction <add>, %mul3A_1015, %reduce_sum3A_1016 [0] : vector<128x256xf32> to vector<256xf32>
      %broadcast_in_dim3A_1018 = vector.shape_cast %reduce_sum3A_1017 : vector<256xf32> to vector<1x256xf32>
      %add3A_1019 = arith.addf %while3A_653, %broadcast_in_dim3A_1018 : vector<1x256xf32>
      %mul3A_1020 = vector.broadcast %slice3A_962 : vector<128x1xf32> to vector<128x256xf32>
      %mul3A_1021 = arith.mulf %mul3A_1013, %mul3A_1020 : vector<128x256xf32>
      %reduce_sum3A_1022 = arith.constant dense<0.000000e+00> : vector<256xf32>
      %reduce_sum3A_1023 = vector.multi_reduction <add>, %mul3A_1021, %reduce_sum3A_1022 [0] : vector<128x256xf32> to vector<256xf32>
      %broadcast_in_dim3A_1024 = vector.shape_cast %reduce_sum3A_1023 : vector<256xf32> to vector<1x256xf32>
      %add3A_1025 = arith.addf %while3A_654, %broadcast_in_dim3A_1024 : vector<1x256xf32>
      %mul3A_1026 = vector.broadcast %slice3A_963 : vector<128x1xf32> to vector<128x256xf32>
      %mul3A_1027 = arith.mulf %mul3A_1013, %mul3A_1026 : vector<128x256xf32>
      %reduce_sum3A_1028 = arith.constant dense<0.000000e+00> : vector<256xf32>
      %reduce_sum3A_1029 = vector.multi_reduction <add>, %mul3A_1027, %reduce_sum3A_1028 [0] : vector<128x256xf32> to vector<256xf32>
      %broadcast_in_dim3A_1030 = vector.shape_cast %reduce_sum3A_1029 : vector<256xf32> to vector<1x256xf32>
      %add3A_1031 = arith.addf %while3A_655, %broadcast_in_dim3A_1030 : vector<1x256xf32>
      %reduce_sum3A_1032 = arith.constant dense<0.000000e+00> : vector<256xf32>
      %reduce_sum3A_1033 = vector.multi_reduction <add>, %mul3A_1013, %reduce_sum3A_1032 [0] : vector<128x256xf32> to vector<256xf32>
      %broadcast_in_dim3A_1034 = vector.shape_cast %reduce_sum3A_1033 : vector<256xf32> to vector<1x256xf32>
      %add3A_1035 = arith.addf %while3A_656, %broadcast_in_dim3A_1034 : vector<1x256xf32>
      %reduce_sum3A_1036 = arith.constant dense<0.000000e+00> : vector<256xf32>
      %reduce_sum3A_1037 = vector.multi_reduction <add>, %log1p3A_1007, %reduce_sum3A_1036 [0] : vector<128x256xf32> to vector<256xf32>
      %broadcast_in_dim3A_1038 = vector.shape_cast %reduce_sum3A_1037 : vector<256xf32> to vector<1x256xf32>
      %exp3A_1039 = math.exp %broadcast_in_dim3A_1038 : vector<1x256xf32>
      %mul3A_1040 = arith.mulf %while3A_652, %exp3A_1039 : vector<1x256xf32>
      %get3A_1041 = arith.constant 4 : index
      %get3A_1042 = arith.index_cast %while3A_636 : i32 to index
      %get3A_1043 = arith.constant 0 : index
      %get3A_1044 = arith.constant 0 : index
      %get3A_1045 = vector.load %arg2[%get3A_1041, %get3A_1042, %get3A_1043, %get3A_1044] : memref<8x8x16x128xf32, #tpu.memory_space<vmem>>, vector<1x1x16x128xf32>
      %get3A_1046 = vector.shape_cast %get3A_1045 : vector<1x1x16x128xf32> to vector<16x128xf32>
      %transpose3A_1047 = tpu.transpose %get3A_1046, [1, 0] : vector<16x128xf32> -> vector<128x16xf32>
      %slice3A_1048 = vector.extract_strided_slice %transpose3A_1047 {offsets = [0, 0], sizes = [128, 1], strides = [1, 1]} : vector<128x16xf32> to vector<128x1xf32>
      %slice3A_1049 = vector.extract_strided_slice %transpose3A_1047 {offsets = [0, 1], sizes = [128, 1], strides = [1, 1]} : vector<128x16xf32> to vector<128x1xf32>
      %slice3A_1050 = vector.extract_strided_slice %transpose3A_1047 {offsets = [0, 2], sizes = [128, 1], strides = [1, 1]} : vector<128x16xf32> to vector<128x1xf32>
      %slice3A_1051 = vector.extract_strided_slice %transpose3A_1047 {offsets = [0, 3], sizes = [128, 1], strides = [1, 1]} : vector<128x16xf32> to vector<128x1xf32>
      %slice3A_1052 = vector.extract_strided_slice %transpose3A_1047 {offsets = [0, 4], sizes = [128, 1], strides = [1, 1]} : vector<128x16xf32> to vector<128x1xf32>
      %slice3A_1053 = vector.extract_strided_slice %transpose3A_1047 {offsets = [0, 5], sizes = [128, 1], strides = [1, 1]} : vector<128x16xf32> to vector<128x1xf32>
      %slice3A_1054 = vector.extract_strided_slice %transpose3A_1047 {offsets = [0, 6], sizes = [128, 1], strides = [1, 1]} : vector<128x16xf32> to vector<128x1xf32>
      %slice3A_1055 = vector.extract_strided_slice %transpose3A_1047 {offsets = [0, 7], sizes = [128, 1], strides = [1, 1]} : vector<128x16xf32> to vector<128x1xf32>
      %slice3A_1056 = vector.extract_strided_slice %transpose3A_1047 {offsets = [0, 8], sizes = [128, 1], strides = [1, 1]} : vector<128x16xf32> to vector<128x1xf32>
      %mul3A_1057 = arith.constant 128 : i32
      %mul3A_1058 = arith.muli %while3A_636, %mul3A_1057 : i32
      %add3A_1059 = vector.broadcast %mul3A_1058 : i32 to vector<128x1xi32>
      %add3A_1060 = arith.addi %iota3A_353, %add3A_1059 : vector<128x1xi32>
      %lt3A_1061 = vector.broadcast %get3A_52 : i32 to vector<128x1xi32>
      %lt3A_1062 = arith.cmpi slt, %add3A_1060, %lt3A_1061 : vector<128x1xi32>
      %sub3A_1063 = vector.broadcast %convert_element_type3A_266 : vector<1x256xf32> to vector<128x256xf32>
      %sub3A_1064 = vector.broadcast %slice3A_1048 : vector<128x1xf32> to vector<128x256xf32>
      %sub3A_1065 = arith.subf %sub3A_1063, %sub3A_1064 : vector<128x256xf32>
      %sub3A_1066 = vector.broadcast %convert_element_type3A : vector<1x256xf32> to vector<128x256xf32>
      %sub3A_1067 = vector.broadcast %slice3A_1049 : vector<128x1xf32> to vector<128x256xf32>
      %sub3A_1068 = arith.subf %sub3A_1066, %sub3A_1067 : vector<128x256xf32>
      %mul3A_1069 = arith.mulf %sub3A_1065, %sub3A_1065 : vector<128x256xf32>
      %mul3A_1070 = vector.broadcast %slice3A_1050 : vector<128x1xf32> to vector<128x256xf32>
      %mul3A_1071 = arith.mulf %mul3A_1069, %mul3A_1070 : vector<128x256xf32>
      %mul3A_1072 = arith.mulf %sub3A_1068, %sub3A_1068 : vector<128x256xf32>
      %mul3A_1073 = vector.broadcast %slice3A_1051 : vector<128x1xf32> to vector<128x256xf32>
      %mul3A_1074 = arith.mulf %mul3A_1072, %mul3A_1073 : vector<128x256xf32>
      %add3A_1075 = arith.addf %mul3A_1071, %mul3A_1074 : vector<128x256xf32>
      %mul3A_1076 = arith.mulf %sub3A_1065, %sub3A_1068 : vector<128x256xf32>
      %mul3A_1077 = arith.constant 2.000000e+00 : f32
      %mul3A_1078 = vector.broadcast %mul3A_1077 : f32 to vector<128x256xf32>
      %mul3A_1079 = arith.mulf %mul3A_1078, %mul3A_1076 : vector<128x256xf32>
      %mul3A_1080 = vector.broadcast %slice3A_1052 : vector<128x1xf32> to vector<128x256xf32>
      %mul3A_1081 = arith.mulf %mul3A_1079, %mul3A_1080 : vector<128x256xf32>
      %add3A_1082 = arith.addf %add3A_1075, %mul3A_1081 : vector<128x256xf32>
      %mul3A_1083 = arith.constant -5.000000e-01 : f32
      %mul3A_1084 = vector.broadcast %mul3A_1083 : f32 to vector<128x256xf32>
      %mul3A_1085 = arith.mulf %mul3A_1084, %add3A_1082 : vector<128x256xf32>
      %exp3A_1086 = math.exp %mul3A_1085 : vector<128x256xf32>
      %mul3A_1087 = vector.broadcast %slice3A_1053 : vector<128x1xf32> to vector<128x256xf32>
      %mul3A_1088 = arith.mulf %exp3A_1086, %mul3A_1087 : vector<128x256xf32>
      %min3A_1089 = arith.constant 9.900000e-01 : f32
      %min3A_1090 = vector.broadcast %min3A_1089 : f32 to vector<128x256xf32>
      %min3A_1091 = arith.minimumf %mul3A_1088, %min3A_1090 : vector<128x256xf32>
      %jit3A_1092 = arith.constant 0.000000e+00 : f32
      %broadcast_in_dim3A_1093 = vector.shape_cast %lt3A_1062 : vector<128x1xi1> to vector<128x1xi1>
      %broadcast_in_dim3A_1094 = vector.broadcast %broadcast_in_dim3A_1093 : vector<128x1xi1> to vector<128x256xi1>
      %broadcast_in_dim3A_1095 = vector.broadcast %jit3A_1092 : f32 to vector<128x256xf32>
      %select_n3A_1096 = arith.select %broadcast_in_dim3A_1094, %min3A_1091, %broadcast_in_dim3A_1095 : vector<128x256xi1>, vector<128x256xf32>
      %neg3A_1097 = arith.constant 0.000000e+00 : f32
      %neg3A_1098 = vector.broadcast %neg3A_1097 : f32 to vector<128x256xf32>
      %neg3A_1099 = arith.subf %neg3A_1098, %select_n3A_1096 : vector<128x256xf32>
      %log1p3A_1100 = math.log1p %neg3A_1099 : vector<128x256xf32>
      %dot_general3A_1101 = arith.constant dense<0.000000e+00> : vector<128x256xf32>
      %dot_general3A_1102 = tpu.matmul %convert_element_type3A_352, %log1p3A_1100, %dot_general3A_1101 {dimension_numbers = #tpu.dot_dimension_numbers<[1], [0], [0], [1], [0, 0, 1, 1], [], []>, transpose_lhs_hint = false} : vector<128x128xf32>, vector<128x256xf32>, vector<128x256xf32> -> vector<128x256xf32>
      %exp3A_1103 = math.exp %dot_general3A_1102 : vector<128x256xf32>
      %mul3A_1104 = vector.broadcast %while3A_657 : vector<1x256xf32> to vector<128x256xf32>
      %mul3A_1105 = arith.mulf %mul3A_1104, %exp3A_1103 : vector<128x256xf32>
      %mul3A_1106 = arith.mulf %mul3A_1105, %select_n3A_1096 : vector<128x256xf32>
      %mul3A_1107 = vector.broadcast %slice3A_1054 : vector<128x1xf32> to vector<128x256xf32>
      %mul3A_1108 = arith.mulf %mul3A_1106, %mul3A_1107 : vector<128x256xf32>
      %reduce_sum3A_1109 = arith.constant dense<0.000000e+00> : vector<256xf32>
      %reduce_sum3A_1110 = vector.multi_reduction <add>, %mul3A_1108, %reduce_sum3A_1109 [0] : vector<128x256xf32> to vector<256xf32>
      %broadcast_in_dim3A_1111 = vector.shape_cast %reduce_sum3A_1110 : vector<256xf32> to vector<1x256xf32>
      %add3A_1112 = arith.addf %while3A_658, %broadcast_in_dim3A_1111 : vector<1x256xf32>
      %mul3A_1113 = vector.broadcast %slice3A_1055 : vector<128x1xf32> to vector<128x256xf32>
      %mul3A_1114 = arith.mulf %mul3A_1106, %mul3A_1113 : vector<128x256xf32>
      %reduce_sum3A_1115 = arith.constant dense<0.000000e+00> : vector<256xf32>
      %reduce_sum3A_1116 = vector.multi_reduction <add>, %mul3A_1114, %reduce_sum3A_1115 [0] : vector<128x256xf32> to vector<256xf32>
      %broadcast_in_dim3A_1117 = vector.shape_cast %reduce_sum3A_1116 : vector<256xf32> to vector<1x256xf32>
      %add3A_1118 = arith.addf %while3A_659, %broadcast_in_dim3A_1117 : vector<1x256xf32>
      %mul3A_1119 = vector.broadcast %slice3A_1056 : vector<128x1xf32> to vector<128x256xf32>
      %mul3A_1120 = arith.mulf %mul3A_1106, %mul3A_1119 : vector<128x256xf32>
      %reduce_sum3A_1121 = arith.constant dense<0.000000e+00> : vector<256xf32>
      %reduce_sum3A_1122 = vector.multi_reduction <add>, %mul3A_1120, %reduce_sum3A_1121 [0] : vector<128x256xf32> to vector<256xf32>
      %broadcast_in_dim3A_1123 = vector.shape_cast %reduce_sum3A_1122 : vector<256xf32> to vector<1x256xf32>
      %add3A_1124 = arith.addf %while3A_660, %broadcast_in_dim3A_1123 : vector<1x256xf32>
      %reduce_sum3A_1125 = arith.constant dense<0.000000e+00> : vector<256xf32>
      %reduce_sum3A_1126 = vector.multi_reduction <add>, %mul3A_1106, %reduce_sum3A_1125 [0] : vector<128x256xf32> to vector<256xf32>
      %broadcast_in_dim3A_1127 = vector.shape_cast %reduce_sum3A_1126 : vector<256xf32> to vector<1x256xf32>
      %add3A_1128 = arith.addf %while3A_661, %broadcast_in_dim3A_1127 : vector<1x256xf32>
      %reduce_sum3A_1129 = arith.constant dense<0.000000e+00> : vector<256xf32>
      %reduce_sum3A_1130 = vector.multi_reduction <add>, %log1p3A_1100, %reduce_sum3A_1129 [0] : vector<128x256xf32> to vector<256xf32>
      %broadcast_in_dim3A_1131 = vector.shape_cast %reduce_sum3A_1130 : vector<256xf32> to vector<1x256xf32>
      %exp3A_1132 = math.exp %broadcast_in_dim3A_1131 : vector<1x256xf32>
      %mul3A_1133 = arith.mulf %while3A_657, %exp3A_1132 : vector<1x256xf32>
      %get3A_1134 = arith.constant 5 : index
      %get3A_1135 = arith.index_cast %while3A_636 : i32 to index
      %get3A_1136 = arith.constant 0 : index
      %get3A_1137 = arith.constant 0 : index
      %get3A_1138 = vector.load %arg2[%get3A_1134, %get3A_1135, %get3A_1136, %get3A_1137] : memref<8x8x16x128xf32, #tpu.memory_space<vmem>>, vector<1x1x16x128xf32>
      %get3A_1139 = vector.shape_cast %get3A_1138 : vector<1x1x16x128xf32> to vector<16x128xf32>
      %transpose3A_1140 = tpu.transpose %get3A_1139, [1, 0] : vector<16x128xf32> -> vector<128x16xf32>
      %slice3A_1141 = vector.extract_strided_slice %transpose3A_1140 {offsets = [0, 0], sizes = [128, 1], strides = [1, 1]} : vector<128x16xf32> to vector<128x1xf32>
      %slice3A_1142 = vector.extract_strided_slice %transpose3A_1140 {offsets = [0, 1], sizes = [128, 1], strides = [1, 1]} : vector<128x16xf32> to vector<128x1xf32>
      %slice3A_1143 = vector.extract_strided_slice %transpose3A_1140 {offsets = [0, 2], sizes = [128, 1], strides = [1, 1]} : vector<128x16xf32> to vector<128x1xf32>
      %slice3A_1144 = vector.extract_strided_slice %transpose3A_1140 {offsets = [0, 3], sizes = [128, 1], strides = [1, 1]} : vector<128x16xf32> to vector<128x1xf32>
      %slice3A_1145 = vector.extract_strided_slice %transpose3A_1140 {offsets = [0, 4], sizes = [128, 1], strides = [1, 1]} : vector<128x16xf32> to vector<128x1xf32>
      %slice3A_1146 = vector.extract_strided_slice %transpose3A_1140 {offsets = [0, 5], sizes = [128, 1], strides = [1, 1]} : vector<128x16xf32> to vector<128x1xf32>
      %slice3A_1147 = vector.extract_strided_slice %transpose3A_1140 {offsets = [0, 6], sizes = [128, 1], strides = [1, 1]} : vector<128x16xf32> to vector<128x1xf32>
      %slice3A_1148 = vector.extract_strided_slice %transpose3A_1140 {offsets = [0, 7], sizes = [128, 1], strides = [1, 1]} : vector<128x16xf32> to vector<128x1xf32>
      %slice3A_1149 = vector.extract_strided_slice %transpose3A_1140 {offsets = [0, 8], sizes = [128, 1], strides = [1, 1]} : vector<128x16xf32> to vector<128x1xf32>
      %mul3A_1150 = arith.constant 128 : i32
      %mul3A_1151 = arith.muli %while3A_636, %mul3A_1150 : i32
      %add3A_1152 = vector.broadcast %mul3A_1151 : i32 to vector<128x1xi32>
      %add3A_1153 = arith.addi %iota3A_353, %add3A_1152 : vector<128x1xi32>
      %lt3A_1154 = vector.broadcast %get3A_56 : i32 to vector<128x1xi32>
      %lt3A_1155 = arith.cmpi slt, %add3A_1153, %lt3A_1154 : vector<128x1xi32>
      %sub3A_1156 = vector.broadcast %convert_element_type3A_293 : vector<1x256xf32> to vector<128x256xf32>
      %sub3A_1157 = vector.broadcast %slice3A_1141 : vector<128x1xf32> to vector<128x256xf32>
      %sub3A_1158 = arith.subf %sub3A_1156, %sub3A_1157 : vector<128x256xf32>
      %sub3A_1159 = vector.broadcast %convert_element_type3A : vector<1x256xf32> to vector<128x256xf32>
      %sub3A_1160 = vector.broadcast %slice3A_1142 : vector<128x1xf32> to vector<128x256xf32>
      %sub3A_1161 = arith.subf %sub3A_1159, %sub3A_1160 : vector<128x256xf32>
      %mul3A_1162 = arith.mulf %sub3A_1158, %sub3A_1158 : vector<128x256xf32>
      %mul3A_1163 = vector.broadcast %slice3A_1143 : vector<128x1xf32> to vector<128x256xf32>
      %mul3A_1164 = arith.mulf %mul3A_1162, %mul3A_1163 : vector<128x256xf32>
      %mul3A_1165 = arith.mulf %sub3A_1161, %sub3A_1161 : vector<128x256xf32>
      %mul3A_1166 = vector.broadcast %slice3A_1144 : vector<128x1xf32> to vector<128x256xf32>
      %mul3A_1167 = arith.mulf %mul3A_1165, %mul3A_1166 : vector<128x256xf32>
      %add3A_1168 = arith.addf %mul3A_1164, %mul3A_1167 : vector<128x256xf32>
      %mul3A_1169 = arith.mulf %sub3A_1158, %sub3A_1161 : vector<128x256xf32>
      %mul3A_1170 = arith.constant 2.000000e+00 : f32
      %mul3A_1171 = vector.broadcast %mul3A_1170 : f32 to vector<128x256xf32>
      %mul3A_1172 = arith.mulf %mul3A_1171, %mul3A_1169 : vector<128x256xf32>
      %mul3A_1173 = vector.broadcast %slice3A_1145 : vector<128x1xf32> to vector<128x256xf32>
      %mul3A_1174 = arith.mulf %mul3A_1172, %mul3A_1173 : vector<128x256xf32>
      %add3A_1175 = arith.addf %add3A_1168, %mul3A_1174 : vector<128x256xf32>
      %mul3A_1176 = arith.constant -5.000000e-01 : f32
      %mul3A_1177 = vector.broadcast %mul3A_1176 : f32 to vector<128x256xf32>
      %mul3A_1178 = arith.mulf %mul3A_1177, %add3A_1175 : vector<128x256xf32>
      %exp3A_1179 = math.exp %mul3A_1178 : vector<128x256xf32>
      %mul3A_1180 = vector.broadcast %slice3A_1146 : vector<128x1xf32> to vector<128x256xf32>
      %mul3A_1181 = arith.mulf %exp3A_1179, %mul3A_1180 : vector<128x256xf32>
      %min3A_1182 = arith.constant 9.900000e-01 : f32
      %min3A_1183 = vector.broadcast %min3A_1182 : f32 to vector<128x256xf32>
      %min3A_1184 = arith.minimumf %mul3A_1181, %min3A_1183 : vector<128x256xf32>
      %jit3A_1185 = arith.constant 0.000000e+00 : f32
      %broadcast_in_dim3A_1186 = vector.shape_cast %lt3A_1155 : vector<128x1xi1> to vector<128x1xi1>
      %broadcast_in_dim3A_1187 = vector.broadcast %broadcast_in_dim3A_1186 : vector<128x1xi1> to vector<128x256xi1>
      %broadcast_in_dim3A_1188 = vector.broadcast %jit3A_1185 : f32 to vector<128x256xf32>
      %select_n3A_1189 = arith.select %broadcast_in_dim3A_1187, %min3A_1184, %broadcast_in_dim3A_1188 : vector<128x256xi1>, vector<128x256xf32>
      %neg3A_1190 = arith.constant 0.000000e+00 : f32
      %neg3A_1191 = vector.broadcast %neg3A_1190 : f32 to vector<128x256xf32>
      %neg3A_1192 = arith.subf %neg3A_1191, %select_n3A_1189 : vector<128x256xf32>
      %log1p3A_1193 = math.log1p %neg3A_1192 : vector<128x256xf32>
      %dot_general3A_1194 = arith.constant dense<0.000000e+00> : vector<128x256xf32>
      %dot_general3A_1195 = tpu.matmul %convert_element_type3A_352, %log1p3A_1193, %dot_general3A_1194 {dimension_numbers = #tpu.dot_dimension_numbers<[1], [0], [0], [1], [0, 0, 1, 1], [], []>, transpose_lhs_hint = false} : vector<128x128xf32>, vector<128x256xf32>, vector<128x256xf32> -> vector<128x256xf32>
      %exp3A_1196 = math.exp %dot_general3A_1195 : vector<128x256xf32>
      %mul3A_1197 = vector.broadcast %while3A_662 : vector<1x256xf32> to vector<128x256xf32>
      %mul3A_1198 = arith.mulf %mul3A_1197, %exp3A_1196 : vector<128x256xf32>
      %mul3A_1199 = arith.mulf %mul3A_1198, %select_n3A_1189 : vector<128x256xf32>
      %mul3A_1200 = vector.broadcast %slice3A_1147 : vector<128x1xf32> to vector<128x256xf32>
      %mul3A_1201 = arith.mulf %mul3A_1199, %mul3A_1200 : vector<128x256xf32>
      %reduce_sum3A_1202 = arith.constant dense<0.000000e+00> : vector<256xf32>
      %reduce_sum3A_1203 = vector.multi_reduction <add>, %mul3A_1201, %reduce_sum3A_1202 [0] : vector<128x256xf32> to vector<256xf32>
      %broadcast_in_dim3A_1204 = vector.shape_cast %reduce_sum3A_1203 : vector<256xf32> to vector<1x256xf32>
      %add3A_1205 = arith.addf %while3A_663, %broadcast_in_dim3A_1204 : vector<1x256xf32>
      %mul3A_1206 = vector.broadcast %slice3A_1148 : vector<128x1xf32> to vector<128x256xf32>
      %mul3A_1207 = arith.mulf %mul3A_1199, %mul3A_1206 : vector<128x256xf32>
      %reduce_sum3A_1208 = arith.constant dense<0.000000e+00> : vector<256xf32>
      %reduce_sum3A_1209 = vector.multi_reduction <add>, %mul3A_1207, %reduce_sum3A_1208 [0] : vector<128x256xf32> to vector<256xf32>
      %broadcast_in_dim3A_1210 = vector.shape_cast %reduce_sum3A_1209 : vector<256xf32> to vector<1x256xf32>
      %add3A_1211 = arith.addf %while3A_664, %broadcast_in_dim3A_1210 : vector<1x256xf32>
      %mul3A_1212 = vector.broadcast %slice3A_1149 : vector<128x1xf32> to vector<128x256xf32>
      %mul3A_1213 = arith.mulf %mul3A_1199, %mul3A_1212 : vector<128x256xf32>
      %reduce_sum3A_1214 = arith.constant dense<0.000000e+00> : vector<256xf32>
      %reduce_sum3A_1215 = vector.multi_reduction <add>, %mul3A_1213, %reduce_sum3A_1214 [0] : vector<128x256xf32> to vector<256xf32>
      %broadcast_in_dim3A_1216 = vector.shape_cast %reduce_sum3A_1215 : vector<256xf32> to vector<1x256xf32>
      %add3A_1217 = arith.addf %while3A_665, %broadcast_in_dim3A_1216 : vector<1x256xf32>
      %reduce_sum3A_1218 = arith.constant dense<0.000000e+00> : vector<256xf32>
      %reduce_sum3A_1219 = vector.multi_reduction <add>, %mul3A_1199, %reduce_sum3A_1218 [0] : vector<128x256xf32> to vector<256xf32>
      %broadcast_in_dim3A_1220 = vector.shape_cast %reduce_sum3A_1219 : vector<256xf32> to vector<1x256xf32>
      %add3A_1221 = arith.addf %while3A_666, %broadcast_in_dim3A_1220 : vector<1x256xf32>
      %reduce_sum3A_1222 = arith.constant dense<0.000000e+00> : vector<256xf32>
      %reduce_sum3A_1223 = vector.multi_reduction <add>, %log1p3A_1193, %reduce_sum3A_1222 [0] : vector<128x256xf32> to vector<256xf32>
      %broadcast_in_dim3A_1224 = vector.shape_cast %reduce_sum3A_1223 : vector<256xf32> to vector<1x256xf32>
      %exp3A_1225 = math.exp %broadcast_in_dim3A_1224 : vector<1x256xf32>
      %mul3A_1226 = arith.mulf %while3A_662, %exp3A_1225 : vector<1x256xf32>
      %get3A_1227 = arith.constant 6 : index
      %get3A_1228 = arith.index_cast %while3A_636 : i32 to index
      %get3A_1229 = arith.constant 0 : index
      %get3A_1230 = arith.constant 0 : index
      %get3A_1231 = vector.load %arg2[%get3A_1227, %get3A_1228, %get3A_1229, %get3A_1230] : memref<8x8x16x128xf32, #tpu.memory_space<vmem>>, vector<1x1x16x128xf32>
      %get3A_1232 = vector.shape_cast %get3A_1231 : vector<1x1x16x128xf32> to vector<16x128xf32>
      %transpose3A_1233 = tpu.transpose %get3A_1232, [1, 0] : vector<16x128xf32> -> vector<128x16xf32>
      %slice3A_1234 = vector.extract_strided_slice %transpose3A_1233 {offsets = [0, 0], sizes = [128, 1], strides = [1, 1]} : vector<128x16xf32> to vector<128x1xf32>
      %slice3A_1235 = vector.extract_strided_slice %transpose3A_1233 {offsets = [0, 1], sizes = [128, 1], strides = [1, 1]} : vector<128x16xf32> to vector<128x1xf32>
      %slice3A_1236 = vector.extract_strided_slice %transpose3A_1233 {offsets = [0, 2], sizes = [128, 1], strides = [1, 1]} : vector<128x16xf32> to vector<128x1xf32>
      %slice3A_1237 = vector.extract_strided_slice %transpose3A_1233 {offsets = [0, 3], sizes = [128, 1], strides = [1, 1]} : vector<128x16xf32> to vector<128x1xf32>
      %slice3A_1238 = vector.extract_strided_slice %transpose3A_1233 {offsets = [0, 4], sizes = [128, 1], strides = [1, 1]} : vector<128x16xf32> to vector<128x1xf32>
      %slice3A_1239 = vector.extract_strided_slice %transpose3A_1233 {offsets = [0, 5], sizes = [128, 1], strides = [1, 1]} : vector<128x16xf32> to vector<128x1xf32>
      %slice3A_1240 = vector.extract_strided_slice %transpose3A_1233 {offsets = [0, 6], sizes = [128, 1], strides = [1, 1]} : vector<128x16xf32> to vector<128x1xf32>
      %slice3A_1241 = vector.extract_strided_slice %transpose3A_1233 {offsets = [0, 7], sizes = [128, 1], strides = [1, 1]} : vector<128x16xf32> to vector<128x1xf32>
      %slice3A_1242 = vector.extract_strided_slice %transpose3A_1233 {offsets = [0, 8], sizes = [128, 1], strides = [1, 1]} : vector<128x16xf32> to vector<128x1xf32>
      %mul3A_1243 = arith.constant 128 : i32
      %mul3A_1244 = arith.muli %while3A_636, %mul3A_1243 : i32
      %add3A_1245 = vector.broadcast %mul3A_1244 : i32 to vector<128x1xi32>
      %add3A_1246 = arith.addi %iota3A_353, %add3A_1245 : vector<128x1xi32>
      %lt3A_1247 = vector.broadcast %get3A_60 : i32 to vector<128x1xi32>
      %lt3A_1248 = arith.cmpi slt, %add3A_1246, %lt3A_1247 : vector<128x1xi32>
      %sub3A_1249 = vector.broadcast %convert_element_type3A_320 : vector<1x256xf32> to vector<128x256xf32>
      %sub3A_1250 = vector.broadcast %slice3A_1234 : vector<128x1xf32> to vector<128x256xf32>
      %sub3A_1251 = arith.subf %sub3A_1249, %sub3A_1250 : vector<128x256xf32>
      %sub3A_1252 = vector.broadcast %convert_element_type3A : vector<1x256xf32> to vector<128x256xf32>
      %sub3A_1253 = vector.broadcast %slice3A_1235 : vector<128x1xf32> to vector<128x256xf32>
      %sub3A_1254 = arith.subf %sub3A_1252, %sub3A_1253 : vector<128x256xf32>
      %mul3A_1255 = arith.mulf %sub3A_1251, %sub3A_1251 : vector<128x256xf32>
      %mul3A_1256 = vector.broadcast %slice3A_1236 : vector<128x1xf32> to vector<128x256xf32>
      %mul3A_1257 = arith.mulf %mul3A_1255, %mul3A_1256 : vector<128x256xf32>
      %mul3A_1258 = arith.mulf %sub3A_1254, %sub3A_1254 : vector<128x256xf32>
      %mul3A_1259 = vector.broadcast %slice3A_1237 : vector<128x1xf32> to vector<128x256xf32>
      %mul3A_1260 = arith.mulf %mul3A_1258, %mul3A_1259 : vector<128x256xf32>
      %add3A_1261 = arith.addf %mul3A_1257, %mul3A_1260 : vector<128x256xf32>
      %mul3A_1262 = arith.mulf %sub3A_1251, %sub3A_1254 : vector<128x256xf32>
      %mul3A_1263 = arith.constant 2.000000e+00 : f32
      %mul3A_1264 = vector.broadcast %mul3A_1263 : f32 to vector<128x256xf32>
      %mul3A_1265 = arith.mulf %mul3A_1264, %mul3A_1262 : vector<128x256xf32>
      %mul3A_1266 = vector.broadcast %slice3A_1238 : vector<128x1xf32> to vector<128x256xf32>
      %mul3A_1267 = arith.mulf %mul3A_1265, %mul3A_1266 : vector<128x256xf32>
      %add3A_1268 = arith.addf %add3A_1261, %mul3A_1267 : vector<128x256xf32>
      %mul3A_1269 = arith.constant -5.000000e-01 : f32
      %mul3A_1270 = vector.broadcast %mul3A_1269 : f32 to vector<128x256xf32>
      %mul3A_1271 = arith.mulf %mul3A_1270, %add3A_1268 : vector<128x256xf32>
      %exp3A_1272 = math.exp %mul3A_1271 : vector<128x256xf32>
      %mul3A_1273 = vector.broadcast %slice3A_1239 : vector<128x1xf32> to vector<128x256xf32>
      %mul3A_1274 = arith.mulf %exp3A_1272, %mul3A_1273 : vector<128x256xf32>
      %min3A_1275 = arith.constant 9.900000e-01 : f32
      %min3A_1276 = vector.broadcast %min3A_1275 : f32 to vector<128x256xf32>
      %min3A_1277 = arith.minimumf %mul3A_1274, %min3A_1276 : vector<128x256xf32>
      %jit3A_1278 = arith.constant 0.000000e+00 : f32
      %broadcast_in_dim3A_1279 = vector.shape_cast %lt3A_1248 : vector<128x1xi1> to vector<128x1xi1>
      %broadcast_in_dim3A_1280 = vector.broadcast %broadcast_in_dim3A_1279 : vector<128x1xi1> to vector<128x256xi1>
      %broadcast_in_dim3A_1281 = vector.broadcast %jit3A_1278 : f32 to vector<128x256xf32>
      %select_n3A_1282 = arith.select %broadcast_in_dim3A_1280, %min3A_1277, %broadcast_in_dim3A_1281 : vector<128x256xi1>, vector<128x256xf32>
      %neg3A_1283 = arith.constant 0.000000e+00 : f32
      %neg3A_1284 = vector.broadcast %neg3A_1283 : f32 to vector<128x256xf32>
      %neg3A_1285 = arith.subf %neg3A_1284, %select_n3A_1282 : vector<128x256xf32>
      %log1p3A_1286 = math.log1p %neg3A_1285 : vector<128x256xf32>
      %dot_general3A_1287 = arith.constant dense<0.000000e+00> : vector<128x256xf32>
      %dot_general3A_1288 = tpu.matmul %convert_element_type3A_352, %log1p3A_1286, %dot_general3A_1287 {dimension_numbers = #tpu.dot_dimension_numbers<[1], [0], [0], [1], [0, 0, 1, 1], [], []>, transpose_lhs_hint = false} : vector<128x128xf32>, vector<128x256xf32>, vector<128x256xf32> -> vector<128x256xf32>
      %exp3A_1289 = math.exp %dot_general3A_1288 : vector<128x256xf32>
      %mul3A_1290 = vector.broadcast %while3A_667 : vector<1x256xf32> to vector<128x256xf32>
      %mul3A_1291 = arith.mulf %mul3A_1290, %exp3A_1289 : vector<128x256xf32>
      %mul3A_1292 = arith.mulf %mul3A_1291, %select_n3A_1282 : vector<128x256xf32>
      %mul3A_1293 = vector.broadcast %slice3A_1240 : vector<128x1xf32> to vector<128x256xf32>
      %mul3A_1294 = arith.mulf %mul3A_1292, %mul3A_1293 : vector<128x256xf32>
      %reduce_sum3A_1295 = arith.constant dense<0.000000e+00> : vector<256xf32>
      %reduce_sum3A_1296 = vector.multi_reduction <add>, %mul3A_1294, %reduce_sum3A_1295 [0] : vector<128x256xf32> to vector<256xf32>
      %broadcast_in_dim3A_1297 = vector.shape_cast %reduce_sum3A_1296 : vector<256xf32> to vector<1x256xf32>
      %add3A_1298 = arith.addf %while3A_668, %broadcast_in_dim3A_1297 : vector<1x256xf32>
      %mul3A_1299 = vector.broadcast %slice3A_1241 : vector<128x1xf32> to vector<128x256xf32>
      %mul3A_1300 = arith.mulf %mul3A_1292, %mul3A_1299 : vector<128x256xf32>
      %reduce_sum3A_1301 = arith.constant dense<0.000000e+00> : vector<256xf32>
      %reduce_sum3A_1302 = vector.multi_reduction <add>, %mul3A_1300, %reduce_sum3A_1301 [0] : vector<128x256xf32> to vector<256xf32>
      %broadcast_in_dim3A_1303 = vector.shape_cast %reduce_sum3A_1302 : vector<256xf32> to vector<1x256xf32>
      %add3A_1304 = arith.addf %while3A_669, %broadcast_in_dim3A_1303 : vector<1x256xf32>
      %mul3A_1305 = vector.broadcast %slice3A_1242 : vector<128x1xf32> to vector<128x256xf32>
      %mul3A_1306 = arith.mulf %mul3A_1292, %mul3A_1305 : vector<128x256xf32>
      %reduce_sum3A_1307 = arith.constant dense<0.000000e+00> : vector<256xf32>
      %reduce_sum3A_1308 = vector.multi_reduction <add>, %mul3A_1306, %reduce_sum3A_1307 [0] : vector<128x256xf32> to vector<256xf32>
      %broadcast_in_dim3A_1309 = vector.shape_cast %reduce_sum3A_1308 : vector<256xf32> to vector<1x256xf32>
      %add3A_1310 = arith.addf %while3A_670, %broadcast_in_dim3A_1309 : vector<1x256xf32>
      %reduce_sum3A_1311 = arith.constant dense<0.000000e+00> : vector<256xf32>
      %reduce_sum3A_1312 = vector.multi_reduction <add>, %mul3A_1292, %reduce_sum3A_1311 [0] : vector<128x256xf32> to vector<256xf32>
      %broadcast_in_dim3A_1313 = vector.shape_cast %reduce_sum3A_1312 : vector<256xf32> to vector<1x256xf32>
      %add3A_1314 = arith.addf %while3A_671, %broadcast_in_dim3A_1313 : vector<1x256xf32>
      %reduce_sum3A_1315 = arith.constant dense<0.000000e+00> : vector<256xf32>
      %reduce_sum3A_1316 = vector.multi_reduction <add>, %log1p3A_1286, %reduce_sum3A_1315 [0] : vector<128x256xf32> to vector<256xf32>
      %broadcast_in_dim3A_1317 = vector.shape_cast %reduce_sum3A_1316 : vector<256xf32> to vector<1x256xf32>
      %exp3A_1318 = math.exp %broadcast_in_dim3A_1317 : vector<1x256xf32>
      %mul3A_1319 = arith.mulf %while3A_667, %exp3A_1318 : vector<1x256xf32>
      %get3A_1320 = arith.constant 7 : index
      %get3A_1321 = arith.index_cast %while3A_636 : i32 to index
      %get3A_1322 = arith.constant 0 : index
      %get3A_1323 = arith.constant 0 : index
      %get3A_1324 = vector.load %arg2[%get3A_1320, %get3A_1321, %get3A_1322, %get3A_1323] : memref<8x8x16x128xf32, #tpu.memory_space<vmem>>, vector<1x1x16x128xf32>
      %get3A_1325 = vector.shape_cast %get3A_1324 : vector<1x1x16x128xf32> to vector<16x128xf32>
      %transpose3A_1326 = tpu.transpose %get3A_1325, [1, 0] : vector<16x128xf32> -> vector<128x16xf32>
      %slice3A_1327 = vector.extract_strided_slice %transpose3A_1326 {offsets = [0, 0], sizes = [128, 1], strides = [1, 1]} : vector<128x16xf32> to vector<128x1xf32>
      %slice3A_1328 = vector.extract_strided_slice %transpose3A_1326 {offsets = [0, 1], sizes = [128, 1], strides = [1, 1]} : vector<128x16xf32> to vector<128x1xf32>
      %slice3A_1329 = vector.extract_strided_slice %transpose3A_1326 {offsets = [0, 2], sizes = [128, 1], strides = [1, 1]} : vector<128x16xf32> to vector<128x1xf32>
      %slice3A_1330 = vector.extract_strided_slice %transpose3A_1326 {offsets = [0, 3], sizes = [128, 1], strides = [1, 1]} : vector<128x16xf32> to vector<128x1xf32>
      %slice3A_1331 = vector.extract_strided_slice %transpose3A_1326 {offsets = [0, 4], sizes = [128, 1], strides = [1, 1]} : vector<128x16xf32> to vector<128x1xf32>
      %slice3A_1332 = vector.extract_strided_slice %transpose3A_1326 {offsets = [0, 5], sizes = [128, 1], strides = [1, 1]} : vector<128x16xf32> to vector<128x1xf32>
      %slice3A_1333 = vector.extract_strided_slice %transpose3A_1326 {offsets = [0, 6], sizes = [128, 1], strides = [1, 1]} : vector<128x16xf32> to vector<128x1xf32>
      %slice3A_1334 = vector.extract_strided_slice %transpose3A_1326 {offsets = [0, 7], sizes = [128, 1], strides = [1, 1]} : vector<128x16xf32> to vector<128x1xf32>
      %slice3A_1335 = vector.extract_strided_slice %transpose3A_1326 {offsets = [0, 8], sizes = [128, 1], strides = [1, 1]} : vector<128x16xf32> to vector<128x1xf32>
      %mul3A_1336 = arith.constant 128 : i32
      %mul3A_1337 = arith.muli %while3A_636, %mul3A_1336 : i32
      %add3A_1338 = vector.broadcast %mul3A_1337 : i32 to vector<128x1xi32>
      %add3A_1339 = arith.addi %iota3A_353, %add3A_1338 : vector<128x1xi32>
      %lt3A_1340 = vector.broadcast %get3A_64 : i32 to vector<128x1xi32>
      %lt3A_1341 = arith.cmpi slt, %add3A_1339, %lt3A_1340 : vector<128x1xi32>
      %sub3A_1342 = vector.broadcast %convert_element_type3A_347 : vector<1x256xf32> to vector<128x256xf32>
      %sub3A_1343 = vector.broadcast %slice3A_1327 : vector<128x1xf32> to vector<128x256xf32>
      %sub3A_1344 = arith.subf %sub3A_1342, %sub3A_1343 : vector<128x256xf32>
      %sub3A_1345 = vector.broadcast %convert_element_type3A : vector<1x256xf32> to vector<128x256xf32>
      %sub3A_1346 = vector.broadcast %slice3A_1328 : vector<128x1xf32> to vector<128x256xf32>
      %sub3A_1347 = arith.subf %sub3A_1345, %sub3A_1346 : vector<128x256xf32>
      %mul3A_1348 = arith.mulf %sub3A_1344, %sub3A_1344 : vector<128x256xf32>
      %mul3A_1349 = vector.broadcast %slice3A_1329 : vector<128x1xf32> to vector<128x256xf32>
      %mul3A_1350 = arith.mulf %mul3A_1348, %mul3A_1349 : vector<128x256xf32>
      %mul3A_1351 = arith.mulf %sub3A_1347, %sub3A_1347 : vector<128x256xf32>
      %mul3A_1352 = vector.broadcast %slice3A_1330 : vector<128x1xf32> to vector<128x256xf32>
      %mul3A_1353 = arith.mulf %mul3A_1351, %mul3A_1352 : vector<128x256xf32>
      %add3A_1354 = arith.addf %mul3A_1350, %mul3A_1353 : vector<128x256xf32>
      %mul3A_1355 = arith.mulf %sub3A_1344, %sub3A_1347 : vector<128x256xf32>
      %mul3A_1356 = arith.constant 2.000000e+00 : f32
      %mul3A_1357 = vector.broadcast %mul3A_1356 : f32 to vector<128x256xf32>
      %mul3A_1358 = arith.mulf %mul3A_1357, %mul3A_1355 : vector<128x256xf32>
      %mul3A_1359 = vector.broadcast %slice3A_1331 : vector<128x1xf32> to vector<128x256xf32>
      %mul3A_1360 = arith.mulf %mul3A_1358, %mul3A_1359 : vector<128x256xf32>
      %add3A_1361 = arith.addf %add3A_1354, %mul3A_1360 : vector<128x256xf32>
      %mul3A_1362 = arith.constant -5.000000e-01 : f32
      %mul3A_1363 = vector.broadcast %mul3A_1362 : f32 to vector<128x256xf32>
      %mul3A_1364 = arith.mulf %mul3A_1363, %add3A_1361 : vector<128x256xf32>
      %exp3A_1365 = math.exp %mul3A_1364 : vector<128x256xf32>
      %mul3A_1366 = vector.broadcast %slice3A_1332 : vector<128x1xf32> to vector<128x256xf32>
      %mul3A_1367 = arith.mulf %exp3A_1365, %mul3A_1366 : vector<128x256xf32>
      %min3A_1368 = arith.constant 9.900000e-01 : f32
      %min3A_1369 = vector.broadcast %min3A_1368 : f32 to vector<128x256xf32>
      %min3A_1370 = arith.minimumf %mul3A_1367, %min3A_1369 : vector<128x256xf32>
      %jit3A_1371 = arith.constant 0.000000e+00 : f32
      %broadcast_in_dim3A_1372 = vector.shape_cast %lt3A_1341 : vector<128x1xi1> to vector<128x1xi1>
      %broadcast_in_dim3A_1373 = vector.broadcast %broadcast_in_dim3A_1372 : vector<128x1xi1> to vector<128x256xi1>
      %broadcast_in_dim3A_1374 = vector.broadcast %jit3A_1371 : f32 to vector<128x256xf32>
      %select_n3A_1375 = arith.select %broadcast_in_dim3A_1373, %min3A_1370, %broadcast_in_dim3A_1374 : vector<128x256xi1>, vector<128x256xf32>
      %neg3A_1376 = arith.constant 0.000000e+00 : f32
      %neg3A_1377 = vector.broadcast %neg3A_1376 : f32 to vector<128x256xf32>
      %neg3A_1378 = arith.subf %neg3A_1377, %select_n3A_1375 : vector<128x256xf32>
      %log1p3A_1379 = math.log1p %neg3A_1378 : vector<128x256xf32>
      %dot_general3A_1380 = arith.constant dense<0.000000e+00> : vector<128x256xf32>
      %dot_general3A_1381 = tpu.matmul %convert_element_type3A_352, %log1p3A_1379, %dot_general3A_1380 {dimension_numbers = #tpu.dot_dimension_numbers<[1], [0], [0], [1], [0, 0, 1, 1], [], []>, transpose_lhs_hint = false} : vector<128x128xf32>, vector<128x256xf32>, vector<128x256xf32> -> vector<128x256xf32>
      %exp3A_1382 = math.exp %dot_general3A_1381 : vector<128x256xf32>
      %mul3A_1383 = vector.broadcast %while3A_672 : vector<1x256xf32> to vector<128x256xf32>
      %mul3A_1384 = arith.mulf %mul3A_1383, %exp3A_1382 : vector<128x256xf32>
      %mul3A_1385 = arith.mulf %mul3A_1384, %select_n3A_1375 : vector<128x256xf32>
      %mul3A_1386 = vector.broadcast %slice3A_1333 : vector<128x1xf32> to vector<128x256xf32>
      %mul3A_1387 = arith.mulf %mul3A_1385, %mul3A_1386 : vector<128x256xf32>
      %reduce_sum3A_1388 = arith.constant dense<0.000000e+00> : vector<256xf32>
      %reduce_sum3A_1389 = vector.multi_reduction <add>, %mul3A_1387, %reduce_sum3A_1388 [0] : vector<128x256xf32> to vector<256xf32>
      %broadcast_in_dim3A_1390 = vector.shape_cast %reduce_sum3A_1389 : vector<256xf32> to vector<1x256xf32>
      %add3A_1391 = arith.addf %while3A_673, %broadcast_in_dim3A_1390 : vector<1x256xf32>
      %mul3A_1392 = vector.broadcast %slice3A_1334 : vector<128x1xf32> to vector<128x256xf32>
      %mul3A_1393 = arith.mulf %mul3A_1385, %mul3A_1392 : vector<128x256xf32>
      %reduce_sum3A_1394 = arith.constant dense<0.000000e+00> : vector<256xf32>
      %reduce_sum3A_1395 = vector.multi_reduction <add>, %mul3A_1393, %reduce_sum3A_1394 [0] : vector<128x256xf32> to vector<256xf32>
      %broadcast_in_dim3A_1396 = vector.shape_cast %reduce_sum3A_1395 : vector<256xf32> to vector<1x256xf32>
      %add3A_1397 = arith.addf %while3A_674, %broadcast_in_dim3A_1396 : vector<1x256xf32>
      %mul3A_1398 = vector.broadcast %slice3A_1335 : vector<128x1xf32> to vector<128x256xf32>
      %mul3A_1399 = arith.mulf %mul3A_1385, %mul3A_1398 : vector<128x256xf32>
      %reduce_sum3A_1400 = arith.constant dense<0.000000e+00> : vector<256xf32>
      %reduce_sum3A_1401 = vector.multi_reduction <add>, %mul3A_1399, %reduce_sum3A_1400 [0] : vector<128x256xf32> to vector<256xf32>
      %broadcast_in_dim3A_1402 = vector.shape_cast %reduce_sum3A_1401 : vector<256xf32> to vector<1x256xf32>
      %add3A_1403 = arith.addf %while3A_675, %broadcast_in_dim3A_1402 : vector<1x256xf32>
      %reduce_sum3A_1404 = arith.constant dense<0.000000e+00> : vector<256xf32>
      %reduce_sum3A_1405 = vector.multi_reduction <add>, %mul3A_1385, %reduce_sum3A_1404 [0] : vector<128x256xf32> to vector<256xf32>
      %broadcast_in_dim3A_1406 = vector.shape_cast %reduce_sum3A_1405 : vector<256xf32> to vector<1x256xf32>
      %add3A_1407 = arith.addf %while3A_676, %broadcast_in_dim3A_1406 : vector<1x256xf32>
      %reduce_sum3A_1408 = arith.constant dense<0.000000e+00> : vector<256xf32>
      %reduce_sum3A_1409 = vector.multi_reduction <add>, %log1p3A_1379, %reduce_sum3A_1408 [0] : vector<128x256xf32> to vector<256xf32>
      %broadcast_in_dim3A_1410 = vector.shape_cast %reduce_sum3A_1409 : vector<256xf32> to vector<1x256xf32>
      %exp3A_1411 = math.exp %broadcast_in_dim3A_1410 : vector<1x256xf32>
      %mul3A_1412 = arith.mulf %while3A_672, %exp3A_1411 : vector<1x256xf32>
      scf.yield %mul3A_761, %add3A_740, %add3A_746, %add3A_752, %add3A_756, %mul3A_854, %add3A_833, %add3A_839, %add3A_845, %add3A_849, %mul3A_947, %add3A_926, %add3A_932, %add3A_938, %add3A_942, %mul3A_1040, %add3A_1019, %add3A_1025, %add3A_1031, %add3A_1035, %mul3A_1133, %add3A_1112, %add3A_1118, %add3A_1124, %add3A_1128, %mul3A_1226, %add3A_1205, %add3A_1211, %add3A_1217, %add3A_1221, %mul3A_1319, %add3A_1298, %add3A_1304, %add3A_1310, %add3A_1314, %mul3A_1412, %add3A_1391, %add3A_1397, %add3A_1403, %add3A_1407 : vector<1x256xf32>, vector<1x256xf32>, vector<1x256xf32>, vector<1x256xf32>, vector<1x256xf32>, vector<1x256xf32>, vector<1x256xf32>, vector<1x256xf32>, vector<1x256xf32>, vector<1x256xf32>, vector<1x256xf32>, vector<1x256xf32>, vector<1x256xf32>, vector<1x256xf32>, vector<1x256xf32>, vector<1x256xf32>, vector<1x256xf32>, vector<1x256xf32>, vector<1x256xf32>, vector<1x256xf32>, vector<1x256xf32>, vector<1x256xf32>, vector<1x256xf32>, vector<1x256xf32>, vector<1x256xf32>, vector<1x256xf32>, vector<1x256xf32>, vector<1x256xf32>, vector<1x256xf32>, vector<1x256xf32>, vector<1x256xf32>, vector<1x256xf32>, vector<1x256xf32>, vector<1x256xf32>, vector<1x256xf32>, vector<1x256xf32>, vector<1x256xf32>, vector<1x256xf32>, vector<1x256xf32>, vector<1x256xf32>
    }
    %sub3A_373 = arith.constant 1.000000e+00 : f32
    %sub3A_374 = vector.broadcast %sub3A_373 : f32 to vector<1x256xf32>
    %sub3A_375 = arith.subf %sub3A_374, %while3A_372#4 : vector<1x256xf32>
    %mul3A_376 = arith.constant 1.000000e+00 : f32
    %mul3A_377 = vector.broadcast %mul3A_376 : f32 to vector<1x256xf32>
    %mul3A_378 = arith.mulf %sub3A_375, %mul3A_377 : vector<1x256xf32>
    %add3A_379 = arith.addf %while3A_372#1, %mul3A_378 : vector<1x256xf32>
    %swap3A = arith.constant 0 : index
    %swap3A_380 = arith.constant 0 : index
    %swap3A_381 = arith.constant 0 : index
    %swap3A_382 = vector.load %arg3[%swap3A, %swap3A_380, %swap3A_381] : memref<8x8x256xf32, #tpu.memory_space<vmem>>, vector<1x1x256xf32>
    %swap3A_383 = vector.shape_cast %swap3A_382 : vector<1x1x256xf32> to vector<1x256xf32>
    %swap3A_384 = vector.shape_cast %add3A_379 : vector<1x256xf32> to vector<1x1x256xf32>
    tpu.vector_store %arg3[%swap3A, %swap3A_380, %swap3A_381], %swap3A_384 {strides = array<i32>} : memref<8x8x256xf32, #tpu.memory_space<vmem>>, vector<1x1x256xf32>,
    %add3A_385 = arith.addf %while3A_372#2, %mul3A_378 : vector<1x256xf32>
    %swap3A_386 = arith.constant 0 : index
    %swap3A_387 = arith.constant 1 : index
    %swap3A_388 = arith.constant 0 : index
    %swap3A_389 = vector.load %arg3[%swap3A_386, %swap3A_387, %swap3A_388] : memref<8x8x256xf32, #tpu.memory_space<vmem>>, vector<1x1x256xf32>
    %swap3A_390 = vector.shape_cast %swap3A_389 : vector<1x1x256xf32> to vector<1x256xf32>
    %swap3A_391 = vector.shape_cast %add3A_385 : vector<1x256xf32> to vector<1x1x256xf32>
    tpu.vector_store %arg3[%swap3A_386, %swap3A_387, %swap3A_388], %swap3A_391 {strides = array<i32>} : memref<8x8x256xf32, #tpu.memory_space<vmem>>, vector<1x1x256xf32>,
    %add3A_392 = arith.addf %while3A_372#3, %mul3A_378 : vector<1x256xf32>
    %swap3A_393 = arith.constant 0 : index
    %swap3A_394 = arith.constant 2 : index
    %swap3A_395 = arith.constant 0 : index
    %swap3A_396 = vector.load %arg3[%swap3A_393, %swap3A_394, %swap3A_395] : memref<8x8x256xf32, #tpu.memory_space<vmem>>, vector<1x1x256xf32>
    %swap3A_397 = vector.shape_cast %swap3A_396 : vector<1x1x256xf32> to vector<1x256xf32>
    %swap3A_398 = vector.shape_cast %add3A_392 : vector<1x256xf32> to vector<1x1x256xf32>
    tpu.vector_store %arg3[%swap3A_393, %swap3A_394, %swap3A_395], %swap3A_398 {strides = array<i32>} : memref<8x8x256xf32, #tpu.memory_space<vmem>>, vector<1x1x256xf32>,
    %swap3A_399 = arith.constant 0 : index
    %swap3A_400 = arith.constant 3 : index
    %swap3A_401 = arith.constant 0 : index
    %swap3A_402 = vector.load %arg3[%swap3A_399, %swap3A_400, %swap3A_401] : memref<8x8x256xf32, #tpu.memory_space<vmem>>, vector<1x1x256xf32>
    %swap3A_403 = vector.shape_cast %swap3A_402 : vector<1x1x256xf32> to vector<1x256xf32>
    %swap3A_404 = vector.shape_cast %while3A_372#4 : vector<1x256xf32> to vector<1x1x256xf32>
    tpu.vector_store %arg3[%swap3A_399, %swap3A_400, %swap3A_401], %swap3A_404 {strides = array<i32>} : memref<8x8x256xf32, #tpu.memory_space<vmem>>, vector<1x1x256xf32>,
    %sub3A_405 = arith.constant 1.000000e+00 : f32
    %sub3A_406 = vector.broadcast %sub3A_405 : f32 to vector<1x256xf32>
    %sub3A_407 = arith.subf %sub3A_406, %while3A_372#9 : vector<1x256xf32>
    %mul3A_408 = arith.constant 1.000000e+00 : f32
    %mul3A_409 = vector.broadcast %mul3A_408 : f32 to vector<1x256xf32>
    %mul3A_410 = arith.mulf %sub3A_407, %mul3A_409 : vector<1x256xf32>
    %add3A_411 = arith.addf %while3A_372#6, %mul3A_410 : vector<1x256xf32>
    %swap3A_412 = arith.constant 1 : index
    %swap3A_413 = arith.constant 0 : index
    %swap3A_414 = arith.constant 0 : index
    %swap3A_415 = vector.load %arg3[%swap3A_412, %swap3A_413, %swap3A_414] : memref<8x8x256xf32, #tpu.memory_space<vmem>>, vector<1x1x256xf32>
    %swap3A_416 = vector.shape_cast %swap3A_415 : vector<1x1x256xf32> to vector<1x256xf32>
    %swap3A_417 = vector.shape_cast %add3A_411 : vector<1x256xf32> to vector<1x1x256xf32>
    tpu.vector_store %arg3[%swap3A_412, %swap3A_413, %swap3A_414], %swap3A_417 {strides = array<i32>} : memref<8x8x256xf32, #tpu.memory_space<vmem>>, vector<1x1x256xf32>,
    %add3A_418 = arith.addf %while3A_372#7, %mul3A_410 : vector<1x256xf32>
    %swap3A_419 = arith.constant 1 : index
    %swap3A_420 = arith.constant 1 : index
    %swap3A_421 = arith.constant 0 : index
    %swap3A_422 = vector.load %arg3[%swap3A_419, %swap3A_420, %swap3A_421] : memref<8x8x256xf32, #tpu.memory_space<vmem>>, vector<1x1x256xf32>
    %swap3A_423 = vector.shape_cast %swap3A_422 : vector<1x1x256xf32> to vector<1x256xf32>
    %swap3A_424 = vector.shape_cast %add3A_418 : vector<1x256xf32> to vector<1x1x256xf32>
    tpu.vector_store %arg3[%swap3A_419, %swap3A_420, %swap3A_421], %swap3A_424 {strides = array<i32>} : memref<8x8x256xf32, #tpu.memory_space<vmem>>, vector<1x1x256xf32>,
    %add3A_425 = arith.addf %while3A_372#8, %mul3A_410 : vector<1x256xf32>
    %swap3A_426 = arith.constant 1 : index
    %swap3A_427 = arith.constant 2 : index
    %swap3A_428 = arith.constant 0 : index
    %swap3A_429 = vector.load %arg3[%swap3A_426, %swap3A_427, %swap3A_428] : memref<8x8x256xf32, #tpu.memory_space<vmem>>, vector<1x1x256xf32>
    %swap3A_430 = vector.shape_cast %swap3A_429 : vector<1x1x256xf32> to vector<1x256xf32>
    %swap3A_431 = vector.shape_cast %add3A_425 : vector<1x256xf32> to vector<1x1x256xf32>
    tpu.vector_store %arg3[%swap3A_426, %swap3A_427, %swap3A_428], %swap3A_431 {strides = array<i32>} : memref<8x8x256xf32, #tpu.memory_space<vmem>>, vector<1x1x256xf32>,
    %swap3A_432 = arith.constant 1 : index
    %swap3A_433 = arith.constant 3 : index
    %swap3A_434 = arith.constant 0 : index
    %swap3A_435 = vector.load %arg3[%swap3A_432, %swap3A_433, %swap3A_434] : memref<8x8x256xf32, #tpu.memory_space<vmem>>, vector<1x1x256xf32>
    %swap3A_436 = vector.shape_cast %swap3A_435 : vector<1x1x256xf32> to vector<1x256xf32>
    %swap3A_437 = vector.shape_cast %while3A_372#9 : vector<1x256xf32> to vector<1x1x256xf32>
    tpu.vector_store %arg3[%swap3A_432, %swap3A_433, %swap3A_434], %swap3A_437 {strides = array<i32>} : memref<8x8x256xf32, #tpu.memory_space<vmem>>, vector<1x1x256xf32>,
    %sub3A_438 = arith.constant 1.000000e+00 : f32
    %sub3A_439 = vector.broadcast %sub3A_438 : f32 to vector<1x256xf32>
    %sub3A_440 = arith.subf %sub3A_439, %while3A_372#14 : vector<1x256xf32>
    %mul3A_441 = arith.constant 1.000000e+00 : f32
    %mul3A_442 = vector.broadcast %mul3A_441 : f32 to vector<1x256xf32>
    %mul3A_443 = arith.mulf %sub3A_440, %mul3A_442 : vector<1x256xf32>
    %add3A_444 = arith.addf %while3A_372#11, %mul3A_443 : vector<1x256xf32>
    %swap3A_445 = arith.constant 2 : index
    %swap3A_446 = arith.constant 0 : index
    %swap3A_447 = arith.constant 0 : index
    %swap3A_448 = vector.load %arg3[%swap3A_445, %swap3A_446, %swap3A_447] : memref<8x8x256xf32, #tpu.memory_space<vmem>>, vector<1x1x256xf32>
    %swap3A_449 = vector.shape_cast %swap3A_448 : vector<1x1x256xf32> to vector<1x256xf32>
    %swap3A_450 = vector.shape_cast %add3A_444 : vector<1x256xf32> to vector<1x1x256xf32>
    tpu.vector_store %arg3[%swap3A_445, %swap3A_446, %swap3A_447], %swap3A_450 {strides = array<i32>} : memref<8x8x256xf32, #tpu.memory_space<vmem>>, vector<1x1x256xf32>,
    %add3A_451 = arith.addf %while3A_372#12, %mul3A_443 : vector<1x256xf32>
    %swap3A_452 = arith.constant 2 : index
    %swap3A_453 = arith.constant 1 : index
    %swap3A_454 = arith.constant 0 : index
    %swap3A_455 = vector.load %arg3[%swap3A_452, %swap3A_453, %swap3A_454] : memref<8x8x256xf32, #tpu.memory_space<vmem>>, vector<1x1x256xf32>
    %swap3A_456 = vector.shape_cast %swap3A_455 : vector<1x1x256xf32> to vector<1x256xf32>
    %swap3A_457 = vector.shape_cast %add3A_451 : vector<1x256xf32> to vector<1x1x256xf32>
    tpu.vector_store %arg3[%swap3A_452, %swap3A_453, %swap3A_454], %swap3A_457 {strides = array<i32>} : memref<8x8x256xf32, #tpu.memory_space<vmem>>, vector<1x1x256xf32>,
    %add3A_458 = arith.addf %while3A_372#13, %mul3A_443 : vector<1x256xf32>
    %swap3A_459 = arith.constant 2 : index
    %swap3A_460 = arith.constant 2 : index
    %swap3A_461 = arith.constant 0 : index
    %swap3A_462 = vector.load %arg3[%swap3A_459, %swap3A_460, %swap3A_461] : memref<8x8x256xf32, #tpu.memory_space<vmem>>, vector<1x1x256xf32>
    %swap3A_463 = vector.shape_cast %swap3A_462 : vector<1x1x256xf32> to vector<1x256xf32>
    %swap3A_464 = vector.shape_cast %add3A_458 : vector<1x256xf32> to vector<1x1x256xf32>
    tpu.vector_store %arg3[%swap3A_459, %swap3A_460, %swap3A_461], %swap3A_464 {strides = array<i32>} : memref<8x8x256xf32, #tpu.memory_space<vmem>>, vector<1x1x256xf32>,
    %swap3A_465 = arith.constant 2 : index
    %swap3A_466 = arith.constant 3 : index
    %swap3A_467 = arith.constant 0 : index
    %swap3A_468 = vector.load %arg3[%swap3A_465, %swap3A_466, %swap3A_467] : memref<8x8x256xf32, #tpu.memory_space<vmem>>, vector<1x1x256xf32>
    %swap3A_469 = vector.shape_cast %swap3A_468 : vector<1x1x256xf32> to vector<1x256xf32>
    %swap3A_470 = vector.shape_cast %while3A_372#14 : vector<1x256xf32> to vector<1x1x256xf32>
    tpu.vector_store %arg3[%swap3A_465, %swap3A_466, %swap3A_467], %swap3A_470 {strides = array<i32>} : memref<8x8x256xf32, #tpu.memory_space<vmem>>, vector<1x1x256xf32>,
    %sub3A_471 = arith.constant 1.000000e+00 : f32
    %sub3A_472 = vector.broadcast %sub3A_471 : f32 to vector<1x256xf32>
    %sub3A_473 = arith.subf %sub3A_472, %while3A_372#19 : vector<1x256xf32>
    %mul3A_474 = arith.constant 1.000000e+00 : f32
    %mul3A_475 = vector.broadcast %mul3A_474 : f32 to vector<1x256xf32>
    %mul3A_476 = arith.mulf %sub3A_473, %mul3A_475 : vector<1x256xf32>
    %add3A_477 = arith.addf %while3A_372#16, %mul3A_476 : vector<1x256xf32>
    %swap3A_478 = arith.constant 3 : index
    %swap3A_479 = arith.constant 0 : index
    %swap3A_480 = arith.constant 0 : index
    %swap3A_481 = vector.load %arg3[%swap3A_478, %swap3A_479, %swap3A_480] : memref<8x8x256xf32, #tpu.memory_space<vmem>>, vector<1x1x256xf32>
    %swap3A_482 = vector.shape_cast %swap3A_481 : vector<1x1x256xf32> to vector<1x256xf32>
    %swap3A_483 = vector.shape_cast %add3A_477 : vector<1x256xf32> to vector<1x1x256xf32>
    tpu.vector_store %arg3[%swap3A_478, %swap3A_479, %swap3A_480], %swap3A_483 {strides = array<i32>} : memref<8x8x256xf32, #tpu.memory_space<vmem>>, vector<1x1x256xf32>,
    %add3A_484 = arith.addf %while3A_372#17, %mul3A_476 : vector<1x256xf32>
    %swap3A_485 = arith.constant 3 : index
    %swap3A_486 = arith.constant 1 : index
    %swap3A_487 = arith.constant 0 : index
    %swap3A_488 = vector.load %arg3[%swap3A_485, %swap3A_486, %swap3A_487] : memref<8x8x256xf32, #tpu.memory_space<vmem>>, vector<1x1x256xf32>
    %swap3A_489 = vector.shape_cast %swap3A_488 : vector<1x1x256xf32> to vector<1x256xf32>
    %swap3A_490 = vector.shape_cast %add3A_484 : vector<1x256xf32> to vector<1x1x256xf32>
    tpu.vector_store %arg3[%swap3A_485, %swap3A_486, %swap3A_487], %swap3A_490 {strides = array<i32>} : memref<8x8x256xf32, #tpu.memory_space<vmem>>, vector<1x1x256xf32>,
    %add3A_491 = arith.addf %while3A_372#18, %mul3A_476 : vector<1x256xf32>
    %swap3A_492 = arith.constant 3 : index
    %swap3A_493 = arith.constant 2 : index
    %swap3A_494 = arith.constant 0 : index
    %swap3A_495 = vector.load %arg3[%swap3A_492, %swap3A_493, %swap3A_494] : memref<8x8x256xf32, #tpu.memory_space<vmem>>, vector<1x1x256xf32>
    %swap3A_496 = vector.shape_cast %swap3A_495 : vector<1x1x256xf32> to vector<1x256xf32>
    %swap3A_497 = vector.shape_cast %add3A_491 : vector<1x256xf32> to vector<1x1x256xf32>
    tpu.vector_store %arg3[%swap3A_492, %swap3A_493, %swap3A_494], %swap3A_497 {strides = array<i32>} : memref<8x8x256xf32, #tpu.memory_space<vmem>>, vector<1x1x256xf32>,
    %swap3A_498 = arith.constant 3 : index
    %swap3A_499 = arith.constant 3 : index
    %swap3A_500 = arith.constant 0 : index
    %swap3A_501 = vector.load %arg3[%swap3A_498, %swap3A_499, %swap3A_500] : memref<8x8x256xf32, #tpu.memory_space<vmem>>, vector<1x1x256xf32>
    %swap3A_502 = vector.shape_cast %swap3A_501 : vector<1x1x256xf32> to vector<1x256xf32>
    %swap3A_503 = vector.shape_cast %while3A_372#19 : vector<1x256xf32> to vector<1x1x256xf32>
    tpu.vector_store %arg3[%swap3A_498, %swap3A_499, %swap3A_500], %swap3A_503 {strides = array<i32>} : memref<8x8x256xf32, #tpu.memory_space<vmem>>, vector<1x1x256xf32>,
    %sub3A_504 = arith.constant 1.000000e+00 : f32
    %sub3A_505 = vector.broadcast %sub3A_504 : f32 to vector<1x256xf32>
    %sub3A_506 = arith.subf %sub3A_505, %while3A_372#24 : vector<1x256xf32>
    %mul3A_507 = arith.constant 1.000000e+00 : f32
    %mul3A_508 = vector.broadcast %mul3A_507 : f32 to vector<1x256xf32>
    %mul3A_509 = arith.mulf %sub3A_506, %mul3A_508 : vector<1x256xf32>
    %add3A_510 = arith.addf %while3A_372#21, %mul3A_509 : vector<1x256xf32>
    %swap3A_511 = arith.constant 4 : index
    %swap3A_512 = arith.constant 0 : index
    %swap3A_513 = arith.constant 0 : index
    %swap3A_514 = vector.load %arg3[%swap3A_511, %swap3A_512, %swap3A_513] : memref<8x8x256xf32, #tpu.memory_space<vmem>>, vector<1x1x256xf32>
    %swap3A_515 = vector.shape_cast %swap3A_514 : vector<1x1x256xf32> to vector<1x256xf32>
    %swap3A_516 = vector.shape_cast %add3A_510 : vector<1x256xf32> to vector<1x1x256xf32>
    tpu.vector_store %arg3[%swap3A_511, %swap3A_512, %swap3A_513], %swap3A_516 {strides = array<i32>} : memref<8x8x256xf32, #tpu.memory_space<vmem>>, vector<1x1x256xf32>,
    %add3A_517 = arith.addf %while3A_372#22, %mul3A_509 : vector<1x256xf32>
    %swap3A_518 = arith.constant 4 : index
    %swap3A_519 = arith.constant 1 : index
    %swap3A_520 = arith.constant 0 : index
    %swap3A_521 = vector.load %arg3[%swap3A_518, %swap3A_519, %swap3A_520] : memref<8x8x256xf32, #tpu.memory_space<vmem>>, vector<1x1x256xf32>
    %swap3A_522 = vector.shape_cast %swap3A_521 : vector<1x1x256xf32> to vector<1x256xf32>
    %swap3A_523 = vector.shape_cast %add3A_517 : vector<1x256xf32> to vector<1x1x256xf32>
    tpu.vector_store %arg3[%swap3A_518, %swap3A_519, %swap3A_520], %swap3A_523 {strides = array<i32>} : memref<8x8x256xf32, #tpu.memory_space<vmem>>, vector<1x1x256xf32>,
    %add3A_524 = arith.addf %while3A_372#23, %mul3A_509 : vector<1x256xf32>
    %swap3A_525 = arith.constant 4 : index
    %swap3A_526 = arith.constant 2 : index
    %swap3A_527 = arith.constant 0 : index
    %swap3A_528 = vector.load %arg3[%swap3A_525, %swap3A_526, %swap3A_527] : memref<8x8x256xf32, #tpu.memory_space<vmem>>, vector<1x1x256xf32>
    %swap3A_529 = vector.shape_cast %swap3A_528 : vector<1x1x256xf32> to vector<1x256xf32>
    %swap3A_530 = vector.shape_cast %add3A_524 : vector<1x256xf32> to vector<1x1x256xf32>
    tpu.vector_store %arg3[%swap3A_525, %swap3A_526, %swap3A_527], %swap3A_530 {strides = array<i32>} : memref<8x8x256xf32, #tpu.memory_space<vmem>>, vector<1x1x256xf32>,
    %swap3A_531 = arith.constant 4 : index
    %swap3A_532 = arith.constant 3 : index
    %swap3A_533 = arith.constant 0 : index
    %swap3A_534 = vector.load %arg3[%swap3A_531, %swap3A_532, %swap3A_533] : memref<8x8x256xf32, #tpu.memory_space<vmem>>, vector<1x1x256xf32>
    %swap3A_535 = vector.shape_cast %swap3A_534 : vector<1x1x256xf32> to vector<1x256xf32>
    %swap3A_536 = vector.shape_cast %while3A_372#24 : vector<1x256xf32> to vector<1x1x256xf32>
    tpu.vector_store %arg3[%swap3A_531, %swap3A_532, %swap3A_533], %swap3A_536 {strides = array<i32>} : memref<8x8x256xf32, #tpu.memory_space<vmem>>, vector<1x1x256xf32>,
    %sub3A_537 = arith.constant 1.000000e+00 : f32
    %sub3A_538 = vector.broadcast %sub3A_537 : f32 to vector<1x256xf32>
    %sub3A_539 = arith.subf %sub3A_538, %while3A_372#29 : vector<1x256xf32>
    %mul3A_540 = arith.constant 1.000000e+00 : f32
    %mul3A_541 = vector.broadcast %mul3A_540 : f32 to vector<1x256xf32>
    %mul3A_542 = arith.mulf %sub3A_539, %mul3A_541 : vector<1x256xf32>
    %add3A_543 = arith.addf %while3A_372#26, %mul3A_542 : vector<1x256xf32>
    %swap3A_544 = arith.constant 5 : index
    %swap3A_545 = arith.constant 0 : index
    %swap3A_546 = arith.constant 0 : index
    %swap3A_547 = vector.load %arg3[%swap3A_544, %swap3A_545, %swap3A_546] : memref<8x8x256xf32, #tpu.memory_space<vmem>>, vector<1x1x256xf32>
    %swap3A_548 = vector.shape_cast %swap3A_547 : vector<1x1x256xf32> to vector<1x256xf32>
    %swap3A_549 = vector.shape_cast %add3A_543 : vector<1x256xf32> to vector<1x1x256xf32>
    tpu.vector_store %arg3[%swap3A_544, %swap3A_545, %swap3A_546], %swap3A_549 {strides = array<i32>} : memref<8x8x256xf32, #tpu.memory_space<vmem>>, vector<1x1x256xf32>,
    %add3A_550 = arith.addf %while3A_372#27, %mul3A_542 : vector<1x256xf32>
    %swap3A_551 = arith.constant 5 : index
    %swap3A_552 = arith.constant 1 : index
    %swap3A_553 = arith.constant 0 : index
    %swap3A_554 = vector.load %arg3[%swap3A_551, %swap3A_552, %swap3A_553] : memref<8x8x256xf32, #tpu.memory_space<vmem>>, vector<1x1x256xf32>
    %swap3A_555 = vector.shape_cast %swap3A_554 : vector<1x1x256xf32> to vector<1x256xf32>
    %swap3A_556 = vector.shape_cast %add3A_550 : vector<1x256xf32> to vector<1x1x256xf32>
    tpu.vector_store %arg3[%swap3A_551, %swap3A_552, %swap3A_553], %swap3A_556 {strides = array<i32>} : memref<8x8x256xf32, #tpu.memory_space<vmem>>, vector<1x1x256xf32>,
    %add3A_557 = arith.addf %while3A_372#28, %mul3A_542 : vector<1x256xf32>
    %swap3A_558 = arith.constant 5 : index
    %swap3A_559 = arith.constant 2 : index
    %swap3A_560 = arith.constant 0 : index
    %swap3A_561 = vector.load %arg3[%swap3A_558, %swap3A_559, %swap3A_560] : memref<8x8x256xf32, #tpu.memory_space<vmem>>, vector<1x1x256xf32>
    %swap3A_562 = vector.shape_cast %swap3A_561 : vector<1x1x256xf32> to vector<1x256xf32>
    %swap3A_563 = vector.shape_cast %add3A_557 : vector<1x256xf32> to vector<1x1x256xf32>
    tpu.vector_store %arg3[%swap3A_558, %swap3A_559, %swap3A_560], %swap3A_563 {strides = array<i32>} : memref<8x8x256xf32, #tpu.memory_space<vmem>>, vector<1x1x256xf32>,
    %swap3A_564 = arith.constant 5 : index
    %swap3A_565 = arith.constant 3 : index
    %swap3A_566 = arith.constant 0 : index
    %swap3A_567 = vector.load %arg3[%swap3A_564, %swap3A_565, %swap3A_566] : memref<8x8x256xf32, #tpu.memory_space<vmem>>, vector<1x1x256xf32>
    %swap3A_568 = vector.shape_cast %swap3A_567 : vector<1x1x256xf32> to vector<1x256xf32>
    %swap3A_569 = vector.shape_cast %while3A_372#29 : vector<1x256xf32> to vector<1x1x256xf32>
    tpu.vector_store %arg3[%swap3A_564, %swap3A_565, %swap3A_566], %swap3A_569 {strides = array<i32>} : memref<8x8x256xf32, #tpu.memory_space<vmem>>, vector<1x1x256xf32>,
    %sub3A_570 = arith.constant 1.000000e+00 : f32
    %sub3A_571 = vector.broadcast %sub3A_570 : f32 to vector<1x256xf32>
    %sub3A_572 = arith.subf %sub3A_571, %while3A_372#34 : vector<1x256xf32>
    %mul3A_573 = arith.constant 1.000000e+00 : f32
    %mul3A_574 = vector.broadcast %mul3A_573 : f32 to vector<1x256xf32>
    %mul3A_575 = arith.mulf %sub3A_572, %mul3A_574 : vector<1x256xf32>
    %add3A_576 = arith.addf %while3A_372#31, %mul3A_575 : vector<1x256xf32>
    %swap3A_577 = arith.constant 6 : index
    %swap3A_578 = arith.constant 0 : index
    %swap3A_579 = arith.constant 0 : index
    %swap3A_580 = vector.load %arg3[%swap3A_577, %swap3A_578, %swap3A_579] : memref<8x8x256xf32, #tpu.memory_space<vmem>>, vector<1x1x256xf32>
    %swap3A_581 = vector.shape_cast %swap3A_580 : vector<1x1x256xf32> to vector<1x256xf32>
    %swap3A_582 = vector.shape_cast %add3A_576 : vector<1x256xf32> to vector<1x1x256xf32>
    tpu.vector_store %arg3[%swap3A_577, %swap3A_578, %swap3A_579], %swap3A_582 {strides = array<i32>} : memref<8x8x256xf32, #tpu.memory_space<vmem>>, vector<1x1x256xf32>,
    %add3A_583 = arith.addf %while3A_372#32, %mul3A_575 : vector<1x256xf32>
    %swap3A_584 = arith.constant 6 : index
    %swap3A_585 = arith.constant 1 : index
    %swap3A_586 = arith.constant 0 : index
    %swap3A_587 = vector.load %arg3[%swap3A_584, %swap3A_585, %swap3A_586] : memref<8x8x256xf32, #tpu.memory_space<vmem>>, vector<1x1x256xf32>
    %swap3A_588 = vector.shape_cast %swap3A_587 : vector<1x1x256xf32> to vector<1x256xf32>
    %swap3A_589 = vector.shape_cast %add3A_583 : vector<1x256xf32> to vector<1x1x256xf32>
    tpu.vector_store %arg3[%swap3A_584, %swap3A_585, %swap3A_586], %swap3A_589 {strides = array<i32>} : memref<8x8x256xf32, #tpu.memory_space<vmem>>, vector<1x1x256xf32>,
    %add3A_590 = arith.addf %while3A_372#33, %mul3A_575 : vector<1x256xf32>
    %swap3A_591 = arith.constant 6 : index
    %swap3A_592 = arith.constant 2 : index
    %swap3A_593 = arith.constant 0 : index
    %swap3A_594 = vector.load %arg3[%swap3A_591, %swap3A_592, %swap3A_593] : memref<8x8x256xf32, #tpu.memory_space<vmem>>, vector<1x1x256xf32>
    %swap3A_595 = vector.shape_cast %swap3A_594 : vector<1x1x256xf32> to vector<1x256xf32>
    %swap3A_596 = vector.shape_cast %add3A_590 : vector<1x256xf32> to vector<1x1x256xf32>
    tpu.vector_store %arg3[%swap3A_591, %swap3A_592, %swap3A_593], %swap3A_596 {strides = array<i32>} : memref<8x8x256xf32, #tpu.memory_space<vmem>>, vector<1x1x256xf32>,
    %swap3A_597 = arith.constant 6 : index
    %swap3A_598 = arith.constant 3 : index
    %swap3A_599 = arith.constant 0 : index
    %swap3A_600 = vector.load %arg3[%swap3A_597, %swap3A_598, %swap3A_599] : memref<8x8x256xf32, #tpu.memory_space<vmem>>, vector<1x1x256xf32>
    %swap3A_601 = vector.shape_cast %swap3A_600 : vector<1x1x256xf32> to vector<1x256xf32>
    %swap3A_602 = vector.shape_cast %while3A_372#34 : vector<1x256xf32> to vector<1x1x256xf32>
    tpu.vector_store %arg3[%swap3A_597, %swap3A_598, %swap3A_599], %swap3A_602 {strides = array<i32>} : memref<8x8x256xf32, #tpu.memory_space<vmem>>, vector<1x1x256xf32>,
    %sub3A_603 = arith.constant 1.000000e+00 : f32
    %sub3A_604 = vector.broadcast %sub3A_603 : f32 to vector<1x256xf32>
    %sub3A_605 = arith.subf %sub3A_604, %while3A_372#39 : vector<1x256xf32>
    %mul3A_606 = arith.constant 1.000000e+00 : f32
    %mul3A_607 = vector.broadcast %mul3A_606 : f32 to vector<1x256xf32>
    %mul3A_608 = arith.mulf %sub3A_605, %mul3A_607 : vector<1x256xf32>
    %add3A_609 = arith.addf %while3A_372#36, %mul3A_608 : vector<1x256xf32>
    %swap3A_610 = arith.constant 7 : index
    %swap3A_611 = arith.constant 0 : index
    %swap3A_612 = arith.constant 0 : index
    %swap3A_613 = vector.load %arg3[%swap3A_610, %swap3A_611, %swap3A_612] : memref<8x8x256xf32, #tpu.memory_space<vmem>>, vector<1x1x256xf32>
    %swap3A_614 = vector.shape_cast %swap3A_613 : vector<1x1x256xf32> to vector<1x256xf32>
    %swap3A_615 = vector.shape_cast %add3A_609 : vector<1x256xf32> to vector<1x1x256xf32>
    tpu.vector_store %arg3[%swap3A_610, %swap3A_611, %swap3A_612], %swap3A_615 {strides = array<i32>} : memref<8x8x256xf32, #tpu.memory_space<vmem>>, vector<1x1x256xf32>,
    %add3A_616 = arith.addf %while3A_372#37, %mul3A_608 : vector<1x256xf32>
    %swap3A_617 = arith.constant 7 : index
    %swap3A_618 = arith.constant 1 : index
    %swap3A_619 = arith.constant 0 : index
    %swap3A_620 = vector.load %arg3[%swap3A_617, %swap3A_618, %swap3A_619] : memref<8x8x256xf32, #tpu.memory_space<vmem>>, vector<1x1x256xf32>
    %swap3A_621 = vector.shape_cast %swap3A_620 : vector<1x1x256xf32> to vector<1x256xf32>
    %swap3A_622 = vector.shape_cast %add3A_616 : vector<1x256xf32> to vector<1x1x256xf32>
    tpu.vector_store %arg3[%swap3A_617, %swap3A_618, %swap3A_619], %swap3A_622 {strides = array<i32>} : memref<8x8x256xf32, #tpu.memory_space<vmem>>, vector<1x1x256xf32>,
    %add3A_623 = arith.addf %while3A_372#38, %mul3A_608 : vector<1x256xf32>
    %swap3A_624 = arith.constant 7 : index
    %swap3A_625 = arith.constant 2 : index
    %swap3A_626 = arith.constant 0 : index
    %swap3A_627 = vector.load %arg3[%swap3A_624, %swap3A_625, %swap3A_626] : memref<8x8x256xf32, #tpu.memory_space<vmem>>, vector<1x1x256xf32>
    %swap3A_628 = vector.shape_cast %swap3A_627 : vector<1x1x256xf32> to vector<1x256xf32>
    %swap3A_629 = vector.shape_cast %add3A_623 : vector<1x256xf32> to vector<1x1x256xf32>
    tpu.vector_store %arg3[%swap3A_624, %swap3A_625, %swap3A_626], %swap3A_629 {strides = array<i32>} : memref<8x8x256xf32, #tpu.memory_space<vmem>>, vector<1x1x256xf32>,
    %swap3A_630 = arith.constant 7 : index
    %swap3A_631 = arith.constant 3 : index
    %swap3A_632 = arith.constant 0 : index
    %swap3A_633 = vector.load %arg3[%swap3A_630, %swap3A_631, %swap3A_632] : memref<8x8x256xf32, #tpu.memory_space<vmem>>, vector<1x1x256xf32>
    %swap3A_634 = vector.shape_cast %swap3A_633 : vector<1x1x256xf32> to vector<1x256xf32>
    %swap3A_635 = vector.shape_cast %while3A_372#39 : vector<1x256xf32> to vector<1x1x256xf32>
    tpu.vector_store %arg3[%swap3A_630, %swap3A_631, %swap3A_632], %swap3A_635 {strides = array<i32>} : memref<8x8x256xf32, #tpu.memory_space<vmem>>, vector<1x1x256xf32>,
    return
  }
  func.func @transform_0(%arg0: i32, %arg1: memref<64xi32, #tpu.memory_space<smem>>) -> (i32, i32, i32, i32) {
    %c0_i32 = arith.constant 0 : i32
    %c0_i32_0 = arith.constant 0 : i32
    %c0_i32_1 = arith.constant 0 : i32
    %c0_i32_2 = arith.constant 0 : i32
    return %arg0, %c0_i32, %c0_i32_0, %c0_i32_1 : i32, i32, i32, i32
  }
  func.func @transform_1(%arg0: i32, %arg1: memref<64xi32, #tpu.memory_space<smem>>) -> (i32, i32, i32) {
    %c0_i32 = arith.constant 0 : i32
    %c0_i32_0 = arith.constant 0 : i32
    %c0_i32_1 = arith.constant 0 : i32
    return %arg0, %c0_i32, %c0_i32_0 : i32, i32, i32
  }
}

</mosaic_0001>

<sc_bundles>
// kernel: kernel.5.cloned.1.call-start
scs
__scs_entry_jumppad:
0x0: {  	(pc) =	sbr.rel $0x88, $3  }
0x1: {  	(tag) =	ssettag $0x0;
	lr =	simm.s32 $0x1  }
0x2: {  	[smem:$0x3F9C] =	sst lr;
	_ =	strace $0xD0000000  }
0x3: {  	_ = 	snop  }
0x4: {  	_ = 	snop  }
0x5: {  	_ = 	snop  }
0x6: {  	_ = 	snop  }
0x7: {  	_ = 	snop  }
__scs_overlays_trampoline_lowered:
0x8: {  	[smem:$0x3FAB] =	sst s0  }
0x9: {  	[smem:$0x3FAC] =	sst s1  }
0xa: {  	[smem:$0x3FAD] =	sst s2  }
0xb: {  	[smem:$0x3FAE] =	sst s3  }
0xc: {  	[smem:$0x3FAF] =	sst s4  }
0xd: {  	[smem:$0x3FB0] =	sst s5  }
0xe: {  	[smem:$0x3FB1] =	sst s6  }
0xf: {  	[smem:$0x3FB2] =	sst s7  }
0x10: {  	[smem:$0x3FB3] =	sst s8  }
0x11: {  	[smem:$0x3FB4] =	sst s9;
	s0 =	simm.s32 @!p0 $0x0  }
0x12: {  	s1 =	sld [smem:$0x3F9A];
	s0 =	simm.s32 @p0 $0x1  }
0x13: {  	[smem:$0x3FB5] =	sst s0;
	s0 =	simm.s32 @!p1 $0x0  }
0x14: {  	s2 =	sld [smem:$0x3F99];
	s0 =	simm.s32 @p1 $0x1  }
0x15: {  	[smem:$0x3FB6] =	sst s0;
	s0 =	simm.s32 @!p2 $0x0  }
0x16: {  	s3 =	sld [smem:$0x3FDB];
	s0 =	simm.s32 @p2 $0x1  }
0x17: {  	s4 =	simm.s32 $0x1BF5;
	[smem:$0x3FB8] =	sst s0  }
0x18: {  	s0 =	sld [smem:$0x3F9B];
	_ =	swait.ge [sflag:s4], $0x0  }
0x19: {  	s7 =	sld [smem:$0x3F9C]  }
0x1a: {  	s8 =	sadd.s32 $0xFFFFE003, lr  }
0x1b: {  	s9 =	sadd.s32 $0xFFFFFEF7, lr;
	s5 =	simm.s32 $0xFFFFFFFF;
	p2 =	slt.u32 s8, $0xFFFFF086  }
0x1c: {  	p1 =	slt.u32 s9, $0xF7A;
	s5 =	simm.s32 @!p2 $0x0  }
0x1d: {  	s5 =	simm.s32 @p1 $0x1;
	p0 =	seq.s32 s7, s2  }
0x1e: {  	s7 =	smul.u32 @!p0 $0xF7A, s2;
	p2 =	seq.s32 @!p0 s5, $0x0  }
0x1f: {  	s9 =	smul.u32 $0xF7A, s1;
	s8 =	simm.s32 @!p0 $0x1BF5;
	p2 =	por !p2, p0  }
0x20: {  	[sflag:s8] =	ssyncset.s32 @!p0 $0xFFFFF086;
	s6 =	sadd.s32 @!p0 s3, s7;
	s7 =	simm.s32 @!p0 $0x108  }
0x21: {  	s3 =	sadd.s32 s3, s9;
	s6 =	sadd.s32 @!p0 $0x88, s6;
	s7 =	simm.s32 @p2 $0x1082  }
0x22: {  	[simem:s7], [sflag:s8] =	dma.local @!p0 [hbm:s6], $0xF7A  }
0x23: {  	s9 =	sor.u32 $0xD0000000, s2;
	s6 =	simm.s32 $0x108;
	_ =	swait.ge @!p0 [sflag:s8], $0x0  }
0x24: {  	s3 =	sadd.s32 $0x88, s3;
	s6 =	simm.s32 @!p1 $0x1082;
	[sflag:s4] =	ssyncset.s32 $0xFFFFF086  }
0x25: {  	[simem:s6], [sflag:s4] =	dma.local [hbm:s3], $0xF7A  }
0x26: {  	[smem:$0x3F9C] =	sst s1;
	(tag) =	ssettag s2;
	_ =	strace s9  }
0x27: {  	s1 =	sld [smem:$0x3FAC]  }
0x28: {  	s2 =	sld [smem:$0x3FAD]  }
0x29: {  	s4 =	sld [smem:$0x3FAF]  }
0x2a: {  	p0 =	seq.s32 s5, $0x0;
	s5 =	sld [smem:$0x3FB0]  }
0x2b: {  	s6 =	sld [smem:$0x3FB1]  }
0x2c: {  	s7 =	sld [smem:$0x3FB2]  }
0x2d: {  	s3 =	simm.s32 $0x108;
	s8 =	sld [smem:$0x3FB3]  }
0x2e: {  	s3 =	simm.s32 @!p0 $0x1082;
	s9 =	sld [smem:$0x3FB4]  }
0x2f: {  	lr =	sadd.s32 s0, s3;
	s0 =	sld [smem:$0x3FAB]  }
0x30: {  	s3 =	sld [smem:$0x3FAE]  }
0x31: {  	[smem:$0x3FB7] =	sst s10  }
0x32: {  	s10 =	sld [smem:$0x3FB5];
	_ =	sdelay $0x3  }
0x33: {  	p0 =	seq.s32 s10, $0x1;
	s10 =	sld [smem:$0x3FB7];
	_ =	sdelay $0x3  }
0x34: {  	[smem:$0x3FB7] =	sst s10  }
0x35: {  	s10 =	sld [smem:$0x3FB6];
	_ =	sdelay $0x3  }
0x36: {  	p1 =	seq.s32 s10, $0x1;
	s10 =	sld [smem:$0x3FB7];
	_ =	sdelay $0x3  }
0x37: {  	[smem:$0x3FB7] =	sst s10  }
0x38: {  	s10 =	sld [smem:$0x3FB8]  }
0x39: {  	_ = 	snop;
	(pc) =	sbr.ind lr, $3  }
0x3a: {  	_ = 	snop  }
0x3b: {  	_ = 	snop  }
0x3c: {  	p2 =	seq.s32 s10, $0x1;
	s10 =	sld [smem:$0x3FB7]  }
0x3d: {  	_ =	shalt  }
0x3e: {  	_ =	shalt  }
0x3f: {  	_ =	shalt  }
0x40: {  	_ =	shalt  }
0x41: {  	_ =	shalt  }
0x42: {  	_ =	shalt  }
0x43: {  	_ =	shalt  }
0x44: {  	_ =	shalt  }
0x45: {  	_ =	shalt  }
0x46: {  	_ =	shalt  }
0x47: {  	_ =	shalt  }
0x48: {  	_ =	shalt  }
0x49: {  	_ =	shalt  }
0x4a: {  	_ =	shalt  }
0x4b: {  	_ =	shalt  }
0x4c: {  	_ =	shalt  }
0x4d: {  	_ =	shalt  }
0x4e: {  	_ =	shalt  }
0x4f: {  	_ =	shalt  }
0x50: {  	_ =	shalt  }
0x51: {  	_ =	shalt  }
0x52: {  	_ =	shalt  }
0x53: {  	_ =	shalt  }
0x54: {  	_ =	shalt  }
0x55: {  	_ =	shalt  }
0x56: {  	_ =	shalt  }
0x57: {  	_ =	shalt  }
0x58: {  	_ =	shalt  }
0x59: {  	_ =	shalt  }
0x5a: {  	_ =	shalt  }
0x5b: {  	_ =	shalt  }
0x5c: {  	_ =	shalt  }
0x5d: {  	_ =	shalt  }
0x5e: {  	_ =	shalt  }
0x5f: {  	_ =	shalt  }
0x60: {  	_ =	shalt  }
0x61: {  	_ =	shalt  }
0x62: {  	_ =	shalt  }
0x63: {  	_ =	shalt  }
0x64: {  	_ =	shalt  }
0x65: {  	_ =	shalt  }
0x66: {  	_ =	shalt  }
0x67: {  	_ =	shalt  }
0x68: {  	_ =	shalt  }
0x69: {  	_ =	shalt  }
0x6a: {  	_ =	shalt  }
0x6b: {  	_ =	shalt  }
0x6c: {  	_ =	shalt  }
0x6d: {  	_ =	shalt  }
0x6e: {  	_ =	shalt  }
0x6f: {  	_ =	shalt  }
0x70: {  	_ =	shalt  }
0x71: {  	_ =	shalt  }
0x72: {  	_ =	shalt  }
0x73: {  	_ =	shalt  }
0x74: {  	_ =	shalt  }
0x75: {  	_ =	shalt  }
0x76: {  	_ =	shalt  }
0x77: {  	_ =	shalt  }
0x78: {  	_ =	shalt  }
0x79: {  	_ =	shalt  }
0x7a: {  	_ =	shalt  }
0x7b: {  	_ =	shalt  }
0x7c: {  	_ =	shalt  }
0x7d: {  	_ =	shalt  }
0x7e: {  	_ =	shalt  }
0x7f: {  	_ =	shalt  }
0x80: {  	_ =	shalt  }
0x81: {  	_ =	shalt  }
0x82: {  	_ =	shalt  }
0x83: {  	_ =	shalt  }
0x84: {  	_ =	shalt  }
0x85: {  	_ =	shalt  }
0x86: {  	_ =	shalt  }
0x87: {  	_ =	shalt  }
.Lfunc_end0:
.L_simem_size_0:
called_computation_lowered:
.L_overlay_start_0:
0x88: {  	s2 =	sld [smem:$0x3FD9]  }
0x89: {  	s3 =	sld [smem:$0x3FFE];
	_ =	sdelay $0x1  }
0x8a: {  	s1 =	srdreg.scid  }
0x8b: {  	s0 =	sand.u32 $0x1, s1  }
0x8c: {  	s14 =	sshll.u32 s0, $0xA;
	s2 =	sadd.s32 s3, s2  }
0x8d: {  	s2 =	sadd.s32 s2, s14  }
0x8e: {  	[smem:$0x3FC3] =	sst s2  }
0x8f: {  	_ = 	snop  }
0x90: {  	s2 =	sld [smem:$0x3FD0];
	_ =	sdelay $0x2  }
0x91: {  	s15 =	simm.s32 $0xA;
	s4 =	simm.s32 $0x10  }
0x92: {  	[smem:s4], [sflag:s15] =	dma.local [hbm:s2], $0x1  }
0x93: {  	_ =	swait.eq [sflag:s15], $0x1  }
0x94: {  	[sflag:s15] =	ssyncset.done $0x0  }
0x95: {  	s16 =	sld [smem:$0x10];
	[sflag:s15] =	ssyncadd.s32 $0xFFFFFFFF  }
0x96: {  	s17 =	sld [smem:$0x11];
	(tm) =	ssettm $0x1  }
0x97: {  	s18 =	sld [smem:$0x3FFB];
	_ =	sdelay $0x3  }
0x98: {  	_ =	strace s18  }
0x99: {  	s4 =	sld [smem:$0x3FFC];
	_ =	sdelay $0x3  }
0x9a: {  	_ =	strace s4  }
0x9b: {  	s4 =	sld [smem:$0x3FFD];
	_ =	sdelay $0x3  }
0x9c: {  	_ =	strace s4  }
0x9d: {  	_ =	strace $0x8FFFFFFF  }
0x9e: {  	s19 =	sld [smem:$0x3FDB];
	_ =	sdelay $0x1  }
0x9f: {  	s5 =	simm.s32 $_scs_section_size  }
0xa0: {  	s6 =	simm.s32 $_size__tile_overlayer_lowered;
	s7 =	simm.s32 $_tile_overlayer_lowered  }
0xa1: {  	s22 =	simm.s32 $0x1BFF;
	s21 =	sshll.u32 s7, $0x1;
	s4 =	sadd.s32 s5, s19  }
0xa2: {  	s8 =	simm.s32 $0x0;
	s20 =	sshll.u32 s6, $0x1;
	s6 =	sadd.s32 s21, s4  }
0xa3: {  	[timem:s8], [sflag:s22] =	dma.local [hbm:s6], s20  }
0xa4: {  	_ =	swait.ge [sflag:s22], s20  }
0xa5: {  	s5 =	ssub.s32 $0x0, s20;
	[sflag:s22] =	ssyncset.done $0x0  }
0xa6: {  	[sflag:s22] =	ssyncadd.s32 s5;
	_ =	sdelay $0x1  }
0xa7: {  	s23 =	simm.s32 $0x1B8B  }
0xa8: {  	_ =	swait.ge [sflag:s23], $0x1  }
0xa9: {  	[sflag:s23] =	ssyncset.done $0x0  }
0xaa: {  	s25 =	simm.s32 $0x1B8E;
	s24 =	sld [smem:$0x3FFE];
	[sflag:s23] =	ssyncadd.s32 $0xFFFFFFFF  }
0xab: {  	s26 =	simm.s32 $execute0_lowered;
	[smem:$0x3FD2] =	sst s25  }
0xac: {  	s6 =	sshll.u32 s26, $0x1;
	_ =	strace $0x80000046;
	[dreg:$0x1] =	wrdreg $0xFFFFFFFF  }
0xad: {  	s28 =	simm.s32 $_size_execute0_lowered;
	s4 =	sadd.s32 s4, s6;
	[dreg:$0x0] =	wrdreg $0x0  }
0xae: {  	s6 =	sshll.u32 s28, $0x1;
	[dreg:$0x2] =	wrdreg s4  }
0xaf: {  	[dreg:$0x3] =	wrdreg s6  }
0xb0: {  	[dreg:$0x4] =	wrdreg $0xC0  }
0xb1: {  	_ =	task [dreg:s8], $0x5FFFF  }
0xb2: {  	[dreg:$0x1] =	wrdreg $0xFFFFFFFF  }
0xb3: {  	[dreg:$0x0] =	wrdreg $0x60  }
0xb4: {  	[dreg:$0x2] =	wrdreg s24  }
0xb5: {  	[dreg:$0x3] =	wrdreg s17  }
0xb6: {  	[dreg:$0x4] =	wrdreg s16  }
0xb7: {  	[dreg:$0x5] =	wrdreg $0x9  }
0xb8: {  	_ =	task.clear_ibuf [dreg:s8], $0x6FFFF;
	_ =	strace $0x90000046  }
0xb9: {  	s29 =	simm.s32 $0x9;
	_ =	strace $0x80000048  }
0xba: {  	_ =	swait.ge [sflag:s29], $0x1  }
0xbb: {  	[sflag:s29] =	ssyncadd.s32 $0xFFFFFFFF  }
0xbc: {  	_ =	strace $0x90000048  }
0xbd: {  	_ =	sfence  }
0xbe: {  	s30 =	sld [smem:$0x0];
	_ =	sdelay $0x2  }
0xbf: {  	s31 =	sshll.u32 s1, $0xD;
	s1 =	sshrl.u32 s1, $0x2  }
0xc0: {  	s3 =	sand.u32 $0x4000, s31;
	s1 =	sadd.s32 s1, s30  }
0xc1: {  	s0 =	sor.u32 s3, s0;
	s1 =	sshll.u32 s1, $0x11  }
0xc2: {  	s0 =	sor.u32 s1, s0  }
0xc3: {  	s0 =	sadd.s32 $0x8F2B, s0  }
0xc4: {  	[sflag:s0] =	ssyncadd.remote.s32 $0x1  }
0xc5: {  	_ =	sfence.sel $0xFFFF  }
0xc6: {  	[dreg:$0x0] =	wrdreg $0xFFFFFFFF;
	(pc) =	sbr.abs _section_cstart, $3  }
0xc7: {  	[dreg:$0x1] =	wrdreg $0xFFFFFFFF  }
0xc8: {  	_ =	task.clear_ibuf [dreg:s8], $0x2FFFF;
	_ =	strace $0x9FFFFFFF  }
0xc9: {  	(tm) =	ssettm $0x7FFFFFFF  }
tec
execute0_lowered:
.L_overlay_start_1:
0x0: {  	(tag) =	ssettag $0x1  }
0x1: {  	s23 =	rddreg [dreg:$0x0]  }
0x2: {  	s0 =	rddreg [dreg:$0x2]  }
0x3: {  	s1 =	srdreg.scid;
	s2 =	simm.s32 $0x0;
	s8 =	stileid.u32  }
0x4: {  	s28 =	simm.s32 $0x2000;
	s29 =	simm.s32 $0xA480;
	s30 =	simm.s32 $0x6000  }
0x5: {  	s31 =	simm.s32 $0x6400;
	s1 =	sand.u32 $0x1, s1;
	s4 =	sshll.u32 s8, $0x2  }
0x6: {  	[smem:$0x7FF] =	sst s2;
	s13 =	sadd.s32 $0x800, s23;
	s14 =	sadd.s32 $0x900, s23  }
0x7: {  	s15 =	sadd.s32 $0xA00, s23;
	s16 =	sadd.s32 $0xB00, s23;
	s17 =	sadd.s32 $0xC00, s23  }
0x8: {  	s18 =	sadd.s32 $0xD00, s23;
	s19 =	sadd.s32 $0xE00, s23;
	s20 =	sadd.s32 $0xF00, s23  }
0x9: {  	s22 =	sshll.u32 s8, $0x6;
	s24 =	sadd.s32 $0x400, s23;
	s3 =	ssub.s32 $0x2, s1  }
0xa: {  	s23 =	simm.s32 $0xA400;
	s1 =	sshll.u32 s1, $0x1;
	s5 =	sshrl.u32 s3, $0x1  }
0xb: {  	s25 =	sand.u32 $0x380, s22;
	s1 =	sor.u32 s1, s4;
	s3 =	ssub.s32 s3, s5  }
0xc: {  	s4 =	sshll.u32 s1, $0x5;
	s11 =	sshll.u32 s1, $0xB;
	s21 =	sor.u32 $0x1, s1  }
0xd: {  	s1 =	sshll.u32 s1, $0x4;
	s4 =	sadd.s32 s0, s4;
	s5 =	sadd.s32 s11, s14  }
0xe: {  	s6 =	sadd.s32 s11, s15;
	s7 =	sadd.s32 s11, s16;
	s9 =	sadd.s32 s11, s17  }
0xf: {  	s10 =	sadd.s32 s11, s19;
	s12 =	sshll.u32 s21, $0x5;
	s26 =	sshll.u32 s21, $0xB  }
0x10: {  	s22 =	sadd.s32 s24, s1;
	[dreg:$0x4] =	wrdreg s4;
	s4 =	sadd.s32 s13, s11  }
0x11: {  	[dreg:$0x5] =	wrdreg s9;
	s9 =	sadd.s32 s11, s18;
	s11 =	sadd.s32 s11, s20  }
0x12: {  	s12 =	sadd.s32 s0, s12;
	s13 =	sadd.s32 s13, s26;
	s14 =	sadd.s32 s26, s14  }
.Ltmp0:
0x13: {  	s15 =	sadd.s32 s26, s15;
	s16 =	sadd.s32 s26, s16;
	(pc) =	sbr.rel .LBB2_1-.Ltmp0, $4  }
0x14: {  	s17 =	sadd.s32 s26, s17;
	s18 =	sadd.s32 s26, s18;
	s19 =	sadd.s32 s26, s19  }
0x15: {  	s20 =	sadd.s32 s26, s20;
	s26 =	sshll.u32 s21, $0x4;
	s0 =	sadd.s32 s24, s25  }
0x16: {  	s25 =	smax.u32 s3, $0x1;
	s21 =	simm.s32 $0x0;
	s1 =	sand.u32 $0x70, s26  }
0x17: {  	v0 =	vimm.s32 $0x0;
	_ =	strace $0x80000047;
	s26 =	simm.s32 $0x1;
	s24 =	sadd.s32 s1, s0  }
.LBB2_17:
0x18: {  	s21 =	sadd.s32 $0x1, s21  }
0x19: {  	p0 =	sne.s32 s21, s25  }
.Ltmp1:
0x1a: {  	[tilespmem:$0xA400] =	vst v1;
	(pc) =	sbr.rel @!p0 .LBB2_18-.Ltmp1, $4  }
0x1b: {  	[hbm4b:s24+s2] =	stream.linear.scatter [tilespmem:s23], [sflag:$0x1], $0x80, $0x38;
	[tilespmem:$0xA680] =	vst v63  }
0x1c: {  	_ =	swait.ge [sflag:s26], $0x80  }
0x1d: {  	[sflag:s26] =	ssyncset.done $0x0  }
0x1e: {  	[sflag:s26] =	ssyncadd.s32 $0xFFFFFF80  }
.LBB2_1:
0x1f: {  	s0 =	rddreg [dreg:$0x0]  }
0x20: {  	[tilespmem:s2], [sflag:$0x1] =	stream.linear.gather [hbm4b:s0+s2], $0x2000, $0x38;
	[tilespmem:$0xA680] =	vst v63  }
0x21: {  	_ =	swait.ge [sflag:s26], $0x2000  }
0x22: {  	[sflag:s26] =	ssyncset.done $0x0  }
0x23: {  	[sflag:s26] =	ssyncadd.s32 $0xFFFFE000  }
0x24: {  	s1 =	rddreg [dreg:$0x1]  }
0x25: {  	[tilespmem:s28], [sflag:$0x1] =	stream.linear.gather [hbm4b:s1+s2], $0x4000, $0x38;
	[tilespmem:$0xA680] =	vst v63  }
0x26: {  	_ =	swait.ge [sflag:s26], $0x4000  }
0x27: {  	[sflag:s26] =	ssyncset.done $0x0  }
0x28: {  	s3 =	rddreg [dreg:$0x4];
	[sflag:s26] =	ssyncadd.s32 $0xFFFFC000  }
0x29: {  	[tilespmem:s29], [sflag:$0x1] =	stream.linear.gather [hbm4b:s3+s2], $0x100, $0x38;
	[tilespmem:$0xA680] =	vst v63  }
0x2a: {  	_ =	swait.ge [sflag:s26], $0x100  }
0x2b: {  	[sflag:s26] =	ssyncset.done $0x0  }
0x2c: {  	[sflag:s26] =	ssyncadd.s32 $0xFFFFFF00  }
0x2d: {  	v2 =	vlaneseq.u32;
	s8 =	sand.u32 $0x70, s2;
	s1 =	sand.u32 $0x1C00, s2;
	[tilespmem:$0xA580] =	vst v0;
	v1 =	vld [tilespmem:$0xA480]  }
0x2e: {  	s0 =	sor.u32 s8, s1;
	[tilespmem:$0xA600] =	vst v2;
	v3 =	vld [tilespmem:$0xA500]  }
0x2f: {  	v4 =	vld [tilespmem:s0+$0x180]  }
0x30: {  	v5 =	vld [tilespmem:s0+$0x100]  }
0x31: {  	v6 =	vld [tilespmem:s0+$0x0]  }
0x32: {  	v7 =	vld [tilespmem:s0+$0x80];
	_ =	sdelay $0x2  }
0x33: {  	v8 =	vadd.f32 $1.500000000e+01, v3;
	v9 =	vadd.f32 $1.500000000e+01, v1  }
0x34: {  	v3 =	vmax.f32 v5, v3  }
0x35: {  	v1 =	vmax.f32 v6, v1;
	v4 =	vmin.f32 v4, v8;
	v5 =	vmin.f32 v7, v9  }
0x36: {  	vm0 =	vgt.f32 v4, v3;
	vm1 =	vgt.f32 v5, v1  }
0x37: {  	vm0 =	vmand vm1, vm0  }
0x38: {  	v1 =	vsel vm0, $0x1, v0  }
0x39: {  	(xrf0) =	vadd.scan.msk.s32 $0xffff, v1  }
0x3a: {  	v1 =	vld [tilespmem:$0xA580];
	_ =	sdelay $0x3  }
0x3b: {  	v3 =	vsel vm0, $0xFFFFFFFF, v0  }
0x3c: {  	v4 =	vadd.s32 v3, v1;
	v5, _, _ =	vpop (xrf0)  }
0x3d: {  	s1 =	simm.s32 $0x0;
	s0 =	simm.s32 $0x10;
	v3 =	vmpcnt.ones.xlane vm0;
	v4 =	vadd.s32 v5, v4  }
.LBB2_2:
0x3e: {  	_ = 	snop  }
0x3f: {  	p0 =	sne.s32 s0, $0x3F0  }
0x40: {  	s1 =	sadd.s32 $0x80, s1;
	s3 =	smov.u32 s0;
	s0 =	sadd.s32 $0x10, s0  }
0x41: {  	_ = 	snop  }
0x42: {  	v1 =	vadd.s32 v1, v3;
	[tilespmem:v4+s30+$0x0] =	vst.idx.msk vm0, v2;
	v2 =	vadd.s32 $0x10, v2  }
0x43: {  	s3 =	sand.u32 $0x70, s3;
	s8 =	sand.u32 $0x1C00, s1;
	v3 =	vld [tilespmem:$0xA480];
	[tilespmem:$0xA580] =	vst v1  }
0x44: {  	s3 =	sor.u32 s3, s8;
	v1 =	vld [tilespmem:$0xA500];
	[tilespmem:$0xA600] =	vst v2  }
0x45: {  	v4 =	vld [tilespmem:s3+$0x180]  }
0x46: {  	v5 =	vld [tilespmem:s3+$0x100]  }
0x47: {  	v6 =	vld [tilespmem:s3+$0x0]  }
0x48: {  	v7 =	vld [tilespmem:s3+$0x80]  }
0x49: {  	v8 =	vadd.f32 $1.500000000e+01, v1  }
0x4a: {  	v9 =	vadd.f32 $1.500000000e+01, v3  }
0x4b: {  	v4 =	vmin.f32 v4, v8;
	v1 =	vmax.f32 v5, v1  }
0x4c: {  	v3 =	vmax.f32 v6, v3  }
0x4d: {  	vm0 =	vgt.f32 v4, v1;
	v5 =	vmin.f32 v7, v9  }
0x4e: {  	vm1 =	vgt.f32 v5, v3  }
0x4f: {  	vm0 =	vmand vm1, vm0  }
0x50: {  	v4 =	vsel vm0, $0xFFFFFFFF, v0;
	v5 =	vsel vm0, $0x1, v0;
	v3 =	vmpcnt.ones.xlane vm0  }
0x51: {  	v1 =	vld [tilespmem:$0xA580];
	(xrf0) =	vadd.scan.msk.s32 $0xffff, v5;
	_ =	sdelay $0x2  }
.Ltmp2:
0x52: {  	(pc) =	sbr.rel @p0 .LBB2_2-.Ltmp2, $4  }
0x53: {  	_ = 	snop  }
0x54: {  	v4 =	vadd.s32 v4, v1  }
0x55: {  	v5, _, _ =	vpop (xrf0)  }
0x56: {  	v4 =	vadd.s32 v5, v4  }
0x57: {  	_ =	sdelay $0x4  }
0x58: {  	[tilespmem:v4+s30+$0x0] =	vst.idx.msk vm0, v2;
	v1 =	vadd.s32 v1, v3  }
0x59: {  	[tilespmem:$0xA580] =	vst v1  }
0x5a: {  	v1 =	vld [tilespmem:$0xA580];
	_ =	sdelay $0x4  }
0x5b: {  	v3 =	vxor.u32 $0x80000000, v1  }
0x5c: {  	(xrf0) =	vmax.scan.msk.u32 $0xffff, v3;
	_ =	sdelay $0x5  }
0x5d: {  	v3, _, _ =	vpop (xrf0)  }
0x5e: {  	(v2sf) =	vpush v3, $0xF;
	_ =	sdelay $0xe  }
0x5f: {  	s0 =	spop (v2sf)  }
0x60: {  	s1 =	sadd.s32 $0x8000000F, s0  }
0x61: {  	s3 =	sand.u32 $0xF, s1  }
0x62: {  	s8 =	sshra.s32 s1, $0x1F;
	p1 =	slt.s32 s1, $0x1;
	p0 =	sne.s32 s3, $0x0  }
0x63: {  	s3 =	sshrl.u32 s8, $0x1C;
	p0 =	por !p1, !p0  }
0x64: {  	s1 =	sadd.s32 s3, s1;
	s3 =	simm.s32 $0x1;
	p0 =	por !p0, !p0  }
0x65: {  	s1 =	sshra.s32 s1, $0x4;
	s3 =	simm.s32 @!p0 $0x0  }
0x66: {  	s3 =	ssub.s32 s1, s3  }
0x67: {  	p0 =	slt.s32 s3, $0x1  }
.Ltmp3:
0x68: {  	_ = 	snop;
	(pc) =	sbr.rel @p0 .LBB2_7-.Ltmp3, $4  }
0x69: {  	_ = 	snop  }
0x6a: {  	v2 =	vadd.s32 $0x10, v2  }
0x6b: {  	[tilespmem:$0xA600] =	vst v2;
	v2 =	vlaneseq.u32  }
0x6c: {  	[tilespmem:$0xA600] =	vst v2;
	s1 =	simm.s32 $0x6000  }
0x6d: {  	v3 =	vld [tilespmem:s1+$0x0];
	_ =	sdelay $0x4  }
0x6e: {  	vm0 =	vgt.s32 v3, $0x0  }
0x6f: {  	v3 =	vnsel vm0, $0x0, v3  }
0x70: {  	v3 =	vmin.u32 v3, $0x3FF  }
0x71: {  	v4 =	vshll.u32 v3, $0x3  }
0x72: {  	v5 =	vand.u32 $0x7F, v3;
	v4 =	vand.u32 $0x1C00, v4  }
0x73: {  	v5 =	vor.u32 v5, v4;
	_ =	sdelay $0x2  }
0x74: {  	v6 =	vshll.u32 v2, $0x3  }
0x75: {  	v7 =	vand.u32 $0x7F, v2;
	v6 =	vand.u32 $0xFFFFFC00, v6  }
0x76: {  	v6 =	vor.u32 v7, v6;
	v8 =	vld.idx.msk [tilespmem:v5+s28+$0x0], $0xffff  }
0x77: {  	v50 =	vor.u32 $0x80, v5;
	_ =	sdelay $0x3  }
0x78: {  	[tilespmem:v6+s31+$0x0] =	vst.idx.msk $0xffff, v8  }
0x79: {  	v51 =	vor.u32 $0x80, v6;
	v7 =	vld.idx.msk [tilespmem:v50+s28+$0x0], $0xffff  }
0x7a: {  	v9 =	vor.u32 $0x100, v5;
	_ =	sdelay $0x3  }
0x7b: {  	[tilespmem:v51+s31+$0x0] =	vst.idx.msk $0xffff, v7  }
0x7c: {  	v52 =	vor.u32 $0x100, v6;
	v7 =	vld.idx.msk [tilespmem:v9+s28+$0x0], $0xffff  }
0x7d: {  	v53 =	vor.u32 $0x180, v5;
	_ =	sdelay $0x3  }
0x7e: {  	[tilespmem:v52+s31+$0x0] =	vst.idx.msk $0xffff, v7  }
0x7f: {  	v54 =	vor.u32 $0x180, v6;
	v7 =	vld.idx.msk [tilespmem:v53+s28+$0x0], $0xffff  }
0x80: {  	v55 =	vor.u32 $0x200, v5;
	_ =	sdelay $0x3  }
0x81: {  	[tilespmem:v54+s31+$0x0] =	vst.idx.msk $0xffff, v7  }
0x82: {  	v56 =	vor.u32 $0x200, v6;
	v7 =	vld.idx.msk [tilespmem:v55+s28+$0x0], $0xffff  }
0x83: {  	v57 =	vor.u32 $0x280, v5;
	_ =	sdelay $0x3  }
0x84: {  	[tilespmem:v56+s31+$0x0] =	vst.idx.msk $0xffff, v7  }
0x85: {  	v58 =	vor.u32 $0x280, v6;
	v7 =	vld.idx.msk [tilespmem:v57+s28+$0x0], $0xffff  }
0x86: {  	v59 =	vor.u32 $0x300, v5;
	_ =	sdelay $0x3  }
0x87: {  	[tilespmem:v58+s31+$0x0] =	vst.idx.msk $0xffff, v7  }
0x88: {  	v61 =	vor.u32 $0x300, v6;
	v3 =	vor.u32 v3, v4;
	v60 =	vld.idx.msk [tilespmem:v59+s28+$0x0], $0xffff  }
0x89: {  	v3 =	vor.u32 $0x380, v3;
	_ =	sdelay $0x3  }
0x8a: {  	[tilespmem:v61+s31+$0x0] =	vst.idx.msk $0xffff, v60  }
0x8b: {  	v62 =	vor.u32 $0x380, v6;
	v3 =	vld.idx.msk [tilespmem:v3+s28+$0x0], $0xffff  }
0x8c: {  	v5 =	vor.u32 $0x2000, v5;
	_ =	sdelay $0x3  }
0x8d: {  	[tilespmem:v62+s31+$0x0] =	vst.idx.msk $0xffff, v3  }
0x8e: {  	p0 =	sne.s32 s3, $0x1;
	v63 =	vadd.s32 $0x2000, v6;
	v3 =	vld.idx.msk [tilespmem:v5+s28+$0x0], $0xffff  }
.Ltmp4:
0x8f: {  	_ = 	snop;
	(pc) =	sbr.rel @!p0 .LBB2_6-.Ltmp4, $2  }
0x90: {  	_ =	sdelay $0x2  }
0x91: {  	s3 =	sadd.s32 $0xFFFFFFFF, s3;
	v2 =	vadd.s32 $0x10, v2;
	[tilespmem:v63+s31+$0x0] =	vst.idx.msk $0xffff, v3  }
.LBB2_5:
0x92: {  	p0 =	sne.s32 s3, $0x1;
	s3 =	sadd.s32 $0xFFFFFFFF, s3;
	[tilespmem:$0xA600] =	vst v2;
	s1 =	sadd.s32 $0x10, s1  }
0x93: {  	v3 =	vld [tilespmem:s1+$0x0];
	_ =	sdelay $0x4  }
0x94: {  	vm0 =	vgt.s32 v3, $0x0  }
0x95: {  	v3 =	vnsel vm0, $0x0, v3  }
0x96: {  	v3 =	vmin.u32 v3, $0x3FF  }
0x97: {  	v4 =	vshll.u32 v3, $0x3  }
0x98: {  	v5 =	vand.u32 $0x7F, v3;
	v4 =	vand.u32 $0x1C00, v4  }
0x99: {  	v5 =	vor.u32 v5, v4;
	v3 =	vor.u32 v3, v4;
	_ =	sdelay $0x3  }
0x9a: {  	v4 =	vshll.u32 v2, $0x3  }
0x9b: {  	v7 =	vand.u32 $0x7F, v2;
	v4 =	vand.u32 $0xFFFFFC00, v4;
	v6 =	vld.idx.msk [tilespmem:v5+s28+$0x0], $0xffff  }
0x9c: {  	v4 =	vor.u32 v7, v4  }
0x9d: {  	v7 =	vor.u32 $0x80, v5;
	_ =	sdelay $0x3  }
0x9e: {  	[tilespmem:v4+s31+$0x0] =	vst.idx.msk $0xffff, v6  }
0x9f: {  	v6 =	vld.idx.msk [tilespmem:v7+s28+$0x0], $0xffff  }
0xa0: {  	v7 =	vor.u32 $0x80, v4  }
0xa1: {  	v8 =	vor.u32 $0x100, v5;
	_ =	sdelay $0x3  }
0xa2: {  	[tilespmem:v7+s31+$0x0] =	vst.idx.msk $0xffff, v6  }
0xa3: {  	v6 =	vld.idx.msk [tilespmem:v8+s28+$0x0], $0xffff  }
0xa4: {  	v7 =	vor.u32 $0x100, v4  }
0xa5: {  	v8 =	vor.u32 $0x180, v5;
	_ =	sdelay $0x3  }
0xa6: {  	[tilespmem:v7+s31+$0x0] =	vst.idx.msk $0xffff, v6  }
0xa7: {  	v6 =	vld.idx.msk [tilespmem:v8+s28+$0x0], $0xffff  }
0xa8: {  	v7 =	vor.u32 $0x180, v4  }
0xa9: {  	v8 =	vor.u32 $0x200, v5;
	_ =	sdelay $0x3  }
0xaa: {  	[tilespmem:v7+s31+$0x0] =	vst.idx.msk $0xffff, v6  }
0xab: {  	v6 =	vld.idx.msk [tilespmem:v8+s28+$0x0], $0xffff  }
0xac: {  	v7 =	vor.u32 $0x200, v4  }
0xad: {  	v8 =	vor.u32 $0x280, v5;
	_ =	sdelay $0x3  }
0xae: {  	[tilespmem:v7+s31+$0x0] =	vst.idx.msk $0xffff, v6  }
0xaf: {  	v6 =	vld.idx.msk [tilespmem:v8+s28+$0x0], $0xffff  }
0xb0: {  	v7 =	vor.u32 $0x280, v4  }
0xb1: {  	v8 =	vor.u32 $0x300, v5;
	_ =	sdelay $0x3  }
0xb2: {  	[tilespmem:v7+s31+$0x0] =	vst.idx.msk $0xffff, v6  }
0xb3: {  	v6 =	vld.idx.msk [tilespmem:v8+s28+$0x0], $0xffff  }
0xb4: {  	v7 =	vor.u32 $0x300, v4  }
0xb5: {  	v3 =	vor.u32 $0x380, v3;
	_ =	sdelay $0x3  }
0xb6: {  	[tilespmem:v7+s31+$0x0] =	vst.idx.msk $0xffff, v6  }
0xb7: {  	v3 =	vld.idx.msk [tilespmem:v3+s28+$0x0], $0xffff  }
0xb8: {  	v6 =	vor.u32 $0x380, v4  }
0xb9: {  	v5 =	vor.u32 $0x2000, v5;
	_ =	sdelay $0x3  }
0xba: {  	[tilespmem:v6+s31+$0x0] =	vst.idx.msk $0xffff, v3  }
0xbb: {  	v3 =	vld.idx.msk [tilespmem:v5+s28+$0x0], $0xffff  }
0xbc: {  	v4 =	vadd.s32 $0x2000, v4  }
.Ltmp5:
0xbd: {  	(pc) =	sbr.rel @p0 .LBB2_5-.Ltmp5, $2  }
0xbe: {  	_ =	sdelay $0x2  }
0xbf: {  	v2 =	vadd.s32 $0x10, v2;
	[tilespmem:v4+s31+$0x0] =	vst.idx.msk $0xffff, v3  }
.LBB2_6:
0xc0: {  	[tilespmem:$0xA600] =	vst v2  }
.LBB2_7:
0xc1: {  	s0 =	sadd.s32 $0x8000007F, s0  }
0xc2: {  	s1 =	sand.u32 $0x7F, s0  }
0xc3: {  	s3 =	sshra.s32 s0, $0x1F;
	p0 =	slt.s32 s0, $0x1;
	p1 =	sne.s32 s1, $0x0  }
0xc4: {  	s8 =	sshrl.u32 s3, $0x19;
	p0 =	por !p0, !p1  }
0xc5: {  	s1 =	simm.s32 $0x1;
	s0 =	sadd.s32 s8, s0;
	p0 =	por !p0, !p0  }
0xc6: {  	s0 =	sshra.s32 s0, $0x7;
	s1 =	simm.s32 @!p0 $0x0  }
0xc7: {  	s0 =	ssub.s32 s0, s1  }
0xc8: {  	p0 =	slt.s32 s0, $0x1  }
0xc9: {  	s1 =	simm.s32 @!p0 $0x0;
	s3 =	simm.s32 @!p0 $0x6400  }
0xca: {  	[hbm4b:s4+s1] =	stream.linear.scatter @!p0 [tilespmem:s3], [sflag:$0x1], $0x400, $0x38;
	[tilespmem:$0xA680] =	vst v63  }
0xcb: {  	s8 =	simm.s32 @!p0 $0x8400;
	s3 =	sadd.s32 @!p0 $0x80, s4  }
0xcc: {  	[hbm4b:s3+s1] =	stream.linear.scatter @!p0 [tilespmem:s8], [sflag:$0x1], $0x400, $0x38;
	[tilespmem:$0xA680] =	vst v63  }
0xcd: {  	s1 =	simm.s32 @!p0 $0x1  }
0xce: {  	p1 =	seq.s32 @!p0 s0, $0x1;
	_ =	swait.ge @!p0 [sflag:s1], $0x800  }
0xcf: {  	p1 =	por p0, p1;
	[sflag:s1] =	ssyncset.done @!p0 $0x0  }
0xd0: {  	s3 =	simm.s32 @!p1 $0x6800;
	[sflag:s1] =	ssyncadd.s32 @!p0 $0xFFFFF800;
	s1 =	simm.s32 @!p1 $0x0  }
0xd1: {  	[hbm4b:s5+s1] =	stream.linear.scatter @!p1 [tilespmem:s3], [sflag:$0x1], $0x400, $0x38;
	[tilespmem:$0xA680] =	vst v63  }
0xd2: {  	s8 =	simm.s32 @!p1 $0x8800;
	s3 =	sadd.s32 @!p1 $0x80, s5  }
0xd3: {  	[hbm4b:s3+s1] =	stream.linear.scatter @!p1 [tilespmem:s8], [sflag:$0x1], $0x400, $0x38;
	[tilespmem:$0xA680] =	vst v63  }
0xd4: {  	s1 =	simm.s32 @!p1 $0x1  }
0xd5: {  	p0 =	slt.u32 @!p1 s0, $0x3;
	_ =	swait.ge @!p1 [sflag:s1], $0x800  }
0xd6: {  	p0 =	por p1, p0;
	[sflag:s1] =	ssyncset.done @!p1 $0x0  }
0xd7: {  	s3 =	simm.s32 @!p0 $0x6C00;
	[sflag:s1] =	ssyncadd.s32 @!p1 $0xFFFFF800;
	s1 =	simm.s32 @!p0 $0x0  }
0xd8: {  	[hbm4b:s6+s1] =	stream.linear.scatter @!p0 [tilespmem:s3], [sflag:$0x1], $0x400, $0x38;
	[tilespmem:$0xA680] =	vst v63  }
0xd9: {  	s8 =	simm.s32 @!p0 $0x8C00;
	s3 =	sadd.s32 @!p0 $0x80, s6  }
0xda: {  	[hbm4b:s3+s1] =	stream.linear.scatter @!p0 [tilespmem:s8], [sflag:$0x1], $0x400, $0x38;
	[tilespmem:$0xA680] =	vst v63  }
0xdb: {  	p1 =	seq.s32 @!p0 s0, $0x3;
	s1 =	simm.s32 @!p0 $0x1  }
0xdc: {  	p1 =	por p0, p1;
	_ =	swait.ge @!p0 [sflag:s1], $0x800  }
0xdd: {  	s3 =	simm.s32 @!p1 $0x7000;
	[sflag:s1] =	ssyncset.done @!p0 $0x0  }
0xde: {  	[sflag:s1] =	ssyncadd.s32 @!p0 $0xFFFFF800;
	s1 =	simm.s32 @!p1 $0x0;
	p0 =	slt.u32 @!p1 s0, $0x5  }
0xdf: {  	[hbm4b:s7+s1] =	stream.linear.scatter @!p1 [tilespmem:s3], [sflag:$0x1], $0x400, $0x38;
	[tilespmem:$0xA680] =	vst v63  }
0xe0: {  	s8 =	simm.s32 @!p1 $0x9000;
	s3 =	sadd.s32 @!p1 $0x80, s7;
	p0 =	por p1, p0  }
0xe1: {  	[hbm4b:s3+s1] =	stream.linear.scatter @!p1 [tilespmem:s8], [sflag:$0x1], $0x400, $0x38;
	[tilespmem:$0xA680] =	vst v63  }
.Ltmp6:
0xe2: {  	_ = 	snop;
	(pc) =	sbr.rel @p0 .LBB2_9-.Ltmp6, $4  }
0xe3: {  	s1 =	simm.s32 @!p1 $0x1  }
0xe4: {  	_ =	swait.ge @!p1 [sflag:s1], $0x800  }
0xe5: {  	[sflag:s1] =	ssyncset.done @!p1 $0x0  }
0xe6: {  	[sflag:s1] =	ssyncadd.s32 @!p1 $0xFFFFF800  }
0xe7: {  	s1 =	rddreg [dreg:$0x5];
	s3 =	simm.s32 $0x7400  }
0xe8: {  	[hbm4b:s1+s2] =	stream.linear.scatter [tilespmem:s3], [sflag:$0x1], $0x400, $0x38;
	[tilespmem:$0xA680] =	vst v63  }
0xe9: {  	s8 =	simm.s32 $0x9400;
	s1 =	sadd.s32 $0x80, s1  }
0xea: {  	[hbm4b:s1+s2] =	stream.linear.scatter [tilespmem:s8], [sflag:$0x1], $0x400, $0x38;
	[tilespmem:$0xA680] =	vst v63  }
0xeb: {  	_ =	swait.ge [sflag:s26], $0x800  }
0xec: {  	p0 =	seq.s32 s0, $0x5;
	[sflag:s26] =	ssyncset.done $0x0  }
0xed: {  	s3 =	simm.s32 @!p0 $0x7800;
	s1 =	simm.s32 @!p0 $0x0;
	[sflag:s26] =	ssyncadd.s32 $0xFFFFF800  }
0xee: {  	[hbm4b:s9+s1] =	stream.linear.scatter @!p0 [tilespmem:s3], [sflag:$0x1], $0x400, $0x38;
	[tilespmem:$0xA680] =	vst v63  }
0xef: {  	s8 =	simm.s32 @!p0 $0x9800;
	s3 =	sadd.s32 @!p0 $0x80, s9  }
0xf0: {  	[hbm4b:s3+s1] =	stream.linear.scatter @!p0 [tilespmem:s8], [sflag:$0x1], $0x400, $0x38;
	[tilespmem:$0xA680] =	vst v63  }
0xf1: {  	s1 =	simm.s32 @!p0 $0x1  }
0xf2: {  	p1 =	slt.u32 @!p0 s0, $0x7;
	_ =	swait.ge @!p0 [sflag:s1], $0x800  }
0xf3: {  	p2 =	por p1, p0;
	[sflag:s1] =	ssyncset.done @!p0 $0x0  }
0xf4: {  	s3 =	simm.s32 @!p2 $0x7C00;
	[sflag:s1] =	ssyncadd.s32 @!p0 $0xFFFFF800;
	s1 =	simm.s32 @!p2 $0x0  }
0xf5: {  	[hbm4b:s10+s1] =	stream.linear.scatter @!p2 [tilespmem:s3], [sflag:$0x1], $0x400, $0x38;
	[tilespmem:$0xA680] =	vst v63  }
0xf6: {  	s8 =	simm.s32 @!p2 $0x9C00;
	s3 =	sadd.s32 @!p2 $0x80, s10  }
0xf7: {  	[hbm4b:s3+s1] =	stream.linear.scatter @!p2 [tilespmem:s8], [sflag:$0x1], $0x400, $0x38;
	[tilespmem:$0xA680] =	vst v63  }
0xf8: {  	p3 =	seq.s32 @!p2 s0, $0x7;
	s1 =	simm.s32 @!p2 $0x1  }
0xf9: {  	p1 =	por @!p0 p3, p1;
	_ =	swait.ge @!p2 [sflag:s1], $0x800  }
0xfa: {  	p0 =	por p1, p0;
	[sflag:s1] =	ssyncset.done @!p2 $0x0  }
0xfb: {  	s0 =	simm.s32 @!p0 $0x0;
	[sflag:s1] =	ssyncadd.s32 @!p2 $0xFFFFF800;
	s1 =	simm.s32 @!p0 $0x8000  }
0xfc: {  	[hbm4b:s11+s0] =	stream.linear.scatter @!p0 [tilespmem:s1], [sflag:$0x1], $0x400, $0x38;
	[tilespmem:$0xA680] =	vst v63  }
0xfd: {  	s3 =	simm.s32 @!p0 $0xA000;
	s1 =	sadd.s32 @!p0 $0x80, s11  }
0xfe: {  	[hbm4b:s1+s0] =	stream.linear.scatter @!p0 [tilespmem:s3], [sflag:$0x1], $0x400, $0x38;
	[tilespmem:$0xA680] =	vst v63  }
0xff: {  	s0 =	simm.s32 @!p0 $0x1  }
0x100: {  	_ =	swait.ge @!p0 [sflag:s0], $0x800  }
0x101: {  	[sflag:s0] =	ssyncset.done @!p0 $0x0  }
0x102: {  	[sflag:s0] =	ssyncadd.s32 @!p0 $0xFFFFF800  }
.LBB2_9:
0x103: {  	[tilespmem:$0xA400] =	vst v1;
	s0 =	simm.s32 $0x0  }
0x104: {  	[hbm4b:s22+s0] =	stream.linear.scatter [tilespmem:s23], [sflag:$0x1], $0x80, $0x38;
	[tilespmem:$0xA680] =	vst v63  }
0x105: {  	_ =	swait.ge [sflag:s26], $0x80  }
0x106: {  	[sflag:s26] =	ssyncset.done $0x0  }
0x107: {  	[sflag:s26] =	ssyncadd.s32 $0xFFFFFF80  }
0x108: {  	[tilespmem:s29], [sflag:$0x1] =	stream.linear.gather [hbm4b:s12+s0], $0x100, $0x38;
	[tilespmem:$0xA680] =	vst v63  }
0x109: {  	_ =	swait.ge [sflag:s26], $0x100  }
0x10a: {  	[sflag:s26] =	ssyncset.done $0x0  }
0x10b: {  	[sflag:s26] =	ssyncadd.s32 $0xFFFFFF00  }
0x10c: {  	v2 =	vlaneseq.u32;
	s1 =	sand.u32 $0x70, s0;
	s3 =	sand.u32 $0x1C00, s0;
	[tilespmem:$0xA580] =	vst v0;
	v1 =	vld [tilespmem:$0xA480]  }
0x10d: {  	s1 =	sor.u32 s1, s3;
	[tilespmem:$0xA600] =	vst v2;
	v3 =	vld [tilespmem:$0xA500]  }
0x10e: {  	v4 =	vld [tilespmem:s1+$0x180]  }
0x10f: {  	v5 =	vld [tilespmem:s1+$0x100]  }
0x110: {  	v6 =	vld [tilespmem:s1+$0x0]  }
0x111: {  	v7 =	vld [tilespmem:s1+$0x80];
	_ =	sdelay $0x2  }
0x112: {  	v8 =	vadd.f32 $1.500000000e+01, v3;
	v9 =	vadd.f32 $1.500000000e+01, v1  }
0x113: {  	v3 =	vmax.f32 v5, v3  }
0x114: {  	v1 =	vmax.f32 v6, v1;
	v4 =	vmin.f32 v4, v8;
	v5 =	vmin.f32 v7, v9  }
0x115: {  	vm0 =	vgt.f32 v4, v3;
	vm1 =	vgt.f32 v5, v1  }
0x116: {  	vm0 =	vmand vm1, vm0  }
0x117: {  	v1 =	vsel vm0, $0x1, v0  }
0x118: {  	(xrf0) =	vadd.scan.msk.s32 $0xffff, v1  }
0x119: {  	v1 =	vld [tilespmem:$0xA580];
	_ =	sdelay $0x3  }
0x11a: {  	v3 =	vsel vm0, $0xFFFFFFFF, v0  }
0x11b: {  	v4 =	vadd.s32 v3, v1;
	v5, _, _ =	vpop (xrf0)  }
0x11c: {  	s1 =	simm.s32 $0x10;
	v3 =	vmpcnt.ones.xlane vm0;
	v4 =	vadd.s32 v5, v4  }
.LBB2_10:
0x11d: {  	_ = 	snop  }
0x11e: {  	p0 =	sne.s32 s1, $0x3F0  }
0x11f: {  	s0 =	sadd.s32 $0x80, s0;
	s3 =	smov.u32 s1;
	s1 =	sadd.s32 $0x10, s1  }
0x120: {  	_ = 	snop  }
0x121: {  	v1 =	vadd.s32 v1, v3;
	[tilespmem:v4+s30+$0x0] =	vst.idx.msk vm0, v2;
	v2 =	vadd.s32 $0x10, v2  }
0x122: {  	s3 =	sand.u32 $0x70, s3;
	s8 =	sand.u32 $0x1C00, s0;
	v3 =	vld [tilespmem:$0xA480];
	[tilespmem:$0xA580] =	vst v1  }
0x123: {  	s3 =	sor.u32 s3, s8;
	v1 =	vld [tilespmem:$0xA500];
	[tilespmem:$0xA600] =	vst v2  }
0x124: {  	v4 =	vld [tilespmem:s3+$0x180]  }
0x125: {  	v5 =	vld [tilespmem:s3+$0x100]  }
0x126: {  	v6 =	vld [tilespmem:s3+$0x0]  }
0x127: {  	v7 =	vld [tilespmem:s3+$0x80]  }
0x128: {  	v8 =	vadd.f32 $1.500000000e+01, v1  }
0x129: {  	v9 =	vadd.f32 $1.500000000e+01, v3  }
0x12a: {  	v4 =	vmin.f32 v4, v8;
	v1 =	vmax.f32 v5, v1  }
0x12b: {  	v3 =	vmax.f32 v6, v3  }
0x12c: {  	vm0 =	vgt.f32 v4, v1;
	v5 =	vmin.f32 v7, v9  }
0x12d: {  	vm1 =	vgt.f32 v5, v3  }
0x12e: {  	vm0 =	vmand vm1, vm0  }
0x12f: {  	v4 =	vsel vm0, $0xFFFFFFFF, v0;
	v5 =	vsel vm0, $0x1, v0;
	v3 =	vmpcnt.ones.xlane vm0  }
0x130: {  	v1 =	vld [tilespmem:$0xA580];
	(xrf0) =	vadd.scan.msk.s32 $0xffff, v5;
	_ =	sdelay $0x2  }
.Ltmp7:
0x131: {  	(pc) =	sbr.rel @p0 .LBB2_10-.Ltmp7, $4  }
0x132: {  	_ = 	snop  }
0x133: {  	v4 =	vadd.s32 v4, v1  }
0x134: {  	v5, _, _ =	vpop (xrf0)  }
0x135: {  	v4 =	vadd.s32 v5, v4  }
0x136: {  	_ =	sdelay $0x4  }
0x137: {  	[tilespmem:v4+s30+$0x0] =	vst.idx.msk vm0, v2;
	v1 =	vadd.s32 v1, v3  }
0x138: {  	[tilespmem:$0xA580] =	vst v1  }
0x139: {  	v1 =	vld [tilespmem:$0xA580];
	_ =	sdelay $0x4  }
0x13a: {  	v3 =	vxor.u32 $0x80000000, v1  }
0x13b: {  	(xrf0) =	vmax.scan.msk.u32 $0xffff, v3;
	_ =	sdelay $0x5  }
0x13c: {  	v3, _, _ =	vpop (xrf0)  }
0x13d: {  	(v2sf) =	vpush v3, $0xF;
	_ =	sdelay $0xe  }
0x13e: {  	s0 =	spop (v2sf)  }
0x13f: {  	s1 =	sadd.s32 $0x8000000F, s0  }
0x140: {  	s3 =	sand.u32 $0xF, s1  }
0x141: {  	s8 =	sshra.s32 s1, $0x1F;
	p1 =	slt.s32 s1, $0x1;
	p0 =	sne.s32 s3, $0x0  }
0x142: {  	s3 =	sshrl.u32 s8, $0x1C;
	p0 =	por !p1, !p0  }
0x143: {  	s1 =	sadd.s32 s3, s1;
	s3 =	simm.s32 $0x1;
	p0 =	por !p0, !p0  }
0x144: {  	s1 =	sshra.s32 s1, $0x4;
	s3 =	simm.s32 @!p0 $0x0  }
0x145: {  	s3 =	ssub.s32 s1, s3  }
0x146: {  	p0 =	slt.s32 s3, $0x1  }
.Ltmp8:
0x147: {  	_ = 	snop;
	(pc) =	sbr.rel @p0 .LBB2_15-.Ltmp8, $4  }
0x148: {  	_ = 	snop  }
0x149: {  	v2 =	vadd.s32 $0x10, v2  }
0x14a: {  	[tilespmem:$0xA600] =	vst v2;
	v2 =	vlaneseq.u32  }
0x14b: {  	[tilespmem:$0xA600] =	vst v2;
	s1 =	simm.s32 $0x6000  }
0x14c: {  	v3 =	vld [tilespmem:s1+$0x0];
	_ =	sdelay $0x4  }
0x14d: {  	vm0 =	vgt.s32 v3, $0x0  }
0x14e: {  	v3 =	vnsel vm0, $0x0, v3  }
0x14f: {  	v3 =	vmin.u32 v3, $0x3FF  }
0x150: {  	v4 =	vshll.u32 v3, $0x3  }
0x151: {  	v5 =	vand.u32 $0x7F, v3;
	v4 =	vand.u32 $0x1C00, v4  }
0x152: {  	v5 =	vor.u32 v5, v4;
	_ =	sdelay $0x2  }
0x153: {  	v6 =	vshll.u32 v2, $0x3  }
0x154: {  	v7 =	vand.u32 $0x7F, v2;
	v6 =	vand.u32 $0xFFFFFC00, v6  }
0x155: {  	v6 =	vor.u32 v7, v6;
	v8 =	vld.idx.msk [tilespmem:v5+s28+$0x0], $0xffff  }
0x156: {  	v50 =	vor.u32 $0x80, v5;
	_ =	sdelay $0x3  }
0x157: {  	[tilespmem:v6+s31+$0x0] =	vst.idx.msk $0xffff, v8  }
0x158: {  	v51 =	vor.u32 $0x80, v6;
	v7 =	vld.idx.msk [tilespmem:v50+s28+$0x0], $0xffff  }
0x159: {  	v9 =	vor.u32 $0x100, v5;
	_ =	sdelay $0x3  }
0x15a: {  	[tilespmem:v51+s31+$0x0] =	vst.idx.msk $0xffff, v7  }
0x15b: {  	v52 =	vor.u32 $0x100, v6;
	v7 =	vld.idx.msk [tilespmem:v9+s28+$0x0], $0xffff  }
0x15c: {  	v53 =	vor.u32 $0x180, v5;
	_ =	sdelay $0x3  }
0x15d: {  	[tilespmem:v52+s31+$0x0] =	vst.idx.msk $0xffff, v7  }
0x15e: {  	v54 =	vor.u32 $0x180, v6;
	v7 =	vld.idx.msk [tilespmem:v53+s28+$0x0], $0xffff  }
0x15f: {  	v55 =	vor.u32 $0x200, v5;
	_ =	sdelay $0x3  }
0x160: {  	[tilespmem:v54+s31+$0x0] =	vst.idx.msk $0xffff, v7  }
0x161: {  	v56 =	vor.u32 $0x200, v6;
	v7 =	vld.idx.msk [tilespmem:v55+s28+$0x0], $0xffff  }
0x162: {  	v57 =	vor.u32 $0x280, v5;
	_ =	sdelay $0x3  }
0x163: {  	[tilespmem:v56+s31+$0x0] =	vst.idx.msk $0xffff, v7  }
0x164: {  	v58 =	vor.u32 $0x280, v6;
	v7 =	vld.idx.msk [tilespmem:v57+s28+$0x0], $0xffff  }
0x165: {  	v59 =	vor.u32 $0x300, v5;
	_ =	sdelay $0x3  }
0x166: {  	[tilespmem:v58+s31+$0x0] =	vst.idx.msk $0xffff, v7  }
0x167: {  	v61 =	vor.u32 $0x300, v6;
	v3 =	vor.u32 v3, v4;
	v60 =	vld.idx.msk [tilespmem:v59+s28+$0x0], $0xffff  }
0x168: {  	v3 =	vor.u32 $0x380, v3;
	_ =	sdelay $0x3  }
0x169: {  	[tilespmem:v61+s31+$0x0] =	vst.idx.msk $0xffff, v60  }
0x16a: {  	v62 =	vor.u32 $0x380, v6;
	v3 =	vld.idx.msk [tilespmem:v3+s28+$0x0], $0xffff  }
0x16b: {  	v5 =	vor.u32 $0x2000, v5;
	_ =	sdelay $0x3  }
0x16c: {  	[tilespmem:v62+s31+$0x0] =	vst.idx.msk $0xffff, v3  }
0x16d: {  	p0 =	sne.s32 s3, $0x1;
	v63 =	vadd.s32 $0x2000, v6;
	v3 =	vld.idx.msk [tilespmem:v5+s28+$0x0], $0xffff  }
.Ltmp9:
0x16e: {  	_ = 	snop;
	(pc) =	sbr.rel @!p0 .LBB2_14-.Ltmp9, $2  }
0x16f: {  	_ =	sdelay $0x2  }
0x170: {  	s3 =	sadd.s32 $0xFFFFFFFF, s3;
	v2 =	vadd.s32 $0x10, v2;
	[tilespmem:v63+s31+$0x0] =	vst.idx.msk $0xffff, v3  }
.LBB2_13:
0x171: {  	p0 =	sne.s32 s3, $0x1;
	s3 =	sadd.s32 $0xFFFFFFFF, s3;
	[tilespmem:$0xA600] =	vst v2;
	s1 =	sadd.s32 $0x10, s1  }
0x172: {  	v3 =	vld [tilespmem:s1+$0x0];
	_ =	sdelay $0x4  }
0x173: {  	vm0 =	vgt.s32 v3, $0x0  }
0x174: {  	v3 =	vnsel vm0, $0x0, v3  }
0x175: {  	v3 =	vmin.u32 v3, $0x3FF  }
0x176: {  	v4 =	vshll.u32 v3, $0x3  }
0x177: {  	v5 =	vand.u32 $0x7F, v3;
	v4 =	vand.u32 $0x1C00, v4  }
0x178: {  	v5 =	vor.u32 v5, v4;
	v3 =	vor.u32 v3, v4;
	_ =	sdelay $0x3  }
0x179: {  	v4 =	vshll.u32 v2, $0x3  }
0x17a: {  	v7 =	vand.u32 $0x7F, v2;
	v4 =	vand.u32 $0xFFFFFC00, v4;
	v6 =	vld.idx.msk [tilespmem:v5+s28+$0x0], $0xffff  }
0x17b: {  	v4 =	vor.u32 v7, v4  }
0x17c: {  	v7 =	vor.u32 $0x80, v5;
	_ =	sdelay $0x3  }
0x17d: {  	[tilespmem:v4+s31+$0x0] =	vst.idx.msk $0xffff, v6  }
0x17e: {  	v6 =	vld.idx.msk [tilespmem:v7+s28+$0x0], $0xffff  }
0x17f: {  	v7 =	vor.u32 $0x80, v4  }
0x180: {  	v8 =	vor.u32 $0x100, v5;
	_ =	sdelay $0x3  }
0x181: {  	[tilespmem:v7+s31+$0x0] =	vst.idx.msk $0xffff, v6  }
0x182: {  	v6 =	vld.idx.msk [tilespmem:v8+s28+$0x0], $0xffff  }
0x183: {  	v7 =	vor.u32 $0x100, v4  }
0x184: {  	v8 =	vor.u32 $0x180, v5;
	_ =	sdelay $0x3  }
0x185: {  	[tilespmem:v7+s31+$0x0] =	vst.idx.msk $0xffff, v6  }
0x186: {  	v6 =	vld.idx.msk [tilespmem:v8+s28+$0x0], $0xffff  }
0x187: {  	v7 =	vor.u32 $0x180, v4  }
0x188: {  	v8 =	vor.u32 $0x200, v5;
	_ =	sdelay $0x3  }
0x189: {  	[tilespmem:v7+s31+$0x0] =	vst.idx.msk $0xffff, v6  }
0x18a: {  	v6 =	vld.idx.msk [tilespmem:v8+s28+$0x0], $0xffff  }
0x18b: {  	v7 =	vor.u32 $0x200, v4  }
0x18c: {  	v8 =	vor.u32 $0x280, v5;
	_ =	sdelay $0x3  }
0x18d: {  	[tilespmem:v7+s31+$0x0] =	vst.idx.msk $0xffff, v6  }
0x18e: {  	v6 =	vld.idx.msk [tilespmem:v8+s28+$0x0], $0xffff  }
0x18f: {  	v7 =	vor.u32 $0x280, v4  }
0x190: {  	v8 =	vor.u32 $0x300, v5;
	_ =	sdelay $0x3  }
0x191: {  	[tilespmem:v7+s31+$0x0] =	vst.idx.msk $0xffff, v6  }
0x192: {  	v6 =	vld.idx.msk [tilespmem:v8+s28+$0x0], $0xffff  }
0x193: {  	v7 =	vor.u32 $0x300, v4  }
0x194: {  	v3 =	vor.u32 $0x380, v3;
	_ =	sdelay $0x3  }
0x195: {  	[tilespmem:v7+s31+$0x0] =	vst.idx.msk $0xffff, v6  }
0x196: {  	v3 =	vld.idx.msk [tilespmem:v3+s28+$0x0], $0xffff  }
0x197: {  	v6 =	vor.u32 $0x380, v4  }
0x198: {  	v5 =	vor.u32 $0x2000, v5;
	_ =	sdelay $0x3  }
0x199: {  	[tilespmem:v6+s31+$0x0] =	vst.idx.msk $0xffff, v3  }
0x19a: {  	v3 =	vld.idx.msk [tilespmem:v5+s28+$0x0], $0xffff  }
0x19b: {  	v4 =	vadd.s32 $0x2000, v4  }
.Ltmp10:
0x19c: {  	(pc) =	sbr.rel @p0 .LBB2_13-.Ltmp10, $2  }
0x19d: {  	_ =	sdelay $0x2  }
0x19e: {  	v2 =	vadd.s32 $0x10, v2;
	[tilespmem:v4+s31+$0x0] =	vst.idx.msk $0xffff, v3  }
.LBB2_14:
0x19f: {  	[tilespmem:$0xA600] =	vst v2  }
.LBB2_15:
0x1a0: {  	s0 =	sadd.s32 $0x8000007F, s0  }
0x1a1: {  	s1 =	sand.u32 $0x7F, s0  }
0x1a2: {  	s3 =	sshra.s32 s0, $0x1F;
	p0 =	slt.s32 s0, $0x1;
	p1 =	sne.s32 s1, $0x0  }
0x1a3: {  	s8 =	sshrl.u32 s3, $0x19;
	p0 =	por !p0, !p1  }
0x1a4: {  	s1 =	simm.s32 $0x1;
	s0 =	sadd.s32 s8, s0;
	p0 =	por !p0, !p0  }
0x1a5: {  	s0 =	sshra.s32 s0, $0x7;
	s1 =	simm.s32 @!p0 $0x0  }
0x1a6: {  	s0 =	ssub.s32 s0, s1  }
0x1a7: {  	p0 =	slt.s32 s0, $0x1  }
0x1a8: {  	s1 =	simm.s32 @!p0 $0x0;
	s3 =	simm.s32 @!p0 $0x6400  }
0x1a9: {  	[hbm4b:s13+s1] =	stream.linear.scatter @!p0 [tilespmem:s3], [sflag:$0x1], $0x400, $0x38;
	[tilespmem:$0xA680] =	vst v63  }
0x1aa: {  	s8 =	simm.s32 @!p0 $0x8400;
	s3 =	sadd.s32 @!p0 $0x80, s13  }
0x1ab: {  	[hbm4b:s3+s1] =	stream.linear.scatter @!p0 [tilespmem:s8], [sflag:$0x1], $0x400, $0x38;
	[tilespmem:$0xA680] =	vst v63  }
0x1ac: {  	s1 =	simm.s32 @!p0 $0x1  }
0x1ad: {  	p1 =	seq.s32 @!p0 s0, $0x1;
	_ =	swait.ge @!p0 [sflag:s1], $0x800  }
0x1ae: {  	p1 =	por p0, p1;
	[sflag:s1] =	ssyncset.done @!p0 $0x0  }
0x1af: {  	s3 =	simm.s32 @!p1 $0x6800;
	[sflag:s1] =	ssyncadd.s32 @!p0 $0xFFFFF800;
	s1 =	simm.s32 @!p1 $0x0  }
0x1b0: {  	[hbm4b:s14+s1] =	stream.linear.scatter @!p1 [tilespmem:s3], [sflag:$0x1], $0x400, $0x38;
	[tilespmem:$0xA680] =	vst v63  }
0x1b1: {  	s8 =	simm.s32 @!p1 $0x8800;
	s3 =	sadd.s32 @!p1 $0x80, s14  }
0x1b2: {  	[hbm4b:s3+s1] =	stream.linear.scatter @!p1 [tilespmem:s8], [sflag:$0x1], $0x400, $0x38;
	[tilespmem:$0xA680] =	vst v63  }
0x1b3: {  	s1 =	simm.s32 @!p1 $0x1  }
0x1b4: {  	p0 =	slt.u32 @!p1 s0, $0x3;
	_ =	swait.ge @!p1 [sflag:s1], $0x800  }
0x1b5: {  	p0 =	por p1, p0;
	[sflag:s1] =	ssyncset.done @!p1 $0x0  }
0x1b6: {  	s3 =	simm.s32 @!p0 $0x6C00;
	[sflag:s1] =	ssyncadd.s32 @!p1 $0xFFFFF800;
	s1 =	simm.s32 @!p0 $0x0  }
0x1b7: {  	[hbm4b:s15+s1] =	stream.linear.scatter @!p0 [tilespmem:s3], [sflag:$0x1], $0x400, $0x38;
	[tilespmem:$0xA680] =	vst v63  }
0x1b8: {  	s8 =	simm.s32 @!p0 $0x8C00;
	s3 =	sadd.s32 @!p0 $0x80, s15  }
0x1b9: {  	[hbm4b:s3+s1] =	stream.linear.scatter @!p0 [tilespmem:s8], [sflag:$0x1], $0x400, $0x38;
	[tilespmem:$0xA680] =	vst v63  }
0x1ba: {  	p1 =	seq.s32 @!p0 s0, $0x3;
	s1 =	simm.s32 @!p0 $0x1  }
0x1bb: {  	p1 =	por p0, p1;
	_ =	swait.ge @!p0 [sflag:s1], $0x800  }
0x1bc: {  	s3 =	simm.s32 @!p1 $0x7000;
	[sflag:s1] =	ssyncset.done @!p0 $0x0  }
0x1bd: {  	[sflag:s1] =	ssyncadd.s32 @!p0 $0xFFFFF800;
	s1 =	simm.s32 @!p1 $0x0;
	p0 =	slt.u32 @!p1 s0, $0x5  }
0x1be: {  	[hbm4b:s16+s1] =	stream.linear.scatter @!p1 [tilespmem:s3], [sflag:$0x1], $0x400, $0x38;
	[tilespmem:$0xA680] =	vst v63  }
0x1bf: {  	s8 =	simm.s32 @!p1 $0x9000;
	s3 =	sadd.s32 @!p1 $0x80, s16;
	p0 =	por p1, p0  }
0x1c0: {  	[hbm4b:s3+s1] =	stream.linear.scatter @!p1 [tilespmem:s8], [sflag:$0x1], $0x400, $0x38;
	[tilespmem:$0xA680] =	vst v63  }
.Ltmp11:
0x1c1: {  	_ = 	snop;
	(pc) =	sbr.rel @p0 .LBB2_17-.Ltmp11, $4  }
0x1c2: {  	s1 =	simm.s32 @!p1 $0x1  }
0x1c3: {  	_ =	swait.ge @!p1 [sflag:s1], $0x800  }
0x1c4: {  	[sflag:s1] =	ssyncset.done @!p1 $0x0  }
0x1c5: {  	[sflag:s1] =	ssyncadd.s32 @!p1 $0xFFFFF800  }
0x1c6: {  	s1 =	simm.s32 $0x7400  }
0x1c7: {  	[hbm4b:s17+s2] =	stream.linear.scatter [tilespmem:s1], [sflag:$0x1], $0x400, $0x38;
	[tilespmem:$0xA680] =	vst v63  }
0x1c8: {  	s8 =	sadd.s32 $0x80, s17;
	s3 =	simm.s32 $0x9400  }
0x1c9: {  	[hbm4b:s8+s2] =	stream.linear.scatter [tilespmem:s3], [sflag:$0x1], $0x400, $0x38;
	[tilespmem:$0xA680] =	vst v63  }
0x1ca: {  	_ =	swait.ge [sflag:s26], $0x800  }
0x1cb: {  	p0 =	seq.s32 s0, $0x5;
	[sflag:s26] =	ssyncset.done $0x0  }
0x1cc: {  	s1 =	simm.s32 @!p0 $0x0;
	s3 =	simm.s32 @!p0 $0x7800;
	[sflag:s26] =	ssyncadd.s32 $0xFFFFF800  }
0x1cd: {  	[hbm4b:s18+s1] =	stream.linear.scatter @!p0 [tilespmem:s3], [sflag:$0x1], $0x400, $0x38;
	[tilespmem:$0xA680] =	vst v63  }
0x1ce: {  	s8 =	simm.s32 @!p0 $0x9800;
	s3 =	sadd.s32 @!p0 $0x80, s18  }
0x1cf: {  	[hbm4b:s3+s1] =	stream.linear.scatter @!p0 [tilespmem:s8], [sflag:$0x1], $0x400, $0x38;
	[tilespmem:$0xA680] =	vst v63  }
0x1d0: {  	s1 =	simm.s32 @!p0 $0x1  }
0x1d1: {  	p1 =	slt.u32 @!p0 s0, $0x7;
	_ =	swait.ge @!p0 [sflag:s1], $0x800  }
0x1d2: {  	p2 =	por p1, p0;
	[sflag:s1] =	ssyncset.done @!p0 $0x0  }
0x1d3: {  	s3 =	simm.s32 @!p2 $0x7C00;
	[sflag:s1] =	ssyncadd.s32 @!p0 $0xFFFFF800;
	s1 =	simm.s32 @!p2 $0x0  }
0x1d4: {  	[hbm4b:s19+s1] =	stream.linear.scatter @!p2 [tilespmem:s3], [sflag:$0x1], $0x400, $0x38;
	[tilespmem:$0xA680] =	vst v63  }
0x1d5: {  	s8 =	simm.s32 @!p2 $0x9C00;
	s3 =	sadd.s32 @!p2 $0x80, s19  }
0x1d6: {  	[hbm4b:s3+s1] =	stream.linear.scatter @!p2 [tilespmem:s8], [sflag:$0x1], $0x400, $0x38;
	[tilespmem:$0xA680] =	vst v63  }
0x1d7: {  	p3 =	seq.s32 @!p2 s0, $0x7;
	s1 =	simm.s32 @!p2 $0x1  }
0x1d8: {  	p1 =	por @!p0 p3, p1;
	_ =	swait.ge @!p2 [sflag:s1], $0x800  }
0x1d9: {  	p0 =	por p1, p0;
	[sflag:s1] =	ssyncset.done @!p2 $0x0  }
0x1da: {  	s0 =	simm.s32 @!p0 $0x0;
	[sflag:s1] =	ssyncadd.s32 @!p2 $0xFFFFF800;
	s1 =	simm.s32 @!p0 $0x8000  }
0x1db: {  	[hbm4b:s20+s0] =	stream.linear.scatter @!p0 [tilespmem:s1], [sflag:$0x1], $0x400, $0x38;
	[tilespmem:$0xA680] =	vst v63  }
0x1dc: {  	s3 =	simm.s32 @!p0 $0xA000;
	s1 =	sadd.s32 @!p0 $0x80, s20  }
0x1dd: {  	[hbm4b:s1+s0] =	stream.linear.scatter @!p0 [tilespmem:s3], [sflag:$0x1], $0x400, $0x38;
	[tilespmem:$0xA680] =	vst v63  }
.Ltmp12:
0x1de: {  	_ = 	snop;
	(pc) =	sbr.rel .LBB2_17-.Ltmp12, $4  }
0x1df: {  	s0 =	simm.s32 @!p0 $0x1  }
0x1e0: {  	_ =	swait.ge @!p0 [sflag:s0], $0x800  }
0x1e1: {  	[sflag:s0] =	ssyncset.done @!p0 $0x0  }
0x1e2: {  	[sflag:s0] =	ssyncadd.s32 @!p0 $0xFFFFF800  }
.LBB2_18:
0x1e3: {  	_ =	sfence.sel $0x180000  }
0x1e4: {  	[bflag:$0x0] =	sbarrier.arrive $0xFFFF  }
0x1e5: {  	_ =	strace $0x90000047  }
0x1e6: {  	s0 =	stileid.u32;
	[bflag:$0x2] =	sbarrier.arrive $0xFFFF  }
0x1e7: {  	p0 =	sne.s32 s0, $0x0;
	s0 =	rddreg [dreg:$0x3]  }
0x1e8: {  	s0 =	sadd.s32 @!p0 $0x100000, s0  }
0x1e9: {  	[sflag:s0] =	ssyncadd.tile.s32 @!p0 $0x1;
	_ =	shalt  }
.Lfunc_end2:
_tile_overlayer_lowered:
.L_overlay_start_2:
0x1ea: {  	(tag) =	ssettag $0x2  }
0x1eb: {  	s0 =	rddreg [dreg:$0x0];
	s2 =	stileid.u32  }
0x1ec: {  	s1 =	rddreg [dreg:$0x1];
	p0 =	sne.s32 s2, $0x0  }
0x1ed: {  	s3 =	rddreg [dreg:$0x2];
	[bflag:$0x3] =	sbarrier.arrive $0xFFFF;
	s2 =	simm.s32 @!p0 $0x1C01  }
0x1ee: {  	[timem:s3], [sflag:s2] =	dma.local @!p0 [hbm:s0], s1  }
0x1ef: {  	s0 =	simm.s32 @!p0 $0x1  }
0x1f0: {  	_ =	swait.ge @!p0 [sflag:s0], s1  }
0x1f1: {  	s1 =	ssub.s32 @!p0 $0x0, s1;
	[sflag:s0] =	ssyncset.done @!p0 $0x0  }
0x1f2: {  	[sflag:s0] =	ssyncadd.s32 @!p0 s1  }
0x1f3: {  	[bflag:$0x3] =	sbarrier.arrive $0xFFFF  }
0x1f4: {  	_ =	shalt  }

</sc_bundles>
